<compile_context>
chip_gen: v7x
topology: tpu7x:2x2x1
jax: 0.10.2.dev20260603
libtpu: 0.0.44.dev20260713+nightly
codegen_flags: <defaults>
</compile_context>

<pallas_src>
import functools

import jax
import jax.numpy as jnp
from jax import lax
from jax.experimental import pallas as pl
from jax.experimental.pallas import tpu as pltpu
from jax.experimental.pallas import tpu_sc as plsc

NUM_EMB = 1000000
D = 64
B = 4096
BAG = 50

NC = 2
NS = 16
NW = NC * NS

BAGS_PER_W = B // NW
IDX_PER_W = BAGS_PER_W * BAG
COL_PER_W = BAGS_PER_W * D
CB = 8
CHUNK_IDX = CB * BAG
N_CHUNKS = BAGS_PER_W // CB
GATHER = 80
N_GATHER = CHUNK_IDX // GATHER


def _ebag_body(idx_hbm, col_hbm, table_hbm, out_hbm,
               idx_v, col_v, rows0, rows1, out_v, sem0, sem1):
    wid = lax.axis_index("s") * NC + lax.axis_index("c")
    pltpu.sync_copy(idx_hbm.at[pl.ds(wid * IDX_PER_W, IDX_PER_W)], idx_v)
    pltpu.sync_copy(col_hbm.at[pl.ds(wid * COL_PER_W, COL_PER_W)], col_v)

    bufs = (rows0, rows1)
    sems = (sem0, sem1)

    def fire(c, buf, sem):
        base = c * CHUNK_IDX
        for j in range(N_GATHER):
            pltpu.async_copy(
                table_hbm.at[idx_v.at[pl.ds(base + j * GATHER, GATHER)]],
                buf.at[pl.ds(j * GATHER, GATHER)],
                sem,
            )

    def drain(buf, sem):
        for j in range(N_GATHER):
            pltpu.make_async_copy(
                table_hbm.at[idx_v.at[pl.ds(j * GATHER, GATHER)]],
                buf.at[pl.ds(j * GATHER, GATHER)],
                sem,
            ).wait()

    def accumulate(c, buf):
        def bag_body(b, carry):
            row0 = b * BAG
            g = c * CB + b
            accs = [jnp.zeros((16,), jnp.float32) for _ in range(4)]
            for t in range(4):
                cv = col_v[pl.ds(g * D + t * 16, 16)]
                for i in range(16 if t < 3 else BAG - 48):
                    r = t * 16 + i
                    col = cv[i]
                    for k in range(4):
                        accs[k] = accs[k] + buf[row0 + r, pl.ds(col + k * 16, 16)]
            orow = g >> 1
            ocol = (g & 1) * D
            for k in range(4):
                out_v[orow, pl.ds(ocol + k * 16, 16)] = accs[k] * jnp.float32(1.0 / BAG)
            return carry

        lax.fori_loop(0, CB, bag_body, 0)

    fire(0, rows0, sem0)
    fire(1, rows1, sem1)

    def chunk_body(u, carry):
        for j in range(2):
            c = 2 * u + j
            drain(bufs[j], sems[j])
            accumulate(c, bufs[j])

            @pl.when(c + 2 < N_CHUNKS)
            def _():
                fire(c + 2, bufs[j], sems[j])

        return carry

    lax.fori_loop(0, N_CHUNKS // 2, chunk_body, 0)
    pltpu.sync_copy(out_v, out_hbm.at[pl.ds(wid * (BAGS_PER_W // 2), BAGS_PER_W // 2)])


@functools.partial(
    pl.kernel,
    mesh=plsc.VectorSubcoreMesh(core_axis_name="c", subcore_axis_name="s"),
    out_type=jax.ShapeDtypeStruct((B // 2, 2 * D), jnp.float32),
    scratch_types=[
        pltpu.VMEM((IDX_PER_W,), jnp.int32),
        pltpu.VMEM((COL_PER_W,), jnp.int32),
        pltpu.VMEM((CHUNK_IDX, 2 * D), jnp.float32),
        pltpu.VMEM((CHUNK_IDX, 2 * D), jnp.float32),
        pltpu.VMEM((BAGS_PER_W // 2, 2 * D), jnp.float32),
        pltpu.SemaphoreType.DMA,
        pltpu.SemaphoreType.DMA,
    ],
)
def _ebag(idx_hbm, col_hbm, table_hbm, out_hbm,
          idx_v, col_v, rows0, rows1, out_v, sem0, sem1):
    _ebag_body(idx_hbm, col_hbm, table_hbm, out_hbm,
               idx_v, col_v, rows0, rows1, out_v, sem0, sem1)


def kernel(input, weight):
    idx = jnp.asarray(input, jnp.int32)
    pair = (idx >> 1).reshape(-1)
    col = jnp.pad((idx & 1) * D, ((0, 0), (0, D - BAG))).reshape(-1)
    table2 = weight.reshape(NUM_EMB // 2, 2 * D)
    out2 = _ebag(pair, col, table2)
    return out2.reshape(B, D)

# --- scband reference (transcript-rebuilt; emitter-appended) ---
"""Pipeline reference for scband-embedding-bag-41437844472010 (READ-ONLY COPY).

The authoritative reference and input builder live on the scoring server;
editing this copy changes nothing except your own understanding.
"""

import jax, jax.numpy as jnp
import numpy as np

NUM_EMBEDDINGS = 1000000
EMBEDDING_DIM = 64
BATCH = 4096
BAG = 50

def setup_inputs(seed: int = 0) -> dict:
    key = jax.random.key(seed)
    k_idx, k_w = jax.random.split(key)
    input_ids = jax.random.randint(k_idx, (BATCH, BAG), 0, NUM_EMBEDDINGS, dtype=jnp.int64 if jax.config.jax_enable_x64 else jnp.int32)
    weight = jax.random.normal(k_w, (NUM_EMBEDDINGS, EMBEDDING_DIM), dtype=jnp.float32)
    return {"input": input_ids, "weight": weight}

def reference(input, weight):
    # F.embedding_bag with 2D input and mode='mean': gather rows then mean over bag dim
    gathered = jnp.take(weight, input, axis=0)  # [B, L, D]
    return jnp.mean(gathered, axis=1)  # [B, D]

if __name__ == "__main__":
    import jax
    _d = setup_inputs()
    print(jax.jit(kernel)(*tuple(_d.values())))

</pallas_src>

<mosaic_0001>
#map = affine_map<(d0, d1) -> (0)>
#map1 = affine_map<(d0, d1) -> (0, 0)>
module attributes {stable_mosaic.version = 14 : i64} {
  func.func @_ebag(%arg0: i32, %arg1: i32, %arg2: memref<204800xi32, #tpu.memory_space<hbm>>, %arg3: memref<262144xi32, #tpu.memory_space<hbm>>, %arg4: memref<500000x128xf32, #tpu.memory_space<hbm>>, %arg5: memref<2048x128xf32, #tpu.memory_space<hbm>>, %arg6: memref<6400xi32, #tpu.memory_space<vmem>>, %arg7: memref<8192xi32, #tpu.memory_space<vmem>>, %arg8: memref<400x128xf32, #tpu.memory_space<vmem>>, %arg9: memref<400x128xf32, #tpu.memory_space<vmem>>, %arg10: memref<64x128xf32, #tpu.memory_space<vmem>>, %arg11: memref<!tpu.dma_semaphore, #tpu.memory_space<semaphore_mem>>, %arg12: memref<!tpu.dma_semaphore, #tpu.memory_space<semaphore_mem>>) attributes {dimension_semantics = [#tpu.dimension_semantics<core_parallel>, #tpu.dimension_semantics<subcore_parallel>], iteration_bounds = array<i64: 2, 16>, scalar_prefetch = 0 : i64, scratch_operands = 7 : i64, tpu.core_type = #tpu.core_type<sc_vector_subcore>, window_params = [{transform_indices = #map}, {transform_indices = #map}, {transform_indices = #map1}, {transform_indices = #map1}]} {
    %mul3A = arith.constant 2 : i32
    %mul3A_0 = arith.muli %arg1, %mul3A : i32
    %add3A = arith.addi %mul3A_0, %arg0 : i32
    %mul3A_1 = arith.constant 6400 : i32
    %mul3A_2 = arith.muli %add3A, %mul3A_1 : i32
    "tpu.region"() ({
      %run_scoped3A = tpu.sem_alloc : memref<!tpu.dma_semaphore, #tpu.memory_space<semaphore_mem>>
      %dma_start3A_91 = tpu.memref_slice %arg2[%mul3A_2] : memref<204800xi32, #tpu.memory_space<hbm>> -> memref<6400xi32, #tpu.memory_space<hbm>>
      %dma_start3A_92 = tpu.memref_slice %arg2[%mul3A_2] : memref<204800xi32, #tpu.memory_space<hbm>> -> memref<6400xi32, #tpu.memory_space<hbm>>
      tpu.enqueue_dma source(%dma_start3A_92 : memref<6400xi32, #tpu.memory_space<hbm>>) target(%arg6 : memref<6400xi32, #tpu.memory_space<vmem>>) target_semaphore(%run_scoped3A : memref<!tpu.dma_semaphore, #tpu.memory_space<semaphore_mem>>)
      %dma_wait3A = tpu.memref_slice %arg2[%mul3A_2] : memref<204800xi32, #tpu.memory_space<hbm>> -> memref<6400xi32, #tpu.memory_space<hbm>>
      %dma_wait3A_93 = tpu.memref_slice %arg2[%mul3A_2] : memref<204800xi32, #tpu.memory_space<hbm>> -> memref<6400xi32, #tpu.memory_space<hbm>>
      tpu.wait_dma2 semaphore(%run_scoped3A : memref<!tpu.dma_semaphore, #tpu.memory_space<semaphore_mem>>) src(%dma_wait3A_93 : memref<6400xi32, #tpu.memory_space<hbm>>) dst(%arg6 : memref<6400xi32, #tpu.memory_space<vmem>>)
      tpu.yield
    }) : () -> ()
    %mul3A_3 = arith.constant 8192 : i32
    %mul3A_4 = arith.muli %add3A, %mul3A_3 : i32
    "tpu.region"() ({
      %run_scoped3A = tpu.sem_alloc : memref<!tpu.dma_semaphore, #tpu.memory_space<semaphore_mem>>
      %dma_start3A_91 = tpu.memref_slice %arg3[%mul3A_4] : memref<262144xi32, #tpu.memory_space<hbm>> -> memref<8192xi32, #tpu.memory_space<hbm>>
      %dma_start3A_92 = tpu.memref_slice %arg3[%mul3A_4] : memref<262144xi32, #tpu.memory_space<hbm>> -> memref<8192xi32, #tpu.memory_space<hbm>>
      tpu.enqueue_dma source(%dma_start3A_92 : memref<8192xi32, #tpu.memory_space<hbm>>) target(%arg7 : memref<8192xi32, #tpu.memory_space<vmem>>) target_semaphore(%run_scoped3A : memref<!tpu.dma_semaphore, #tpu.memory_space<semaphore_mem>>)
      %dma_wait3A = tpu.memref_slice %arg3[%mul3A_4] : memref<262144xi32, #tpu.memory_space<hbm>> -> memref<8192xi32, #tpu.memory_space<hbm>>
      %dma_wait3A_93 = tpu.memref_slice %arg3[%mul3A_4] : memref<262144xi32, #tpu.memory_space<hbm>> -> memref<8192xi32, #tpu.memory_space<hbm>>
      tpu.wait_dma2 semaphore(%run_scoped3A : memref<!tpu.dma_semaphore, #tpu.memory_space<semaphore_mem>>) src(%dma_wait3A_93 : memref<8192xi32, #tpu.memory_space<hbm>>) dst(%arg7 : memref<8192xi32, #tpu.memory_space<vmem>>)
      tpu.yield
    }) : () -> ()
    %dma_start3A = arith.constant 0 : i32
    %dma_start3A_5 = arith.constant 0 : i32
    %dma_start3A_6 = tpu.memref_slice %arg8[%dma_start3A, %dma_start3A_5] : memref<400x128xf32, #tpu.memory_space<vmem>> -> memref<80x128xf32, #tpu.memory_space<vmem>>
    %dma_start3A_7 = arith.constant 0 : i32
    %dma_start3A_8 = tpu.memref_slice %arg6[%dma_start3A_7] : memref<6400xi32, #tpu.memory_space<vmem>> -> memref<80xi32, #tpu.memory_space<vmem>>
    %dma_start3A_9 = arith.constant 0 : i32
    %dma_start3A_10 = arith.constant 0 : i32
    %dma_start3A_11 = tpu.memref_slice %arg4[%dma_start3A_9, %dma_start3A_10] : memref<500000x128xf32, #tpu.memory_space<hbm>> -> memref<500000x128xf32, #tpu.memory_space<hbm>>
    tpu.enqueue_indirect_dma source(%dma_start3A_11 : memref<500000x128xf32, #tpu.memory_space<hbm>>) target(%dma_start3A_6 : memref<80x128xf32, #tpu.memory_space<vmem>>) offsets(%dma_start3A_8 : memref<80xi32, #tpu.memory_space<vmem>>) semaphore(%arg11 : memref<!tpu.dma_semaphore, #tpu.memory_space<semaphore_mem>>)
    %dma_start3A_12 = arith.constant 80 : i32
    %dma_start3A_13 = arith.constant 0 : i32
    %dma_start3A_14 = tpu.memref_slice %arg8[%dma_start3A_12, %dma_start3A_13] : memref<400x128xf32, #tpu.memory_space<vmem>> -> memref<80x128xf32, #tpu.memory_space<vmem>>
    %dma_start3A_15 = arith.constant 80 : i32
    %dma_start3A_16 = tpu.memref_slice %arg6[%dma_start3A_15] : memref<6400xi32, #tpu.memory_space<vmem>> -> memref<80xi32, #tpu.memory_space<vmem>>
    %dma_start3A_17 = arith.constant 0 : i32
    %dma_start3A_18 = arith.constant 0 : i32
    %dma_start3A_19 = tpu.memref_slice %arg4[%dma_start3A_17, %dma_start3A_18] : memref<500000x128xf32, #tpu.memory_space<hbm>> -> memref<500000x128xf32, #tpu.memory_space<hbm>>
    tpu.enqueue_indirect_dma source(%dma_start3A_19 : memref<500000x128xf32, #tpu.memory_space<hbm>>) target(%dma_start3A_14 : memref<80x128xf32, #tpu.memory_space<vmem>>) offsets(%dma_start3A_16 : memref<80xi32, #tpu.memory_space<vmem>>) semaphore(%arg11 : memref<!tpu.dma_semaphore, #tpu.memory_space<semaphore_mem>>)
    %dma_start3A_20 = arith.constant 160 : i32
    %dma_start3A_21 = arith.constant 0 : i32
    %dma_start3A_22 = tpu.memref_slice %arg8[%dma_start3A_20, %dma_start3A_21] : memref<400x128xf32, #tpu.memory_space<vmem>> -> memref<80x128xf32, #tpu.memory_space<vmem>>
    %dma_start3A_23 = arith.constant 160 : i32
    %dma_start3A_24 = tpu.memref_slice %arg6[%dma_start3A_23] : memref<6400xi32, #tpu.memory_space<vmem>> -> memref<80xi32, #tpu.memory_space<vmem>>
    %dma_start3A_25 = arith.constant 0 : i32
    %dma_start3A_26 = arith.constant 0 : i32
    %dma_start3A_27 = tpu.memref_slice %arg4[%dma_start3A_25, %dma_start3A_26] : memref<500000x128xf32, #tpu.memory_space<hbm>> -> memref<500000x128xf32, #tpu.memory_space<hbm>>
    tpu.enqueue_indirect_dma source(%dma_start3A_27 : memref<500000x128xf32, #tpu.memory_space<hbm>>) target(%dma_start3A_22 : memref<80x128xf32, #tpu.memory_space<vmem>>) offsets(%dma_start3A_24 : memref<80xi32, #tpu.memory_space<vmem>>) semaphore(%arg11 : memref<!tpu.dma_semaphore, #tpu.memory_space<semaphore_mem>>)
    %dma_start3A_28 = arith.constant 240 : i32
    %dma_start3A_29 = arith.constant 0 : i32
    %dma_start3A_30 = tpu.memref_slice %arg8[%dma_start3A_28, %dma_start3A_29] : memref<400x128xf32, #tpu.memory_space<vmem>> -> memref<80x128xf32, #tpu.memory_space<vmem>>
    %dma_start3A_31 = arith.constant 240 : i32
    %dma_start3A_32 = tpu.memref_slice %arg6[%dma_start3A_31] : memref<6400xi32, #tpu.memory_space<vmem>> -> memref<80xi32, #tpu.memory_space<vmem>>
    %dma_start3A_33 = arith.constant 0 : i32
    %dma_start3A_34 = arith.constant 0 : i32
    %dma_start3A_35 = tpu.memref_slice %arg4[%dma_start3A_33, %dma_start3A_34] : memref<500000x128xf32, #tpu.memory_space<hbm>> -> memref<500000x128xf32, #tpu.memory_space<hbm>>
    tpu.enqueue_indirect_dma source(%dma_start3A_35 : memref<500000x128xf32, #tpu.memory_space<hbm>>) target(%dma_start3A_30 : memref<80x128xf32, #tpu.memory_space<vmem>>) offsets(%dma_start3A_32 : memref<80xi32, #tpu.memory_space<vmem>>) semaphore(%arg11 : memref<!tpu.dma_semaphore, #tpu.memory_space<semaphore_mem>>)
    %dma_start3A_36 = arith.constant 320 : i32
    %dma_start3A_37 = arith.constant 0 : i32
    %dma_start3A_38 = tpu.memref_slice %arg8[%dma_start3A_36, %dma_start3A_37] : memref<400x128xf32, #tpu.memory_space<vmem>> -> memref<80x128xf32, #tpu.memory_space<vmem>>
    %dma_start3A_39 = arith.constant 320 : i32
    %dma_start3A_40 = tpu.memref_slice %arg6[%dma_start3A_39] : memref<6400xi32, #tpu.memory_space<vmem>> -> memref<80xi32, #tpu.memory_space<vmem>>
    %dma_start3A_41 = arith.constant 0 : i32
    %dma_start3A_42 = arith.constant 0 : i32
    %dma_start3A_43 = tpu.memref_slice %arg4[%dma_start3A_41, %dma_start3A_42] : memref<500000x128xf32, #tpu.memory_space<hbm>> -> memref<500000x128xf32, #tpu.memory_space<hbm>>
    tpu.enqueue_indirect_dma source(%dma_start3A_43 : memref<500000x128xf32, #tpu.memory_space<hbm>>) target(%dma_start3A_38 : memref<80x128xf32, #tpu.memory_space<vmem>>) offsets(%dma_start3A_40 : memref<80xi32, #tpu.memory_space<vmem>>) semaphore(%arg11 : memref<!tpu.dma_semaphore, #tpu.memory_space<semaphore_mem>>)
    %dma_start3A_44 = arith.constant 0 : i32
    %dma_start3A_45 = arith.constant 0 : i32
    %dma_start3A_46 = tpu.memref_slice %arg9[%dma_start3A_44, %dma_start3A_45] : memref<400x128xf32, #tpu.memory_space<vmem>> -> memref<80x128xf32, #tpu.memory_space<vmem>>
    %dma_start3A_47 = arith.constant 400 : i32
    %dma_start3A_48 = tpu.memref_slice %arg6[%dma_start3A_47] : memref<6400xi32, #tpu.memory_space<vmem>> -> memref<80xi32, #tpu.memory_space<vmem>>
    %dma_start3A_49 = arith.constant 0 : i32
    %dma_start3A_50 = arith.constant 0 : i32
    %dma_start3A_51 = tpu.memref_slice %arg4[%dma_start3A_49, %dma_start3A_50] : memref<500000x128xf32, #tpu.memory_space<hbm>> -> memref<500000x128xf32, #tpu.memory_space<hbm>>
    tpu.enqueue_indirect_dma source(%dma_start3A_51 : memref<500000x128xf32, #tpu.memory_space<hbm>>) target(%dma_start3A_46 : memref<80x128xf32, #tpu.memory_space<vmem>>) offsets(%dma_start3A_48 : memref<80xi32, #tpu.memory_space<vmem>>) semaphore(%arg12 : memref<!tpu.dma_semaphore, #tpu.memory_space<semaphore_mem>>)
    %dma_start3A_52 = arith.constant 80 : i32
    %dma_start3A_53 = arith.constant 0 : i32
    %dma_start3A_54 = tpu.memref_slice %arg9[%dma_start3A_52, %dma_start3A_53] : memref<400x128xf32, #tpu.memory_space<vmem>> -> memref<80x128xf32, #tpu.memory_space<vmem>>
    %dma_start3A_55 = arith.constant 480 : i32
    %dma_start3A_56 = tpu.memref_slice %arg6[%dma_start3A_55] : memref<6400xi32, #tpu.memory_space<vmem>> -> memref<80xi32, #tpu.memory_space<vmem>>
    %dma_start3A_57 = arith.constant 0 : i32
    %dma_start3A_58 = arith.constant 0 : i32
    %dma_start3A_59 = tpu.memref_slice %arg4[%dma_start3A_57, %dma_start3A_58] : memref<500000x128xf32, #tpu.memory_space<hbm>> -> memref<500000x128xf32, #tpu.memory_space<hbm>>
    tpu.enqueue_indirect_dma source(%dma_start3A_59 : memref<500000x128xf32, #tpu.memory_space<hbm>>) target(%dma_start3A_54 : memref<80x128xf32, #tpu.memory_space<vmem>>) offsets(%dma_start3A_56 : memref<80xi32, #tpu.memory_space<vmem>>) semaphore(%arg12 : memref<!tpu.dma_semaphore, #tpu.memory_space<semaphore_mem>>)
    %dma_start3A_60 = arith.constant 160 : i32
    %dma_start3A_61 = arith.constant 0 : i32
    %dma_start3A_62 = tpu.memref_slice %arg9[%dma_start3A_60, %dma_start3A_61] : memref<400x128xf32, #tpu.memory_space<vmem>> -> memref<80x128xf32, #tpu.memory_space<vmem>>
    %dma_start3A_63 = arith.constant 560 : i32
    %dma_start3A_64 = tpu.memref_slice %arg6[%dma_start3A_63] : memref<6400xi32, #tpu.memory_space<vmem>> -> memref<80xi32, #tpu.memory_space<vmem>>
    %dma_start3A_65 = arith.constant 0 : i32
    %dma_start3A_66 = arith.constant 0 : i32
    %dma_start3A_67 = tpu.memref_slice %arg4[%dma_start3A_65, %dma_start3A_66] : memref<500000x128xf32, #tpu.memory_space<hbm>> -> memref<500000x128xf32, #tpu.memory_space<hbm>>
    tpu.enqueue_indirect_dma source(%dma_start3A_67 : memref<500000x128xf32, #tpu.memory_space<hbm>>) target(%dma_start3A_62 : memref<80x128xf32, #tpu.memory_space<vmem>>) offsets(%dma_start3A_64 : memref<80xi32, #tpu.memory_space<vmem>>) semaphore(%arg12 : memref<!tpu.dma_semaphore, #tpu.memory_space<semaphore_mem>>)
    %dma_start3A_68 = arith.constant 240 : i32
    %dma_start3A_69 = arith.constant 0 : i32
    %dma_start3A_70 = tpu.memref_slice %arg9[%dma_start3A_68, %dma_start3A_69] : memref<400x128xf32, #tpu.memory_space<vmem>> -> memref<80x128xf32, #tpu.memory_space<vmem>>
    %dma_start3A_71 = arith.constant 640 : i32
    %dma_start3A_72 = tpu.memref_slice %arg6[%dma_start3A_71] : memref<6400xi32, #tpu.memory_space<vmem>> -> memref<80xi32, #tpu.memory_space<vmem>>
    %dma_start3A_73 = arith.constant 0 : i32
    %dma_start3A_74 = arith.constant 0 : i32
    %dma_start3A_75 = tpu.memref_slice %arg4[%dma_start3A_73, %dma_start3A_74] : memref<500000x128xf32, #tpu.memory_space<hbm>> -> memref<500000x128xf32, #tpu.memory_space<hbm>>
    tpu.enqueue_indirect_dma source(%dma_start3A_75 : memref<500000x128xf32, #tpu.memory_space<hbm>>) target(%dma_start3A_70 : memref<80x128xf32, #tpu.memory_space<vmem>>) offsets(%dma_start3A_72 : memref<80xi32, #tpu.memory_space<vmem>>) semaphore(%arg12 : memref<!tpu.dma_semaphore, #tpu.memory_space<semaphore_mem>>)
    %dma_start3A_76 = arith.constant 320 : i32
    %dma_start3A_77 = arith.constant 0 : i32
    %dma_start3A_78 = tpu.memref_slice %arg9[%dma_start3A_76, %dma_start3A_77] : memref<400x128xf32, #tpu.memory_space<vmem>> -> memref<80x128xf32, #tpu.memory_space<vmem>>
    %dma_start3A_79 = arith.constant 720 : i32
    %dma_start3A_80 = tpu.memref_slice %arg6[%dma_start3A_79] : memref<6400xi32, #tpu.memory_space<vmem>> -> memref<80xi32, #tpu.memory_space<vmem>>
    %dma_start3A_81 = arith.constant 0 : i32
    %dma_start3A_82 = arith.constant 0 : i32
    %dma_start3A_83 = tpu.memref_slice %arg4[%dma_start3A_81, %dma_start3A_82] : memref<500000x128xf32, #tpu.memory_space<hbm>> -> memref<500000x128xf32, #tpu.memory_space<hbm>>
    tpu.enqueue_indirect_dma source(%dma_start3A_83 : memref<500000x128xf32, #tpu.memory_space<hbm>>) target(%dma_start3A_78 : memref<80x128xf32, #tpu.memory_space<vmem>>) offsets(%dma_start3A_80 : memref<80xi32, #tpu.memory_space<vmem>>) semaphore(%arg12 : memref<!tpu.dma_semaphore, #tpu.memory_space<semaphore_mem>>)
    %scan3A = arith.constant 0 : i32
    %scan3A_84 = arith.constant 0 : i32
    %scan3A_85 = arith.constant 8 : i32
    %scan3A_86 = arith.addi %scan3A_84, %scan3A_85 : i32
    %scan3A_87 = arith.constant 1 : i32
    scf.for %scan3A_91 = %scan3A_84 to %scan3A_86 step %scan3A_87  : i32 {
      %mul3A_92 = arith.constant 2 : i32
      %mul3A_93 = arith.muli %mul3A_92, %scan3A_91 : i32
      %add3A_94 = arith.constant 0 : i32
      %add3A_95 = arith.addi %mul3A_93, %add3A_94 : i32
      %dma_wait3A = arith.constant 0 : i32
      %dma_wait3A_96 = arith.constant 0 : i32
      %dma_wait3A_97 = tpu.memref_slice %arg8[%dma_wait3A, %dma_wait3A_96] : memref<400x128xf32, #tpu.memory_space<vmem>> -> memref<80x128xf32, #tpu.memory_space<vmem>>
      %dma_wait3A_98 = arith.constant 0 : i32
      %dma_wait3A_99 = tpu.memref_slice %arg6[%dma_wait3A_98] : memref<6400xi32, #tpu.memory_space<vmem>> -> memref<80xi32, #tpu.memory_space<vmem>>
      %dma_wait3A_100 = arith.constant 0 : i32
      %dma_wait3A_101 = arith.constant 0 : i32
      %dma_wait3A_102 = tpu.memref_slice %arg4[%dma_wait3A_100, %dma_wait3A_101] : memref<500000x128xf32, #tpu.memory_space<hbm>> -> memref<500000x128xf32, #tpu.memory_space<hbm>>
      tpu.wait_indirect_dma semaphore(%arg11 : memref<!tpu.dma_semaphore, #tpu.memory_space<semaphore_mem>>) src(%dma_wait3A_102 : memref<500000x128xf32, #tpu.memory_space<hbm>>) dst(%dma_wait3A_97 : memref<80x128xf32, #tpu.memory_space<vmem>>)
      %dma_wait3A_103 = arith.constant 80 : i32
      %dma_wait3A_104 = arith.constant 0 : i32
      %dma_wait3A_105 = tpu.memref_slice %arg8[%dma_wait3A_103, %dma_wait3A_104] : memref<400x128xf32, #tpu.memory_space<vmem>> -> memref<80x128xf32, #tpu.memory_space<vmem>>
      %dma_wait3A_106 = arith.constant 80 : i32
      %dma_wait3A_107 = tpu.memref_slice %arg6[%dma_wait3A_106] : memref<6400xi32, #tpu.memory_space<vmem>> -> memref<80xi32, #tpu.memory_space<vmem>>
      %dma_wait3A_108 = arith.constant 0 : i32
      %dma_wait3A_109 = arith.constant 0 : i32
      %dma_wait3A_110 = tpu.memref_slice %arg4[%dma_wait3A_108, %dma_wait3A_109] : memref<500000x128xf32, #tpu.memory_space<hbm>> -> memref<500000x128xf32, #tpu.memory_space<hbm>>
      tpu.wait_indirect_dma semaphore(%arg11 : memref<!tpu.dma_semaphore, #tpu.memory_space<semaphore_mem>>) src(%dma_wait3A_110 : memref<500000x128xf32, #tpu.memory_space<hbm>>) dst(%dma_wait3A_105 : memref<80x128xf32, #tpu.memory_space<vmem>>)
      %dma_wait3A_111 = arith.constant 160 : i32
      %dma_wait3A_112 = arith.constant 0 : i32
      %dma_wait3A_113 = tpu.memref_slice %arg8[%dma_wait3A_111, %dma_wait3A_112] : memref<400x128xf32, #tpu.memory_space<vmem>> -> memref<80x128xf32, #tpu.memory_space<vmem>>
      %dma_wait3A_114 = arith.constant 160 : i32
      %dma_wait3A_115 = tpu.memref_slice %arg6[%dma_wait3A_114] : memref<6400xi32, #tpu.memory_space<vmem>> -> memref<80xi32, #tpu.memory_space<vmem>>
      %dma_wait3A_116 = arith.constant 0 : i32
      %dma_wait3A_117 = arith.constant 0 : i32
      %dma_wait3A_118 = tpu.memref_slice %arg4[%dma_wait3A_116, %dma_wait3A_117] : memref<500000x128xf32, #tpu.memory_space<hbm>> -> memref<500000x128xf32, #tpu.memory_space<hbm>>
      tpu.wait_indirect_dma semaphore(%arg11 : memref<!tpu.dma_semaphore, #tpu.memory_space<semaphore_mem>>) src(%dma_wait3A_118 : memref<500000x128xf32, #tpu.memory_space<hbm>>) dst(%dma_wait3A_113 : memref<80x128xf32, #tpu.memory_space<vmem>>)
      %dma_wait3A_119 = arith.constant 240 : i32
      %dma_wait3A_120 = arith.constant 0 : i32
      %dma_wait3A_121 = tpu.memref_slice %arg8[%dma_wait3A_119, %dma_wait3A_120] : memref<400x128xf32, #tpu.memory_space<vmem>> -> memref<80x128xf32, #tpu.memory_space<vmem>>
      %dma_wait3A_122 = arith.constant 240 : i32
      %dma_wait3A_123 = tpu.memref_slice %arg6[%dma_wait3A_122] : memref<6400xi32, #tpu.memory_space<vmem>> -> memref<80xi32, #tpu.memory_space<vmem>>
      %dma_wait3A_124 = arith.constant 0 : i32
      %dma_wait3A_125 = arith.constant 0 : i32
      %dma_wait3A_126 = tpu.memref_slice %arg4[%dma_wait3A_124, %dma_wait3A_125] : memref<500000x128xf32, #tpu.memory_space<hbm>> -> memref<500000x128xf32, #tpu.memory_space<hbm>>
      tpu.wait_indirect_dma semaphore(%arg11 : memref<!tpu.dma_semaphore, #tpu.memory_space<semaphore_mem>>) src(%dma_wait3A_126 : memref<500000x128xf32, #tpu.memory_space<hbm>>) dst(%dma_wait3A_121 : memref<80x128xf32, #tpu.memory_space<vmem>>)
      %dma_wait3A_127 = arith.constant 320 : i32
      %dma_wait3A_128 = arith.constant 0 : i32
      %dma_wait3A_129 = tpu.memref_slice %arg8[%dma_wait3A_127, %dma_wait3A_128] : memref<400x128xf32, #tpu.memory_space<vmem>> -> memref<80x128xf32, #tpu.memory_space<vmem>>
      %dma_wait3A_130 = arith.constant 320 : i32
      %dma_wait3A_131 = tpu.memref_slice %arg6[%dma_wait3A_130] : memref<6400xi32, #tpu.memory_space<vmem>> -> memref<80xi32, #tpu.memory_space<vmem>>
      %dma_wait3A_132 = arith.constant 0 : i32
      %dma_wait3A_133 = arith.constant 0 : i32
      %dma_wait3A_134 = tpu.memref_slice %arg4[%dma_wait3A_132, %dma_wait3A_133] : memref<500000x128xf32, #tpu.memory_space<hbm>> -> memref<500000x128xf32, #tpu.memory_space<hbm>>
      tpu.wait_indirect_dma semaphore(%arg11 : memref<!tpu.dma_semaphore, #tpu.memory_space<semaphore_mem>>) src(%dma_wait3A_134 : memref<500000x128xf32, #tpu.memory_space<hbm>>) dst(%dma_wait3A_129 : memref<80x128xf32, #tpu.memory_space<vmem>>)
      %scan3A_135 = arith.constant 0 : i32
      %scan3A_136 = arith.constant 0 : i32
      %scan3A_137 = arith.constant 8 : i32
      %scan3A_138 = arith.addi %scan3A_136, %scan3A_137 : i32
      %scan3A_139 = arith.constant 1 : i32
      scf.for %scan3A_202 = %scan3A_136 to %scan3A_138 step %scan3A_139  : i32 {
        %mul3A_203 = arith.constant 50 : i32
        %mul3A_204 = arith.muli %scan3A_202, %mul3A_203 : i32
        %mul3A_205 = arith.constant 8 : i32
        %mul3A_206 = arith.muli %add3A_95, %mul3A_205 : i32
        %add3A_207 = arith.addi %mul3A_206, %scan3A_202 : i32
        %broadcast_in_dim3A = arith.constant 0.000000e+00 : f32
        %broadcast_in_dim3A_208 = vector.broadcast %broadcast_in_dim3A : f32 to vector<16xf32>
        %broadcast_in_dim3A_209 = arith.constant 0.000000e+00 : f32
        %broadcast_in_dim3A_210 = vector.broadcast %broadcast_in_dim3A_209 : f32 to vector<16xf32>
        %broadcast_in_dim3A_211 = arith.constant 0.000000e+00 : f32
        %broadcast_in_dim3A_212 = vector.broadcast %broadcast_in_dim3A_211 : f32 to vector<16xf32>
        %broadcast_in_dim3A_213 = arith.constant 0.000000e+00 : f32
        %broadcast_in_dim3A_214 = vector.broadcast %broadcast_in_dim3A_213 : f32 to vector<16xf32>
        %mul3A_215 = arith.constant 64 : i32
        %mul3A_216 = arith.muli %add3A_207, %mul3A_215 : i32
        %add3A_217 = arith.constant 0 : i32
        %add3A_218 = arith.addi %mul3A_216, %add3A_217 : i32
        %get3A = arith.index_cast %add3A_218 : i32 to index
        %get3A_219 = tpu.vector_load %arg7[%get3A] {strides = array<i32>} : memref<8192xi32, #tpu.memory_space<vmem>>, vector<16xi32>,
        %get3A_220 = vector.shape_cast %get3A_219 : vector<16xi32> to vector<16xi32>
        %slice3A = vector.extract_strided_slice %get3A_220 {offsets = [0], sizes = [1], strides = [1]} : vector<16xi32> to vector<1xi32>
        %squeeze3A = vector.extract %slice3A[0] : i32 from vector<1xi32>
        %add3A_221 = arith.constant 0 : i32
        %add3A_222 = arith.addi %mul3A_204, %add3A_221 : i32
        %add3A_223 = arith.constant 0 : i32
        %add3A_224 = arith.addi %squeeze3A, %add3A_223 : i32
        %get3A_225 = arith.index_cast %add3A_222 : i32 to index
        %get3A_226 = arith.index_cast %add3A_224 : i32 to index
        %get3A_227 = tpu.vector_load %arg8[%get3A_225, %get3A_226] {strides = array<i32>} : memref<400x128xf32, #tpu.memory_space<vmem>>, vector<1x16xf32>,
        %get3A_228 = vector.shape_cast %get3A_227 : vector<1x16xf32> to vector<16xf32>
        %add3A_229 = arith.addf %broadcast_in_dim3A_208, %get3A_228 : vector<16xf32>
        %add3A_230 = arith.constant 0 : i32
        %add3A_231 = arith.addi %mul3A_204, %add3A_230 : i32
        %add3A_232 = arith.constant 16 : i32
        %add3A_233 = arith.addi %squeeze3A, %add3A_232 : i32
        %get3A_234 = arith.index_cast %add3A_231 : i32 to index
        %get3A_235 = arith.index_cast %add3A_233 : i32 to index
        %get3A_236 = tpu.vector_load %arg8[%get3A_234, %get3A_235] {strides = array<i32>} : memref<400x128xf32, #tpu.memory_space<vmem>>, vector<1x16xf32>,
        %get3A_237 = vector.shape_cast %get3A_236 : vector<1x16xf32> to vector<16xf32>
        %add3A_238 = arith.addf %broadcast_in_dim3A_210, %get3A_237 : vector<16xf32>
        %add3A_239 = arith.constant 0 : i32
        %add3A_240 = arith.addi %mul3A_204, %add3A_239 : i32
        %add3A_241 = arith.constant 32 : i32
        %add3A_242 = arith.addi %squeeze3A, %add3A_241 : i32
        %get3A_243 = arith.index_cast %add3A_240 : i32 to index
        %get3A_244 = arith.index_cast %add3A_242 : i32 to index
        %get3A_245 = tpu.vector_load %arg8[%get3A_243, %get3A_244] {strides = array<i32>} : memref<400x128xf32, #tpu.memory_space<vmem>>, vector<1x16xf32>,
        %get3A_246 = vector.shape_cast %get3A_245 : vector<1x16xf32> to vector<16xf32>
        %add3A_247 = arith.addf %broadcast_in_dim3A_212, %get3A_246 : vector<16xf32>
        %add3A_248 = arith.constant 0 : i32
        %add3A_249 = arith.addi %mul3A_204, %add3A_248 : i32
        %add3A_250 = arith.constant 48 : i32
        %add3A_251 = arith.addi %squeeze3A, %add3A_250 : i32
        %get3A_252 = arith.index_cast %add3A_249 : i32 to index
        %get3A_253 = arith.index_cast %add3A_251 : i32 to index
        %get3A_254 = tpu.vector_load %arg8[%get3A_252, %get3A_253] {strides = array<i32>} : memref<400x128xf32, #tpu.memory_space<vmem>>, vector<1x16xf32>,
        %get3A_255 = vector.shape_cast %get3A_254 : vector<1x16xf32> to vector<16xf32>
        %add3A_256 = arith.addf %broadcast_in_dim3A_214, %get3A_255 : vector<16xf32>
        %slice3A_257 = vector.extract_strided_slice %get3A_220 {offsets = [1], sizes = [1], strides = [1]} : vector<16xi32> to vector<1xi32>
        %squeeze3A_258 = vector.extract %slice3A_257[0] : i32 from vector<1xi32>
        %add3A_259 = arith.constant 1 : i32
        %add3A_260 = arith.addi %mul3A_204, %add3A_259 : i32
        %add3A_261 = arith.constant 0 : i32
        %add3A_262 = arith.addi %squeeze3A_258, %add3A_261 : i32
        %get3A_263 = arith.index_cast %add3A_260 : i32 to index
        %get3A_264 = arith.index_cast %add3A_262 : i32 to index
        %get3A_265 = tpu.vector_load %arg8[%get3A_263, %get3A_264] {strides = array<i32>} : memref<400x128xf32, #tpu.memory_space<vmem>>, vector<1x16xf32>,
        %get3A_266 = vector.shape_cast %get3A_265 : vector<1x16xf32> to vector<16xf32>
        %add3A_267 = arith.addf %add3A_229, %get3A_266 : vector<16xf32>
        %add3A_268 = arith.constant 1 : i32
        %add3A_269 = arith.addi %mul3A_204, %add3A_268 : i32
        %add3A_270 = arith.constant 16 : i32
        %add3A_271 = arith.addi %squeeze3A_258, %add3A_270 : i32
        %get3A_272 = arith.index_cast %add3A_269 : i32 to index
        %get3A_273 = arith.index_cast %add3A_271 : i32 to index
        %get3A_274 = tpu.vector_load %arg8[%get3A_272, %get3A_273] {strides = array<i32>} : memref<400x128xf32, #tpu.memory_space<vmem>>, vector<1x16xf32>,
        %get3A_275 = vector.shape_cast %get3A_274 : vector<1x16xf32> to vector<16xf32>
        %add3A_276 = arith.addf %add3A_238, %get3A_275 : vector<16xf32>
        %add3A_277 = arith.constant 1 : i32
        %add3A_278 = arith.addi %mul3A_204, %add3A_277 : i32
        %add3A_279 = arith.constant 32 : i32
        %add3A_280 = arith.addi %squeeze3A_258, %add3A_279 : i32
        %get3A_281 = arith.index_cast %add3A_278 : i32 to index
        %get3A_282 = arith.index_cast %add3A_280 : i32 to index
        %get3A_283 = tpu.vector_load %arg8[%get3A_281, %get3A_282] {strides = array<i32>} : memref<400x128xf32, #tpu.memory_space<vmem>>, vector<1x16xf32>,
        %get3A_284 = vector.shape_cast %get3A_283 : vector<1x16xf32> to vector<16xf32>
        %add3A_285 = arith.addf %add3A_247, %get3A_284 : vector<16xf32>
        %add3A_286 = arith.constant 1 : i32
        %add3A_287 = arith.addi %mul3A_204, %add3A_286 : i32
        %add3A_288 = arith.constant 48 : i32
        %add3A_289 = arith.addi %squeeze3A_258, %add3A_288 : i32
        %get3A_290 = arith.index_cast %add3A_287 : i32 to index
        %get3A_291 = arith.index_cast %add3A_289 : i32 to index
        %get3A_292 = tpu.vector_load %arg8[%get3A_290, %get3A_291] {strides = array<i32>} : memref<400x128xf32, #tpu.memory_space<vmem>>, vector<1x16xf32>,
        %get3A_293 = vector.shape_cast %get3A_292 : vector<1x16xf32> to vector<16xf32>
        %add3A_294 = arith.addf %add3A_256, %get3A_293 : vector<16xf32>
        %slice3A_295 = vector.extract_strided_slice %get3A_220 {offsets = [2], sizes = [1], strides = [1]} : vector<16xi32> to vector<1xi32>
        %squeeze3A_296 = vector.extract %slice3A_295[0] : i32 from vector<1xi32>
        %add3A_297 = arith.constant 2 : i32
        %add3A_298 = arith.addi %mul3A_204, %add3A_297 : i32
        %add3A_299 = arith.constant 0 : i32
        %add3A_300 = arith.addi %squeeze3A_296, %add3A_299 : i32
        %get3A_301 = arith.index_cast %add3A_298 : i32 to index
        %get3A_302 = arith.index_cast %add3A_300 : i32 to index
        %get3A_303 = tpu.vector_load %arg8[%get3A_301, %get3A_302] {strides = array<i32>} : memref<400x128xf32, #tpu.memory_space<vmem>>, vector<1x16xf32>,
        %get3A_304 = vector.shape_cast %get3A_303 : vector<1x16xf32> to vector<16xf32>
        %add3A_305 = arith.addf %add3A_267, %get3A_304 : vector<16xf32>
        %add3A_306 = arith.constant 2 : i32
        %add3A_307 = arith.addi %mul3A_204, %add3A_306 : i32
        %add3A_308 = arith.constant 16 : i32
        %add3A_309 = arith.addi %squeeze3A_296, %add3A_308 : i32
        %get3A_310 = arith.index_cast %add3A_307 : i32 to index
        %get3A_311 = arith.index_cast %add3A_309 : i32 to index
        %get3A_312 = tpu.vector_load %arg8[%get3A_310, %get3A_311] {strides = array<i32>} : memref<400x128xf32, #tpu.memory_space<vmem>>, vector<1x16xf32>,
        %get3A_313 = vector.shape_cast %get3A_312 : vector<1x16xf32> to vector<16xf32>
        %add3A_314 = arith.addf %add3A_276, %get3A_313 : vector<16xf32>
        %add3A_315 = arith.constant 2 : i32
        %add3A_316 = arith.addi %mul3A_204, %add3A_315 : i32
        %add3A_317 = arith.constant 32 : i32
        %add3A_318 = arith.addi %squeeze3A_296, %add3A_317 : i32
        %get3A_319 = arith.index_cast %add3A_316 : i32 to index
        %get3A_320 = arith.index_cast %add3A_318 : i32 to index
        %get3A_321 = tpu.vector_load %arg8[%get3A_319, %get3A_320] {strides = array<i32>} : memref<400x128xf32, #tpu.memory_space<vmem>>, vector<1x16xf32>,
        %get3A_322 = vector.shape_cast %get3A_321 : vector<1x16xf32> to vector<16xf32>
        %add3A_323 = arith.addf %add3A_285, %get3A_322 : vector<16xf32>
        %add3A_324 = arith.constant 2 : i32
        %add3A_325 = arith.addi %mul3A_204, %add3A_324 : i32
        %add3A_326 = arith.constant 48 : i32
        %add3A_327 = arith.addi %squeeze3A_296, %add3A_326 : i32
        %get3A_328 = arith.index_cast %add3A_325 : i32 to index
        %get3A_329 = arith.index_cast %add3A_327 : i32 to index
        %get3A_330 = tpu.vector_load %arg8[%get3A_328, %get3A_329] {strides = array<i32>} : memref<400x128xf32, #tpu.memory_space<vmem>>, vector<1x16xf32>,
        %get3A_331 = vector.shape_cast %get3A_330 : vector<1x16xf32> to vector<16xf32>
        %add3A_332 = arith.addf %add3A_294, %get3A_331 : vector<16xf32>
        %slice3A_333 = vector.extract_strided_slice %get3A_220 {offsets = [3], sizes = [1], strides = [1]} : vector<16xi32> to vector<1xi32>
        %squeeze3A_334 = vector.extract %slice3A_333[0] : i32 from vector<1xi32>
        %add3A_335 = arith.constant 3 : i32
        %add3A_336 = arith.addi %mul3A_204, %add3A_335 : i32
        %add3A_337 = arith.constant 0 : i32
        %add3A_338 = arith.addi %squeeze3A_334, %add3A_337 : i32
        %get3A_339 = arith.index_cast %add3A_336 : i32 to index
        %get3A_340 = arith.index_cast %add3A_338 : i32 to index
        %get3A_341 = tpu.vector_load %arg8[%get3A_339, %get3A_340] {strides = array<i32>} : memref<400x128xf32, #tpu.memory_space<vmem>>, vector<1x16xf32>,
        %get3A_342 = vector.shape_cast %get3A_341 : vector<1x16xf32> to vector<16xf32>
        %add3A_343 = arith.addf %add3A_305, %get3A_342 : vector<16xf32>
        %add3A_344 = arith.constant 3 : i32
        %add3A_345 = arith.addi %mul3A_204, %add3A_344 : i32
        %add3A_346 = arith.constant 16 : i32
        %add3A_347 = arith.addi %squeeze3A_334, %add3A_346 : i32
        %get3A_348 = arith.index_cast %add3A_345 : i32 to index
        %get3A_349 = arith.index_cast %add3A_347 : i32 to index
        %get3A_350 = tpu.vector_load %arg8[%get3A_348, %get3A_349] {strides = array<i32>} : memref<400x128xf32, #tpu.memory_space<vmem>>, vector<1x16xf32>,
        %get3A_351 = vector.shape_cast %get3A_350 : vector<1x16xf32> to vector<16xf32>
        %add3A_352 = arith.addf %add3A_314, %get3A_351 : vector<16xf32>
        %add3A_353 = arith.constant 3 : i32
        %add3A_354 = arith.addi %mul3A_204, %add3A_353 : i32
        %add3A_355 = arith.constant 32 : i32
        %add3A_356 = arith.addi %squeeze3A_334, %add3A_355 : i32
        %get3A_357 = arith.index_cast %add3A_354 : i32 to index
        %get3A_358 = arith.index_cast %add3A_356 : i32 to index
        %get3A_359 = tpu.vector_load %arg8[%get3A_357, %get3A_358] {strides = array<i32>} : memref<400x128xf32, #tpu.memory_space<vmem>>, vector<1x16xf32>,
        %get3A_360 = vector.shape_cast %get3A_359 : vector<1x16xf32> to vector<16xf32>
        %add3A_361 = arith.addf %add3A_323, %get3A_360 : vector<16xf32>
        %add3A_362 = arith.constant 3 : i32
        %add3A_363 = arith.addi %mul3A_204, %add3A_362 : i32
        %add3A_364 = arith.constant 48 : i32
        %add3A_365 = arith.addi %squeeze3A_334, %add3A_364 : i32
        %get3A_366 = arith.index_cast %add3A_363 : i32 to index
        %get3A_367 = arith.index_cast %add3A_365 : i32 to index
        %get3A_368 = tpu.vector_load %arg8[%get3A_366, %get3A_367] {strides = array<i32>} : memref<400x128xf32, #tpu.memory_space<vmem>>, vector<1x16xf32>,
        %get3A_369 = vector.shape_cast %get3A_368 : vector<1x16xf32> to vector<16xf32>
        %add3A_370 = arith.addf %add3A_332, %get3A_369 : vector<16xf32>
        %slice3A_371 = vector.extract_strided_slice %get3A_220 {offsets = [4], sizes = [1], strides = [1]} : vector<16xi32> to vector<1xi32>
        %squeeze3A_372 = vector.extract %slice3A_371[0] : i32 from vector<1xi32>
        %add3A_373 = arith.constant 4 : i32
        %add3A_374 = arith.addi %mul3A_204, %add3A_373 : i32
        %add3A_375 = arith.constant 0 : i32
        %add3A_376 = arith.addi %squeeze3A_372, %add3A_375 : i32
        %get3A_377 = arith.index_cast %add3A_374 : i32 to index
        %get3A_378 = arith.index_cast %add3A_376 : i32 to index
        %get3A_379 = tpu.vector_load %arg8[%get3A_377, %get3A_378] {strides = array<i32>} : memref<400x128xf32, #tpu.memory_space<vmem>>, vector<1x16xf32>,
        %get3A_380 = vector.shape_cast %get3A_379 : vector<1x16xf32> to vector<16xf32>
        %add3A_381 = arith.addf %add3A_343, %get3A_380 : vector<16xf32>
        %add3A_382 = arith.constant 4 : i32
        %add3A_383 = arith.addi %mul3A_204, %add3A_382 : i32
        %add3A_384 = arith.constant 16 : i32
        %add3A_385 = arith.addi %squeeze3A_372, %add3A_384 : i32
        %get3A_386 = arith.index_cast %add3A_383 : i32 to index
        %get3A_387 = arith.index_cast %add3A_385 : i32 to index
        %get3A_388 = tpu.vector_load %arg8[%get3A_386, %get3A_387] {strides = array<i32>} : memref<400x128xf32, #tpu.memory_space<vmem>>, vector<1x16xf32>,
        %get3A_389 = vector.shape_cast %get3A_388 : vector<1x16xf32> to vector<16xf32>
        %add3A_390 = arith.addf %add3A_352, %get3A_389 : vector<16xf32>
        %add3A_391 = arith.constant 4 : i32
        %add3A_392 = arith.addi %mul3A_204, %add3A_391 : i32
        %add3A_393 = arith.constant 32 : i32
        %add3A_394 = arith.addi %squeeze3A_372, %add3A_393 : i32
        %get3A_395 = arith.index_cast %add3A_392 : i32 to index
        %get3A_396 = arith.index_cast %add3A_394 : i32 to index
        %get3A_397 = tpu.vector_load %arg8[%get3A_395, %get3A_396] {strides = array<i32>} : memref<400x128xf32, #tpu.memory_space<vmem>>, vector<1x16xf32>,
        %get3A_398 = vector.shape_cast %get3A_397 : vector<1x16xf32> to vector<16xf32>
        %add3A_399 = arith.addf %add3A_361, %get3A_398 : vector<16xf32>
        %add3A_400 = arith.constant 4 : i32
        %add3A_401 = arith.addi %mul3A_204, %add3A_400 : i32
        %add3A_402 = arith.constant 48 : i32
        %add3A_403 = arith.addi %squeeze3A_372, %add3A_402 : i32
        %get3A_404 = arith.index_cast %add3A_401 : i32 to index
        %get3A_405 = arith.index_cast %add3A_403 : i32 to index
        %get3A_406 = tpu.vector_load %arg8[%get3A_404, %get3A_405] {strides = array<i32>} : memref<400x128xf32, #tpu.memory_space<vmem>>, vector<1x16xf32>,
        %get3A_407 = vector.shape_cast %get3A_406 : vector<1x16xf32> to vector<16xf32>
        %add3A_408 = arith.addf %add3A_370, %get3A_407 : vector<16xf32>
        %slice3A_409 = vector.extract_strided_slice %get3A_220 {offsets = [5], sizes = [1], strides = [1]} : vector<16xi32> to vector<1xi32>
        %squeeze3A_410 = vector.extract %slice3A_409[0] : i32 from vector<1xi32>
        %add3A_411 = arith.constant 5 : i32
        %add3A_412 = arith.addi %mul3A_204, %add3A_411 : i32
        %add3A_413 = arith.constant 0 : i32
        %add3A_414 = arith.addi %squeeze3A_410, %add3A_413 : i32
        %get3A_415 = arith.index_cast %add3A_412 : i32 to index
        %get3A_416 = arith.index_cast %add3A_414 : i32 to index
        %get3A_417 = tpu.vector_load %arg8[%get3A_415, %get3A_416] {strides = array<i32>} : memref<400x128xf32, #tpu.memory_space<vmem>>, vector<1x16xf32>,
        %get3A_418 = vector.shape_cast %get3A_417 : vector<1x16xf32> to vector<16xf32>
        %add3A_419 = arith.addf %add3A_381, %get3A_418 : vector<16xf32>
        %add3A_420 = arith.constant 5 : i32
        %add3A_421 = arith.addi %mul3A_204, %add3A_420 : i32
        %add3A_422 = arith.constant 16 : i32
        %add3A_423 = arith.addi %squeeze3A_410, %add3A_422 : i32
        %get3A_424 = arith.index_cast %add3A_421 : i32 to index
        %get3A_425 = arith.index_cast %add3A_423 : i32 to index
        %get3A_426 = tpu.vector_load %arg8[%get3A_424, %get3A_425] {strides = array<i32>} : memref<400x128xf32, #tpu.memory_space<vmem>>, vector<1x16xf32>,
        %get3A_427 = vector.shape_cast %get3A_426 : vector<1x16xf32> to vector<16xf32>
        %add3A_428 = arith.addf %add3A_390, %get3A_427 : vector<16xf32>
        %add3A_429 = arith.constant 5 : i32
        %add3A_430 = arith.addi %mul3A_204, %add3A_429 : i32
        %add3A_431 = arith.constant 32 : i32
        %add3A_432 = arith.addi %squeeze3A_410, %add3A_431 : i32
        %get3A_433 = arith.index_cast %add3A_430 : i32 to index
        %get3A_434 = arith.index_cast %add3A_432 : i32 to index
        %get3A_435 = tpu.vector_load %arg8[%get3A_433, %get3A_434] {strides = array<i32>} : memref<400x128xf32, #tpu.memory_space<vmem>>, vector<1x16xf32>,
        %get3A_436 = vector.shape_cast %get3A_435 : vector<1x16xf32> to vector<16xf32>
        %add3A_437 = arith.addf %add3A_399, %get3A_436 : vector<16xf32>
        %add3A_438 = arith.constant 5 : i32
        %add3A_439 = arith.addi %mul3A_204, %add3A_438 : i32
        %add3A_440 = arith.constant 48 : i32
        %add3A_441 = arith.addi %squeeze3A_410, %add3A_440 : i32
        %get3A_442 = arith.index_cast %add3A_439 : i32 to index
        %get3A_443 = arith.index_cast %add3A_441 : i32 to index
        %get3A_444 = tpu.vector_load %arg8[%get3A_442, %get3A_443] {strides = array<i32>} : memref<400x128xf32, #tpu.memory_space<vmem>>, vector<1x16xf32>,
        %get3A_445 = vector.shape_cast %get3A_444 : vector<1x16xf32> to vector<16xf32>
        %add3A_446 = arith.addf %add3A_408, %get3A_445 : vector<16xf32>
        %slice3A_447 = vector.extract_strided_slice %get3A_220 {offsets = [6], sizes = [1], strides = [1]} : vector<16xi32> to vector<1xi32>
        %squeeze3A_448 = vector.extract %slice3A_447[0] : i32 from vector<1xi32>
        %add3A_449 = arith.constant 6 : i32
        %add3A_450 = arith.addi %mul3A_204, %add3A_449 : i32
        %add3A_451 = arith.constant 0 : i32
        %add3A_452 = arith.addi %squeeze3A_448, %add3A_451 : i32
        %get3A_453 = arith.index_cast %add3A_450 : i32 to index
        %get3A_454 = arith.index_cast %add3A_452 : i32 to index
        %get3A_455 = tpu.vector_load %arg8[%get3A_453, %get3A_454] {strides = array<i32>} : memref<400x128xf32, #tpu.memory_space<vmem>>, vector<1x16xf32>,
        %get3A_456 = vector.shape_cast %get3A_455 : vector<1x16xf32> to vector<16xf32>
        %add3A_457 = arith.addf %add3A_419, %get3A_456 : vector<16xf32>
        %add3A_458 = arith.constant 6 : i32
        %add3A_459 = arith.addi %mul3A_204, %add3A_458 : i32
        %add3A_460 = arith.constant 16 : i32
        %add3A_461 = arith.addi %squeeze3A_448, %add3A_460 : i32
        %get3A_462 = arith.index_cast %add3A_459 : i32 to index
        %get3A_463 = arith.index_cast %add3A_461 : i32 to index
        %get3A_464 = tpu.vector_load %arg8[%get3A_462, %get3A_463] {strides = array<i32>} : memref<400x128xf32, #tpu.memory_space<vmem>>, vector<1x16xf32>,
        %get3A_465 = vector.shape_cast %get3A_464 : vector<1x16xf32> to vector<16xf32>
        %add3A_466 = arith.addf %add3A_428, %get3A_465 : vector<16xf32>
        %add3A_467 = arith.constant 6 : i32
        %add3A_468 = arith.addi %mul3A_204, %add3A_467 : i32
        %add3A_469 = arith.constant 32 : i32
        %add3A_470 = arith.addi %squeeze3A_448, %add3A_469 : i32
        %get3A_471 = arith.index_cast %add3A_468 : i32 to index
        %get3A_472 = arith.index_cast %add3A_470 : i32 to index
        %get3A_473 = tpu.vector_load %arg8[%get3A_471, %get3A_472] {strides = array<i32>} : memref<400x128xf32, #tpu.memory_space<vmem>>, vector<1x16xf32>,
        %get3A_474 = vector.shape_cast %get3A_473 : vector<1x16xf32> to vector<16xf32>
        %add3A_475 = arith.addf %add3A_437, %get3A_474 : vector<16xf32>
        %add3A_476 = arith.constant 6 : i32
        %add3A_477 = arith.addi %mul3A_204, %add3A_476 : i32
        %add3A_478 = arith.constant 48 : i32
        %add3A_479 = arith.addi %squeeze3A_448, %add3A_478 : i32
        %get3A_480 = arith.index_cast %add3A_477 : i32 to index
        %get3A_481 = arith.index_cast %add3A_479 : i32 to index
        %get3A_482 = tpu.vector_load %arg8[%get3A_480, %get3A_481] {strides = array<i32>} : memref<400x128xf32, #tpu.memory_space<vmem>>, vector<1x16xf32>,
        %get3A_483 = vector.shape_cast %get3A_482 : vector<1x16xf32> to vector<16xf32>
        %add3A_484 = arith.addf %add3A_446, %get3A_483 : vector<16xf32>
        %slice3A_485 = vector.extract_strided_slice %get3A_220 {offsets = [7], sizes = [1], strides = [1]} : vector<16xi32> to vector<1xi32>
        %squeeze3A_486 = vector.extract %slice3A_485[0] : i32 from vector<1xi32>
        %add3A_487 = arith.constant 7 : i32
        %add3A_488 = arith.addi %mul3A_204, %add3A_487 : i32
        %add3A_489 = arith.constant 0 : i32
        %add3A_490 = arith.addi %squeeze3A_486, %add3A_489 : i32
        %get3A_491 = arith.index_cast %add3A_488 : i32 to index
        %get3A_492 = arith.index_cast %add3A_490 : i32 to index
        %get3A_493 = tpu.vector_load %arg8[%get3A_491, %get3A_492] {strides = array<i32>} : memref<400x128xf32, #tpu.memory_space<vmem>>, vector<1x16xf32>,
        %get3A_494 = vector.shape_cast %get3A_493 : vector<1x16xf32> to vector<16xf32>
        %add3A_495 = arith.addf %add3A_457, %get3A_494 : vector<16xf32>
        %add3A_496 = arith.constant 7 : i32
        %add3A_497 = arith.addi %mul3A_204, %add3A_496 : i32
        %add3A_498 = arith.constant 16 : i32
        %add3A_499 = arith.addi %squeeze3A_486, %add3A_498 : i32
        %get3A_500 = arith.index_cast %add3A_497 : i32 to index
        %get3A_501 = arith.index_cast %add3A_499 : i32 to index
        %get3A_502 = tpu.vector_load %arg8[%get3A_500, %get3A_501] {strides = array<i32>} : memref<400x128xf32, #tpu.memory_space<vmem>>, vector<1x16xf32>,
        %get3A_503 = vector.shape_cast %get3A_502 : vector<1x16xf32> to vector<16xf32>
        %add3A_504 = arith.addf %add3A_466, %get3A_503 : vector<16xf32>
        %add3A_505 = arith.constant 7 : i32
        %add3A_506 = arith.addi %mul3A_204, %add3A_505 : i32
        %add3A_507 = arith.constant 32 : i32
        %add3A_508 = arith.addi %squeeze3A_486, %add3A_507 : i32
        %get3A_509 = arith.index_cast %add3A_506 : i32 to index
        %get3A_510 = arith.index_cast %add3A_508 : i32 to index
        %get3A_511 = tpu.vector_load %arg8[%get3A_509, %get3A_510] {strides = array<i32>} : memref<400x128xf32, #tpu.memory_space<vmem>>, vector<1x16xf32>,
        %get3A_512 = vector.shape_cast %get3A_511 : vector<1x16xf32> to vector<16xf32>
        %add3A_513 = arith.addf %add3A_475, %get3A_512 : vector<16xf32>
        %add3A_514 = arith.constant 7 : i32
        %add3A_515 = arith.addi %mul3A_204, %add3A_514 : i32
        %add3A_516 = arith.constant 48 : i32
        %add3A_517 = arith.addi %squeeze3A_486, %add3A_516 : i32
        %get3A_518 = arith.index_cast %add3A_515 : i32 to index
        %get3A_519 = arith.index_cast %add3A_517 : i32 to index
        %get3A_520 = tpu.vector_load %arg8[%get3A_518, %get3A_519] {strides = array<i32>} : memref<400x128xf32, #tpu.memory_space<vmem>>, vector<1x16xf32>,
        %get3A_521 = vector.shape_cast %get3A_520 : vector<1x16xf32> to vector<16xf32>
        %add3A_522 = arith.addf %add3A_484, %get3A_521 : vector<16xf32>
        %slice3A_523 = vector.extract_strided_slice %get3A_220 {offsets = [8], sizes = [1], strides = [1]} : vector<16xi32> to vector<1xi32>
        %squeeze3A_524 = vector.extract %slice3A_523[0] : i32 from vector<1xi32>
        %add3A_525 = arith.constant 8 : i32
        %add3A_526 = arith.addi %mul3A_204, %add3A_525 : i32
        %add3A_527 = arith.constant 0 : i32
        %add3A_528 = arith.addi %squeeze3A_524, %add3A_527 : i32
        %get3A_529 = arith.index_cast %add3A_526 : i32 to index
        %get3A_530 = arith.index_cast %add3A_528 : i32 to index
        %get3A_531 = tpu.vector_load %arg8[%get3A_529, %get3A_530] {strides = array<i32>} : memref<400x128xf32, #tpu.memory_space<vmem>>, vector<1x16xf32>,
        %get3A_532 = vector.shape_cast %get3A_531 : vector<1x16xf32> to vector<16xf32>
        %add3A_533 = arith.addf %add3A_495, %get3A_532 : vector<16xf32>
        %add3A_534 = arith.constant 8 : i32
        %add3A_535 = arith.addi %mul3A_204, %add3A_534 : i32
        %add3A_536 = arith.constant 16 : i32
        %add3A_537 = arith.addi %squeeze3A_524, %add3A_536 : i32
        %get3A_538 = arith.index_cast %add3A_535 : i32 to index
        %get3A_539 = arith.index_cast %add3A_537 : i32 to index
        %get3A_540 = tpu.vector_load %arg8[%get3A_538, %get3A_539] {strides = array<i32>} : memref<400x128xf32, #tpu.memory_space<vmem>>, vector<1x16xf32>,
        %get3A_541 = vector.shape_cast %get3A_540 : vector<1x16xf32> to vector<16xf32>
        %add3A_542 = arith.addf %add3A_504, %get3A_541 : vector<16xf32>
        %add3A_543 = arith.constant 8 : i32
        %add3A_544 = arith.addi %mul3A_204, %add3A_543 : i32
        %add3A_545 = arith.constant 32 : i32
        %add3A_546 = arith.addi %squeeze3A_524, %add3A_545 : i32
        %get3A_547 = arith.index_cast %add3A_544 : i32 to index
        %get3A_548 = arith.index_cast %add3A_546 : i32 to index
        %get3A_549 = tpu.vector_load %arg8[%get3A_547, %get3A_548] {strides = array<i32>} : memref<400x128xf32, #tpu.memory_space<vmem>>, vector<1x16xf32>,
        %get3A_550 = vector.shape_cast %get3A_549 : vector<1x16xf32> to vector<16xf32>
        %add3A_551 = arith.addf %add3A_513, %get3A_550 : vector<16xf32>
        %add3A_552 = arith.constant 8 : i32
        %add3A_553 = arith.addi %mul3A_204, %add3A_552 : i32
        %add3A_554 = arith.constant 48 : i32
        %add3A_555 = arith.addi %squeeze3A_524, %add3A_554 : i32
        %get3A_556 = arith.index_cast %add3A_553 : i32 to index
        %get3A_557 = arith.index_cast %add3A_555 : i32 to index
        %get3A_558 = tpu.vector_load %arg8[%get3A_556, %get3A_557] {strides = array<i32>} : memref<400x128xf32, #tpu.memory_space<vmem>>, vector<1x16xf32>,
        %get3A_559 = vector.shape_cast %get3A_558 : vector<1x16xf32> to vector<16xf32>
        %add3A_560 = arith.addf %add3A_522, %get3A_559 : vector<16xf32>
        %slice3A_561 = vector.extract_strided_slice %get3A_220 {offsets = [9], sizes = [1], strides = [1]} : vector<16xi32> to vector<1xi32>
        %squeeze3A_562 = vector.extract %slice3A_561[0] : i32 from vector<1xi32>
        %add3A_563 = arith.constant 9 : i32
        %add3A_564 = arith.addi %mul3A_204, %add3A_563 : i32
        %add3A_565 = arith.constant 0 : i32
        %add3A_566 = arith.addi %squeeze3A_562, %add3A_565 : i32
        %get3A_567 = arith.index_cast %add3A_564 : i32 to index
        %get3A_568 = arith.index_cast %add3A_566 : i32 to index
        %get3A_569 = tpu.vector_load %arg8[%get3A_567, %get3A_568] {strides = array<i32>} : memref<400x128xf32, #tpu.memory_space<vmem>>, vector<1x16xf32>,
        %get3A_570 = vector.shape_cast %get3A_569 : vector<1x16xf32> to vector<16xf32>
        %add3A_571 = arith.addf %add3A_533, %get3A_570 : vector<16xf32>
        %add3A_572 = arith.constant 9 : i32
        %add3A_573 = arith.addi %mul3A_204, %add3A_572 : i32
        %add3A_574 = arith.constant 16 : i32
        %add3A_575 = arith.addi %squeeze3A_562, %add3A_574 : i32
        %get3A_576 = arith.index_cast %add3A_573 : i32 to index
        %get3A_577 = arith.index_cast %add3A_575 : i32 to index
        %get3A_578 = tpu.vector_load %arg8[%get3A_576, %get3A_577] {strides = array<i32>} : memref<400x128xf32, #tpu.memory_space<vmem>>, vector<1x16xf32>,
        %get3A_579 = vector.shape_cast %get3A_578 : vector<1x16xf32> to vector<16xf32>
        %add3A_580 = arith.addf %add3A_542, %get3A_579 : vector<16xf32>
        %add3A_581 = arith.constant 9 : i32
        %add3A_582 = arith.addi %mul3A_204, %add3A_581 : i32
        %add3A_583 = arith.constant 32 : i32
        %add3A_584 = arith.addi %squeeze3A_562, %add3A_583 : i32
        %get3A_585 = arith.index_cast %add3A_582 : i32 to index
        %get3A_586 = arith.index_cast %add3A_584 : i32 to index
        %get3A_587 = tpu.vector_load %arg8[%get3A_585, %get3A_586] {strides = array<i32>} : memref<400x128xf32, #tpu.memory_space<vmem>>, vector<1x16xf32>,
        %get3A_588 = vector.shape_cast %get3A_587 : vector<1x16xf32> to vector<16xf32>
        %add3A_589 = arith.addf %add3A_551, %get3A_588 : vector<16xf32>
        %add3A_590 = arith.constant 9 : i32
        %add3A_591 = arith.addi %mul3A_204, %add3A_590 : i32
        %add3A_592 = arith.constant 48 : i32
        %add3A_593 = arith.addi %squeeze3A_562, %add3A_592 : i32
        %get3A_594 = arith.index_cast %add3A_591 : i32 to index
        %get3A_595 = arith.index_cast %add3A_593 : i32 to index
        %get3A_596 = tpu.vector_load %arg8[%get3A_594, %get3A_595] {strides = array<i32>} : memref<400x128xf32, #tpu.memory_space<vmem>>, vector<1x16xf32>,
        %get3A_597 = vector.shape_cast %get3A_596 : vector<1x16xf32> to vector<16xf32>
        %add3A_598 = arith.addf %add3A_560, %get3A_597 : vector<16xf32>
        %slice3A_599 = vector.extract_strided_slice %get3A_220 {offsets = [10], sizes = [1], strides = [1]} : vector<16xi32> to vector<1xi32>
        %squeeze3A_600 = vector.extract %slice3A_599[0] : i32 from vector<1xi32>
        %add3A_601 = arith.constant 10 : i32
        %add3A_602 = arith.addi %mul3A_204, %add3A_601 : i32
        %add3A_603 = arith.constant 0 : i32
        %add3A_604 = arith.addi %squeeze3A_600, %add3A_603 : i32
        %get3A_605 = arith.index_cast %add3A_602 : i32 to index
        %get3A_606 = arith.index_cast %add3A_604 : i32 to index
        %get3A_607 = tpu.vector_load %arg8[%get3A_605, %get3A_606] {strides = array<i32>} : memref<400x128xf32, #tpu.memory_space<vmem>>, vector<1x16xf32>,
        %get3A_608 = vector.shape_cast %get3A_607 : vector<1x16xf32> to vector<16xf32>
        %add3A_609 = arith.addf %add3A_571, %get3A_608 : vector<16xf32>
        %add3A_610 = arith.constant 10 : i32
        %add3A_611 = arith.addi %mul3A_204, %add3A_610 : i32
        %add3A_612 = arith.constant 16 : i32
        %add3A_613 = arith.addi %squeeze3A_600, %add3A_612 : i32
        %get3A_614 = arith.index_cast %add3A_611 : i32 to index
        %get3A_615 = arith.index_cast %add3A_613 : i32 to index
        %get3A_616 = tpu.vector_load %arg8[%get3A_614, %get3A_615] {strides = array<i32>} : memref<400x128xf32, #tpu.memory_space<vmem>>, vector<1x16xf32>,
        %get3A_617 = vector.shape_cast %get3A_616 : vector<1x16xf32> to vector<16xf32>
        %add3A_618 = arith.addf %add3A_580, %get3A_617 : vector<16xf32>
        %add3A_619 = arith.constant 10 : i32
        %add3A_620 = arith.addi %mul3A_204, %add3A_619 : i32
        %add3A_621 = arith.constant 32 : i32
        %add3A_622 = arith.addi %squeeze3A_600, %add3A_621 : i32
        %get3A_623 = arith.index_cast %add3A_620 : i32 to index
        %get3A_624 = arith.index_cast %add3A_622 : i32 to index
        %get3A_625 = tpu.vector_load %arg8[%get3A_623, %get3A_624] {strides = array<i32>} : memref<400x128xf32, #tpu.memory_space<vmem>>, vector<1x16xf32>,
        %get3A_626 = vector.shape_cast %get3A_625 : vector<1x16xf32> to vector<16xf32>
        %add3A_627 = arith.addf %add3A_589, %get3A_626 : vector<16xf32>
        %add3A_628 = arith.constant 10 : i32
        %add3A_629 = arith.addi %mul3A_204, %add3A_628 : i32
        %add3A_630 = arith.constant 48 : i32
        %add3A_631 = arith.addi %squeeze3A_600, %add3A_630 : i32
        %get3A_632 = arith.index_cast %add3A_629 : i32 to index
        %get3A_633 = arith.index_cast %add3A_631 : i32 to index
        %get3A_634 = tpu.vector_load %arg8[%get3A_632, %get3A_633] {strides = array<i32>} : memref<400x128xf32, #tpu.memory_space<vmem>>, vector<1x16xf32>,
        %get3A_635 = vector.shape_cast %get3A_634 : vector<1x16xf32> to vector<16xf32>
        %add3A_636 = arith.addf %add3A_598, %get3A_635 : vector<16xf32>
        %slice3A_637 = vector.extract_strided_slice %get3A_220 {offsets = [11], sizes = [1], strides = [1]} : vector<16xi32> to vector<1xi32>
        %squeeze3A_638 = vector.extract %slice3A_637[0] : i32 from vector<1xi32>
        %add3A_639 = arith.constant 11 : i32
        %add3A_640 = arith.addi %mul3A_204, %add3A_639 : i32
        %add3A_641 = arith.constant 0 : i32
        %add3A_642 = arith.addi %squeeze3A_638, %add3A_641 : i32
        %get3A_643 = arith.index_cast %add3A_640 : i32 to index
        %get3A_644 = arith.index_cast %add3A_642 : i32 to index
        %get3A_645 = tpu.vector_load %arg8[%get3A_643, %get3A_644] {strides = array<i32>} : memref<400x128xf32, #tpu.memory_space<vmem>>, vector<1x16xf32>,
        %get3A_646 = vector.shape_cast %get3A_645 : vector<1x16xf32> to vector<16xf32>
        %add3A_647 = arith.addf %add3A_609, %get3A_646 : vector<16xf32>
        %add3A_648 = arith.constant 11 : i32
        %add3A_649 = arith.addi %mul3A_204, %add3A_648 : i32
        %add3A_650 = arith.constant 16 : i32
        %add3A_651 = arith.addi %squeeze3A_638, %add3A_650 : i32
        %get3A_652 = arith.index_cast %add3A_649 : i32 to index
        %get3A_653 = arith.index_cast %add3A_651 : i32 to index
        %get3A_654 = tpu.vector_load %arg8[%get3A_652, %get3A_653] {strides = array<i32>} : memref<400x128xf32, #tpu.memory_space<vmem>>, vector<1x16xf32>,
        %get3A_655 = vector.shape_cast %get3A_654 : vector<1x16xf32> to vector<16xf32>
        %add3A_656 = arith.addf %add3A_618, %get3A_655 : vector<16xf32>
        %add3A_657 = arith.constant 11 : i32
        %add3A_658 = arith.addi %mul3A_204, %add3A_657 : i32
        %add3A_659 = arith.constant 32 : i32
        %add3A_660 = arith.addi %squeeze3A_638, %add3A_659 : i32
        %get3A_661 = arith.index_cast %add3A_658 : i32 to index
        %get3A_662 = arith.index_cast %add3A_660 : i32 to index
        %get3A_663 = tpu.vector_load %arg8[%get3A_661, %get3A_662] {strides = array<i32>} : memref<400x128xf32, #tpu.memory_space<vmem>>, vector<1x16xf32>,
        %get3A_664 = vector.shape_cast %get3A_663 : vector<1x16xf32> to vector<16xf32>
        %add3A_665 = arith.addf %add3A_627, %get3A_664 : vector<16xf32>
        %add3A_666 = arith.constant 11 : i32
        %add3A_667 = arith.addi %mul3A_204, %add3A_666 : i32
        %add3A_668 = arith.constant 48 : i32
        %add3A_669 = arith.addi %squeeze3A_638, %add3A_668 : i32
        %get3A_670 = arith.index_cast %add3A_667 : i32 to index
        %get3A_671 = arith.index_cast %add3A_669 : i32 to index
        %get3A_672 = tpu.vector_load %arg8[%get3A_670, %get3A_671] {strides = array<i32>} : memref<400x128xf32, #tpu.memory_space<vmem>>, vector<1x16xf32>,
        %get3A_673 = vector.shape_cast %get3A_672 : vector<1x16xf32> to vector<16xf32>
        %add3A_674 = arith.addf %add3A_636, %get3A_673 : vector<16xf32>
        %slice3A_675 = vector.extract_strided_slice %get3A_220 {offsets = [12], sizes = [1], strides = [1]} : vector<16xi32> to vector<1xi32>
        %squeeze3A_676 = vector.extract %slice3A_675[0] : i32 from vector<1xi32>
        %add3A_677 = arith.constant 12 : i32
        %add3A_678 = arith.addi %mul3A_204, %add3A_677 : i32
        %add3A_679 = arith.constant 0 : i32
        %add3A_680 = arith.addi %squeeze3A_676, %add3A_679 : i32
        %get3A_681 = arith.index_cast %add3A_678 : i32 to index
        %get3A_682 = arith.index_cast %add3A_680 : i32 to index
        %get3A_683 = tpu.vector_load %arg8[%get3A_681, %get3A_682] {strides = array<i32>} : memref<400x128xf32, #tpu.memory_space<vmem>>, vector<1x16xf32>,
        %get3A_684 = vector.shape_cast %get3A_683 : vector<1x16xf32> to vector<16xf32>
        %add3A_685 = arith.addf %add3A_647, %get3A_684 : vector<16xf32>
        %add3A_686 = arith.constant 12 : i32
        %add3A_687 = arith.addi %mul3A_204, %add3A_686 : i32
        %add3A_688 = arith.constant 16 : i32
        %add3A_689 = arith.addi %squeeze3A_676, %add3A_688 : i32
        %get3A_690 = arith.index_cast %add3A_687 : i32 to index
        %get3A_691 = arith.index_cast %add3A_689 : i32 to index
        %get3A_692 = tpu.vector_load %arg8[%get3A_690, %get3A_691] {strides = array<i32>} : memref<400x128xf32, #tpu.memory_space<vmem>>, vector<1x16xf32>,
        %get3A_693 = vector.shape_cast %get3A_692 : vector<1x16xf32> to vector<16xf32>
        %add3A_694 = arith.addf %add3A_656, %get3A_693 : vector<16xf32>
        %add3A_695 = arith.constant 12 : i32
        %add3A_696 = arith.addi %mul3A_204, %add3A_695 : i32
        %add3A_697 = arith.constant 32 : i32
        %add3A_698 = arith.addi %squeeze3A_676, %add3A_697 : i32
        %get3A_699 = arith.index_cast %add3A_696 : i32 to index
        %get3A_700 = arith.index_cast %add3A_698 : i32 to index
        %get3A_701 = tpu.vector_load %arg8[%get3A_699, %get3A_700] {strides = array<i32>} : memref<400x128xf32, #tpu.memory_space<vmem>>, vector<1x16xf32>,
        %get3A_702 = vector.shape_cast %get3A_701 : vector<1x16xf32> to vector<16xf32>
        %add3A_703 = arith.addf %add3A_665, %get3A_702 : vector<16xf32>
        %add3A_704 = arith.constant 12 : i32
        %add3A_705 = arith.addi %mul3A_204, %add3A_704 : i32
        %add3A_706 = arith.constant 48 : i32
        %add3A_707 = arith.addi %squeeze3A_676, %add3A_706 : i32
        %get3A_708 = arith.index_cast %add3A_705 : i32 to index
        %get3A_709 = arith.index_cast %add3A_707 : i32 to index
        %get3A_710 = tpu.vector_load %arg8[%get3A_708, %get3A_709] {strides = array<i32>} : memref<400x128xf32, #tpu.memory_space<vmem>>, vector<1x16xf32>,
        %get3A_711 = vector.shape_cast %get3A_710 : vector<1x16xf32> to vector<16xf32>
        %add3A_712 = arith.addf %add3A_674, %get3A_711 : vector<16xf32>
        %slice3A_713 = vector.extract_strided_slice %get3A_220 {offsets = [13], sizes = [1], strides = [1]} : vector<16xi32> to vector<1xi32>
        %squeeze3A_714 = vector.extract %slice3A_713[0] : i32 from vector<1xi32>
        %add3A_715 = arith.constant 13 : i32
        %add3A_716 = arith.addi %mul3A_204, %add3A_715 : i32
        %add3A_717 = arith.constant 0 : i32
        %add3A_718 = arith.addi %squeeze3A_714, %add3A_717 : i32
        %get3A_719 = arith.index_cast %add3A_716 : i32 to index
        %get3A_720 = arith.index_cast %add3A_718 : i32 to index
        %get3A_721 = tpu.vector_load %arg8[%get3A_719, %get3A_720] {strides = array<i32>} : memref<400x128xf32, #tpu.memory_space<vmem>>, vector<1x16xf32>,
        %get3A_722 = vector.shape_cast %get3A_721 : vector<1x16xf32> to vector<16xf32>
        %add3A_723 = arith.addf %add3A_685, %get3A_722 : vector<16xf32>
        %add3A_724 = arith.constant 13 : i32
        %add3A_725 = arith.addi %mul3A_204, %add3A_724 : i32
        %add3A_726 = arith.constant 16 : i32
        %add3A_727 = arith.addi %squeeze3A_714, %add3A_726 : i32
        %get3A_728 = arith.index_cast %add3A_725 : i32 to index
        %get3A_729 = arith.index_cast %add3A_727 : i32 to index
        %get3A_730 = tpu.vector_load %arg8[%get3A_728, %get3A_729] {strides = array<i32>} : memref<400x128xf32, #tpu.memory_space<vmem>>, vector<1x16xf32>,
        %get3A_731 = vector.shape_cast %get3A_730 : vector<1x16xf32> to vector<16xf32>
        %add3A_732 = arith.addf %add3A_694, %get3A_731 : vector<16xf32>
        %add3A_733 = arith.constant 13 : i32
        %add3A_734 = arith.addi %mul3A_204, %add3A_733 : i32
        %add3A_735 = arith.constant 32 : i32
        %add3A_736 = arith.addi %squeeze3A_714, %add3A_735 : i32
        %get3A_737 = arith.index_cast %add3A_734 : i32 to index
        %get3A_738 = arith.index_cast %add3A_736 : i32 to index
        %get3A_739 = tpu.vector_load %arg8[%get3A_737, %get3A_738] {strides = array<i32>} : memref<400x128xf32, #tpu.memory_space<vmem>>, vector<1x16xf32>,
        %get3A_740 = vector.shape_cast %get3A_739 : vector<1x16xf32> to vector<16xf32>
        %add3A_741 = arith.addf %add3A_703, %get3A_740 : vector<16xf32>
        %add3A_742 = arith.constant 13 : i32
        %add3A_743 = arith.addi %mul3A_204, %add3A_742 : i32
        %add3A_744 = arith.constant 48 : i32
        %add3A_745 = arith.addi %squeeze3A_714, %add3A_744 : i32
        %get3A_746 = arith.index_cast %add3A_743 : i32 to index
        %get3A_747 = arith.index_cast %add3A_745 : i32 to index
        %get3A_748 = tpu.vector_load %arg8[%get3A_746, %get3A_747] {strides = array<i32>} : memref<400x128xf32, #tpu.memory_space<vmem>>, vector<1x16xf32>,
        %get3A_749 = vector.shape_cast %get3A_748 : vector<1x16xf32> to vector<16xf32>
        %add3A_750 = arith.addf %add3A_712, %get3A_749 : vector<16xf32>
        %slice3A_751 = vector.extract_strided_slice %get3A_220 {offsets = [14], sizes = [1], strides = [1]} : vector<16xi32> to vector<1xi32>
        %squeeze3A_752 = vector.extract %slice3A_751[0] : i32 from vector<1xi32>
        %add3A_753 = arith.constant 14 : i32
        %add3A_754 = arith.addi %mul3A_204, %add3A_753 : i32
        %add3A_755 = arith.constant 0 : i32
        %add3A_756 = arith.addi %squeeze3A_752, %add3A_755 : i32
        %get3A_757 = arith.index_cast %add3A_754 : i32 to index
        %get3A_758 = arith.index_cast %add3A_756 : i32 to index
        %get3A_759 = tpu.vector_load %arg8[%get3A_757, %get3A_758] {strides = array<i32>} : memref<400x128xf32, #tpu.memory_space<vmem>>, vector<1x16xf32>,
        %get3A_760 = vector.shape_cast %get3A_759 : vector<1x16xf32> to vector<16xf32>
        %add3A_761 = arith.addf %add3A_723, %get3A_760 : vector<16xf32>
        %add3A_762 = arith.constant 14 : i32
        %add3A_763 = arith.addi %mul3A_204, %add3A_762 : i32
        %add3A_764 = arith.constant 16 : i32
        %add3A_765 = arith.addi %squeeze3A_752, %add3A_764 : i32
        %get3A_766 = arith.index_cast %add3A_763 : i32 to index
        %get3A_767 = arith.index_cast %add3A_765 : i32 to index
        %get3A_768 = tpu.vector_load %arg8[%get3A_766, %get3A_767] {strides = array<i32>} : memref<400x128xf32, #tpu.memory_space<vmem>>, vector<1x16xf32>,
        %get3A_769 = vector.shape_cast %get3A_768 : vector<1x16xf32> to vector<16xf32>
        %add3A_770 = arith.addf %add3A_732, %get3A_769 : vector<16xf32>
        %add3A_771 = arith.constant 14 : i32
        %add3A_772 = arith.addi %mul3A_204, %add3A_771 : i32
        %add3A_773 = arith.constant 32 : i32
        %add3A_774 = arith.addi %squeeze3A_752, %add3A_773 : i32
        %get3A_775 = arith.index_cast %add3A_772 : i32 to index
        %get3A_776 = arith.index_cast %add3A_774 : i32 to index
        %get3A_777 = tpu.vector_load %arg8[%get3A_775, %get3A_776] {strides = array<i32>} : memref<400x128xf32, #tpu.memory_space<vmem>>, vector<1x16xf32>,
        %get3A_778 = vector.shape_cast %get3A_777 : vector<1x16xf32> to vector<16xf32>
        %add3A_779 = arith.addf %add3A_741, %get3A_778 : vector<16xf32>
        %add3A_780 = arith.constant 14 : i32
        %add3A_781 = arith.addi %mul3A_204, %add3A_780 : i32
        %add3A_782 = arith.constant 48 : i32
        %add3A_783 = arith.addi %squeeze3A_752, %add3A_782 : i32
        %get3A_784 = arith.index_cast %add3A_781 : i32 to index
        %get3A_785 = arith.index_cast %add3A_783 : i32 to index
        %get3A_786 = tpu.vector_load %arg8[%get3A_784, %get3A_785] {strides = array<i32>} : memref<400x128xf32, #tpu.memory_space<vmem>>, vector<1x16xf32>,
        %get3A_787 = vector.shape_cast %get3A_786 : vector<1x16xf32> to vector<16xf32>
        %add3A_788 = arith.addf %add3A_750, %get3A_787 : vector<16xf32>
        %slice3A_789 = vector.extract_strided_slice %get3A_220 {offsets = [15], sizes = [1], strides = [1]} : vector<16xi32> to vector<1xi32>
        %squeeze3A_790 = vector.extract %slice3A_789[0] : i32 from vector<1xi32>
        %add3A_791 = arith.constant 15 : i32
        %add3A_792 = arith.addi %mul3A_204, %add3A_791 : i32
        %add3A_793 = arith.constant 0 : i32
        %add3A_794 = arith.addi %squeeze3A_790, %add3A_793 : i32
        %get3A_795 = arith.index_cast %add3A_792 : i32 to index
        %get3A_796 = arith.index_cast %add3A_794 : i32 to index
        %get3A_797 = tpu.vector_load %arg8[%get3A_795, %get3A_796] {strides = array<i32>} : memref<400x128xf32, #tpu.memory_space<vmem>>, vector<1x16xf32>,
        %get3A_798 = vector.shape_cast %get3A_797 : vector<1x16xf32> to vector<16xf32>
        %add3A_799 = arith.addf %add3A_761, %get3A_798 : vector<16xf32>
        %add3A_800 = arith.constant 15 : i32
        %add3A_801 = arith.addi %mul3A_204, %add3A_800 : i32
        %add3A_802 = arith.constant 16 : i32
        %add3A_803 = arith.addi %squeeze3A_790, %add3A_802 : i32
        %get3A_804 = arith.index_cast %add3A_801 : i32 to index
        %get3A_805 = arith.index_cast %add3A_803 : i32 to index
        %get3A_806 = tpu.vector_load %arg8[%get3A_804, %get3A_805] {strides = array<i32>} : memref<400x128xf32, #tpu.memory_space<vmem>>, vector<1x16xf32>,
        %get3A_807 = vector.shape_cast %get3A_806 : vector<1x16xf32> to vector<16xf32>
        %add3A_808 = arith.addf %add3A_770, %get3A_807 : vector<16xf32>
        %add3A_809 = arith.constant 15 : i32
        %add3A_810 = arith.addi %mul3A_204, %add3A_809 : i32
        %add3A_811 = arith.constant 32 : i32
        %add3A_812 = arith.addi %squeeze3A_790, %add3A_811 : i32
        %get3A_813 = arith.index_cast %add3A_810 : i32 to index
        %get3A_814 = arith.index_cast %add3A_812 : i32 to index
        %get3A_815 = tpu.vector_load %arg8[%get3A_813, %get3A_814] {strides = array<i32>} : memref<400x128xf32, #tpu.memory_space<vmem>>, vector<1x16xf32>,
        %get3A_816 = vector.shape_cast %get3A_815 : vector<1x16xf32> to vector<16xf32>
        %add3A_817 = arith.addf %add3A_779, %get3A_816 : vector<16xf32>
        %add3A_818 = arith.constant 15 : i32
        %add3A_819 = arith.addi %mul3A_204, %add3A_818 : i32
        %add3A_820 = arith.constant 48 : i32
        %add3A_821 = arith.addi %squeeze3A_790, %add3A_820 : i32
        %get3A_822 = arith.index_cast %add3A_819 : i32 to index
        %get3A_823 = arith.index_cast %add3A_821 : i32 to index
        %get3A_824 = tpu.vector_load %arg8[%get3A_822, %get3A_823] {strides = array<i32>} : memref<400x128xf32, #tpu.memory_space<vmem>>, vector<1x16xf32>,
        %get3A_825 = vector.shape_cast %get3A_824 : vector<1x16xf32> to vector<16xf32>
        %add3A_826 = arith.addf %add3A_788, %get3A_825 : vector<16xf32>
        %mul3A_827 = arith.constant 64 : i32
        %mul3A_828 = arith.muli %add3A_207, %mul3A_827 : i32
        %add3A_829 = arith.constant 16 : i32
        %add3A_830 = arith.addi %mul3A_828, %add3A_829 : i32
        %get3A_831 = arith.index_cast %add3A_830 : i32 to index
        %get3A_832 = tpu.vector_load %arg7[%get3A_831] {strides = array<i32>} : memref<8192xi32, #tpu.memory_space<vmem>>, vector<16xi32>,
        %get3A_833 = vector.shape_cast %get3A_832 : vector<16xi32> to vector<16xi32>
        %slice3A_834 = vector.extract_strided_slice %get3A_833 {offsets = [0], sizes = [1], strides = [1]} : vector<16xi32> to vector<1xi32>
        %squeeze3A_835 = vector.extract %slice3A_834[0] : i32 from vector<1xi32>
        %add3A_836 = arith.constant 16 : i32
        %add3A_837 = arith.addi %mul3A_204, %add3A_836 : i32
        %add3A_838 = arith.constant 0 : i32
        %add3A_839 = arith.addi %squeeze3A_835, %add3A_838 : i32
        %get3A_840 = arith.index_cast %add3A_837 : i32 to index
        %get3A_841 = arith.index_cast %add3A_839 : i32 to index
        %get3A_842 = tpu.vector_load %arg8[%get3A_840, %get3A_841] {strides = array<i32>} : memref<400x128xf32, #tpu.memory_space<vmem>>, vector<1x16xf32>,
        %get3A_843 = vector.shape_cast %get3A_842 : vector<1x16xf32> to vector<16xf32>
        %add3A_844 = arith.addf %add3A_799, %get3A_843 : vector<16xf32>
        %add3A_845 = arith.constant 16 : i32
        %add3A_846 = arith.addi %mul3A_204, %add3A_845 : i32
        %add3A_847 = arith.constant 16 : i32
        %add3A_848 = arith.addi %squeeze3A_835, %add3A_847 : i32
        %get3A_849 = arith.index_cast %add3A_846 : i32 to index
        %get3A_850 = arith.index_cast %add3A_848 : i32 to index
        %get3A_851 = tpu.vector_load %arg8[%get3A_849, %get3A_850] {strides = array<i32>} : memref<400x128xf32, #tpu.memory_space<vmem>>, vector<1x16xf32>,
        %get3A_852 = vector.shape_cast %get3A_851 : vector<1x16xf32> to vector<16xf32>
        %add3A_853 = arith.addf %add3A_808, %get3A_852 : vector<16xf32>
        %add3A_854 = arith.constant 16 : i32
        %add3A_855 = arith.addi %mul3A_204, %add3A_854 : i32
        %add3A_856 = arith.constant 32 : i32
        %add3A_857 = arith.addi %squeeze3A_835, %add3A_856 : i32
        %get3A_858 = arith.index_cast %add3A_855 : i32 to index
        %get3A_859 = arith.index_cast %add3A_857 : i32 to index
        %get3A_860 = tpu.vector_load %arg8[%get3A_858, %get3A_859] {strides = array<i32>} : memref<400x128xf32, #tpu.memory_space<vmem>>, vector<1x16xf32>,
        %get3A_861 = vector.shape_cast %get3A_860 : vector<1x16xf32> to vector<16xf32>
        %add3A_862 = arith.addf %add3A_817, %get3A_861 : vector<16xf32>
        %add3A_863 = arith.constant 16 : i32
        %add3A_864 = arith.addi %mul3A_204, %add3A_863 : i32
        %add3A_865 = arith.constant 48 : i32
        %add3A_866 = arith.addi %squeeze3A_835, %add3A_865 : i32
        %get3A_867 = arith.index_cast %add3A_864 : i32 to index
        %get3A_868 = arith.index_cast %add3A_866 : i32 to index
        %get3A_869 = tpu.vector_load %arg8[%get3A_867, %get3A_868] {strides = array<i32>} : memref<400x128xf32, #tpu.memory_space<vmem>>, vector<1x16xf32>,
        %get3A_870 = vector.shape_cast %get3A_869 : vector<1x16xf32> to vector<16xf32>
        %add3A_871 = arith.addf %add3A_826, %get3A_870 : vector<16xf32>
        %slice3A_872 = vector.extract_strided_slice %get3A_833 {offsets = [1], sizes = [1], strides = [1]} : vector<16xi32> to vector<1xi32>
        %squeeze3A_873 = vector.extract %slice3A_872[0] : i32 from vector<1xi32>
        %add3A_874 = arith.constant 17 : i32
        %add3A_875 = arith.addi %mul3A_204, %add3A_874 : i32
        %add3A_876 = arith.constant 0 : i32
        %add3A_877 = arith.addi %squeeze3A_873, %add3A_876 : i32
        %get3A_878 = arith.index_cast %add3A_875 : i32 to index
        %get3A_879 = arith.index_cast %add3A_877 : i32 to index
        %get3A_880 = tpu.vector_load %arg8[%get3A_878, %get3A_879] {strides = array<i32>} : memref<400x128xf32, #tpu.memory_space<vmem>>, vector<1x16xf32>,
        %get3A_881 = vector.shape_cast %get3A_880 : vector<1x16xf32> to vector<16xf32>
        %add3A_882 = arith.addf %add3A_844, %get3A_881 : vector<16xf32>
        %add3A_883 = arith.constant 17 : i32
        %add3A_884 = arith.addi %mul3A_204, %add3A_883 : i32
        %add3A_885 = arith.constant 16 : i32
        %add3A_886 = arith.addi %squeeze3A_873, %add3A_885 : i32
        %get3A_887 = arith.index_cast %add3A_884 : i32 to index
        %get3A_888 = arith.index_cast %add3A_886 : i32 to index
        %get3A_889 = tpu.vector_load %arg8[%get3A_887, %get3A_888] {strides = array<i32>} : memref<400x128xf32, #tpu.memory_space<vmem>>, vector<1x16xf32>,
        %get3A_890 = vector.shape_cast %get3A_889 : vector<1x16xf32> to vector<16xf32>
        %add3A_891 = arith.addf %add3A_853, %get3A_890 : vector<16xf32>
        %add3A_892 = arith.constant 17 : i32
        %add3A_893 = arith.addi %mul3A_204, %add3A_892 : i32
        %add3A_894 = arith.constant 32 : i32
        %add3A_895 = arith.addi %squeeze3A_873, %add3A_894 : i32
        %get3A_896 = arith.index_cast %add3A_893 : i32 to index
        %get3A_897 = arith.index_cast %add3A_895 : i32 to index
        %get3A_898 = tpu.vector_load %arg8[%get3A_896, %get3A_897] {strides = array<i32>} : memref<400x128xf32, #tpu.memory_space<vmem>>, vector<1x16xf32>,
        %get3A_899 = vector.shape_cast %get3A_898 : vector<1x16xf32> to vector<16xf32>
        %add3A_900 = arith.addf %add3A_862, %get3A_899 : vector<16xf32>
        %add3A_901 = arith.constant 17 : i32
        %add3A_902 = arith.addi %mul3A_204, %add3A_901 : i32
        %add3A_903 = arith.constant 48 : i32
        %add3A_904 = arith.addi %squeeze3A_873, %add3A_903 : i32
        %get3A_905 = arith.index_cast %add3A_902 : i32 to index
        %get3A_906 = arith.index_cast %add3A_904 : i32 to index
        %get3A_907 = tpu.vector_load %arg8[%get3A_905, %get3A_906] {strides = array<i32>} : memref<400x128xf32, #tpu.memory_space<vmem>>, vector<1x16xf32>,
        %get3A_908 = vector.shape_cast %get3A_907 : vector<1x16xf32> to vector<16xf32>
        %add3A_909 = arith.addf %add3A_871, %get3A_908 : vector<16xf32>
        %slice3A_910 = vector.extract_strided_slice %get3A_833 {offsets = [2], sizes = [1], strides = [1]} : vector<16xi32> to vector<1xi32>
        %squeeze3A_911 = vector.extract %slice3A_910[0] : i32 from vector<1xi32>
        %add3A_912 = arith.constant 18 : i32
        %add3A_913 = arith.addi %mul3A_204, %add3A_912 : i32
        %add3A_914 = arith.constant 0 : i32
        %add3A_915 = arith.addi %squeeze3A_911, %add3A_914 : i32
        %get3A_916 = arith.index_cast %add3A_913 : i32 to index
        %get3A_917 = arith.index_cast %add3A_915 : i32 to index
        %get3A_918 = tpu.vector_load %arg8[%get3A_916, %get3A_917] {strides = array<i32>} : memref<400x128xf32, #tpu.memory_space<vmem>>, vector<1x16xf32>,
        %get3A_919 = vector.shape_cast %get3A_918 : vector<1x16xf32> to vector<16xf32>
        %add3A_920 = arith.addf %add3A_882, %get3A_919 : vector<16xf32>
        %add3A_921 = arith.constant 18 : i32
        %add3A_922 = arith.addi %mul3A_204, %add3A_921 : i32
        %add3A_923 = arith.constant 16 : i32
        %add3A_924 = arith.addi %squeeze3A_911, %add3A_923 : i32
        %get3A_925 = arith.index_cast %add3A_922 : i32 to index
        %get3A_926 = arith.index_cast %add3A_924 : i32 to index
        %get3A_927 = tpu.vector_load %arg8[%get3A_925, %get3A_926] {strides = array<i32>} : memref<400x128xf32, #tpu.memory_space<vmem>>, vector<1x16xf32>,
        %get3A_928 = vector.shape_cast %get3A_927 : vector<1x16xf32> to vector<16xf32>
        %add3A_929 = arith.addf %add3A_891, %get3A_928 : vector<16xf32>
        %add3A_930 = arith.constant 18 : i32
        %add3A_931 = arith.addi %mul3A_204, %add3A_930 : i32
        %add3A_932 = arith.constant 32 : i32
        %add3A_933 = arith.addi %squeeze3A_911, %add3A_932 : i32
        %get3A_934 = arith.index_cast %add3A_931 : i32 to index
        %get3A_935 = arith.index_cast %add3A_933 : i32 to index
        %get3A_936 = tpu.vector_load %arg8[%get3A_934, %get3A_935] {strides = array<i32>} : memref<400x128xf32, #tpu.memory_space<vmem>>, vector<1x16xf32>,
        %get3A_937 = vector.shape_cast %get3A_936 : vector<1x16xf32> to vector<16xf32>
        %add3A_938 = arith.addf %add3A_900, %get3A_937 : vector<16xf32>
        %add3A_939 = arith.constant 18 : i32
        %add3A_940 = arith.addi %mul3A_204, %add3A_939 : i32
        %add3A_941 = arith.constant 48 : i32
        %add3A_942 = arith.addi %squeeze3A_911, %add3A_941 : i32
        %get3A_943 = arith.index_cast %add3A_940 : i32 to index
        %get3A_944 = arith.index_cast %add3A_942 : i32 to index
        %get3A_945 = tpu.vector_load %arg8[%get3A_943, %get3A_944] {strides = array<i32>} : memref<400x128xf32, #tpu.memory_space<vmem>>, vector<1x16xf32>,
        %get3A_946 = vector.shape_cast %get3A_945 : vector<1x16xf32> to vector<16xf32>
        %add3A_947 = arith.addf %add3A_909, %get3A_946 : vector<16xf32>
        %slice3A_948 = vector.extract_strided_slice %get3A_833 {offsets = [3], sizes = [1], strides = [1]} : vector<16xi32> to vector<1xi32>
        %squeeze3A_949 = vector.extract %slice3A_948[0] : i32 from vector<1xi32>
        %add3A_950 = arith.constant 19 : i32
        %add3A_951 = arith.addi %mul3A_204, %add3A_950 : i32
        %add3A_952 = arith.constant 0 : i32
        %add3A_953 = arith.addi %squeeze3A_949, %add3A_952 : i32
        %get3A_954 = arith.index_cast %add3A_951 : i32 to index
        %get3A_955 = arith.index_cast %add3A_953 : i32 to index
        %get3A_956 = tpu.vector_load %arg8[%get3A_954, %get3A_955] {strides = array<i32>} : memref<400x128xf32, #tpu.memory_space<vmem>>, vector<1x16xf32>,
        %get3A_957 = vector.shape_cast %get3A_956 : vector<1x16xf32> to vector<16xf32>
        %add3A_958 = arith.addf %add3A_920, %get3A_957 : vector<16xf32>
        %add3A_959 = arith.constant 19 : i32
        %add3A_960 = arith.addi %mul3A_204, %add3A_959 : i32
        %add3A_961 = arith.constant 16 : i32
        %add3A_962 = arith.addi %squeeze3A_949, %add3A_961 : i32
        %get3A_963 = arith.index_cast %add3A_960 : i32 to index
        %get3A_964 = arith.index_cast %add3A_962 : i32 to index
        %get3A_965 = tpu.vector_load %arg8[%get3A_963, %get3A_964] {strides = array<i32>} : memref<400x128xf32, #tpu.memory_space<vmem>>, vector<1x16xf32>,
        %get3A_966 = vector.shape_cast %get3A_965 : vector<1x16xf32> to vector<16xf32>
        %add3A_967 = arith.addf %add3A_929, %get3A_966 : vector<16xf32>
        %add3A_968 = arith.constant 19 : i32
        %add3A_969 = arith.addi %mul3A_204, %add3A_968 : i32
        %add3A_970 = arith.constant 32 : i32
        %add3A_971 = arith.addi %squeeze3A_949, %add3A_970 : i32
        %get3A_972 = arith.index_cast %add3A_969 : i32 to index
        %get3A_973 = arith.index_cast %add3A_971 : i32 to index
        %get3A_974 = tpu.vector_load %arg8[%get3A_972, %get3A_973] {strides = array<i32>} : memref<400x128xf32, #tpu.memory_space<vmem>>, vector<1x16xf32>,
        %get3A_975 = vector.shape_cast %get3A_974 : vector<1x16xf32> to vector<16xf32>
        %add3A_976 = arith.addf %add3A_938, %get3A_975 : vector<16xf32>
        %add3A_977 = arith.constant 19 : i32
        %add3A_978 = arith.addi %mul3A_204, %add3A_977 : i32
        %add3A_979 = arith.constant 48 : i32
        %add3A_980 = arith.addi %squeeze3A_949, %add3A_979 : i32
        %get3A_981 = arith.index_cast %add3A_978 : i32 to index
        %get3A_982 = arith.index_cast %add3A_980 : i32 to index
        %get3A_983 = tpu.vector_load %arg8[%get3A_981, %get3A_982] {strides = array<i32>} : memref<400x128xf32, #tpu.memory_space<vmem>>, vector<1x16xf32>,
        %get3A_984 = vector.shape_cast %get3A_983 : vector<1x16xf32> to vector<16xf32>
        %add3A_985 = arith.addf %add3A_947, %get3A_984 : vector<16xf32>
        %slice3A_986 = vector.extract_strided_slice %get3A_833 {offsets = [4], sizes = [1], strides = [1]} : vector<16xi32> to vector<1xi32>
        %squeeze3A_987 = vector.extract %slice3A_986[0] : i32 from vector<1xi32>
        %add3A_988 = arith.constant 20 : i32
        %add3A_989 = arith.addi %mul3A_204, %add3A_988 : i32
        %add3A_990 = arith.constant 0 : i32
        %add3A_991 = arith.addi %squeeze3A_987, %add3A_990 : i32
        %get3A_992 = arith.index_cast %add3A_989 : i32 to index
        %get3A_993 = arith.index_cast %add3A_991 : i32 to index
        %get3A_994 = tpu.vector_load %arg8[%get3A_992, %get3A_993] {strides = array<i32>} : memref<400x128xf32, #tpu.memory_space<vmem>>, vector<1x16xf32>,
        %get3A_995 = vector.shape_cast %get3A_994 : vector<1x16xf32> to vector<16xf32>
        %add3A_996 = arith.addf %add3A_958, %get3A_995 : vector<16xf32>
        %add3A_997 = arith.constant 20 : i32
        %add3A_998 = arith.addi %mul3A_204, %add3A_997 : i32
        %add3A_999 = arith.constant 16 : i32
        %add3A_1000 = arith.addi %squeeze3A_987, %add3A_999 : i32
        %get3A_1001 = arith.index_cast %add3A_998 : i32 to index
        %get3A_1002 = arith.index_cast %add3A_1000 : i32 to index
        %get3A_1003 = tpu.vector_load %arg8[%get3A_1001, %get3A_1002] {strides = array<i32>} : memref<400x128xf32, #tpu.memory_space<vmem>>, vector<1x16xf32>,
        %get3A_1004 = vector.shape_cast %get3A_1003 : vector<1x16xf32> to vector<16xf32>
        %add3A_1005 = arith.addf %add3A_967, %get3A_1004 : vector<16xf32>
        %add3A_1006 = arith.constant 20 : i32
        %add3A_1007 = arith.addi %mul3A_204, %add3A_1006 : i32
        %add3A_1008 = arith.constant 32 : i32
        %add3A_1009 = arith.addi %squeeze3A_987, %add3A_1008 : i32
        %get3A_1010 = arith.index_cast %add3A_1007 : i32 to index
        %get3A_1011 = arith.index_cast %add3A_1009 : i32 to index
        %get3A_1012 = tpu.vector_load %arg8[%get3A_1010, %get3A_1011] {strides = array<i32>} : memref<400x128xf32, #tpu.memory_space<vmem>>, vector<1x16xf32>,
        %get3A_1013 = vector.shape_cast %get3A_1012 : vector<1x16xf32> to vector<16xf32>
        %add3A_1014 = arith.addf %add3A_976, %get3A_1013 : vector<16xf32>
        %add3A_1015 = arith.constant 20 : i32
        %add3A_1016 = arith.addi %mul3A_204, %add3A_1015 : i32
        %add3A_1017 = arith.constant 48 : i32
        %add3A_1018 = arith.addi %squeeze3A_987, %add3A_1017 : i32
        %get3A_1019 = arith.index_cast %add3A_1016 : i32 to index
        %get3A_1020 = arith.index_cast %add3A_1018 : i32 to index
        %get3A_1021 = tpu.vector_load %arg8[%get3A_1019, %get3A_1020] {strides = array<i32>} : memref<400x128xf32, #tpu.memory_space<vmem>>, vector<1x16xf32>,
        %get3A_1022 = vector.shape_cast %get3A_1021 : vector<1x16xf32> to vector<16xf32>
        %add3A_1023 = arith.addf %add3A_985, %get3A_1022 : vector<16xf32>
        %slice3A_1024 = vector.extract_strided_slice %get3A_833 {offsets = [5], sizes = [1], strides = [1]} : vector<16xi32> to vector<1xi32>
        %squeeze3A_1025 = vector.extract %slice3A_1024[0] : i32 from vector<1xi32>
        %add3A_1026 = arith.constant 21 : i32
        %add3A_1027 = arith.addi %mul3A_204, %add3A_1026 : i32
        %add3A_1028 = arith.constant 0 : i32
        %add3A_1029 = arith.addi %squeeze3A_1025, %add3A_1028 : i32
        %get3A_1030 = arith.index_cast %add3A_1027 : i32 to index
        %get3A_1031 = arith.index_cast %add3A_1029 : i32 to index
        %get3A_1032 = tpu.vector_load %arg8[%get3A_1030, %get3A_1031] {strides = array<i32>} : memref<400x128xf32, #tpu.memory_space<vmem>>, vector<1x16xf32>,
        %get3A_1033 = vector.shape_cast %get3A_1032 : vector<1x16xf32> to vector<16xf32>
        %add3A_1034 = arith.addf %add3A_996, %get3A_1033 : vector<16xf32>
        %add3A_1035 = arith.constant 21 : i32
        %add3A_1036 = arith.addi %mul3A_204, %add3A_1035 : i32
        %add3A_1037 = arith.constant 16 : i32
        %add3A_1038 = arith.addi %squeeze3A_1025, %add3A_1037 : i32
        %get3A_1039 = arith.index_cast %add3A_1036 : i32 to index
        %get3A_1040 = arith.index_cast %add3A_1038 : i32 to index
        %get3A_1041 = tpu.vector_load %arg8[%get3A_1039, %get3A_1040] {strides = array<i32>} : memref<400x128xf32, #tpu.memory_space<vmem>>, vector<1x16xf32>,
        %get3A_1042 = vector.shape_cast %get3A_1041 : vector<1x16xf32> to vector<16xf32>
        %add3A_1043 = arith.addf %add3A_1005, %get3A_1042 : vector<16xf32>
        %add3A_1044 = arith.constant 21 : i32
        %add3A_1045 = arith.addi %mul3A_204, %add3A_1044 : i32
        %add3A_1046 = arith.constant 32 : i32
        %add3A_1047 = arith.addi %squeeze3A_1025, %add3A_1046 : i32
        %get3A_1048 = arith.index_cast %add3A_1045 : i32 to index
        %get3A_1049 = arith.index_cast %add3A_1047 : i32 to index
        %get3A_1050 = tpu.vector_load %arg8[%get3A_1048, %get3A_1049] {strides = array<i32>} : memref<400x128xf32, #tpu.memory_space<vmem>>, vector<1x16xf32>,
        %get3A_1051 = vector.shape_cast %get3A_1050 : vector<1x16xf32> to vector<16xf32>
        %add3A_1052 = arith.addf %add3A_1014, %get3A_1051 : vector<16xf32>
        %add3A_1053 = arith.constant 21 : i32
        %add3A_1054 = arith.addi %mul3A_204, %add3A_1053 : i32
        %add3A_1055 = arith.constant 48 : i32
        %add3A_1056 = arith.addi %squeeze3A_1025, %add3A_1055 : i32
        %get3A_1057 = arith.index_cast %add3A_1054 : i32 to index
        %get3A_1058 = arith.index_cast %add3A_1056 : i32 to index
        %get3A_1059 = tpu.vector_load %arg8[%get3A_1057, %get3A_1058] {strides = array<i32>} : memref<400x128xf32, #tpu.memory_space<vmem>>, vector<1x16xf32>,
        %get3A_1060 = vector.shape_cast %get3A_1059 : vector<1x16xf32> to vector<16xf32>
        %add3A_1061 = arith.addf %add3A_1023, %get3A_1060 : vector<16xf32>
        %slice3A_1062 = vector.extract_strided_slice %get3A_833 {offsets = [6], sizes = [1], strides = [1]} : vector<16xi32> to vector<1xi32>
        %squeeze3A_1063 = vector.extract %slice3A_1062[0] : i32 from vector<1xi32>
        %add3A_1064 = arith.constant 22 : i32
        %add3A_1065 = arith.addi %mul3A_204, %add3A_1064 : i32
        %add3A_1066 = arith.constant 0 : i32
        %add3A_1067 = arith.addi %squeeze3A_1063, %add3A_1066 : i32
        %get3A_1068 = arith.index_cast %add3A_1065 : i32 to index
        %get3A_1069 = arith.index_cast %add3A_1067 : i32 to index
        %get3A_1070 = tpu.vector_load %arg8[%get3A_1068, %get3A_1069] {strides = array<i32>} : memref<400x128xf32, #tpu.memory_space<vmem>>, vector<1x16xf32>,
        %get3A_1071 = vector.shape_cast %get3A_1070 : vector<1x16xf32> to vector<16xf32>
        %add3A_1072 = arith.addf %add3A_1034, %get3A_1071 : vector<16xf32>
        %add3A_1073 = arith.constant 22 : i32
        %add3A_1074 = arith.addi %mul3A_204, %add3A_1073 : i32
        %add3A_1075 = arith.constant 16 : i32
        %add3A_1076 = arith.addi %squeeze3A_1063, %add3A_1075 : i32
        %get3A_1077 = arith.index_cast %add3A_1074 : i32 to index
        %get3A_1078 = arith.index_cast %add3A_1076 : i32 to index
        %get3A_1079 = tpu.vector_load %arg8[%get3A_1077, %get3A_1078] {strides = array<i32>} : memref<400x128xf32, #tpu.memory_space<vmem>>, vector<1x16xf32>,
        %get3A_1080 = vector.shape_cast %get3A_1079 : vector<1x16xf32> to vector<16xf32>
        %add3A_1081 = arith.addf %add3A_1043, %get3A_1080 : vector<16xf32>
        %add3A_1082 = arith.constant 22 : i32
        %add3A_1083 = arith.addi %mul3A_204, %add3A_1082 : i32
        %add3A_1084 = arith.constant 32 : i32
        %add3A_1085 = arith.addi %squeeze3A_1063, %add3A_1084 : i32
        %get3A_1086 = arith.index_cast %add3A_1083 : i32 to index
        %get3A_1087 = arith.index_cast %add3A_1085 : i32 to index
        %get3A_1088 = tpu.vector_load %arg8[%get3A_1086, %get3A_1087] {strides = array<i32>} : memref<400x128xf32, #tpu.memory_space<vmem>>, vector<1x16xf32>,
        %get3A_1089 = vector.shape_cast %get3A_1088 : vector<1x16xf32> to vector<16xf32>
        %add3A_1090 = arith.addf %add3A_1052, %get3A_1089 : vector<16xf32>
        %add3A_1091 = arith.constant 22 : i32
        %add3A_1092 = arith.addi %mul3A_204, %add3A_1091 : i32
        %add3A_1093 = arith.constant 48 : i32
        %add3A_1094 = arith.addi %squeeze3A_1063, %add3A_1093 : i32
        %get3A_1095 = arith.index_cast %add3A_1092 : i32 to index
        %get3A_1096 = arith.index_cast %add3A_1094 : i32 to index
        %get3A_1097 = tpu.vector_load %arg8[%get3A_1095, %get3A_1096] {strides = array<i32>} : memref<400x128xf32, #tpu.memory_space<vmem>>, vector<1x16xf32>,
        %get3A_1098 = vector.shape_cast %get3A_1097 : vector<1x16xf32> to vector<16xf32>
        %add3A_1099 = arith.addf %add3A_1061, %get3A_1098 : vector<16xf32>
        %slice3A_1100 = vector.extract_strided_slice %get3A_833 {offsets = [7], sizes = [1], strides = [1]} : vector<16xi32> to vector<1xi32>
        %squeeze3A_1101 = vector.extract %slice3A_1100[0] : i32 from vector<1xi32>
        %add3A_1102 = arith.constant 23 : i32
        %add3A_1103 = arith.addi %mul3A_204, %add3A_1102 : i32
        %add3A_1104 = arith.constant 0 : i32
        %add3A_1105 = arith.addi %squeeze3A_1101, %add3A_1104 : i32
        %get3A_1106 = arith.index_cast %add3A_1103 : i32 to index
        %get3A_1107 = arith.index_cast %add3A_1105 : i32 to index
        %get3A_1108 = tpu.vector_load %arg8[%get3A_1106, %get3A_1107] {strides = array<i32>} : memref<400x128xf32, #tpu.memory_space<vmem>>, vector<1x16xf32>,
        %get3A_1109 = vector.shape_cast %get3A_1108 : vector<1x16xf32> to vector<16xf32>
        %add3A_1110 = arith.addf %add3A_1072, %get3A_1109 : vector<16xf32>
        %add3A_1111 = arith.constant 23 : i32
        %add3A_1112 = arith.addi %mul3A_204, %add3A_1111 : i32
        %add3A_1113 = arith.constant 16 : i32
        %add3A_1114 = arith.addi %squeeze3A_1101, %add3A_1113 : i32
        %get3A_1115 = arith.index_cast %add3A_1112 : i32 to index
        %get3A_1116 = arith.index_cast %add3A_1114 : i32 to index
        %get3A_1117 = tpu.vector_load %arg8[%get3A_1115, %get3A_1116] {strides = array<i32>} : memref<400x128xf32, #tpu.memory_space<vmem>>, vector<1x16xf32>,
        %get3A_1118 = vector.shape_cast %get3A_1117 : vector<1x16xf32> to vector<16xf32>
        %add3A_1119 = arith.addf %add3A_1081, %get3A_1118 : vector<16xf32>
        %add3A_1120 = arith.constant 23 : i32
        %add3A_1121 = arith.addi %mul3A_204, %add3A_1120 : i32
        %add3A_1122 = arith.constant 32 : i32
        %add3A_1123 = arith.addi %squeeze3A_1101, %add3A_1122 : i32
        %get3A_1124 = arith.index_cast %add3A_1121 : i32 to index
        %get3A_1125 = arith.index_cast %add3A_1123 : i32 to index
        %get3A_1126 = tpu.vector_load %arg8[%get3A_1124, %get3A_1125] {strides = array<i32>} : memref<400x128xf32, #tpu.memory_space<vmem>>, vector<1x16xf32>,
        %get3A_1127 = vector.shape_cast %get3A_1126 : vector<1x16xf32> to vector<16xf32>
        %add3A_1128 = arith.addf %add3A_1090, %get3A_1127 : vector<16xf32>
        %add3A_1129 = arith.constant 23 : i32
        %add3A_1130 = arith.addi %mul3A_204, %add3A_1129 : i32
        %add3A_1131 = arith.constant 48 : i32
        %add3A_1132 = arith.addi %squeeze3A_1101, %add3A_1131 : i32
        %get3A_1133 = arith.index_cast %add3A_1130 : i32 to index
        %get3A_1134 = arith.index_cast %add3A_1132 : i32 to index
        %get3A_1135 = tpu.vector_load %arg8[%get3A_1133, %get3A_1134] {strides = array<i32>} : memref<400x128xf32, #tpu.memory_space<vmem>>, vector<1x16xf32>,
        %get3A_1136 = vector.shape_cast %get3A_1135 : vector<1x16xf32> to vector<16xf32>
        %add3A_1137 = arith.addf %add3A_1099, %get3A_1136 : vector<16xf32>
        %slice3A_1138 = vector.extract_strided_slice %get3A_833 {offsets = [8], sizes = [1], strides = [1]} : vector<16xi32> to vector<1xi32>
        %squeeze3A_1139 = vector.extract %slice3A_1138[0] : i32 from vector<1xi32>
        %add3A_1140 = arith.constant 24 : i32
        %add3A_1141 = arith.addi %mul3A_204, %add3A_1140 : i32
        %add3A_1142 = arith.constant 0 : i32
        %add3A_1143 = arith.addi %squeeze3A_1139, %add3A_1142 : i32
        %get3A_1144 = arith.index_cast %add3A_1141 : i32 to index
        %get3A_1145 = arith.index_cast %add3A_1143 : i32 to index
        %get3A_1146 = tpu.vector_load %arg8[%get3A_1144, %get3A_1145] {strides = array<i32>} : memref<400x128xf32, #tpu.memory_space<vmem>>, vector<1x16xf32>,
        %get3A_1147 = vector.shape_cast %get3A_1146 : vector<1x16xf32> to vector<16xf32>
        %add3A_1148 = arith.addf %add3A_1110, %get3A_1147 : vector<16xf32>
        %add3A_1149 = arith.constant 24 : i32
        %add3A_1150 = arith.addi %mul3A_204, %add3A_1149 : i32
        %add3A_1151 = arith.constant 16 : i32
        %add3A_1152 = arith.addi %squeeze3A_1139, %add3A_1151 : i32
        %get3A_1153 = arith.index_cast %add3A_1150 : i32 to index
        %get3A_1154 = arith.index_cast %add3A_1152 : i32 to index
        %get3A_1155 = tpu.vector_load %arg8[%get3A_1153, %get3A_1154] {strides = array<i32>} : memref<400x128xf32, #tpu.memory_space<vmem>>, vector<1x16xf32>,
        %get3A_1156 = vector.shape_cast %get3A_1155 : vector<1x16xf32> to vector<16xf32>
        %add3A_1157 = arith.addf %add3A_1119, %get3A_1156 : vector<16xf32>
        %add3A_1158 = arith.constant 24 : i32
        %add3A_1159 = arith.addi %mul3A_204, %add3A_1158 : i32
        %add3A_1160 = arith.constant 32 : i32
        %add3A_1161 = arith.addi %squeeze3A_1139, %add3A_1160 : i32
        %get3A_1162 = arith.index_cast %add3A_1159 : i32 to index
        %get3A_1163 = arith.index_cast %add3A_1161 : i32 to index
        %get3A_1164 = tpu.vector_load %arg8[%get3A_1162, %get3A_1163] {strides = array<i32>} : memref<400x128xf32, #tpu.memory_space<vmem>>, vector<1x16xf32>,
        %get3A_1165 = vector.shape_cast %get3A_1164 : vector<1x16xf32> to vector<16xf32>
        %add3A_1166 = arith.addf %add3A_1128, %get3A_1165 : vector<16xf32>
        %add3A_1167 = arith.constant 24 : i32
        %add3A_1168 = arith.addi %mul3A_204, %add3A_1167 : i32
        %add3A_1169 = arith.constant 48 : i32
        %add3A_1170 = arith.addi %squeeze3A_1139, %add3A_1169 : i32
        %get3A_1171 = arith.index_cast %add3A_1168 : i32 to index
        %get3A_1172 = arith.index_cast %add3A_1170 : i32 to index
        %get3A_1173 = tpu.vector_load %arg8[%get3A_1171, %get3A_1172] {strides = array<i32>} : memref<400x128xf32, #tpu.memory_space<vmem>>, vector<1x16xf32>,
        %get3A_1174 = vector.shape_cast %get3A_1173 : vector<1x16xf32> to vector<16xf32>
        %add3A_1175 = arith.addf %add3A_1137, %get3A_1174 : vector<16xf32>
        %slice3A_1176 = vector.extract_strided_slice %get3A_833 {offsets = [9], sizes = [1], strides = [1]} : vector<16xi32> to vector<1xi32>
        %squeeze3A_1177 = vector.extract %slice3A_1176[0] : i32 from vector<1xi32>
        %add3A_1178 = arith.constant 25 : i32
        %add3A_1179 = arith.addi %mul3A_204, %add3A_1178 : i32
        %add3A_1180 = arith.constant 0 : i32
        %add3A_1181 = arith.addi %squeeze3A_1177, %add3A_1180 : i32
        %get3A_1182 = arith.index_cast %add3A_1179 : i32 to index
        %get3A_1183 = arith.index_cast %add3A_1181 : i32 to index
        %get3A_1184 = tpu.vector_load %arg8[%get3A_1182, %get3A_1183] {strides = array<i32>} : memref<400x128xf32, #tpu.memory_space<vmem>>, vector<1x16xf32>,
        %get3A_1185 = vector.shape_cast %get3A_1184 : vector<1x16xf32> to vector<16xf32>
        %add3A_1186 = arith.addf %add3A_1148, %get3A_1185 : vector<16xf32>
        %add3A_1187 = arith.constant 25 : i32
        %add3A_1188 = arith.addi %mul3A_204, %add3A_1187 : i32
        %add3A_1189 = arith.constant 16 : i32
        %add3A_1190 = arith.addi %squeeze3A_1177, %add3A_1189 : i32
        %get3A_1191 = arith.index_cast %add3A_1188 : i32 to index
        %get3A_1192 = arith.index_cast %add3A_1190 : i32 to index
        %get3A_1193 = tpu.vector_load %arg8[%get3A_1191, %get3A_1192] {strides = array<i32>} : memref<400x128xf32, #tpu.memory_space<vmem>>, vector<1x16xf32>,
        %get3A_1194 = vector.shape_cast %get3A_1193 : vector<1x16xf32> to vector<16xf32>
        %add3A_1195 = arith.addf %add3A_1157, %get3A_1194 : vector<16xf32>
        %add3A_1196 = arith.constant 25 : i32
        %add3A_1197 = arith.addi %mul3A_204, %add3A_1196 : i32
        %add3A_1198 = arith.constant 32 : i32
        %add3A_1199 = arith.addi %squeeze3A_1177, %add3A_1198 : i32
        %get3A_1200 = arith.index_cast %add3A_1197 : i32 to index
        %get3A_1201 = arith.index_cast %add3A_1199 : i32 to index
        %get3A_1202 = tpu.vector_load %arg8[%get3A_1200, %get3A_1201] {strides = array<i32>} : memref<400x128xf32, #tpu.memory_space<vmem>>, vector<1x16xf32>,
        %get3A_1203 = vector.shape_cast %get3A_1202 : vector<1x16xf32> to vector<16xf32>
        %add3A_1204 = arith.addf %add3A_1166, %get3A_1203 : vector<16xf32>
        %add3A_1205 = arith.constant 25 : i32
        %add3A_1206 = arith.addi %mul3A_204, %add3A_1205 : i32
        %add3A_1207 = arith.constant 48 : i32
        %add3A_1208 = arith.addi %squeeze3A_1177, %add3A_1207 : i32
        %get3A_1209 = arith.index_cast %add3A_1206 : i32 to index
        %get3A_1210 = arith.index_cast %add3A_1208 : i32 to index
        %get3A_1211 = tpu.vector_load %arg8[%get3A_1209, %get3A_1210] {strides = array<i32>} : memref<400x128xf32, #tpu.memory_space<vmem>>, vector<1x16xf32>,
        %get3A_1212 = vector.shape_cast %get3A_1211 : vector<1x16xf32> to vector<16xf32>
        %add3A_1213 = arith.addf %add3A_1175, %get3A_1212 : vector<16xf32>
        %slice3A_1214 = vector.extract_strided_slice %get3A_833 {offsets = [10], sizes = [1], strides = [1]} : vector<16xi32> to vector<1xi32>
        %squeeze3A_1215 = vector.extract %slice3A_1214[0] : i32 from vector<1xi32>
        %add3A_1216 = arith.constant 26 : i32
        %add3A_1217 = arith.addi %mul3A_204, %add3A_1216 : i32
        %add3A_1218 = arith.constant 0 : i32
        %add3A_1219 = arith.addi %squeeze3A_1215, %add3A_1218 : i32
        %get3A_1220 = arith.index_cast %add3A_1217 : i32 to index
        %get3A_1221 = arith.index_cast %add3A_1219 : i32 to index
        %get3A_1222 = tpu.vector_load %arg8[%get3A_1220, %get3A_1221] {strides = array<i32>} : memref<400x128xf32, #tpu.memory_space<vmem>>, vector<1x16xf32>,
        %get3A_1223 = vector.shape_cast %get3A_1222 : vector<1x16xf32> to vector<16xf32>
        %add3A_1224 = arith.addf %add3A_1186, %get3A_1223 : vector<16xf32>
        %add3A_1225 = arith.constant 26 : i32
        %add3A_1226 = arith.addi %mul3A_204, %add3A_1225 : i32
        %add3A_1227 = arith.constant 16 : i32
        %add3A_1228 = arith.addi %squeeze3A_1215, %add3A_1227 : i32
        %get3A_1229 = arith.index_cast %add3A_1226 : i32 to index
        %get3A_1230 = arith.index_cast %add3A_1228 : i32 to index
        %get3A_1231 = tpu.vector_load %arg8[%get3A_1229, %get3A_1230] {strides = array<i32>} : memref<400x128xf32, #tpu.memory_space<vmem>>, vector<1x16xf32>,
        %get3A_1232 = vector.shape_cast %get3A_1231 : vector<1x16xf32> to vector<16xf32>
        %add3A_1233 = arith.addf %add3A_1195, %get3A_1232 : vector<16xf32>
        %add3A_1234 = arith.constant 26 : i32
        %add3A_1235 = arith.addi %mul3A_204, %add3A_1234 : i32
        %add3A_1236 = arith.constant 32 : i32
        %add3A_1237 = arith.addi %squeeze3A_1215, %add3A_1236 : i32
        %get3A_1238 = arith.index_cast %add3A_1235 : i32 to index
        %get3A_1239 = arith.index_cast %add3A_1237 : i32 to index
        %get3A_1240 = tpu.vector_load %arg8[%get3A_1238, %get3A_1239] {strides = array<i32>} : memref<400x128xf32, #tpu.memory_space<vmem>>, vector<1x16xf32>,
        %get3A_1241 = vector.shape_cast %get3A_1240 : vector<1x16xf32> to vector<16xf32>
        %add3A_1242 = arith.addf %add3A_1204, %get3A_1241 : vector<16xf32>
        %add3A_1243 = arith.constant 26 : i32
        %add3A_1244 = arith.addi %mul3A_204, %add3A_1243 : i32
        %add3A_1245 = arith.constant 48 : i32
        %add3A_1246 = arith.addi %squeeze3A_1215, %add3A_1245 : i32
        %get3A_1247 = arith.index_cast %add3A_1244 : i32 to index
        %get3A_1248 = arith.index_cast %add3A_1246 : i32 to index
        %get3A_1249 = tpu.vector_load %arg8[%get3A_1247, %get3A_1248] {strides = array<i32>} : memref<400x128xf32, #tpu.memory_space<vmem>>, vector<1x16xf32>,
        %get3A_1250 = vector.shape_cast %get3A_1249 : vector<1x16xf32> to vector<16xf32>
        %add3A_1251 = arith.addf %add3A_1213, %get3A_1250 : vector<16xf32>
        %slice3A_1252 = vector.extract_strided_slice %get3A_833 {offsets = [11], sizes = [1], strides = [1]} : vector<16xi32> to vector<1xi32>
        %squeeze3A_1253 = vector.extract %slice3A_1252[0] : i32 from vector<1xi32>
        %add3A_1254 = arith.constant 27 : i32
        %add3A_1255 = arith.addi %mul3A_204, %add3A_1254 : i32
        %add3A_1256 = arith.constant 0 : i32
        %add3A_1257 = arith.addi %squeeze3A_1253, %add3A_1256 : i32
        %get3A_1258 = arith.index_cast %add3A_1255 : i32 to index
        %get3A_1259 = arith.index_cast %add3A_1257 : i32 to index
        %get3A_1260 = tpu.vector_load %arg8[%get3A_1258, %get3A_1259] {strides = array<i32>} : memref<400x128xf32, #tpu.memory_space<vmem>>, vector<1x16xf32>,
        %get3A_1261 = vector.shape_cast %get3A_1260 : vector<1x16xf32> to vector<16xf32>
        %add3A_1262 = arith.addf %add3A_1224, %get3A_1261 : vector<16xf32>
        %add3A_1263 = arith.constant 27 : i32
        %add3A_1264 = arith.addi %mul3A_204, %add3A_1263 : i32
        %add3A_1265 = arith.constant 16 : i32
        %add3A_1266 = arith.addi %squeeze3A_1253, %add3A_1265 : i32
        %get3A_1267 = arith.index_cast %add3A_1264 : i32 to index
        %get3A_1268 = arith.index_cast %add3A_1266 : i32 to index
        %get3A_1269 = tpu.vector_load %arg8[%get3A_1267, %get3A_1268] {strides = array<i32>} : memref<400x128xf32, #tpu.memory_space<vmem>>, vector<1x16xf32>,
        %get3A_1270 = vector.shape_cast %get3A_1269 : vector<1x16xf32> to vector<16xf32>
        %add3A_1271 = arith.addf %add3A_1233, %get3A_1270 : vector<16xf32>
        %add3A_1272 = arith.constant 27 : i32
        %add3A_1273 = arith.addi %mul3A_204, %add3A_1272 : i32
        %add3A_1274 = arith.constant 32 : i32
        %add3A_1275 = arith.addi %squeeze3A_1253, %add3A_1274 : i32
        %get3A_1276 = arith.index_cast %add3A_1273 : i32 to index
        %get3A_1277 = arith.index_cast %add3A_1275 : i32 to index
        %get3A_1278 = tpu.vector_load %arg8[%get3A_1276, %get3A_1277] {strides = array<i32>} : memref<400x128xf32, #tpu.memory_space<vmem>>, vector<1x16xf32>,
        %get3A_1279 = vector.shape_cast %get3A_1278 : vector<1x16xf32> to vector<16xf32>
        %add3A_1280 = arith.addf %add3A_1242, %get3A_1279 : vector<16xf32>
        %add3A_1281 = arith.constant 27 : i32
        %add3A_1282 = arith.addi %mul3A_204, %add3A_1281 : i32
        %add3A_1283 = arith.constant 48 : i32
        %add3A_1284 = arith.addi %squeeze3A_1253, %add3A_1283 : i32
        %get3A_1285 = arith.index_cast %add3A_1282 : i32 to index
        %get3A_1286 = arith.index_cast %add3A_1284 : i32 to index
        %get3A_1287 = tpu.vector_load %arg8[%get3A_1285, %get3A_1286] {strides = array<i32>} : memref<400x128xf32, #tpu.memory_space<vmem>>, vector<1x16xf32>,
        %get3A_1288 = vector.shape_cast %get3A_1287 : vector<1x16xf32> to vector<16xf32>
        %add3A_1289 = arith.addf %add3A_1251, %get3A_1288 : vector<16xf32>
        %slice3A_1290 = vector.extract_strided_slice %get3A_833 {offsets = [12], sizes = [1], strides = [1]} : vector<16xi32> to vector<1xi32>
        %squeeze3A_1291 = vector.extract %slice3A_1290[0] : i32 from vector<1xi32>
        %add3A_1292 = arith.constant 28 : i32
        %add3A_1293 = arith.addi %mul3A_204, %add3A_1292 : i32
        %add3A_1294 = arith.constant 0 : i32
        %add3A_1295 = arith.addi %squeeze3A_1291, %add3A_1294 : i32
        %get3A_1296 = arith.index_cast %add3A_1293 : i32 to index
        %get3A_1297 = arith.index_cast %add3A_1295 : i32 to index
        %get3A_1298 = tpu.vector_load %arg8[%get3A_1296, %get3A_1297] {strides = array<i32>} : memref<400x128xf32, #tpu.memory_space<vmem>>, vector<1x16xf32>,
        %get3A_1299 = vector.shape_cast %get3A_1298 : vector<1x16xf32> to vector<16xf32>
        %add3A_1300 = arith.addf %add3A_1262, %get3A_1299 : vector<16xf32>
        %add3A_1301 = arith.constant 28 : i32
        %add3A_1302 = arith.addi %mul3A_204, %add3A_1301 : i32
        %add3A_1303 = arith.constant 16 : i32
        %add3A_1304 = arith.addi %squeeze3A_1291, %add3A_1303 : i32
        %get3A_1305 = arith.index_cast %add3A_1302 : i32 to index
        %get3A_1306 = arith.index_cast %add3A_1304 : i32 to index
        %get3A_1307 = tpu.vector_load %arg8[%get3A_1305, %get3A_1306] {strides = array<i32>} : memref<400x128xf32, #tpu.memory_space<vmem>>, vector<1x16xf32>,
        %get3A_1308 = vector.shape_cast %get3A_1307 : vector<1x16xf32> to vector<16xf32>
        %add3A_1309 = arith.addf %add3A_1271, %get3A_1308 : vector<16xf32>
        %add3A_1310 = arith.constant 28 : i32
        %add3A_1311 = arith.addi %mul3A_204, %add3A_1310 : i32
        %add3A_1312 = arith.constant 32 : i32
        %add3A_1313 = arith.addi %squeeze3A_1291, %add3A_1312 : i32
        %get3A_1314 = arith.index_cast %add3A_1311 : i32 to index
        %get3A_1315 = arith.index_cast %add3A_1313 : i32 to index
        %get3A_1316 = tpu.vector_load %arg8[%get3A_1314, %get3A_1315] {strides = array<i32>} : memref<400x128xf32, #tpu.memory_space<vmem>>, vector<1x16xf32>,
        %get3A_1317 = vector.shape_cast %get3A_1316 : vector<1x16xf32> to vector<16xf32>
        %add3A_1318 = arith.addf %add3A_1280, %get3A_1317 : vector<16xf32>
        %add3A_1319 = arith.constant 28 : i32
        %add3A_1320 = arith.addi %mul3A_204, %add3A_1319 : i32
        %add3A_1321 = arith.constant 48 : i32
        %add3A_1322 = arith.addi %squeeze3A_1291, %add3A_1321 : i32
        %get3A_1323 = arith.index_cast %add3A_1320 : i32 to index
        %get3A_1324 = arith.index_cast %add3A_1322 : i32 to index
        %get3A_1325 = tpu.vector_load %arg8[%get3A_1323, %get3A_1324] {strides = array<i32>} : memref<400x128xf32, #tpu.memory_space<vmem>>, vector<1x16xf32>,
        %get3A_1326 = vector.shape_cast %get3A_1325 : vector<1x16xf32> to vector<16xf32>
        %add3A_1327 = arith.addf %add3A_1289, %get3A_1326 : vector<16xf32>
        %slice3A_1328 = vector.extract_strided_slice %get3A_833 {offsets = [13], sizes = [1], strides = [1]} : vector<16xi32> to vector<1xi32>
        %squeeze3A_1329 = vector.extract %slice3A_1328[0] : i32 from vector<1xi32>
        %add3A_1330 = arith.constant 29 : i32
        %add3A_1331 = arith.addi %mul3A_204, %add3A_1330 : i32
        %add3A_1332 = arith.constant 0 : i32
        %add3A_1333 = arith.addi %squeeze3A_1329, %add3A_1332 : i32
        %get3A_1334 = arith.index_cast %add3A_1331 : i32 to index
        %get3A_1335 = arith.index_cast %add3A_1333 : i32 to index
        %get3A_1336 = tpu.vector_load %arg8[%get3A_1334, %get3A_1335] {strides = array<i32>} : memref<400x128xf32, #tpu.memory_space<vmem>>, vector<1x16xf32>,
        %get3A_1337 = vector.shape_cast %get3A_1336 : vector<1x16xf32> to vector<16xf32>
        %add3A_1338 = arith.addf %add3A_1300, %get3A_1337 : vector<16xf32>
        %add3A_1339 = arith.constant 29 : i32
        %add3A_1340 = arith.addi %mul3A_204, %add3A_1339 : i32
        %add3A_1341 = arith.constant 16 : i32
        %add3A_1342 = arith.addi %squeeze3A_1329, %add3A_1341 : i32
        %get3A_1343 = arith.index_cast %add3A_1340 : i32 to index
        %get3A_1344 = arith.index_cast %add3A_1342 : i32 to index
        %get3A_1345 = tpu.vector_load %arg8[%get3A_1343, %get3A_1344] {strides = array<i32>} : memref<400x128xf32, #tpu.memory_space<vmem>>, vector<1x16xf32>,
        %get3A_1346 = vector.shape_cast %get3A_1345 : vector<1x16xf32> to vector<16xf32>
        %add3A_1347 = arith.addf %add3A_1309, %get3A_1346 : vector<16xf32>
        %add3A_1348 = arith.constant 29 : i32
        %add3A_1349 = arith.addi %mul3A_204, %add3A_1348 : i32
        %add3A_1350 = arith.constant 32 : i32
        %add3A_1351 = arith.addi %squeeze3A_1329, %add3A_1350 : i32
        %get3A_1352 = arith.index_cast %add3A_1349 : i32 to index
        %get3A_1353 = arith.index_cast %add3A_1351 : i32 to index
        %get3A_1354 = tpu.vector_load %arg8[%get3A_1352, %get3A_1353] {strides = array<i32>} : memref<400x128xf32, #tpu.memory_space<vmem>>, vector<1x16xf32>,
        %get3A_1355 = vector.shape_cast %get3A_1354 : vector<1x16xf32> to vector<16xf32>
        %add3A_1356 = arith.addf %add3A_1318, %get3A_1355 : vector<16xf32>
        %add3A_1357 = arith.constant 29 : i32
        %add3A_1358 = arith.addi %mul3A_204, %add3A_1357 : i32
        %add3A_1359 = arith.constant 48 : i32
        %add3A_1360 = arith.addi %squeeze3A_1329, %add3A_1359 : i32
        %get3A_1361 = arith.index_cast %add3A_1358 : i32 to index
        %get3A_1362 = arith.index_cast %add3A_1360 : i32 to index
        %get3A_1363 = tpu.vector_load %arg8[%get3A_1361, %get3A_1362] {strides = array<i32>} : memref<400x128xf32, #tpu.memory_space<vmem>>, vector<1x16xf32>,
        %get3A_1364 = vector.shape_cast %get3A_1363 : vector<1x16xf32> to vector<16xf32>
        %add3A_1365 = arith.addf %add3A_1327, %get3A_1364 : vector<16xf32>
        %slice3A_1366 = vector.extract_strided_slice %get3A_833 {offsets = [14], sizes = [1], strides = [1]} : vector<16xi32> to vector<1xi32>
        %squeeze3A_1367 = vector.extract %slice3A_1366[0] : i32 from vector<1xi32>
        %add3A_1368 = arith.constant 30 : i32
        %add3A_1369 = arith.addi %mul3A_204, %add3A_1368 : i32
        %add3A_1370 = arith.constant 0 : i32
        %add3A_1371 = arith.addi %squeeze3A_1367, %add3A_1370 : i32
        %get3A_1372 = arith.index_cast %add3A_1369 : i32 to index
        %get3A_1373 = arith.index_cast %add3A_1371 : i32 to index
        %get3A_1374 = tpu.vector_load %arg8[%get3A_1372, %get3A_1373] {strides = array<i32>} : memref<400x128xf32, #tpu.memory_space<vmem>>, vector<1x16xf32>,
        %get3A_1375 = vector.shape_cast %get3A_1374 : vector<1x16xf32> to vector<16xf32>
        %add3A_1376 = arith.addf %add3A_1338, %get3A_1375 : vector<16xf32>
        %add3A_1377 = arith.constant 30 : i32
        %add3A_1378 = arith.addi %mul3A_204, %add3A_1377 : i32
        %add3A_1379 = arith.constant 16 : i32
        %add3A_1380 = arith.addi %squeeze3A_1367, %add3A_1379 : i32
        %get3A_1381 = arith.index_cast %add3A_1378 : i32 to index
        %get3A_1382 = arith.index_cast %add3A_1380 : i32 to index
        %get3A_1383 = tpu.vector_load %arg8[%get3A_1381, %get3A_1382] {strides = array<i32>} : memref<400x128xf32, #tpu.memory_space<vmem>>, vector<1x16xf32>,
        %get3A_1384 = vector.shape_cast %get3A_1383 : vector<1x16xf32> to vector<16xf32>
        %add3A_1385 = arith.addf %add3A_1347, %get3A_1384 : vector<16xf32>
        %add3A_1386 = arith.constant 30 : i32
        %add3A_1387 = arith.addi %mul3A_204, %add3A_1386 : i32
        %add3A_1388 = arith.constant 32 : i32
        %add3A_1389 = arith.addi %squeeze3A_1367, %add3A_1388 : i32
        %get3A_1390 = arith.index_cast %add3A_1387 : i32 to index
        %get3A_1391 = arith.index_cast %add3A_1389 : i32 to index
        %get3A_1392 = tpu.vector_load %arg8[%get3A_1390, %get3A_1391] {strides = array<i32>} : memref<400x128xf32, #tpu.memory_space<vmem>>, vector<1x16xf32>,
        %get3A_1393 = vector.shape_cast %get3A_1392 : vector<1x16xf32> to vector<16xf32>
        %add3A_1394 = arith.addf %add3A_1356, %get3A_1393 : vector<16xf32>
        %add3A_1395 = arith.constant 30 : i32
        %add3A_1396 = arith.addi %mul3A_204, %add3A_1395 : i32
        %add3A_1397 = arith.constant 48 : i32
        %add3A_1398 = arith.addi %squeeze3A_1367, %add3A_1397 : i32
        %get3A_1399 = arith.index_cast %add3A_1396 : i32 to index
        %get3A_1400 = arith.index_cast %add3A_1398 : i32 to index
        %get3A_1401 = tpu.vector_load %arg8[%get3A_1399, %get3A_1400] {strides = array<i32>} : memref<400x128xf32, #tpu.memory_space<vmem>>, vector<1x16xf32>,
        %get3A_1402 = vector.shape_cast %get3A_1401 : vector<1x16xf32> to vector<16xf32>
        %add3A_1403 = arith.addf %add3A_1365, %get3A_1402 : vector<16xf32>
        %slice3A_1404 = vector.extract_strided_slice %get3A_833 {offsets = [15], sizes = [1], strides = [1]} : vector<16xi32> to vector<1xi32>
        %squeeze3A_1405 = vector.extract %slice3A_1404[0] : i32 from vector<1xi32>
        %add3A_1406 = arith.constant 31 : i32
        %add3A_1407 = arith.addi %mul3A_204, %add3A_1406 : i32
        %add3A_1408 = arith.constant 0 : i32
        %add3A_1409 = arith.addi %squeeze3A_1405, %add3A_1408 : i32
        %get3A_1410 = arith.index_cast %add3A_1407 : i32 to index
        %get3A_1411 = arith.index_cast %add3A_1409 : i32 to index
        %get3A_1412 = tpu.vector_load %arg8[%get3A_1410, %get3A_1411] {strides = array<i32>} : memref<400x128xf32, #tpu.memory_space<vmem>>, vector<1x16xf32>,
        %get3A_1413 = vector.shape_cast %get3A_1412 : vector<1x16xf32> to vector<16xf32>
        %add3A_1414 = arith.addf %add3A_1376, %get3A_1413 : vector<16xf32>
        %add3A_1415 = arith.constant 31 : i32
        %add3A_1416 = arith.addi %mul3A_204, %add3A_1415 : i32
        %add3A_1417 = arith.constant 16 : i32
        %add3A_1418 = arith.addi %squeeze3A_1405, %add3A_1417 : i32
        %get3A_1419 = arith.index_cast %add3A_1416 : i32 to index
        %get3A_1420 = arith.index_cast %add3A_1418 : i32 to index
        %get3A_1421 = tpu.vector_load %arg8[%get3A_1419, %get3A_1420] {strides = array<i32>} : memref<400x128xf32, #tpu.memory_space<vmem>>, vector<1x16xf32>,
        %get3A_1422 = vector.shape_cast %get3A_1421 : vector<1x16xf32> to vector<16xf32>
        %add3A_1423 = arith.addf %add3A_1385, %get3A_1422 : vector<16xf32>
        %add3A_1424 = arith.constant 31 : i32
        %add3A_1425 = arith.addi %mul3A_204, %add3A_1424 : i32
        %add3A_1426 = arith.constant 32 : i32
        %add3A_1427 = arith.addi %squeeze3A_1405, %add3A_1426 : i32
        %get3A_1428 = arith.index_cast %add3A_1425 : i32 to index
        %get3A_1429 = arith.index_cast %add3A_1427 : i32 to index
        %get3A_1430 = tpu.vector_load %arg8[%get3A_1428, %get3A_1429] {strides = array<i32>} : memref<400x128xf32, #tpu.memory_space<vmem>>, vector<1x16xf32>,
        %get3A_1431 = vector.shape_cast %get3A_1430 : vector<1x16xf32> to vector<16xf32>
        %add3A_1432 = arith.addf %add3A_1394, %get3A_1431 : vector<16xf32>
        %add3A_1433 = arith.constant 31 : i32
        %add3A_1434 = arith.addi %mul3A_204, %add3A_1433 : i32
        %add3A_1435 = arith.constant 48 : i32
        %add3A_1436 = arith.addi %squeeze3A_1405, %add3A_1435 : i32
        %get3A_1437 = arith.index_cast %add3A_1434 : i32 to index
        %get3A_1438 = arith.index_cast %add3A_1436 : i32 to index
        %get3A_1439 = tpu.vector_load %arg8[%get3A_1437, %get3A_1438] {strides = array<i32>} : memref<400x128xf32, #tpu.memory_space<vmem>>, vector<1x16xf32>,
        %get3A_1440 = vector.shape_cast %get3A_1439 : vector<1x16xf32> to vector<16xf32>
        %add3A_1441 = arith.addf %add3A_1403, %get3A_1440 : vector<16xf32>
        %mul3A_1442 = arith.constant 64 : i32
        %mul3A_1443 = arith.muli %add3A_207, %mul3A_1442 : i32
        %add3A_1444 = arith.constant 32 : i32
        %add3A_1445 = arith.addi %mul3A_1443, %add3A_1444 : i32
        %get3A_1446 = arith.index_cast %add3A_1445 : i32 to index
        %get3A_1447 = tpu.vector_load %arg7[%get3A_1446] {strides = array<i32>} : memref<8192xi32, #tpu.memory_space<vmem>>, vector<16xi32>,
        %get3A_1448 = vector.shape_cast %get3A_1447 : vector<16xi32> to vector<16xi32>
        %slice3A_1449 = vector.extract_strided_slice %get3A_1448 {offsets = [0], sizes = [1], strides = [1]} : vector<16xi32> to vector<1xi32>
        %squeeze3A_1450 = vector.extract %slice3A_1449[0] : i32 from vector<1xi32>
        %add3A_1451 = arith.constant 32 : i32
        %add3A_1452 = arith.addi %mul3A_204, %add3A_1451 : i32
        %add3A_1453 = arith.constant 0 : i32
        %add3A_1454 = arith.addi %squeeze3A_1450, %add3A_1453 : i32
        %get3A_1455 = arith.index_cast %add3A_1452 : i32 to index
        %get3A_1456 = arith.index_cast %add3A_1454 : i32 to index
        %get3A_1457 = tpu.vector_load %arg8[%get3A_1455, %get3A_1456] {strides = array<i32>} : memref<400x128xf32, #tpu.memory_space<vmem>>, vector<1x16xf32>,
        %get3A_1458 = vector.shape_cast %get3A_1457 : vector<1x16xf32> to vector<16xf32>
        %add3A_1459 = arith.addf %add3A_1414, %get3A_1458 : vector<16xf32>
        %add3A_1460 = arith.constant 32 : i32
        %add3A_1461 = arith.addi %mul3A_204, %add3A_1460 : i32
        %add3A_1462 = arith.constant 16 : i32
        %add3A_1463 = arith.addi %squeeze3A_1450, %add3A_1462 : i32
        %get3A_1464 = arith.index_cast %add3A_1461 : i32 to index
        %get3A_1465 = arith.index_cast %add3A_1463 : i32 to index
        %get3A_1466 = tpu.vector_load %arg8[%get3A_1464, %get3A_1465] {strides = array<i32>} : memref<400x128xf32, #tpu.memory_space<vmem>>, vector<1x16xf32>,
        %get3A_1467 = vector.shape_cast %get3A_1466 : vector<1x16xf32> to vector<16xf32>
        %add3A_1468 = arith.addf %add3A_1423, %get3A_1467 : vector<16xf32>
        %add3A_1469 = arith.constant 32 : i32
        %add3A_1470 = arith.addi %mul3A_204, %add3A_1469 : i32
        %add3A_1471 = arith.constant 32 : i32
        %add3A_1472 = arith.addi %squeeze3A_1450, %add3A_1471 : i32
        %get3A_1473 = arith.index_cast %add3A_1470 : i32 to index
        %get3A_1474 = arith.index_cast %add3A_1472 : i32 to index
        %get3A_1475 = tpu.vector_load %arg8[%get3A_1473, %get3A_1474] {strides = array<i32>} : memref<400x128xf32, #tpu.memory_space<vmem>>, vector<1x16xf32>,
        %get3A_1476 = vector.shape_cast %get3A_1475 : vector<1x16xf32> to vector<16xf32>
        %add3A_1477 = arith.addf %add3A_1432, %get3A_1476 : vector<16xf32>
        %add3A_1478 = arith.constant 32 : i32
        %add3A_1479 = arith.addi %mul3A_204, %add3A_1478 : i32
        %add3A_1480 = arith.constant 48 : i32
        %add3A_1481 = arith.addi %squeeze3A_1450, %add3A_1480 : i32
        %get3A_1482 = arith.index_cast %add3A_1479 : i32 to index
        %get3A_1483 = arith.index_cast %add3A_1481 : i32 to index
        %get3A_1484 = tpu.vector_load %arg8[%get3A_1482, %get3A_1483] {strides = array<i32>} : memref<400x128xf32, #tpu.memory_space<vmem>>, vector<1x16xf32>,
        %get3A_1485 = vector.shape_cast %get3A_1484 : vector<1x16xf32> to vector<16xf32>
        %add3A_1486 = arith.addf %add3A_1441, %get3A_1485 : vector<16xf32>
        %slice3A_1487 = vector.extract_strided_slice %get3A_1448 {offsets = [1], sizes = [1], strides = [1]} : vector<16xi32> to vector<1xi32>
        %squeeze3A_1488 = vector.extract %slice3A_1487[0] : i32 from vector<1xi32>
        %add3A_1489 = arith.constant 33 : i32
        %add3A_1490 = arith.addi %mul3A_204, %add3A_1489 : i32
        %add3A_1491 = arith.constant 0 : i32
        %add3A_1492 = arith.addi %squeeze3A_1488, %add3A_1491 : i32
        %get3A_1493 = arith.index_cast %add3A_1490 : i32 to index
        %get3A_1494 = arith.index_cast %add3A_1492 : i32 to index
        %get3A_1495 = tpu.vector_load %arg8[%get3A_1493, %get3A_1494] {strides = array<i32>} : memref<400x128xf32, #tpu.memory_space<vmem>>, vector<1x16xf32>,
        %get3A_1496 = vector.shape_cast %get3A_1495 : vector<1x16xf32> to vector<16xf32>
        %add3A_1497 = arith.addf %add3A_1459, %get3A_1496 : vector<16xf32>
        %add3A_1498 = arith.constant 33 : i32
        %add3A_1499 = arith.addi %mul3A_204, %add3A_1498 : i32
        %add3A_1500 = arith.constant 16 : i32
        %add3A_1501 = arith.addi %squeeze3A_1488, %add3A_1500 : i32
        %get3A_1502 = arith.index_cast %add3A_1499 : i32 to index
        %get3A_1503 = arith.index_cast %add3A_1501 : i32 to index
        %get3A_1504 = tpu.vector_load %arg8[%get3A_1502, %get3A_1503] {strides = array<i32>} : memref<400x128xf32, #tpu.memory_space<vmem>>, vector<1x16xf32>,
        %get3A_1505 = vector.shape_cast %get3A_1504 : vector<1x16xf32> to vector<16xf32>
        %add3A_1506 = arith.addf %add3A_1468, %get3A_1505 : vector<16xf32>
        %add3A_1507 = arith.constant 33 : i32
        %add3A_1508 = arith.addi %mul3A_204, %add3A_1507 : i32
        %add3A_1509 = arith.constant 32 : i32
        %add3A_1510 = arith.addi %squeeze3A_1488, %add3A_1509 : i32
        %get3A_1511 = arith.index_cast %add3A_1508 : i32 to index
        %get3A_1512 = arith.index_cast %add3A_1510 : i32 to index
        %get3A_1513 = tpu.vector_load %arg8[%get3A_1511, %get3A_1512] {strides = array<i32>} : memref<400x128xf32, #tpu.memory_space<vmem>>, vector<1x16xf32>,
        %get3A_1514 = vector.shape_cast %get3A_1513 : vector<1x16xf32> to vector<16xf32>
        %add3A_1515 = arith.addf %add3A_1477, %get3A_1514 : vector<16xf32>
        %add3A_1516 = arith.constant 33 : i32
        %add3A_1517 = arith.addi %mul3A_204, %add3A_1516 : i32
        %add3A_1518 = arith.constant 48 : i32
        %add3A_1519 = arith.addi %squeeze3A_1488, %add3A_1518 : i32
        %get3A_1520 = arith.index_cast %add3A_1517 : i32 to index
        %get3A_1521 = arith.index_cast %add3A_1519 : i32 to index
        %get3A_1522 = tpu.vector_load %arg8[%get3A_1520, %get3A_1521] {strides = array<i32>} : memref<400x128xf32, #tpu.memory_space<vmem>>, vector<1x16xf32>,
        %get3A_1523 = vector.shape_cast %get3A_1522 : vector<1x16xf32> to vector<16xf32>
        %add3A_1524 = arith.addf %add3A_1486, %get3A_1523 : vector<16xf32>
        %slice3A_1525 = vector.extract_strided_slice %get3A_1448 {offsets = [2], sizes = [1], strides = [1]} : vector<16xi32> to vector<1xi32>
        %squeeze3A_1526 = vector.extract %slice3A_1525[0] : i32 from vector<1xi32>
        %add3A_1527 = arith.constant 34 : i32
        %add3A_1528 = arith.addi %mul3A_204, %add3A_1527 : i32
        %add3A_1529 = arith.constant 0 : i32
        %add3A_1530 = arith.addi %squeeze3A_1526, %add3A_1529 : i32
        %get3A_1531 = arith.index_cast %add3A_1528 : i32 to index
        %get3A_1532 = arith.index_cast %add3A_1530 : i32 to index
        %get3A_1533 = tpu.vector_load %arg8[%get3A_1531, %get3A_1532] {strides = array<i32>} : memref<400x128xf32, #tpu.memory_space<vmem>>, vector<1x16xf32>,
        %get3A_1534 = vector.shape_cast %get3A_1533 : vector<1x16xf32> to vector<16xf32>
        %add3A_1535 = arith.addf %add3A_1497, %get3A_1534 : vector<16xf32>
        %add3A_1536 = arith.constant 34 : i32
        %add3A_1537 = arith.addi %mul3A_204, %add3A_1536 : i32
        %add3A_1538 = arith.constant 16 : i32
        %add3A_1539 = arith.addi %squeeze3A_1526, %add3A_1538 : i32
        %get3A_1540 = arith.index_cast %add3A_1537 : i32 to index
        %get3A_1541 = arith.index_cast %add3A_1539 : i32 to index
        %get3A_1542 = tpu.vector_load %arg8[%get3A_1540, %get3A_1541] {strides = array<i32>} : memref<400x128xf32, #tpu.memory_space<vmem>>, vector<1x16xf32>,
        %get3A_1543 = vector.shape_cast %get3A_1542 : vector<1x16xf32> to vector<16xf32>
        %add3A_1544 = arith.addf %add3A_1506, %get3A_1543 : vector<16xf32>
        %add3A_1545 = arith.constant 34 : i32
        %add3A_1546 = arith.addi %mul3A_204, %add3A_1545 : i32
        %add3A_1547 = arith.constant 32 : i32
        %add3A_1548 = arith.addi %squeeze3A_1526, %add3A_1547 : i32
        %get3A_1549 = arith.index_cast %add3A_1546 : i32 to index
        %get3A_1550 = arith.index_cast %add3A_1548 : i32 to index
        %get3A_1551 = tpu.vector_load %arg8[%get3A_1549, %get3A_1550] {strides = array<i32>} : memref<400x128xf32, #tpu.memory_space<vmem>>, vector<1x16xf32>,
        %get3A_1552 = vector.shape_cast %get3A_1551 : vector<1x16xf32> to vector<16xf32>
        %add3A_1553 = arith.addf %add3A_1515, %get3A_1552 : vector<16xf32>
        %add3A_1554 = arith.constant 34 : i32
        %add3A_1555 = arith.addi %mul3A_204, %add3A_1554 : i32
        %add3A_1556 = arith.constant 48 : i32
        %add3A_1557 = arith.addi %squeeze3A_1526, %add3A_1556 : i32
        %get3A_1558 = arith.index_cast %add3A_1555 : i32 to index
        %get3A_1559 = arith.index_cast %add3A_1557 : i32 to index
        %get3A_1560 = tpu.vector_load %arg8[%get3A_1558, %get3A_1559] {strides = array<i32>} : memref<400x128xf32, #tpu.memory_space<vmem>>, vector<1x16xf32>,
        %get3A_1561 = vector.shape_cast %get3A_1560 : vector<1x16xf32> to vector<16xf32>
        %add3A_1562 = arith.addf %add3A_1524, %get3A_1561 : vector<16xf32>
        %slice3A_1563 = vector.extract_strided_slice %get3A_1448 {offsets = [3], sizes = [1], strides = [1]} : vector<16xi32> to vector<1xi32>
        %squeeze3A_1564 = vector.extract %slice3A_1563[0] : i32 from vector<1xi32>
        %add3A_1565 = arith.constant 35 : i32
        %add3A_1566 = arith.addi %mul3A_204, %add3A_1565 : i32
        %add3A_1567 = arith.constant 0 : i32
        %add3A_1568 = arith.addi %squeeze3A_1564, %add3A_1567 : i32
        %get3A_1569 = arith.index_cast %add3A_1566 : i32 to index
        %get3A_1570 = arith.index_cast %add3A_1568 : i32 to index
        %get3A_1571 = tpu.vector_load %arg8[%get3A_1569, %get3A_1570] {strides = array<i32>} : memref<400x128xf32, #tpu.memory_space<vmem>>, vector<1x16xf32>,
        %get3A_1572 = vector.shape_cast %get3A_1571 : vector<1x16xf32> to vector<16xf32>
        %add3A_1573 = arith.addf %add3A_1535, %get3A_1572 : vector<16xf32>
        %add3A_1574 = arith.constant 35 : i32
        %add3A_1575 = arith.addi %mul3A_204, %add3A_1574 : i32
        %add3A_1576 = arith.constant 16 : i32
        %add3A_1577 = arith.addi %squeeze3A_1564, %add3A_1576 : i32
        %get3A_1578 = arith.index_cast %add3A_1575 : i32 to index
        %get3A_1579 = arith.index_cast %add3A_1577 : i32 to index
        %get3A_1580 = tpu.vector_load %arg8[%get3A_1578, %get3A_1579] {strides = array<i32>} : memref<400x128xf32, #tpu.memory_space<vmem>>, vector<1x16xf32>,
        %get3A_1581 = vector.shape_cast %get3A_1580 : vector<1x16xf32> to vector<16xf32>
        %add3A_1582 = arith.addf %add3A_1544, %get3A_1581 : vector<16xf32>
        %add3A_1583 = arith.constant 35 : i32
        %add3A_1584 = arith.addi %mul3A_204, %add3A_1583 : i32
        %add3A_1585 = arith.constant 32 : i32
        %add3A_1586 = arith.addi %squeeze3A_1564, %add3A_1585 : i32
        %get3A_1587 = arith.index_cast %add3A_1584 : i32 to index
        %get3A_1588 = arith.index_cast %add3A_1586 : i32 to index
        %get3A_1589 = tpu.vector_load %arg8[%get3A_1587, %get3A_1588] {strides = array<i32>} : memref<400x128xf32, #tpu.memory_space<vmem>>, vector<1x16xf32>,
        %get3A_1590 = vector.shape_cast %get3A_1589 : vector<1x16xf32> to vector<16xf32>
        %add3A_1591 = arith.addf %add3A_1553, %get3A_1590 : vector<16xf32>
        %add3A_1592 = arith.constant 35 : i32
        %add3A_1593 = arith.addi %mul3A_204, %add3A_1592 : i32
        %add3A_1594 = arith.constant 48 : i32
        %add3A_1595 = arith.addi %squeeze3A_1564, %add3A_1594 : i32
        %get3A_1596 = arith.index_cast %add3A_1593 : i32 to index
        %get3A_1597 = arith.index_cast %add3A_1595 : i32 to index
        %get3A_1598 = tpu.vector_load %arg8[%get3A_1596, %get3A_1597] {strides = array<i32>} : memref<400x128xf32, #tpu.memory_space<vmem>>, vector<1x16xf32>,
        %get3A_1599 = vector.shape_cast %get3A_1598 : vector<1x16xf32> to vector<16xf32>
        %add3A_1600 = arith.addf %add3A_1562, %get3A_1599 : vector<16xf32>
        %slice3A_1601 = vector.extract_strided_slice %get3A_1448 {offsets = [4], sizes = [1], strides = [1]} : vector<16xi32> to vector<1xi32>
        %squeeze3A_1602 = vector.extract %slice3A_1601[0] : i32 from vector<1xi32>
        %add3A_1603 = arith.constant 36 : i32
        %add3A_1604 = arith.addi %mul3A_204, %add3A_1603 : i32
        %add3A_1605 = arith.constant 0 : i32
        %add3A_1606 = arith.addi %squeeze3A_1602, %add3A_1605 : i32
        %get3A_1607 = arith.index_cast %add3A_1604 : i32 to index
        %get3A_1608 = arith.index_cast %add3A_1606 : i32 to index
        %get3A_1609 = tpu.vector_load %arg8[%get3A_1607, %get3A_1608] {strides = array<i32>} : memref<400x128xf32, #tpu.memory_space<vmem>>, vector<1x16xf32>,
        %get3A_1610 = vector.shape_cast %get3A_1609 : vector<1x16xf32> to vector<16xf32>
        %add3A_1611 = arith.addf %add3A_1573, %get3A_1610 : vector<16xf32>
        %add3A_1612 = arith.constant 36 : i32
        %add3A_1613 = arith.addi %mul3A_204, %add3A_1612 : i32
        %add3A_1614 = arith.constant 16 : i32
        %add3A_1615 = arith.addi %squeeze3A_1602, %add3A_1614 : i32
        %get3A_1616 = arith.index_cast %add3A_1613 : i32 to index
        %get3A_1617 = arith.index_cast %add3A_1615 : i32 to index
        %get3A_1618 = tpu.vector_load %arg8[%get3A_1616, %get3A_1617] {strides = array<i32>} : memref<400x128xf32, #tpu.memory_space<vmem>>, vector<1x16xf32>,
        %get3A_1619 = vector.shape_cast %get3A_1618 : vector<1x16xf32> to vector<16xf32>
        %add3A_1620 = arith.addf %add3A_1582, %get3A_1619 : vector<16xf32>
        %add3A_1621 = arith.constant 36 : i32
        %add3A_1622 = arith.addi %mul3A_204, %add3A_1621 : i32
        %add3A_1623 = arith.constant 32 : i32
        %add3A_1624 = arith.addi %squeeze3A_1602, %add3A_1623 : i32
        %get3A_1625 = arith.index_cast %add3A_1622 : i32 to index
        %get3A_1626 = arith.index_cast %add3A_1624 : i32 to index
        %get3A_1627 = tpu.vector_load %arg8[%get3A_1625, %get3A_1626] {strides = array<i32>} : memref<400x128xf32, #tpu.memory_space<vmem>>, vector<1x16xf32>,
        %get3A_1628 = vector.shape_cast %get3A_1627 : vector<1x16xf32> to vector<16xf32>
        %add3A_1629 = arith.addf %add3A_1591, %get3A_1628 : vector<16xf32>
        %add3A_1630 = arith.constant 36 : i32
        %add3A_1631 = arith.addi %mul3A_204, %add3A_1630 : i32
        %add3A_1632 = arith.constant 48 : i32
        %add3A_1633 = arith.addi %squeeze3A_1602, %add3A_1632 : i32
        %get3A_1634 = arith.index_cast %add3A_1631 : i32 to index
        %get3A_1635 = arith.index_cast %add3A_1633 : i32 to index
        %get3A_1636 = tpu.vector_load %arg8[%get3A_1634, %get3A_1635] {strides = array<i32>} : memref<400x128xf32, #tpu.memory_space<vmem>>, vector<1x16xf32>,
        %get3A_1637 = vector.shape_cast %get3A_1636 : vector<1x16xf32> to vector<16xf32>
        %add3A_1638 = arith.addf %add3A_1600, %get3A_1637 : vector<16xf32>
        %slice3A_1639 = vector.extract_strided_slice %get3A_1448 {offsets = [5], sizes = [1], strides = [1]} : vector<16xi32> to vector<1xi32>
        %squeeze3A_1640 = vector.extract %slice3A_1639[0] : i32 from vector<1xi32>
        %add3A_1641 = arith.constant 37 : i32
        %add3A_1642 = arith.addi %mul3A_204, %add3A_1641 : i32
        %add3A_1643 = arith.constant 0 : i32
        %add3A_1644 = arith.addi %squeeze3A_1640, %add3A_1643 : i32
        %get3A_1645 = arith.index_cast %add3A_1642 : i32 to index
        %get3A_1646 = arith.index_cast %add3A_1644 : i32 to index
        %get3A_1647 = tpu.vector_load %arg8[%get3A_1645, %get3A_1646] {strides = array<i32>} : memref<400x128xf32, #tpu.memory_space<vmem>>, vector<1x16xf32>,
        %get3A_1648 = vector.shape_cast %get3A_1647 : vector<1x16xf32> to vector<16xf32>
        %add3A_1649 = arith.addf %add3A_1611, %get3A_1648 : vector<16xf32>
        %add3A_1650 = arith.constant 37 : i32
        %add3A_1651 = arith.addi %mul3A_204, %add3A_1650 : i32
        %add3A_1652 = arith.constant 16 : i32
        %add3A_1653 = arith.addi %squeeze3A_1640, %add3A_1652 : i32
        %get3A_1654 = arith.index_cast %add3A_1651 : i32 to index
        %get3A_1655 = arith.index_cast %add3A_1653 : i32 to index
        %get3A_1656 = tpu.vector_load %arg8[%get3A_1654, %get3A_1655] {strides = array<i32>} : memref<400x128xf32, #tpu.memory_space<vmem>>, vector<1x16xf32>,
        %get3A_1657 = vector.shape_cast %get3A_1656 : vector<1x16xf32> to vector<16xf32>
        %add3A_1658 = arith.addf %add3A_1620, %get3A_1657 : vector<16xf32>
        %add3A_1659 = arith.constant 37 : i32
        %add3A_1660 = arith.addi %mul3A_204, %add3A_1659 : i32
        %add3A_1661 = arith.constant 32 : i32
        %add3A_1662 = arith.addi %squeeze3A_1640, %add3A_1661 : i32
        %get3A_1663 = arith.index_cast %add3A_1660 : i32 to index
        %get3A_1664 = arith.index_cast %add3A_1662 : i32 to index
        %get3A_1665 = tpu.vector_load %arg8[%get3A_1663, %get3A_1664] {strides = array<i32>} : memref<400x128xf32, #tpu.memory_space<vmem>>, vector<1x16xf32>,
        %get3A_1666 = vector.shape_cast %get3A_1665 : vector<1x16xf32> to vector<16xf32>
        %add3A_1667 = arith.addf %add3A_1629, %get3A_1666 : vector<16xf32>
        %add3A_1668 = arith.constant 37 : i32
        %add3A_1669 = arith.addi %mul3A_204, %add3A_1668 : i32
        %add3A_1670 = arith.constant 48 : i32
        %add3A_1671 = arith.addi %squeeze3A_1640, %add3A_1670 : i32
        %get3A_1672 = arith.index_cast %add3A_1669 : i32 to index
        %get3A_1673 = arith.index_cast %add3A_1671 : i32 to index
        %get3A_1674 = tpu.vector_load %arg8[%get3A_1672, %get3A_1673] {strides = array<i32>} : memref<400x128xf32, #tpu.memory_space<vmem>>, vector<1x16xf32>,
        %get3A_1675 = vector.shape_cast %get3A_1674 : vector<1x16xf32> to vector<16xf32>
        %add3A_1676 = arith.addf %add3A_1638, %get3A_1675 : vector<16xf32>
        %slice3A_1677 = vector.extract_strided_slice %get3A_1448 {offsets = [6], sizes = [1], strides = [1]} : vector<16xi32> to vector<1xi32>
        %squeeze3A_1678 = vector.extract %slice3A_1677[0] : i32 from vector<1xi32>
        %add3A_1679 = arith.constant 38 : i32
        %add3A_1680 = arith.addi %mul3A_204, %add3A_1679 : i32
        %add3A_1681 = arith.constant 0 : i32
        %add3A_1682 = arith.addi %squeeze3A_1678, %add3A_1681 : i32
        %get3A_1683 = arith.index_cast %add3A_1680 : i32 to index
        %get3A_1684 = arith.index_cast %add3A_1682 : i32 to index
        %get3A_1685 = tpu.vector_load %arg8[%get3A_1683, %get3A_1684] {strides = array<i32>} : memref<400x128xf32, #tpu.memory_space<vmem>>, vector<1x16xf32>,
        %get3A_1686 = vector.shape_cast %get3A_1685 : vector<1x16xf32> to vector<16xf32>
        %add3A_1687 = arith.addf %add3A_1649, %get3A_1686 : vector<16xf32>
        %add3A_1688 = arith.constant 38 : i32
        %add3A_1689 = arith.addi %mul3A_204, %add3A_1688 : i32
        %add3A_1690 = arith.constant 16 : i32
        %add3A_1691 = arith.addi %squeeze3A_1678, %add3A_1690 : i32
        %get3A_1692 = arith.index_cast %add3A_1689 : i32 to index
        %get3A_1693 = arith.index_cast %add3A_1691 : i32 to index
        %get3A_1694 = tpu.vector_load %arg8[%get3A_1692, %get3A_1693] {strides = array<i32>} : memref<400x128xf32, #tpu.memory_space<vmem>>, vector<1x16xf32>,
        %get3A_1695 = vector.shape_cast %get3A_1694 : vector<1x16xf32> to vector<16xf32>
        %add3A_1696 = arith.addf %add3A_1658, %get3A_1695 : vector<16xf32>
        %add3A_1697 = arith.constant 38 : i32
        %add3A_1698 = arith.addi %mul3A_204, %add3A_1697 : i32
        %add3A_1699 = arith.constant 32 : i32
        %add3A_1700 = arith.addi %squeeze3A_1678, %add3A_1699 : i32
        %get3A_1701 = arith.index_cast %add3A_1698 : i32 to index
        %get3A_1702 = arith.index_cast %add3A_1700 : i32 to index
        %get3A_1703 = tpu.vector_load %arg8[%get3A_1701, %get3A_1702] {strides = array<i32>} : memref<400x128xf32, #tpu.memory_space<vmem>>, vector<1x16xf32>,
        %get3A_1704 = vector.shape_cast %get3A_1703 : vector<1x16xf32> to vector<16xf32>
        %add3A_1705 = arith.addf %add3A_1667, %get3A_1704 : vector<16xf32>
        %add3A_1706 = arith.constant 38 : i32
        %add3A_1707 = arith.addi %mul3A_204, %add3A_1706 : i32
        %add3A_1708 = arith.constant 48 : i32
        %add3A_1709 = arith.addi %squeeze3A_1678, %add3A_1708 : i32
        %get3A_1710 = arith.index_cast %add3A_1707 : i32 to index
        %get3A_1711 = arith.index_cast %add3A_1709 : i32 to index
        %get3A_1712 = tpu.vector_load %arg8[%get3A_1710, %get3A_1711] {strides = array<i32>} : memref<400x128xf32, #tpu.memory_space<vmem>>, vector<1x16xf32>,
        %get3A_1713 = vector.shape_cast %get3A_1712 : vector<1x16xf32> to vector<16xf32>
        %add3A_1714 = arith.addf %add3A_1676, %get3A_1713 : vector<16xf32>
        %slice3A_1715 = vector.extract_strided_slice %get3A_1448 {offsets = [7], sizes = [1], strides = [1]} : vector<16xi32> to vector<1xi32>
        %squeeze3A_1716 = vector.extract %slice3A_1715[0] : i32 from vector<1xi32>
        %add3A_1717 = arith.constant 39 : i32
        %add3A_1718 = arith.addi %mul3A_204, %add3A_1717 : i32
        %add3A_1719 = arith.constant 0 : i32
        %add3A_1720 = arith.addi %squeeze3A_1716, %add3A_1719 : i32
        %get3A_1721 = arith.index_cast %add3A_1718 : i32 to index
        %get3A_1722 = arith.index_cast %add3A_1720 : i32 to index
        %get3A_1723 = tpu.vector_load %arg8[%get3A_1721, %get3A_1722] {strides = array<i32>} : memref<400x128xf32, #tpu.memory_space<vmem>>, vector<1x16xf32>,
        %get3A_1724 = vector.shape_cast %get3A_1723 : vector<1x16xf32> to vector<16xf32>
        %add3A_1725 = arith.addf %add3A_1687, %get3A_1724 : vector<16xf32>
        %add3A_1726 = arith.constant 39 : i32
        %add3A_1727 = arith.addi %mul3A_204, %add3A_1726 : i32
        %add3A_1728 = arith.constant 16 : i32
        %add3A_1729 = arith.addi %squeeze3A_1716, %add3A_1728 : i32
        %get3A_1730 = arith.index_cast %add3A_1727 : i32 to index
        %get3A_1731 = arith.index_cast %add3A_1729 : i32 to index
        %get3A_1732 = tpu.vector_load %arg8[%get3A_1730, %get3A_1731] {strides = array<i32>} : memref<400x128xf32, #tpu.memory_space<vmem>>, vector<1x16xf32>,
        %get3A_1733 = vector.shape_cast %get3A_1732 : vector<1x16xf32> to vector<16xf32>
        %add3A_1734 = arith.addf %add3A_1696, %get3A_1733 : vector<16xf32>
        %add3A_1735 = arith.constant 39 : i32
        %add3A_1736 = arith.addi %mul3A_204, %add3A_1735 : i32
        %add3A_1737 = arith.constant 32 : i32
        %add3A_1738 = arith.addi %squeeze3A_1716, %add3A_1737 : i32
        %get3A_1739 = arith.index_cast %add3A_1736 : i32 to index
        %get3A_1740 = arith.index_cast %add3A_1738 : i32 to index
        %get3A_1741 = tpu.vector_load %arg8[%get3A_1739, %get3A_1740] {strides = array<i32>} : memref<400x128xf32, #tpu.memory_space<vmem>>, vector<1x16xf32>,
        %get3A_1742 = vector.shape_cast %get3A_1741 : vector<1x16xf32> to vector<16xf32>
        %add3A_1743 = arith.addf %add3A_1705, %get3A_1742 : vector<16xf32>
        %add3A_1744 = arith.constant 39 : i32
        %add3A_1745 = arith.addi %mul3A_204, %add3A_1744 : i32
        %add3A_1746 = arith.constant 48 : i32
        %add3A_1747 = arith.addi %squeeze3A_1716, %add3A_1746 : i32
        %get3A_1748 = arith.index_cast %add3A_1745 : i32 to index
        %get3A_1749 = arith.index_cast %add3A_1747 : i32 to index
        %get3A_1750 = tpu.vector_load %arg8[%get3A_1748, %get3A_1749] {strides = array<i32>} : memref<400x128xf32, #tpu.memory_space<vmem>>, vector<1x16xf32>,
        %get3A_1751 = vector.shape_cast %get3A_1750 : vector<1x16xf32> to vector<16xf32>
        %add3A_1752 = arith.addf %add3A_1714, %get3A_1751 : vector<16xf32>
        %slice3A_1753 = vector.extract_strided_slice %get3A_1448 {offsets = [8], sizes = [1], strides = [1]} : vector<16xi32> to vector<1xi32>
        %squeeze3A_1754 = vector.extract %slice3A_1753[0] : i32 from vector<1xi32>
        %add3A_1755 = arith.constant 40 : i32
        %add3A_1756 = arith.addi %mul3A_204, %add3A_1755 : i32
        %add3A_1757 = arith.constant 0 : i32
        %add3A_1758 = arith.addi %squeeze3A_1754, %add3A_1757 : i32
        %get3A_1759 = arith.index_cast %add3A_1756 : i32 to index
        %get3A_1760 = arith.index_cast %add3A_1758 : i32 to index
        %get3A_1761 = tpu.vector_load %arg8[%get3A_1759, %get3A_1760] {strides = array<i32>} : memref<400x128xf32, #tpu.memory_space<vmem>>, vector<1x16xf32>,
        %get3A_1762 = vector.shape_cast %get3A_1761 : vector<1x16xf32> to vector<16xf32>
        %add3A_1763 = arith.addf %add3A_1725, %get3A_1762 : vector<16xf32>
        %add3A_1764 = arith.constant 40 : i32
        %add3A_1765 = arith.addi %mul3A_204, %add3A_1764 : i32
        %add3A_1766 = arith.constant 16 : i32
        %add3A_1767 = arith.addi %squeeze3A_1754, %add3A_1766 : i32
        %get3A_1768 = arith.index_cast %add3A_1765 : i32 to index
        %get3A_1769 = arith.index_cast %add3A_1767 : i32 to index
        %get3A_1770 = tpu.vector_load %arg8[%get3A_1768, %get3A_1769] {strides = array<i32>} : memref<400x128xf32, #tpu.memory_space<vmem>>, vector<1x16xf32>,
        %get3A_1771 = vector.shape_cast %get3A_1770 : vector<1x16xf32> to vector<16xf32>
        %add3A_1772 = arith.addf %add3A_1734, %get3A_1771 : vector<16xf32>
        %add3A_1773 = arith.constant 40 : i32
        %add3A_1774 = arith.addi %mul3A_204, %add3A_1773 : i32
        %add3A_1775 = arith.constant 32 : i32
        %add3A_1776 = arith.addi %squeeze3A_1754, %add3A_1775 : i32
        %get3A_1777 = arith.index_cast %add3A_1774 : i32 to index
        %get3A_1778 = arith.index_cast %add3A_1776 : i32 to index
        %get3A_1779 = tpu.vector_load %arg8[%get3A_1777, %get3A_1778] {strides = array<i32>} : memref<400x128xf32, #tpu.memory_space<vmem>>, vector<1x16xf32>,
        %get3A_1780 = vector.shape_cast %get3A_1779 : vector<1x16xf32> to vector<16xf32>
        %add3A_1781 = arith.addf %add3A_1743, %get3A_1780 : vector<16xf32>
        %add3A_1782 = arith.constant 40 : i32
        %add3A_1783 = arith.addi %mul3A_204, %add3A_1782 : i32
        %add3A_1784 = arith.constant 48 : i32
        %add3A_1785 = arith.addi %squeeze3A_1754, %add3A_1784 : i32
        %get3A_1786 = arith.index_cast %add3A_1783 : i32 to index
        %get3A_1787 = arith.index_cast %add3A_1785 : i32 to index
        %get3A_1788 = tpu.vector_load %arg8[%get3A_1786, %get3A_1787] {strides = array<i32>} : memref<400x128xf32, #tpu.memory_space<vmem>>, vector<1x16xf32>,
        %get3A_1789 = vector.shape_cast %get3A_1788 : vector<1x16xf32> to vector<16xf32>
        %add3A_1790 = arith.addf %add3A_1752, %get3A_1789 : vector<16xf32>
        %slice3A_1791 = vector.extract_strided_slice %get3A_1448 {offsets = [9], sizes = [1], strides = [1]} : vector<16xi32> to vector<1xi32>
        %squeeze3A_1792 = vector.extract %slice3A_1791[0] : i32 from vector<1xi32>
        %add3A_1793 = arith.constant 41 : i32
        %add3A_1794 = arith.addi %mul3A_204, %add3A_1793 : i32
        %add3A_1795 = arith.constant 0 : i32
        %add3A_1796 = arith.addi %squeeze3A_1792, %add3A_1795 : i32
        %get3A_1797 = arith.index_cast %add3A_1794 : i32 to index
        %get3A_1798 = arith.index_cast %add3A_1796 : i32 to index
        %get3A_1799 = tpu.vector_load %arg8[%get3A_1797, %get3A_1798] {strides = array<i32>} : memref<400x128xf32, #tpu.memory_space<vmem>>, vector<1x16xf32>,
        %get3A_1800 = vector.shape_cast %get3A_1799 : vector<1x16xf32> to vector<16xf32>
        %add3A_1801 = arith.addf %add3A_1763, %get3A_1800 : vector<16xf32>
        %add3A_1802 = arith.constant 41 : i32
        %add3A_1803 = arith.addi %mul3A_204, %add3A_1802 : i32
        %add3A_1804 = arith.constant 16 : i32
        %add3A_1805 = arith.addi %squeeze3A_1792, %add3A_1804 : i32
        %get3A_1806 = arith.index_cast %add3A_1803 : i32 to index
        %get3A_1807 = arith.index_cast %add3A_1805 : i32 to index
        %get3A_1808 = tpu.vector_load %arg8[%get3A_1806, %get3A_1807] {strides = array<i32>} : memref<400x128xf32, #tpu.memory_space<vmem>>, vector<1x16xf32>,
        %get3A_1809 = vector.shape_cast %get3A_1808 : vector<1x16xf32> to vector<16xf32>
        %add3A_1810 = arith.addf %add3A_1772, %get3A_1809 : vector<16xf32>
        %add3A_1811 = arith.constant 41 : i32
        %add3A_1812 = arith.addi %mul3A_204, %add3A_1811 : i32
        %add3A_1813 = arith.constant 32 : i32
        %add3A_1814 = arith.addi %squeeze3A_1792, %add3A_1813 : i32
        %get3A_1815 = arith.index_cast %add3A_1812 : i32 to index
        %get3A_1816 = arith.index_cast %add3A_1814 : i32 to index
        %get3A_1817 = tpu.vector_load %arg8[%get3A_1815, %get3A_1816] {strides = array<i32>} : memref<400x128xf32, #tpu.memory_space<vmem>>, vector<1x16xf32>,
        %get3A_1818 = vector.shape_cast %get3A_1817 : vector<1x16xf32> to vector<16xf32>
        %add3A_1819 = arith.addf %add3A_1781, %get3A_1818 : vector<16xf32>
        %add3A_1820 = arith.constant 41 : i32
        %add3A_1821 = arith.addi %mul3A_204, %add3A_1820 : i32
        %add3A_1822 = arith.constant 48 : i32
        %add3A_1823 = arith.addi %squeeze3A_1792, %add3A_1822 : i32
        %get3A_1824 = arith.index_cast %add3A_1821 : i32 to index
        %get3A_1825 = arith.index_cast %add3A_1823 : i32 to index
        %get3A_1826 = tpu.vector_load %arg8[%get3A_1824, %get3A_1825] {strides = array<i32>} : memref<400x128xf32, #tpu.memory_space<vmem>>, vector<1x16xf32>,
        %get3A_1827 = vector.shape_cast %get3A_1826 : vector<1x16xf32> to vector<16xf32>
        %add3A_1828 = arith.addf %add3A_1790, %get3A_1827 : vector<16xf32>
        %slice3A_1829 = vector.extract_strided_slice %get3A_1448 {offsets = [10], sizes = [1], strides = [1]} : vector<16xi32> to vector<1xi32>
        %squeeze3A_1830 = vector.extract %slice3A_1829[0] : i32 from vector<1xi32>
        %add3A_1831 = arith.constant 42 : i32
        %add3A_1832 = arith.addi %mul3A_204, %add3A_1831 : i32
        %add3A_1833 = arith.constant 0 : i32
        %add3A_1834 = arith.addi %squeeze3A_1830, %add3A_1833 : i32
        %get3A_1835 = arith.index_cast %add3A_1832 : i32 to index
        %get3A_1836 = arith.index_cast %add3A_1834 : i32 to index
        %get3A_1837 = tpu.vector_load %arg8[%get3A_1835, %get3A_1836] {strides = array<i32>} : memref<400x128xf32, #tpu.memory_space<vmem>>, vector<1x16xf32>,
        %get3A_1838 = vector.shape_cast %get3A_1837 : vector<1x16xf32> to vector<16xf32>
        %add3A_1839 = arith.addf %add3A_1801, %get3A_1838 : vector<16xf32>
        %add3A_1840 = arith.constant 42 : i32
        %add3A_1841 = arith.addi %mul3A_204, %add3A_1840 : i32
        %add3A_1842 = arith.constant 16 : i32
        %add3A_1843 = arith.addi %squeeze3A_1830, %add3A_1842 : i32
        %get3A_1844 = arith.index_cast %add3A_1841 : i32 to index
        %get3A_1845 = arith.index_cast %add3A_1843 : i32 to index
        %get3A_1846 = tpu.vector_load %arg8[%get3A_1844, %get3A_1845] {strides = array<i32>} : memref<400x128xf32, #tpu.memory_space<vmem>>, vector<1x16xf32>,
        %get3A_1847 = vector.shape_cast %get3A_1846 : vector<1x16xf32> to vector<16xf32>
        %add3A_1848 = arith.addf %add3A_1810, %get3A_1847 : vector<16xf32>
        %add3A_1849 = arith.constant 42 : i32
        %add3A_1850 = arith.addi %mul3A_204, %add3A_1849 : i32
        %add3A_1851 = arith.constant 32 : i32
        %add3A_1852 = arith.addi %squeeze3A_1830, %add3A_1851 : i32
        %get3A_1853 = arith.index_cast %add3A_1850 : i32 to index
        %get3A_1854 = arith.index_cast %add3A_1852 : i32 to index
        %get3A_1855 = tpu.vector_load %arg8[%get3A_1853, %get3A_1854] {strides = array<i32>} : memref<400x128xf32, #tpu.memory_space<vmem>>, vector<1x16xf32>,
        %get3A_1856 = vector.shape_cast %get3A_1855 : vector<1x16xf32> to vector<16xf32>
        %add3A_1857 = arith.addf %add3A_1819, %get3A_1856 : vector<16xf32>
        %add3A_1858 = arith.constant 42 : i32
        %add3A_1859 = arith.addi %mul3A_204, %add3A_1858 : i32
        %add3A_1860 = arith.constant 48 : i32
        %add3A_1861 = arith.addi %squeeze3A_1830, %add3A_1860 : i32
        %get3A_1862 = arith.index_cast %add3A_1859 : i32 to index
        %get3A_1863 = arith.index_cast %add3A_1861 : i32 to index
        %get3A_1864 = tpu.vector_load %arg8[%get3A_1862, %get3A_1863] {strides = array<i32>} : memref<400x128xf32, #tpu.memory_space<vmem>>, vector<1x16xf32>,
        %get3A_1865 = vector.shape_cast %get3A_1864 : vector<1x16xf32> to vector<16xf32>
        %add3A_1866 = arith.addf %add3A_1828, %get3A_1865 : vector<16xf32>
        %slice3A_1867 = vector.extract_strided_slice %get3A_1448 {offsets = [11], sizes = [1], strides = [1]} : vector<16xi32> to vector<1xi32>
        %squeeze3A_1868 = vector.extract %slice3A_1867[0] : i32 from vector<1xi32>
        %add3A_1869 = arith.constant 43 : i32
        %add3A_1870 = arith.addi %mul3A_204, %add3A_1869 : i32
        %add3A_1871 = arith.constant 0 : i32
        %add3A_1872 = arith.addi %squeeze3A_1868, %add3A_1871 : i32
        %get3A_1873 = arith.index_cast %add3A_1870 : i32 to index
        %get3A_1874 = arith.index_cast %add3A_1872 : i32 to index
        %get3A_1875 = tpu.vector_load %arg8[%get3A_1873, %get3A_1874] {strides = array<i32>} : memref<400x128xf32, #tpu.memory_space<vmem>>, vector<1x16xf32>,
        %get3A_1876 = vector.shape_cast %get3A_1875 : vector<1x16xf32> to vector<16xf32>
        %add3A_1877 = arith.addf %add3A_1839, %get3A_1876 : vector<16xf32>
        %add3A_1878 = arith.constant 43 : i32
        %add3A_1879 = arith.addi %mul3A_204, %add3A_1878 : i32
        %add3A_1880 = arith.constant 16 : i32
        %add3A_1881 = arith.addi %squeeze3A_1868, %add3A_1880 : i32
        %get3A_1882 = arith.index_cast %add3A_1879 : i32 to index
        %get3A_1883 = arith.index_cast %add3A_1881 : i32 to index
        %get3A_1884 = tpu.vector_load %arg8[%get3A_1882, %get3A_1883] {strides = array<i32>} : memref<400x128xf32, #tpu.memory_space<vmem>>, vector<1x16xf32>,
        %get3A_1885 = vector.shape_cast %get3A_1884 : vector<1x16xf32> to vector<16xf32>
        %add3A_1886 = arith.addf %add3A_1848, %get3A_1885 : vector<16xf32>
        %add3A_1887 = arith.constant 43 : i32
        %add3A_1888 = arith.addi %mul3A_204, %add3A_1887 : i32
        %add3A_1889 = arith.constant 32 : i32
        %add3A_1890 = arith.addi %squeeze3A_1868, %add3A_1889 : i32
        %get3A_1891 = arith.index_cast %add3A_1888 : i32 to index
        %get3A_1892 = arith.index_cast %add3A_1890 : i32 to index
        %get3A_1893 = tpu.vector_load %arg8[%get3A_1891, %get3A_1892] {strides = array<i32>} : memref<400x128xf32, #tpu.memory_space<vmem>>, vector<1x16xf32>,
        %get3A_1894 = vector.shape_cast %get3A_1893 : vector<1x16xf32> to vector<16xf32>
        %add3A_1895 = arith.addf %add3A_1857, %get3A_1894 : vector<16xf32>
        %add3A_1896 = arith.constant 43 : i32
        %add3A_1897 = arith.addi %mul3A_204, %add3A_1896 : i32
        %add3A_1898 = arith.constant 48 : i32
        %add3A_1899 = arith.addi %squeeze3A_1868, %add3A_1898 : i32
        %get3A_1900 = arith.index_cast %add3A_1897 : i32 to index
        %get3A_1901 = arith.index_cast %add3A_1899 : i32 to index
        %get3A_1902 = tpu.vector_load %arg8[%get3A_1900, %get3A_1901] {strides = array<i32>} : memref<400x128xf32, #tpu.memory_space<vmem>>, vector<1x16xf32>,
        %get3A_1903 = vector.shape_cast %get3A_1902 : vector<1x16xf32> to vector<16xf32>
        %add3A_1904 = arith.addf %add3A_1866, %get3A_1903 : vector<16xf32>
        %slice3A_1905 = vector.extract_strided_slice %get3A_1448 {offsets = [12], sizes = [1], strides = [1]} : vector<16xi32> to vector<1xi32>
        %squeeze3A_1906 = vector.extract %slice3A_1905[0] : i32 from vector<1xi32>
        %add3A_1907 = arith.constant 44 : i32
        %add3A_1908 = arith.addi %mul3A_204, %add3A_1907 : i32
        %add3A_1909 = arith.constant 0 : i32
        %add3A_1910 = arith.addi %squeeze3A_1906, %add3A_1909 : i32
        %get3A_1911 = arith.index_cast %add3A_1908 : i32 to index
        %get3A_1912 = arith.index_cast %add3A_1910 : i32 to index
        %get3A_1913 = tpu.vector_load %arg8[%get3A_1911, %get3A_1912] {strides = array<i32>} : memref<400x128xf32, #tpu.memory_space<vmem>>, vector<1x16xf32>,
        %get3A_1914 = vector.shape_cast %get3A_1913 : vector<1x16xf32> to vector<16xf32>
        %add3A_1915 = arith.addf %add3A_1877, %get3A_1914 : vector<16xf32>
        %add3A_1916 = arith.constant 44 : i32
        %add3A_1917 = arith.addi %mul3A_204, %add3A_1916 : i32
        %add3A_1918 = arith.constant 16 : i32
        %add3A_1919 = arith.addi %squeeze3A_1906, %add3A_1918 : i32
        %get3A_1920 = arith.index_cast %add3A_1917 : i32 to index
        %get3A_1921 = arith.index_cast %add3A_1919 : i32 to index
        %get3A_1922 = tpu.vector_load %arg8[%get3A_1920, %get3A_1921] {strides = array<i32>} : memref<400x128xf32, #tpu.memory_space<vmem>>, vector<1x16xf32>,
        %get3A_1923 = vector.shape_cast %get3A_1922 : vector<1x16xf32> to vector<16xf32>
        %add3A_1924 = arith.addf %add3A_1886, %get3A_1923 : vector<16xf32>
        %add3A_1925 = arith.constant 44 : i32
        %add3A_1926 = arith.addi %mul3A_204, %add3A_1925 : i32
        %add3A_1927 = arith.constant 32 : i32
        %add3A_1928 = arith.addi %squeeze3A_1906, %add3A_1927 : i32
        %get3A_1929 = arith.index_cast %add3A_1926 : i32 to index
        %get3A_1930 = arith.index_cast %add3A_1928 : i32 to index
        %get3A_1931 = tpu.vector_load %arg8[%get3A_1929, %get3A_1930] {strides = array<i32>} : memref<400x128xf32, #tpu.memory_space<vmem>>, vector<1x16xf32>,
        %get3A_1932 = vector.shape_cast %get3A_1931 : vector<1x16xf32> to vector<16xf32>
        %add3A_1933 = arith.addf %add3A_1895, %get3A_1932 : vector<16xf32>
        %add3A_1934 = arith.constant 44 : i32
        %add3A_1935 = arith.addi %mul3A_204, %add3A_1934 : i32
        %add3A_1936 = arith.constant 48 : i32
        %add3A_1937 = arith.addi %squeeze3A_1906, %add3A_1936 : i32
        %get3A_1938 = arith.index_cast %add3A_1935 : i32 to index
        %get3A_1939 = arith.index_cast %add3A_1937 : i32 to index
        %get3A_1940 = tpu.vector_load %arg8[%get3A_1938, %get3A_1939] {strides = array<i32>} : memref<400x128xf32, #tpu.memory_space<vmem>>, vector<1x16xf32>,
        %get3A_1941 = vector.shape_cast %get3A_1940 : vector<1x16xf32> to vector<16xf32>
        %add3A_1942 = arith.addf %add3A_1904, %get3A_1941 : vector<16xf32>
        %slice3A_1943 = vector.extract_strided_slice %get3A_1448 {offsets = [13], sizes = [1], strides = [1]} : vector<16xi32> to vector<1xi32>
        %squeeze3A_1944 = vector.extract %slice3A_1943[0] : i32 from vector<1xi32>
        %add3A_1945 = arith.constant 45 : i32
        %add3A_1946 = arith.addi %mul3A_204, %add3A_1945 : i32
        %add3A_1947 = arith.constant 0 : i32
        %add3A_1948 = arith.addi %squeeze3A_1944, %add3A_1947 : i32
        %get3A_1949 = arith.index_cast %add3A_1946 : i32 to index
        %get3A_1950 = arith.index_cast %add3A_1948 : i32 to index
        %get3A_1951 = tpu.vector_load %arg8[%get3A_1949, %get3A_1950] {strides = array<i32>} : memref<400x128xf32, #tpu.memory_space<vmem>>, vector<1x16xf32>,
        %get3A_1952 = vector.shape_cast %get3A_1951 : vector<1x16xf32> to vector<16xf32>
        %add3A_1953 = arith.addf %add3A_1915, %get3A_1952 : vector<16xf32>
        %add3A_1954 = arith.constant 45 : i32
        %add3A_1955 = arith.addi %mul3A_204, %add3A_1954 : i32
        %add3A_1956 = arith.constant 16 : i32
        %add3A_1957 = arith.addi %squeeze3A_1944, %add3A_1956 : i32
        %get3A_1958 = arith.index_cast %add3A_1955 : i32 to index
        %get3A_1959 = arith.index_cast %add3A_1957 : i32 to index
        %get3A_1960 = tpu.vector_load %arg8[%get3A_1958, %get3A_1959] {strides = array<i32>} : memref<400x128xf32, #tpu.memory_space<vmem>>, vector<1x16xf32>,
        %get3A_1961 = vector.shape_cast %get3A_1960 : vector<1x16xf32> to vector<16xf32>
        %add3A_1962 = arith.addf %add3A_1924, %get3A_1961 : vector<16xf32>
        %add3A_1963 = arith.constant 45 : i32
        %add3A_1964 = arith.addi %mul3A_204, %add3A_1963 : i32
        %add3A_1965 = arith.constant 32 : i32
        %add3A_1966 = arith.addi %squeeze3A_1944, %add3A_1965 : i32
        %get3A_1967 = arith.index_cast %add3A_1964 : i32 to index
        %get3A_1968 = arith.index_cast %add3A_1966 : i32 to index
        %get3A_1969 = tpu.vector_load %arg8[%get3A_1967, %get3A_1968] {strides = array<i32>} : memref<400x128xf32, #tpu.memory_space<vmem>>, vector<1x16xf32>,
        %get3A_1970 = vector.shape_cast %get3A_1969 : vector<1x16xf32> to vector<16xf32>
        %add3A_1971 = arith.addf %add3A_1933, %get3A_1970 : vector<16xf32>
        %add3A_1972 = arith.constant 45 : i32
        %add3A_1973 = arith.addi %mul3A_204, %add3A_1972 : i32
        %add3A_1974 = arith.constant 48 : i32
        %add3A_1975 = arith.addi %squeeze3A_1944, %add3A_1974 : i32
        %get3A_1976 = arith.index_cast %add3A_1973 : i32 to index
        %get3A_1977 = arith.index_cast %add3A_1975 : i32 to index
        %get3A_1978 = tpu.vector_load %arg8[%get3A_1976, %get3A_1977] {strides = array<i32>} : memref<400x128xf32, #tpu.memory_space<vmem>>, vector<1x16xf32>,
        %get3A_1979 = vector.shape_cast %get3A_1978 : vector<1x16xf32> to vector<16xf32>
        %add3A_1980 = arith.addf %add3A_1942, %get3A_1979 : vector<16xf32>
        %slice3A_1981 = vector.extract_strided_slice %get3A_1448 {offsets = [14], sizes = [1], strides = [1]} : vector<16xi32> to vector<1xi32>
        %squeeze3A_1982 = vector.extract %slice3A_1981[0] : i32 from vector<1xi32>
        %add3A_1983 = arith.constant 46 : i32
        %add3A_1984 = arith.addi %mul3A_204, %add3A_1983 : i32
        %add3A_1985 = arith.constant 0 : i32
        %add3A_1986 = arith.addi %squeeze3A_1982, %add3A_1985 : i32
        %get3A_1987 = arith.index_cast %add3A_1984 : i32 to index
        %get3A_1988 = arith.index_cast %add3A_1986 : i32 to index
        %get3A_1989 = tpu.vector_load %arg8[%get3A_1987, %get3A_1988] {strides = array<i32>} : memref<400x128xf32, #tpu.memory_space<vmem>>, vector<1x16xf32>,
        %get3A_1990 = vector.shape_cast %get3A_1989 : vector<1x16xf32> to vector<16xf32>
        %add3A_1991 = arith.addf %add3A_1953, %get3A_1990 : vector<16xf32>
        %add3A_1992 = arith.constant 46 : i32
        %add3A_1993 = arith.addi %mul3A_204, %add3A_1992 : i32
        %add3A_1994 = arith.constant 16 : i32
        %add3A_1995 = arith.addi %squeeze3A_1982, %add3A_1994 : i32
        %get3A_1996 = arith.index_cast %add3A_1993 : i32 to index
        %get3A_1997 = arith.index_cast %add3A_1995 : i32 to index
        %get3A_1998 = tpu.vector_load %arg8[%get3A_1996, %get3A_1997] {strides = array<i32>} : memref<400x128xf32, #tpu.memory_space<vmem>>, vector<1x16xf32>,
        %get3A_1999 = vector.shape_cast %get3A_1998 : vector<1x16xf32> to vector<16xf32>
        %add3A_2000 = arith.addf %add3A_1962, %get3A_1999 : vector<16xf32>
        %add3A_2001 = arith.constant 46 : i32
        %add3A_2002 = arith.addi %mul3A_204, %add3A_2001 : i32
        %add3A_2003 = arith.constant 32 : i32
        %add3A_2004 = arith.addi %squeeze3A_1982, %add3A_2003 : i32
        %get3A_2005 = arith.index_cast %add3A_2002 : i32 to index
        %get3A_2006 = arith.index_cast %add3A_2004 : i32 to index
        %get3A_2007 = tpu.vector_load %arg8[%get3A_2005, %get3A_2006] {strides = array<i32>} : memref<400x128xf32, #tpu.memory_space<vmem>>, vector<1x16xf32>,
        %get3A_2008 = vector.shape_cast %get3A_2007 : vector<1x16xf32> to vector<16xf32>
        %add3A_2009 = arith.addf %add3A_1971, %get3A_2008 : vector<16xf32>
        %add3A_2010 = arith.constant 46 : i32
        %add3A_2011 = arith.addi %mul3A_204, %add3A_2010 : i32
        %add3A_2012 = arith.constant 48 : i32
        %add3A_2013 = arith.addi %squeeze3A_1982, %add3A_2012 : i32
        %get3A_2014 = arith.index_cast %add3A_2011 : i32 to index
        %get3A_2015 = arith.index_cast %add3A_2013 : i32 to index
        %get3A_2016 = tpu.vector_load %arg8[%get3A_2014, %get3A_2015] {strides = array<i32>} : memref<400x128xf32, #tpu.memory_space<vmem>>, vector<1x16xf32>,
        %get3A_2017 = vector.shape_cast %get3A_2016 : vector<1x16xf32> to vector<16xf32>
        %add3A_2018 = arith.addf %add3A_1980, %get3A_2017 : vector<16xf32>
        %slice3A_2019 = vector.extract_strided_slice %get3A_1448 {offsets = [15], sizes = [1], strides = [1]} : vector<16xi32> to vector<1xi32>
        %squeeze3A_2020 = vector.extract %slice3A_2019[0] : i32 from vector<1xi32>
        %add3A_2021 = arith.constant 47 : i32
        %add3A_2022 = arith.addi %mul3A_204, %add3A_2021 : i32
        %add3A_2023 = arith.constant 0 : i32
        %add3A_2024 = arith.addi %squeeze3A_2020, %add3A_2023 : i32
        %get3A_2025 = arith.index_cast %add3A_2022 : i32 to index
        %get3A_2026 = arith.index_cast %add3A_2024 : i32 to index
        %get3A_2027 = tpu.vector_load %arg8[%get3A_2025, %get3A_2026] {strides = array<i32>} : memref<400x128xf32, #tpu.memory_space<vmem>>, vector<1x16xf32>,
        %get3A_2028 = vector.shape_cast %get3A_2027 : vector<1x16xf32> to vector<16xf32>
        %add3A_2029 = arith.addf %add3A_1991, %get3A_2028 : vector<16xf32>
        %add3A_2030 = arith.constant 47 : i32
        %add3A_2031 = arith.addi %mul3A_204, %add3A_2030 : i32
        %add3A_2032 = arith.constant 16 : i32
        %add3A_2033 = arith.addi %squeeze3A_2020, %add3A_2032 : i32
        %get3A_2034 = arith.index_cast %add3A_2031 : i32 to index
        %get3A_2035 = arith.index_cast %add3A_2033 : i32 to index
        %get3A_2036 = tpu.vector_load %arg8[%get3A_2034, %get3A_2035] {strides = array<i32>} : memref<400x128xf32, #tpu.memory_space<vmem>>, vector<1x16xf32>,
        %get3A_2037 = vector.shape_cast %get3A_2036 : vector<1x16xf32> to vector<16xf32>
        %add3A_2038 = arith.addf %add3A_2000, %get3A_2037 : vector<16xf32>
        %add3A_2039 = arith.constant 47 : i32
        %add3A_2040 = arith.addi %mul3A_204, %add3A_2039 : i32
        %add3A_2041 = arith.constant 32 : i32
        %add3A_2042 = arith.addi %squeeze3A_2020, %add3A_2041 : i32
        %get3A_2043 = arith.index_cast %add3A_2040 : i32 to index
        %get3A_2044 = arith.index_cast %add3A_2042 : i32 to index
        %get3A_2045 = tpu.vector_load %arg8[%get3A_2043, %get3A_2044] {strides = array<i32>} : memref<400x128xf32, #tpu.memory_space<vmem>>, vector<1x16xf32>,
        %get3A_2046 = vector.shape_cast %get3A_2045 : vector<1x16xf32> to vector<16xf32>
        %add3A_2047 = arith.addf %add3A_2009, %get3A_2046 : vector<16xf32>
        %add3A_2048 = arith.constant 47 : i32
        %add3A_2049 = arith.addi %mul3A_204, %add3A_2048 : i32
        %add3A_2050 = arith.constant 48 : i32
        %add3A_2051 = arith.addi %squeeze3A_2020, %add3A_2050 : i32
        %get3A_2052 = arith.index_cast %add3A_2049 : i32 to index
        %get3A_2053 = arith.index_cast %add3A_2051 : i32 to index
        %get3A_2054 = tpu.vector_load %arg8[%get3A_2052, %get3A_2053] {strides = array<i32>} : memref<400x128xf32, #tpu.memory_space<vmem>>, vector<1x16xf32>,
        %get3A_2055 = vector.shape_cast %get3A_2054 : vector<1x16xf32> to vector<16xf32>
        %add3A_2056 = arith.addf %add3A_2018, %get3A_2055 : vector<16xf32>
        %mul3A_2057 = arith.constant 64 : i32
        %mul3A_2058 = arith.muli %add3A_207, %mul3A_2057 : i32
        %add3A_2059 = arith.constant 48 : i32
        %add3A_2060 = arith.addi %mul3A_2058, %add3A_2059 : i32
        %get3A_2061 = arith.index_cast %add3A_2060 : i32 to index
        %get3A_2062 = tpu.vector_load %arg7[%get3A_2061] {strides = array<i32>} : memref<8192xi32, #tpu.memory_space<vmem>>, vector<16xi32>,
        %get3A_2063 = vector.shape_cast %get3A_2062 : vector<16xi32> to vector<16xi32>
        %slice3A_2064 = vector.extract_strided_slice %get3A_2063 {offsets = [0], sizes = [1], strides = [1]} : vector<16xi32> to vector<1xi32>
        %squeeze3A_2065 = vector.extract %slice3A_2064[0] : i32 from vector<1xi32>
        %add3A_2066 = arith.constant 48 : i32
        %add3A_2067 = arith.addi %mul3A_204, %add3A_2066 : i32
        %add3A_2068 = arith.constant 0 : i32
        %add3A_2069 = arith.addi %squeeze3A_2065, %add3A_2068 : i32
        %get3A_2070 = arith.index_cast %add3A_2067 : i32 to index
        %get3A_2071 = arith.index_cast %add3A_2069 : i32 to index
        %get3A_2072 = tpu.vector_load %arg8[%get3A_2070, %get3A_2071] {strides = array<i32>} : memref<400x128xf32, #tpu.memory_space<vmem>>, vector<1x16xf32>,
        %get3A_2073 = vector.shape_cast %get3A_2072 : vector<1x16xf32> to vector<16xf32>
        %add3A_2074 = arith.addf %add3A_2029, %get3A_2073 : vector<16xf32>
        %add3A_2075 = arith.constant 48 : i32
        %add3A_2076 = arith.addi %mul3A_204, %add3A_2075 : i32
        %add3A_2077 = arith.constant 16 : i32
        %add3A_2078 = arith.addi %squeeze3A_2065, %add3A_2077 : i32
        %get3A_2079 = arith.index_cast %add3A_2076 : i32 to index
        %get3A_2080 = arith.index_cast %add3A_2078 : i32 to index
        %get3A_2081 = tpu.vector_load %arg8[%get3A_2079, %get3A_2080] {strides = array<i32>} : memref<400x128xf32, #tpu.memory_space<vmem>>, vector<1x16xf32>,
        %get3A_2082 = vector.shape_cast %get3A_2081 : vector<1x16xf32> to vector<16xf32>
        %add3A_2083 = arith.addf %add3A_2038, %get3A_2082 : vector<16xf32>
        %add3A_2084 = arith.constant 48 : i32
        %add3A_2085 = arith.addi %mul3A_204, %add3A_2084 : i32
        %add3A_2086 = arith.constant 32 : i32
        %add3A_2087 = arith.addi %squeeze3A_2065, %add3A_2086 : i32
        %get3A_2088 = arith.index_cast %add3A_2085 : i32 to index
        %get3A_2089 = arith.index_cast %add3A_2087 : i32 to index
        %get3A_2090 = tpu.vector_load %arg8[%get3A_2088, %get3A_2089] {strides = array<i32>} : memref<400x128xf32, #tpu.memory_space<vmem>>, vector<1x16xf32>,
        %get3A_2091 = vector.shape_cast %get3A_2090 : vector<1x16xf32> to vector<16xf32>
        %add3A_2092 = arith.addf %add3A_2047, %get3A_2091 : vector<16xf32>
        %add3A_2093 = arith.constant 48 : i32
        %add3A_2094 = arith.addi %mul3A_204, %add3A_2093 : i32
        %add3A_2095 = arith.constant 48 : i32
        %add3A_2096 = arith.addi %squeeze3A_2065, %add3A_2095 : i32
        %get3A_2097 = arith.index_cast %add3A_2094 : i32 to index
        %get3A_2098 = arith.index_cast %add3A_2096 : i32 to index
        %get3A_2099 = tpu.vector_load %arg8[%get3A_2097, %get3A_2098] {strides = array<i32>} : memref<400x128xf32, #tpu.memory_space<vmem>>, vector<1x16xf32>,
        %get3A_2100 = vector.shape_cast %get3A_2099 : vector<1x16xf32> to vector<16xf32>
        %add3A_2101 = arith.addf %add3A_2056, %get3A_2100 : vector<16xf32>
        %slice3A_2102 = vector.extract_strided_slice %get3A_2063 {offsets = [1], sizes = [1], strides = [1]} : vector<16xi32> to vector<1xi32>
        %squeeze3A_2103 = vector.extract %slice3A_2102[0] : i32 from vector<1xi32>
        %add3A_2104 = arith.constant 49 : i32
        %add3A_2105 = arith.addi %mul3A_204, %add3A_2104 : i32
        %add3A_2106 = arith.constant 0 : i32
        %add3A_2107 = arith.addi %squeeze3A_2103, %add3A_2106 : i32
        %get3A_2108 = arith.index_cast %add3A_2105 : i32 to index
        %get3A_2109 = arith.index_cast %add3A_2107 : i32 to index
        %get3A_2110 = tpu.vector_load %arg8[%get3A_2108, %get3A_2109] {strides = array<i32>} : memref<400x128xf32, #tpu.memory_space<vmem>>, vector<1x16xf32>,
        %get3A_2111 = vector.shape_cast %get3A_2110 : vector<1x16xf32> to vector<16xf32>
        %add3A_2112 = arith.addf %add3A_2074, %get3A_2111 : vector<16xf32>
        %add3A_2113 = arith.constant 49 : i32
        %add3A_2114 = arith.addi %mul3A_204, %add3A_2113 : i32
        %add3A_2115 = arith.constant 16 : i32
        %add3A_2116 = arith.addi %squeeze3A_2103, %add3A_2115 : i32
        %get3A_2117 = arith.index_cast %add3A_2114 : i32 to index
        %get3A_2118 = arith.index_cast %add3A_2116 : i32 to index
        %get3A_2119 = tpu.vector_load %arg8[%get3A_2117, %get3A_2118] {strides = array<i32>} : memref<400x128xf32, #tpu.memory_space<vmem>>, vector<1x16xf32>,
        %get3A_2120 = vector.shape_cast %get3A_2119 : vector<1x16xf32> to vector<16xf32>
        %add3A_2121 = arith.addf %add3A_2083, %get3A_2120 : vector<16xf32>
        %add3A_2122 = arith.constant 49 : i32
        %add3A_2123 = arith.addi %mul3A_204, %add3A_2122 : i32
        %add3A_2124 = arith.constant 32 : i32
        %add3A_2125 = arith.addi %squeeze3A_2103, %add3A_2124 : i32
        %get3A_2126 = arith.index_cast %add3A_2123 : i32 to index
        %get3A_2127 = arith.index_cast %add3A_2125 : i32 to index
        %get3A_2128 = tpu.vector_load %arg8[%get3A_2126, %get3A_2127] {strides = array<i32>} : memref<400x128xf32, #tpu.memory_space<vmem>>, vector<1x16xf32>,
        %get3A_2129 = vector.shape_cast %get3A_2128 : vector<1x16xf32> to vector<16xf32>
        %add3A_2130 = arith.addf %add3A_2092, %get3A_2129 : vector<16xf32>
        %add3A_2131 = arith.constant 49 : i32
        %add3A_2132 = arith.addi %mul3A_204, %add3A_2131 : i32
        %add3A_2133 = arith.constant 48 : i32
        %add3A_2134 = arith.addi %squeeze3A_2103, %add3A_2133 : i32
        %get3A_2135 = arith.index_cast %add3A_2132 : i32 to index
        %get3A_2136 = arith.index_cast %add3A_2134 : i32 to index
        %get3A_2137 = tpu.vector_load %arg8[%get3A_2135, %get3A_2136] {strides = array<i32>} : memref<400x128xf32, #tpu.memory_space<vmem>>, vector<1x16xf32>,
        %get3A_2138 = vector.shape_cast %get3A_2137 : vector<1x16xf32> to vector<16xf32>
        %add3A_2139 = arith.addf %add3A_2101, %get3A_2138 : vector<16xf32>
        %shift_right_arithmetic3A = arith.constant 1 : i32
        %shift_right_arithmetic3A_2140 = arith.shrsi %add3A_207, %shift_right_arithmetic3A : i32
        %and3A = arith.constant 1 : i32
        %and3A_2141 = arith.andi %add3A_207, %and3A : i32
        %mul3A_2142 = arith.constant 64 : i32
        %mul3A_2143 = arith.muli %and3A_2141, %mul3A_2142 : i32
        %mul3A_2144 = arith.constant 2.000000e-02 : f32
        %mul3A_2145 = vector.broadcast %mul3A_2144 : f32 to vector<16xf32>
        %mul3A_2146 = arith.mulf %add3A_2112, %mul3A_2145 : vector<16xf32>
        %add3A_2147 = arith.constant 0 : i32
        %add3A_2148 = arith.addi %mul3A_2143, %add3A_2147 : i32
        %swap3A = arith.index_cast %shift_right_arithmetic3A_2140 : i32 to index
        %swap3A_2149 = arith.index_cast %add3A_2148 : i32 to index
        %swap3A_2150 = tpu.vector_load %arg10[%swap3A, %swap3A_2149] {strides = array<i32>} : memref<64x128xf32, #tpu.memory_space<vmem>>, vector<1x16xf32>,
        %swap3A_2151 = vector.shape_cast %swap3A_2150 : vector<1x16xf32> to vector<16xf32>
        %swap3A_2152 = vector.shape_cast %mul3A_2146 : vector<16xf32> to vector<1x16xf32>
        tpu.vector_store %arg10[%swap3A, %swap3A_2149], %swap3A_2152 {strides = array<i32>} : memref<64x128xf32, #tpu.memory_space<vmem>>, vector<1x16xf32>,
        %mul3A_2153 = arith.constant 2.000000e-02 : f32
        %mul3A_2154 = vector.broadcast %mul3A_2153 : f32 to vector<16xf32>
        %mul3A_2155 = arith.mulf %add3A_2121, %mul3A_2154 : vector<16xf32>
        %add3A_2156 = arith.constant 16 : i32
        %add3A_2157 = arith.addi %mul3A_2143, %add3A_2156 : i32
        %swap3A_2158 = arith.index_cast %shift_right_arithmetic3A_2140 : i32 to index
        %swap3A_2159 = arith.index_cast %add3A_2157 : i32 to index
        %swap3A_2160 = tpu.vector_load %arg10[%swap3A_2158, %swap3A_2159] {strides = array<i32>} : memref<64x128xf32, #tpu.memory_space<vmem>>, vector<1x16xf32>,
        %swap3A_2161 = vector.shape_cast %swap3A_2160 : vector<1x16xf32> to vector<16xf32>
        %swap3A_2162 = vector.shape_cast %mul3A_2155 : vector<16xf32> to vector<1x16xf32>
        tpu.vector_store %arg10[%swap3A_2158, %swap3A_2159], %swap3A_2162 {strides = array<i32>} : memref<64x128xf32, #tpu.memory_space<vmem>>, vector<1x16xf32>,
        %mul3A_2163 = arith.constant 2.000000e-02 : f32
        %mul3A_2164 = vector.broadcast %mul3A_2163 : f32 to vector<16xf32>
        %mul3A_2165 = arith.mulf %add3A_2130, %mul3A_2164 : vector<16xf32>
        %add3A_2166 = arith.constant 32 : i32
        %add3A_2167 = arith.addi %mul3A_2143, %add3A_2166 : i32
        %swap3A_2168 = arith.index_cast %shift_right_arithmetic3A_2140 : i32 to index
        %swap3A_2169 = arith.index_cast %add3A_2167 : i32 to index
        %swap3A_2170 = tpu.vector_load %arg10[%swap3A_2168, %swap3A_2169] {strides = array<i32>} : memref<64x128xf32, #tpu.memory_space<vmem>>, vector<1x16xf32>,
        %swap3A_2171 = vector.shape_cast %swap3A_2170 : vector<1x16xf32> to vector<16xf32>
        %swap3A_2172 = vector.shape_cast %mul3A_2165 : vector<16xf32> to vector<1x16xf32>
        tpu.vector_store %arg10[%swap3A_2168, %swap3A_2169], %swap3A_2172 {strides = array<i32>} : memref<64x128xf32, #tpu.memory_space<vmem>>, vector<1x16xf32>,
        %mul3A_2173 = arith.constant 2.000000e-02 : f32
        %mul3A_2174 = vector.broadcast %mul3A_2173 : f32 to vector<16xf32>
        %mul3A_2175 = arith.mulf %add3A_2139, %mul3A_2174 : vector<16xf32>
        %add3A_2176 = arith.constant 48 : i32
        %add3A_2177 = arith.addi %mul3A_2143, %add3A_2176 : i32
        %swap3A_2178 = arith.index_cast %shift_right_arithmetic3A_2140 : i32 to index
        %swap3A_2179 = arith.index_cast %add3A_2177 : i32 to index
        %swap3A_2180 = tpu.vector_load %arg10[%swap3A_2178, %swap3A_2179] {strides = array<i32>} : memref<64x128xf32, #tpu.memory_space<vmem>>, vector<1x16xf32>,
        %swap3A_2181 = vector.shape_cast %swap3A_2180 : vector<1x16xf32> to vector<16xf32>
        %swap3A_2182 = vector.shape_cast %mul3A_2175 : vector<16xf32> to vector<1x16xf32>
        tpu.vector_store %arg10[%swap3A_2178, %swap3A_2179], %swap3A_2182 {strides = array<i32>} : memref<64x128xf32, #tpu.memory_space<vmem>>, vector<1x16xf32>,
      }
      %scan3A_140 = arith.constant 8 : i32
      %add3A_141 = arith.constant 2 : i32
      %add3A_142 = arith.addi %add3A_95, %add3A_141 : i32
      %lt3A = arith.constant 16 : i32
      %lt3A_143 = arith.cmpi slt, %add3A_142, %lt3A : i32
      %convert_element_type3A = arith.extui %lt3A_143 : i1 to i32
      %cond3A = arith.constant 0 : i32
      %cond3A_144 = arith.cmpi ne, %convert_element_type3A, %cond3A : i32
      scf.if %cond3A_144 {
        %add3A_202 = arith.constant 2 : i32
        %add3A_203 = arith.addi %add3A_95, %add3A_202 : i32
        %mul3A_204 = arith.constant 400 : i32
        %mul3A_205 = arith.muli %add3A_203, %mul3A_204 : i32
        %add3A_206 = arith.constant 0 : i32
        %add3A_207 = arith.addi %mul3A_205, %add3A_206 : i32
        %dma_start3A_208 = arith.constant 0 : i32
        %dma_start3A_209 = arith.constant 0 : i32
        %dma_start3A_210 = tpu.memref_slice %arg8[%dma_start3A_208, %dma_start3A_209] : memref<400x128xf32, #tpu.memory_space<vmem>> -> memref<80x128xf32, #tpu.memory_space<vmem>>
        %dma_start3A_211 = tpu.memref_slice %arg6[%add3A_207] : memref<6400xi32, #tpu.memory_space<vmem>> -> memref<80xi32, #tpu.memory_space<vmem>>
        %dma_start3A_212 = arith.constant 0 : i32
        %dma_start3A_213 = arith.constant 0 : i32
        %dma_start3A_214 = tpu.memref_slice %arg4[%dma_start3A_212, %dma_start3A_213] : memref<500000x128xf32, #tpu.memory_space<hbm>> -> memref<500000x128xf32, #tpu.memory_space<hbm>>
        tpu.enqueue_indirect_dma source(%dma_start3A_214 : memref<500000x128xf32, #tpu.memory_space<hbm>>) target(%dma_start3A_210 : memref<80x128xf32, #tpu.memory_space<vmem>>) offsets(%dma_start3A_211 : memref<80xi32, #tpu.memory_space<vmem>>) semaphore(%arg11 : memref<!tpu.dma_semaphore, #tpu.memory_space<semaphore_mem>>)
        %add3A_215 = arith.constant 80 : i32
        %add3A_216 = arith.addi %mul3A_205, %add3A_215 : i32
        %dma_start3A_217 = arith.constant 80 : i32
        %dma_start3A_218 = arith.constant 0 : i32
        %dma_start3A_219 = tpu.memref_slice %arg8[%dma_start3A_217, %dma_start3A_218] : memref<400x128xf32, #tpu.memory_space<vmem>> -> memref<80x128xf32, #tpu.memory_space<vmem>>
        %dma_start3A_220 = tpu.memref_slice %arg6[%add3A_216] : memref<6400xi32, #tpu.memory_space<vmem>> -> memref<80xi32, #tpu.memory_space<vmem>>
        %dma_start3A_221 = arith.constant 0 : i32
        %dma_start3A_222 = arith.constant 0 : i32
        %dma_start3A_223 = tpu.memref_slice %arg4[%dma_start3A_221, %dma_start3A_222] : memref<500000x128xf32, #tpu.memory_space<hbm>> -> memref<500000x128xf32, #tpu.memory_space<hbm>>
        tpu.enqueue_indirect_dma source(%dma_start3A_223 : memref<500000x128xf32, #tpu.memory_space<hbm>>) target(%dma_start3A_219 : memref<80x128xf32, #tpu.memory_space<vmem>>) offsets(%dma_start3A_220 : memref<80xi32, #tpu.memory_space<vmem>>) semaphore(%arg11 : memref<!tpu.dma_semaphore, #tpu.memory_space<semaphore_mem>>)
        %add3A_224 = arith.constant 160 : i32
        %add3A_225 = arith.addi %mul3A_205, %add3A_224 : i32
        %dma_start3A_226 = arith.constant 160 : i32
        %dma_start3A_227 = arith.constant 0 : i32
        %dma_start3A_228 = tpu.memref_slice %arg8[%dma_start3A_226, %dma_start3A_227] : memref<400x128xf32, #tpu.memory_space<vmem>> -> memref<80x128xf32, #tpu.memory_space<vmem>>
        %dma_start3A_229 = tpu.memref_slice %arg6[%add3A_225] : memref<6400xi32, #tpu.memory_space<vmem>> -> memref<80xi32, #tpu.memory_space<vmem>>
        %dma_start3A_230 = arith.constant 0 : i32
        %dma_start3A_231 = arith.constant 0 : i32
        %dma_start3A_232 = tpu.memref_slice %arg4[%dma_start3A_230, %dma_start3A_231] : memref<500000x128xf32, #tpu.memory_space<hbm>> -> memref<500000x128xf32, #tpu.memory_space<hbm>>
        tpu.enqueue_indirect_dma source(%dma_start3A_232 : memref<500000x128xf32, #tpu.memory_space<hbm>>) target(%dma_start3A_228 : memref<80x128xf32, #tpu.memory_space<vmem>>) offsets(%dma_start3A_229 : memref<80xi32, #tpu.memory_space<vmem>>) semaphore(%arg11 : memref<!tpu.dma_semaphore, #tpu.memory_space<semaphore_mem>>)
        %add3A_233 = arith.constant 240 : i32
        %add3A_234 = arith.addi %mul3A_205, %add3A_233 : i32
        %dma_start3A_235 = arith.constant 240 : i32
        %dma_start3A_236 = arith.constant 0 : i32
        %dma_start3A_237 = tpu.memref_slice %arg8[%dma_start3A_235, %dma_start3A_236] : memref<400x128xf32, #tpu.memory_space<vmem>> -> memref<80x128xf32, #tpu.memory_space<vmem>>
        %dma_start3A_238 = tpu.memref_slice %arg6[%add3A_234] : memref<6400xi32, #tpu.memory_space<vmem>> -> memref<80xi32, #tpu.memory_space<vmem>>
        %dma_start3A_239 = arith.constant 0 : i32
        %dma_start3A_240 = arith.constant 0 : i32
        %dma_start3A_241 = tpu.memref_slice %arg4[%dma_start3A_239, %dma_start3A_240] : memref<500000x128xf32, #tpu.memory_space<hbm>> -> memref<500000x128xf32, #tpu.memory_space<hbm>>
        tpu.enqueue_indirect_dma source(%dma_start3A_241 : memref<500000x128xf32, #tpu.memory_space<hbm>>) target(%dma_start3A_237 : memref<80x128xf32, #tpu.memory_space<vmem>>) offsets(%dma_start3A_238 : memref<80xi32, #tpu.memory_space<vmem>>) semaphore(%arg11 : memref<!tpu.dma_semaphore, #tpu.memory_space<semaphore_mem>>)
        %add3A_242 = arith.constant 320 : i32
        %add3A_243 = arith.addi %mul3A_205, %add3A_242 : i32
        %dma_start3A_244 = arith.constant 320 : i32
        %dma_start3A_245 = arith.constant 0 : i32
        %dma_start3A_246 = tpu.memref_slice %arg8[%dma_start3A_244, %dma_start3A_245] : memref<400x128xf32, #tpu.memory_space<vmem>> -> memref<80x128xf32, #tpu.memory_space<vmem>>
        %dma_start3A_247 = tpu.memref_slice %arg6[%add3A_243] : memref<6400xi32, #tpu.memory_space<vmem>> -> memref<80xi32, #tpu.memory_space<vmem>>
        %dma_start3A_248 = arith.constant 0 : i32
        %dma_start3A_249 = arith.constant 0 : i32
        %dma_start3A_250 = tpu.memref_slice %arg4[%dma_start3A_248, %dma_start3A_249] : memref<500000x128xf32, #tpu.memory_space<hbm>> -> memref<500000x128xf32, #tpu.memory_space<hbm>>
        tpu.enqueue_indirect_dma source(%dma_start3A_250 : memref<500000x128xf32, #tpu.memory_space<hbm>>) target(%dma_start3A_246 : memref<80x128xf32, #tpu.memory_space<vmem>>) offsets(%dma_start3A_247 : memref<80xi32, #tpu.memory_space<vmem>>) semaphore(%arg11 : memref<!tpu.dma_semaphore, #tpu.memory_space<semaphore_mem>>)
      } else {
      }
      %mul3A_145 = arith.constant 2 : i32
      %mul3A_146 = arith.muli %mul3A_145, %scan3A_91 : i32
      %add3A_147 = arith.constant 1 : i32
      %add3A_148 = arith.addi %mul3A_146, %add3A_147 : i32
      %dma_wait3A_149 = arith.constant 0 : i32
      %dma_wait3A_150 = arith.constant 0 : i32
      %dma_wait3A_151 = tpu.memref_slice %arg9[%dma_wait3A_149, %dma_wait3A_150] : memref<400x128xf32, #tpu.memory_space<vmem>> -> memref<80x128xf32, #tpu.memory_space<vmem>>
      %dma_wait3A_152 = arith.constant 0 : i32
      %dma_wait3A_153 = tpu.memref_slice %arg6[%dma_wait3A_152] : memref<6400xi32, #tpu.memory_space<vmem>> -> memref<80xi32, #tpu.memory_space<vmem>>
      %dma_wait3A_154 = arith.constant 0 : i32
      %dma_wait3A_155 = arith.constant 0 : i32
      %dma_wait3A_156 = tpu.memref_slice %arg4[%dma_wait3A_154, %dma_wait3A_155] : memref<500000x128xf32, #tpu.memory_space<hbm>> -> memref<500000x128xf32, #tpu.memory_space<hbm>>
      tpu.wait_indirect_dma semaphore(%arg12 : memref<!tpu.dma_semaphore, #tpu.memory_space<semaphore_mem>>) src(%dma_wait3A_156 : memref<500000x128xf32, #tpu.memory_space<hbm>>) dst(%dma_wait3A_151 : memref<80x128xf32, #tpu.memory_space<vmem>>)
      %dma_wait3A_157 = arith.constant 80 : i32
      %dma_wait3A_158 = arith.constant 0 : i32
      %dma_wait3A_159 = tpu.memref_slice %arg9[%dma_wait3A_157, %dma_wait3A_158] : memref<400x128xf32, #tpu.memory_space<vmem>> -> memref<80x128xf32, #tpu.memory_space<vmem>>
      %dma_wait3A_160 = arith.constant 80 : i32
      %dma_wait3A_161 = tpu.memref_slice %arg6[%dma_wait3A_160] : memref<6400xi32, #tpu.memory_space<vmem>> -> memref<80xi32, #tpu.memory_space<vmem>>
      %dma_wait3A_162 = arith.constant 0 : i32
      %dma_wait3A_163 = arith.constant 0 : i32
      %dma_wait3A_164 = tpu.memref_slice %arg4[%dma_wait3A_162, %dma_wait3A_163] : memref<500000x128xf32, #tpu.memory_space<hbm>> -> memref<500000x128xf32, #tpu.memory_space<hbm>>
      tpu.wait_indirect_dma semaphore(%arg12 : memref<!tpu.dma_semaphore, #tpu.memory_space<semaphore_mem>>) src(%dma_wait3A_164 : memref<500000x128xf32, #tpu.memory_space<hbm>>) dst(%dma_wait3A_159 : memref<80x128xf32, #tpu.memory_space<vmem>>)
      %dma_wait3A_165 = arith.constant 160 : i32
      %dma_wait3A_166 = arith.constant 0 : i32
      %dma_wait3A_167 = tpu.memref_slice %arg9[%dma_wait3A_165, %dma_wait3A_166] : memref<400x128xf32, #tpu.memory_space<vmem>> -> memref<80x128xf32, #tpu.memory_space<vmem>>
      %dma_wait3A_168 = arith.constant 160 : i32
      %dma_wait3A_169 = tpu.memref_slice %arg6[%dma_wait3A_168] : memref<6400xi32, #tpu.memory_space<vmem>> -> memref<80xi32, #tpu.memory_space<vmem>>
      %dma_wait3A_170 = arith.constant 0 : i32
      %dma_wait3A_171 = arith.constant 0 : i32
      %dma_wait3A_172 = tpu.memref_slice %arg4[%dma_wait3A_170, %dma_wait3A_171] : memref<500000x128xf32, #tpu.memory_space<hbm>> -> memref<500000x128xf32, #tpu.memory_space<hbm>>
      tpu.wait_indirect_dma semaphore(%arg12 : memref<!tpu.dma_semaphore, #tpu.memory_space<semaphore_mem>>) src(%dma_wait3A_172 : memref<500000x128xf32, #tpu.memory_space<hbm>>) dst(%dma_wait3A_167 : memref<80x128xf32, #tpu.memory_space<vmem>>)
      %dma_wait3A_173 = arith.constant 240 : i32
      %dma_wait3A_174 = arith.constant 0 : i32
      %dma_wait3A_175 = tpu.memref_slice %arg9[%dma_wait3A_173, %dma_wait3A_174] : memref<400x128xf32, #tpu.memory_space<vmem>> -> memref<80x128xf32, #tpu.memory_space<vmem>>
      %dma_wait3A_176 = arith.constant 240 : i32
      %dma_wait3A_177 = tpu.memref_slice %arg6[%dma_wait3A_176] : memref<6400xi32, #tpu.memory_space<vmem>> -> memref<80xi32, #tpu.memory_space<vmem>>
      %dma_wait3A_178 = arith.constant 0 : i32
      %dma_wait3A_179 = arith.constant 0 : i32
      %dma_wait3A_180 = tpu.memref_slice %arg4[%dma_wait3A_178, %dma_wait3A_179] : memref<500000x128xf32, #tpu.memory_space<hbm>> -> memref<500000x128xf32, #tpu.memory_space<hbm>>
      tpu.wait_indirect_dma semaphore(%arg12 : memref<!tpu.dma_semaphore, #tpu.memory_space<semaphore_mem>>) src(%dma_wait3A_180 : memref<500000x128xf32, #tpu.memory_space<hbm>>) dst(%dma_wait3A_175 : memref<80x128xf32, #tpu.memory_space<vmem>>)
      %dma_wait3A_181 = arith.constant 320 : i32
      %dma_wait3A_182 = arith.constant 0 : i32
      %dma_wait3A_183 = tpu.memref_slice %arg9[%dma_wait3A_181, %dma_wait3A_182] : memref<400x128xf32, #tpu.memory_space<vmem>> -> memref<80x128xf32, #tpu.memory_space<vmem>>
      %dma_wait3A_184 = arith.constant 320 : i32
      %dma_wait3A_185 = tpu.memref_slice %arg6[%dma_wait3A_184] : memref<6400xi32, #tpu.memory_space<vmem>> -> memref<80xi32, #tpu.memory_space<vmem>>
      %dma_wait3A_186 = arith.constant 0 : i32
      %dma_wait3A_187 = arith.constant 0 : i32
      %dma_wait3A_188 = tpu.memref_slice %arg4[%dma_wait3A_186, %dma_wait3A_187] : memref<500000x128xf32, #tpu.memory_space<hbm>> -> memref<500000x128xf32, #tpu.memory_space<hbm>>
      tpu.wait_indirect_dma semaphore(%arg12 : memref<!tpu.dma_semaphore, #tpu.memory_space<semaphore_mem>>) src(%dma_wait3A_188 : memref<500000x128xf32, #tpu.memory_space<hbm>>) dst(%dma_wait3A_183 : memref<80x128xf32, #tpu.memory_space<vmem>>)
      %scan3A_189 = arith.constant 0 : i32
      %scan3A_190 = arith.constant 0 : i32
      %scan3A_191 = arith.constant 8 : i32
      %scan3A_192 = arith.addi %scan3A_190, %scan3A_191 : i32
      %scan3A_193 = arith.constant 1 : i32
      scf.for %scan3A_202 = %scan3A_190 to %scan3A_192 step %scan3A_193  : i32 {
        %mul3A_203 = arith.constant 50 : i32
        %mul3A_204 = arith.muli %scan3A_202, %mul3A_203 : i32
        %mul3A_205 = arith.constant 8 : i32
        %mul3A_206 = arith.muli %add3A_148, %mul3A_205 : i32
        %add3A_207 = arith.addi %mul3A_206, %scan3A_202 : i32
        %broadcast_in_dim3A = arith.constant 0.000000e+00 : f32
        %broadcast_in_dim3A_208 = vector.broadcast %broadcast_in_dim3A : f32 to vector<16xf32>
        %broadcast_in_dim3A_209 = arith.constant 0.000000e+00 : f32
        %broadcast_in_dim3A_210 = vector.broadcast %broadcast_in_dim3A_209 : f32 to vector<16xf32>
        %broadcast_in_dim3A_211 = arith.constant 0.000000e+00 : f32
        %broadcast_in_dim3A_212 = vector.broadcast %broadcast_in_dim3A_211 : f32 to vector<16xf32>
        %broadcast_in_dim3A_213 = arith.constant 0.000000e+00 : f32
        %broadcast_in_dim3A_214 = vector.broadcast %broadcast_in_dim3A_213 : f32 to vector<16xf32>
        %mul3A_215 = arith.constant 64 : i32
        %mul3A_216 = arith.muli %add3A_207, %mul3A_215 : i32
        %add3A_217 = arith.constant 0 : i32
        %add3A_218 = arith.addi %mul3A_216, %add3A_217 : i32
        %get3A = arith.index_cast %add3A_218 : i32 to index
        %get3A_219 = tpu.vector_load %arg7[%get3A] {strides = array<i32>} : memref<8192xi32, #tpu.memory_space<vmem>>, vector<16xi32>,
        %get3A_220 = vector.shape_cast %get3A_219 : vector<16xi32> to vector<16xi32>
        %slice3A = vector.extract_strided_slice %get3A_220 {offsets = [0], sizes = [1], strides = [1]} : vector<16xi32> to vector<1xi32>
        %squeeze3A = vector.extract %slice3A[0] : i32 from vector<1xi32>
        %add3A_221 = arith.constant 0 : i32
        %add3A_222 = arith.addi %mul3A_204, %add3A_221 : i32
        %add3A_223 = arith.constant 0 : i32
        %add3A_224 = arith.addi %squeeze3A, %add3A_223 : i32
        %get3A_225 = arith.index_cast %add3A_222 : i32 to index
        %get3A_226 = arith.index_cast %add3A_224 : i32 to index
        %get3A_227 = tpu.vector_load %arg9[%get3A_225, %get3A_226] {strides = array<i32>} : memref<400x128xf32, #tpu.memory_space<vmem>>, vector<1x16xf32>,
        %get3A_228 = vector.shape_cast %get3A_227 : vector<1x16xf32> to vector<16xf32>
        %add3A_229 = arith.addf %broadcast_in_dim3A_208, %get3A_228 : vector<16xf32>
        %add3A_230 = arith.constant 0 : i32
        %add3A_231 = arith.addi %mul3A_204, %add3A_230 : i32
        %add3A_232 = arith.constant 16 : i32
        %add3A_233 = arith.addi %squeeze3A, %add3A_232 : i32
        %get3A_234 = arith.index_cast %add3A_231 : i32 to index
        %get3A_235 = arith.index_cast %add3A_233 : i32 to index
        %get3A_236 = tpu.vector_load %arg9[%get3A_234, %get3A_235] {strides = array<i32>} : memref<400x128xf32, #tpu.memory_space<vmem>>, vector<1x16xf32>,
        %get3A_237 = vector.shape_cast %get3A_236 : vector<1x16xf32> to vector<16xf32>
        %add3A_238 = arith.addf %broadcast_in_dim3A_210, %get3A_237 : vector<16xf32>
        %add3A_239 = arith.constant 0 : i32
        %add3A_240 = arith.addi %mul3A_204, %add3A_239 : i32
        %add3A_241 = arith.constant 32 : i32
        %add3A_242 = arith.addi %squeeze3A, %add3A_241 : i32
        %get3A_243 = arith.index_cast %add3A_240 : i32 to index
        %get3A_244 = arith.index_cast %add3A_242 : i32 to index
        %get3A_245 = tpu.vector_load %arg9[%get3A_243, %get3A_244] {strides = array<i32>} : memref<400x128xf32, #tpu.memory_space<vmem>>, vector<1x16xf32>,
        %get3A_246 = vector.shape_cast %get3A_245 : vector<1x16xf32> to vector<16xf32>
        %add3A_247 = arith.addf %broadcast_in_dim3A_212, %get3A_246 : vector<16xf32>
        %add3A_248 = arith.constant 0 : i32
        %add3A_249 = arith.addi %mul3A_204, %add3A_248 : i32
        %add3A_250 = arith.constant 48 : i32
        %add3A_251 = arith.addi %squeeze3A, %add3A_250 : i32
        %get3A_252 = arith.index_cast %add3A_249 : i32 to index
        %get3A_253 = arith.index_cast %add3A_251 : i32 to index
        %get3A_254 = tpu.vector_load %arg9[%get3A_252, %get3A_253] {strides = array<i32>} : memref<400x128xf32, #tpu.memory_space<vmem>>, vector<1x16xf32>,
        %get3A_255 = vector.shape_cast %get3A_254 : vector<1x16xf32> to vector<16xf32>
        %add3A_256 = arith.addf %broadcast_in_dim3A_214, %get3A_255 : vector<16xf32>
        %slice3A_257 = vector.extract_strided_slice %get3A_220 {offsets = [1], sizes = [1], strides = [1]} : vector<16xi32> to vector<1xi32>
        %squeeze3A_258 = vector.extract %slice3A_257[0] : i32 from vector<1xi32>
        %add3A_259 = arith.constant 1 : i32
        %add3A_260 = arith.addi %mul3A_204, %add3A_259 : i32
        %add3A_261 = arith.constant 0 : i32
        %add3A_262 = arith.addi %squeeze3A_258, %add3A_261 : i32
        %get3A_263 = arith.index_cast %add3A_260 : i32 to index
        %get3A_264 = arith.index_cast %add3A_262 : i32 to index
        %get3A_265 = tpu.vector_load %arg9[%get3A_263, %get3A_264] {strides = array<i32>} : memref<400x128xf32, #tpu.memory_space<vmem>>, vector<1x16xf32>,
        %get3A_266 = vector.shape_cast %get3A_265 : vector<1x16xf32> to vector<16xf32>
        %add3A_267 = arith.addf %add3A_229, %get3A_266 : vector<16xf32>
        %add3A_268 = arith.constant 1 : i32
        %add3A_269 = arith.addi %mul3A_204, %add3A_268 : i32
        %add3A_270 = arith.constant 16 : i32
        %add3A_271 = arith.addi %squeeze3A_258, %add3A_270 : i32
        %get3A_272 = arith.index_cast %add3A_269 : i32 to index
        %get3A_273 = arith.index_cast %add3A_271 : i32 to index
        %get3A_274 = tpu.vector_load %arg9[%get3A_272, %get3A_273] {strides = array<i32>} : memref<400x128xf32, #tpu.memory_space<vmem>>, vector<1x16xf32>,
        %get3A_275 = vector.shape_cast %get3A_274 : vector<1x16xf32> to vector<16xf32>
        %add3A_276 = arith.addf %add3A_238, %get3A_275 : vector<16xf32>
        %add3A_277 = arith.constant 1 : i32
        %add3A_278 = arith.addi %mul3A_204, %add3A_277 : i32
        %add3A_279 = arith.constant 32 : i32
        %add3A_280 = arith.addi %squeeze3A_258, %add3A_279 : i32
        %get3A_281 = arith.index_cast %add3A_278 : i32 to index
        %get3A_282 = arith.index_cast %add3A_280 : i32 to index
        %get3A_283 = tpu.vector_load %arg9[%get3A_281, %get3A_282] {strides = array<i32>} : memref<400x128xf32, #tpu.memory_space<vmem>>, vector<1x16xf32>,
        %get3A_284 = vector.shape_cast %get3A_283 : vector<1x16xf32> to vector<16xf32>
        %add3A_285 = arith.addf %add3A_247, %get3A_284 : vector<16xf32>
        %add3A_286 = arith.constant 1 : i32
        %add3A_287 = arith.addi %mul3A_204, %add3A_286 : i32
        %add3A_288 = arith.constant 48 : i32
        %add3A_289 = arith.addi %squeeze3A_258, %add3A_288 : i32
        %get3A_290 = arith.index_cast %add3A_287 : i32 to index
        %get3A_291 = arith.index_cast %add3A_289 : i32 to index
        %get3A_292 = tpu.vector_load %arg9[%get3A_290, %get3A_291] {strides = array<i32>} : memref<400x128xf32, #tpu.memory_space<vmem>>, vector<1x16xf32>,
        %get3A_293 = vector.shape_cast %get3A_292 : vector<1x16xf32> to vector<16xf32>
        %add3A_294 = arith.addf %add3A_256, %get3A_293 : vector<16xf32>
        %slice3A_295 = vector.extract_strided_slice %get3A_220 {offsets = [2], sizes = [1], strides = [1]} : vector<16xi32> to vector<1xi32>
        %squeeze3A_296 = vector.extract %slice3A_295[0] : i32 from vector<1xi32>
        %add3A_297 = arith.constant 2 : i32
        %add3A_298 = arith.addi %mul3A_204, %add3A_297 : i32
        %add3A_299 = arith.constant 0 : i32
        %add3A_300 = arith.addi %squeeze3A_296, %add3A_299 : i32
        %get3A_301 = arith.index_cast %add3A_298 : i32 to index
        %get3A_302 = arith.index_cast %add3A_300 : i32 to index
        %get3A_303 = tpu.vector_load %arg9[%get3A_301, %get3A_302] {strides = array<i32>} : memref<400x128xf32, #tpu.memory_space<vmem>>, vector<1x16xf32>,
        %get3A_304 = vector.shape_cast %get3A_303 : vector<1x16xf32> to vector<16xf32>
        %add3A_305 = arith.addf %add3A_267, %get3A_304 : vector<16xf32>
        %add3A_306 = arith.constant 2 : i32
        %add3A_307 = arith.addi %mul3A_204, %add3A_306 : i32
        %add3A_308 = arith.constant 16 : i32
        %add3A_309 = arith.addi %squeeze3A_296, %add3A_308 : i32
        %get3A_310 = arith.index_cast %add3A_307 : i32 to index
        %get3A_311 = arith.index_cast %add3A_309 : i32 to index
        %get3A_312 = tpu.vector_load %arg9[%get3A_310, %get3A_311] {strides = array<i32>} : memref<400x128xf32, #tpu.memory_space<vmem>>, vector<1x16xf32>,
        %get3A_313 = vector.shape_cast %get3A_312 : vector<1x16xf32> to vector<16xf32>
        %add3A_314 = arith.addf %add3A_276, %get3A_313 : vector<16xf32>
        %add3A_315 = arith.constant 2 : i32
        %add3A_316 = arith.addi %mul3A_204, %add3A_315 : i32
        %add3A_317 = arith.constant 32 : i32
        %add3A_318 = arith.addi %squeeze3A_296, %add3A_317 : i32
        %get3A_319 = arith.index_cast %add3A_316 : i32 to index
        %get3A_320 = arith.index_cast %add3A_318 : i32 to index
        %get3A_321 = tpu.vector_load %arg9[%get3A_319, %get3A_320] {strides = array<i32>} : memref<400x128xf32, #tpu.memory_space<vmem>>, vector<1x16xf32>,
        %get3A_322 = vector.shape_cast %get3A_321 : vector<1x16xf32> to vector<16xf32>
        %add3A_323 = arith.addf %add3A_285, %get3A_322 : vector<16xf32>
        %add3A_324 = arith.constant 2 : i32
        %add3A_325 = arith.addi %mul3A_204, %add3A_324 : i32
        %add3A_326 = arith.constant 48 : i32
        %add3A_327 = arith.addi %squeeze3A_296, %add3A_326 : i32
        %get3A_328 = arith.index_cast %add3A_325 : i32 to index
        %get3A_329 = arith.index_cast %add3A_327 : i32 to index
        %get3A_330 = tpu.vector_load %arg9[%get3A_328, %get3A_329] {strides = array<i32>} : memref<400x128xf32, #tpu.memory_space<vmem>>, vector<1x16xf32>,
        %get3A_331 = vector.shape_cast %get3A_330 : vector<1x16xf32> to vector<16xf32>
        %add3A_332 = arith.addf %add3A_294, %get3A_331 : vector<16xf32>
        %slice3A_333 = vector.extract_strided_slice %get3A_220 {offsets = [3], sizes = [1], strides = [1]} : vector<16xi32> to vector<1xi32>
        %squeeze3A_334 = vector.extract %slice3A_333[0] : i32 from vector<1xi32>
        %add3A_335 = arith.constant 3 : i32
        %add3A_336 = arith.addi %mul3A_204, %add3A_335 : i32
        %add3A_337 = arith.constant 0 : i32
        %add3A_338 = arith.addi %squeeze3A_334, %add3A_337 : i32
        %get3A_339 = arith.index_cast %add3A_336 : i32 to index
        %get3A_340 = arith.index_cast %add3A_338 : i32 to index
        %get3A_341 = tpu.vector_load %arg9[%get3A_339, %get3A_340] {strides = array<i32>} : memref<400x128xf32, #tpu.memory_space<vmem>>, vector<1x16xf32>,
        %get3A_342 = vector.shape_cast %get3A_341 : vector<1x16xf32> to vector<16xf32>
        %add3A_343 = arith.addf %add3A_305, %get3A_342 : vector<16xf32>
        %add3A_344 = arith.constant 3 : i32
        %add3A_345 = arith.addi %mul3A_204, %add3A_344 : i32
        %add3A_346 = arith.constant 16 : i32
        %add3A_347 = arith.addi %squeeze3A_334, %add3A_346 : i32
        %get3A_348 = arith.index_cast %add3A_345 : i32 to index
        %get3A_349 = arith.index_cast %add3A_347 : i32 to index
        %get3A_350 = tpu.vector_load %arg9[%get3A_348, %get3A_349] {strides = array<i32>} : memref<400x128xf32, #tpu.memory_space<vmem>>, vector<1x16xf32>,
        %get3A_351 = vector.shape_cast %get3A_350 : vector<1x16xf32> to vector<16xf32>
        %add3A_352 = arith.addf %add3A_314, %get3A_351 : vector<16xf32>
        %add3A_353 = arith.constant 3 : i32
        %add3A_354 = arith.addi %mul3A_204, %add3A_353 : i32
        %add3A_355 = arith.constant 32 : i32
        %add3A_356 = arith.addi %squeeze3A_334, %add3A_355 : i32
        %get3A_357 = arith.index_cast %add3A_354 : i32 to index
        %get3A_358 = arith.index_cast %add3A_356 : i32 to index
        %get3A_359 = tpu.vector_load %arg9[%get3A_357, %get3A_358] {strides = array<i32>} : memref<400x128xf32, #tpu.memory_space<vmem>>, vector<1x16xf32>,
        %get3A_360 = vector.shape_cast %get3A_359 : vector<1x16xf32> to vector<16xf32>
        %add3A_361 = arith.addf %add3A_323, %get3A_360 : vector<16xf32>
        %add3A_362 = arith.constant 3 : i32
        %add3A_363 = arith.addi %mul3A_204, %add3A_362 : i32
        %add3A_364 = arith.constant 48 : i32
        %add3A_365 = arith.addi %squeeze3A_334, %add3A_364 : i32
        %get3A_366 = arith.index_cast %add3A_363 : i32 to index
        %get3A_367 = arith.index_cast %add3A_365 : i32 to index
        %get3A_368 = tpu.vector_load %arg9[%get3A_366, %get3A_367] {strides = array<i32>} : memref<400x128xf32, #tpu.memory_space<vmem>>, vector<1x16xf32>,
        %get3A_369 = vector.shape_cast %get3A_368 : vector<1x16xf32> to vector<16xf32>
        %add3A_370 = arith.addf %add3A_332, %get3A_369 : vector<16xf32>
        %slice3A_371 = vector.extract_strided_slice %get3A_220 {offsets = [4], sizes = [1], strides = [1]} : vector<16xi32> to vector<1xi32>
        %squeeze3A_372 = vector.extract %slice3A_371[0] : i32 from vector<1xi32>
        %add3A_373 = arith.constant 4 : i32
        %add3A_374 = arith.addi %mul3A_204, %add3A_373 : i32
        %add3A_375 = arith.constant 0 : i32
        %add3A_376 = arith.addi %squeeze3A_372, %add3A_375 : i32
        %get3A_377 = arith.index_cast %add3A_374 : i32 to index
        %get3A_378 = arith.index_cast %add3A_376 : i32 to index
        %get3A_379 = tpu.vector_load %arg9[%get3A_377, %get3A_378] {strides = array<i32>} : memref<400x128xf32, #tpu.memory_space<vmem>>, vector<1x16xf32>,
        %get3A_380 = vector.shape_cast %get3A_379 : vector<1x16xf32> to vector<16xf32>
        %add3A_381 = arith.addf %add3A_343, %get3A_380 : vector<16xf32>
        %add3A_382 = arith.constant 4 : i32
        %add3A_383 = arith.addi %mul3A_204, %add3A_382 : i32
        %add3A_384 = arith.constant 16 : i32
        %add3A_385 = arith.addi %squeeze3A_372, %add3A_384 : i32
        %get3A_386 = arith.index_cast %add3A_383 : i32 to index
        %get3A_387 = arith.index_cast %add3A_385 : i32 to index
        %get3A_388 = tpu.vector_load %arg9[%get3A_386, %get3A_387] {strides = array<i32>} : memref<400x128xf32, #tpu.memory_space<vmem>>, vector<1x16xf32>,
        %get3A_389 = vector.shape_cast %get3A_388 : vector<1x16xf32> to vector<16xf32>
        %add3A_390 = arith.addf %add3A_352, %get3A_389 : vector<16xf32>
        %add3A_391 = arith.constant 4 : i32
        %add3A_392 = arith.addi %mul3A_204, %add3A_391 : i32
        %add3A_393 = arith.constant 32 : i32
        %add3A_394 = arith.addi %squeeze3A_372, %add3A_393 : i32
        %get3A_395 = arith.index_cast %add3A_392 : i32 to index
        %get3A_396 = arith.index_cast %add3A_394 : i32 to index
        %get3A_397 = tpu.vector_load %arg9[%get3A_395, %get3A_396] {strides = array<i32>} : memref<400x128xf32, #tpu.memory_space<vmem>>, vector<1x16xf32>,
        %get3A_398 = vector.shape_cast %get3A_397 : vector<1x16xf32> to vector<16xf32>
        %add3A_399 = arith.addf %add3A_361, %get3A_398 : vector<16xf32>
        %add3A_400 = arith.constant 4 : i32
        %add3A_401 = arith.addi %mul3A_204, %add3A_400 : i32
        %add3A_402 = arith.constant 48 : i32
        %add3A_403 = arith.addi %squeeze3A_372, %add3A_402 : i32
        %get3A_404 = arith.index_cast %add3A_401 : i32 to index
        %get3A_405 = arith.index_cast %add3A_403 : i32 to index
        %get3A_406 = tpu.vector_load %arg9[%get3A_404, %get3A_405] {strides = array<i32>} : memref<400x128xf32, #tpu.memory_space<vmem>>, vector<1x16xf32>,
        %get3A_407 = vector.shape_cast %get3A_406 : vector<1x16xf32> to vector<16xf32>
        %add3A_408 = arith.addf %add3A_370, %get3A_407 : vector<16xf32>
        %slice3A_409 = vector.extract_strided_slice %get3A_220 {offsets = [5], sizes = [1], strides = [1]} : vector<16xi32> to vector<1xi32>
        %squeeze3A_410 = vector.extract %slice3A_409[0] : i32 from vector<1xi32>
        %add3A_411 = arith.constant 5 : i32
        %add3A_412 = arith.addi %mul3A_204, %add3A_411 : i32
        %add3A_413 = arith.constant 0 : i32
        %add3A_414 = arith.addi %squeeze3A_410, %add3A_413 : i32
        %get3A_415 = arith.index_cast %add3A_412 : i32 to index
        %get3A_416 = arith.index_cast %add3A_414 : i32 to index
        %get3A_417 = tpu.vector_load %arg9[%get3A_415, %get3A_416] {strides = array<i32>} : memref<400x128xf32, #tpu.memory_space<vmem>>, vector<1x16xf32>,
        %get3A_418 = vector.shape_cast %get3A_417 : vector<1x16xf32> to vector<16xf32>
        %add3A_419 = arith.addf %add3A_381, %get3A_418 : vector<16xf32>
        %add3A_420 = arith.constant 5 : i32
        %add3A_421 = arith.addi %mul3A_204, %add3A_420 : i32
        %add3A_422 = arith.constant 16 : i32
        %add3A_423 = arith.addi %squeeze3A_410, %add3A_422 : i32
        %get3A_424 = arith.index_cast %add3A_421 : i32 to index
        %get3A_425 = arith.index_cast %add3A_423 : i32 to index
        %get3A_426 = tpu.vector_load %arg9[%get3A_424, %get3A_425] {strides = array<i32>} : memref<400x128xf32, #tpu.memory_space<vmem>>, vector<1x16xf32>,
        %get3A_427 = vector.shape_cast %get3A_426 : vector<1x16xf32> to vector<16xf32>
        %add3A_428 = arith.addf %add3A_390, %get3A_427 : vector<16xf32>
        %add3A_429 = arith.constant 5 : i32
        %add3A_430 = arith.addi %mul3A_204, %add3A_429 : i32
        %add3A_431 = arith.constant 32 : i32
        %add3A_432 = arith.addi %squeeze3A_410, %add3A_431 : i32
        %get3A_433 = arith.index_cast %add3A_430 : i32 to index
        %get3A_434 = arith.index_cast %add3A_432 : i32 to index
        %get3A_435 = tpu.vector_load %arg9[%get3A_433, %get3A_434] {strides = array<i32>} : memref<400x128xf32, #tpu.memory_space<vmem>>, vector<1x16xf32>,
        %get3A_436 = vector.shape_cast %get3A_435 : vector<1x16xf32> to vector<16xf32>
        %add3A_437 = arith.addf %add3A_399, %get3A_436 : vector<16xf32>
        %add3A_438 = arith.constant 5 : i32
        %add3A_439 = arith.addi %mul3A_204, %add3A_438 : i32
        %add3A_440 = arith.constant 48 : i32
        %add3A_441 = arith.addi %squeeze3A_410, %add3A_440 : i32
        %get3A_442 = arith.index_cast %add3A_439 : i32 to index
        %get3A_443 = arith.index_cast %add3A_441 : i32 to index
        %get3A_444 = tpu.vector_load %arg9[%get3A_442, %get3A_443] {strides = array<i32>} : memref<400x128xf32, #tpu.memory_space<vmem>>, vector<1x16xf32>,
        %get3A_445 = vector.shape_cast %get3A_444 : vector<1x16xf32> to vector<16xf32>
        %add3A_446 = arith.addf %add3A_408, %get3A_445 : vector<16xf32>
        %slice3A_447 = vector.extract_strided_slice %get3A_220 {offsets = [6], sizes = [1], strides = [1]} : vector<16xi32> to vector<1xi32>
        %squeeze3A_448 = vector.extract %slice3A_447[0] : i32 from vector<1xi32>
        %add3A_449 = arith.constant 6 : i32
        %add3A_450 = arith.addi %mul3A_204, %add3A_449 : i32
        %add3A_451 = arith.constant 0 : i32
        %add3A_452 = arith.addi %squeeze3A_448, %add3A_451 : i32
        %get3A_453 = arith.index_cast %add3A_450 : i32 to index
        %get3A_454 = arith.index_cast %add3A_452 : i32 to index
        %get3A_455 = tpu.vector_load %arg9[%get3A_453, %get3A_454] {strides = array<i32>} : memref<400x128xf32, #tpu.memory_space<vmem>>, vector<1x16xf32>,
        %get3A_456 = vector.shape_cast %get3A_455 : vector<1x16xf32> to vector<16xf32>
        %add3A_457 = arith.addf %add3A_419, %get3A_456 : vector<16xf32>
        %add3A_458 = arith.constant 6 : i32
        %add3A_459 = arith.addi %mul3A_204, %add3A_458 : i32
        %add3A_460 = arith.constant 16 : i32
        %add3A_461 = arith.addi %squeeze3A_448, %add3A_460 : i32
        %get3A_462 = arith.index_cast %add3A_459 : i32 to index
        %get3A_463 = arith.index_cast %add3A_461 : i32 to index
        %get3A_464 = tpu.vector_load %arg9[%get3A_462, %get3A_463] {strides = array<i32>} : memref<400x128xf32, #tpu.memory_space<vmem>>, vector<1x16xf32>,
        %get3A_465 = vector.shape_cast %get3A_464 : vector<1x16xf32> to vector<16xf32>
        %add3A_466 = arith.addf %add3A_428, %get3A_465 : vector<16xf32>
        %add3A_467 = arith.constant 6 : i32
        %add3A_468 = arith.addi %mul3A_204, %add3A_467 : i32
        %add3A_469 = arith.constant 32 : i32
        %add3A_470 = arith.addi %squeeze3A_448, %add3A_469 : i32
        %get3A_471 = arith.index_cast %add3A_468 : i32 to index
        %get3A_472 = arith.index_cast %add3A_470 : i32 to index
        %get3A_473 = tpu.vector_load %arg9[%get3A_471, %get3A_472] {strides = array<i32>} : memref<400x128xf32, #tpu.memory_space<vmem>>, vector<1x16xf32>,
        %get3A_474 = vector.shape_cast %get3A_473 : vector<1x16xf32> to vector<16xf32>
        %add3A_475 = arith.addf %add3A_437, %get3A_474 : vector<16xf32>
        %add3A_476 = arith.constant 6 : i32
        %add3A_477 = arith.addi %mul3A_204, %add3A_476 : i32
        %add3A_478 = arith.constant 48 : i32
        %add3A_479 = arith.addi %squeeze3A_448, %add3A_478 : i32
        %get3A_480 = arith.index_cast %add3A_477 : i32 to index
        %get3A_481 = arith.index_cast %add3A_479 : i32 to index
        %get3A_482 = tpu.vector_load %arg9[%get3A_480, %get3A_481] {strides = array<i32>} : memref<400x128xf32, #tpu.memory_space<vmem>>, vector<1x16xf32>,
        %get3A_483 = vector.shape_cast %get3A_482 : vector<1x16xf32> to vector<16xf32>
        %add3A_484 = arith.addf %add3A_446, %get3A_483 : vector<16xf32>
        %slice3A_485 = vector.extract_strided_slice %get3A_220 {offsets = [7], sizes = [1], strides = [1]} : vector<16xi32> to vector<1xi32>
        %squeeze3A_486 = vector.extract %slice3A_485[0] : i32 from vector<1xi32>
        %add3A_487 = arith.constant 7 : i32
        %add3A_488 = arith.addi %mul3A_204, %add3A_487 : i32
        %add3A_489 = arith.constant 0 : i32
        %add3A_490 = arith.addi %squeeze3A_486, %add3A_489 : i32
        %get3A_491 = arith.index_cast %add3A_488 : i32 to index
        %get3A_492 = arith.index_cast %add3A_490 : i32 to index
        %get3A_493 = tpu.vector_load %arg9[%get3A_491, %get3A_492] {strides = array<i32>} : memref<400x128xf32, #tpu.memory_space<vmem>>, vector<1x16xf32>,
        %get3A_494 = vector.shape_cast %get3A_493 : vector<1x16xf32> to vector<16xf32>
        %add3A_495 = arith.addf %add3A_457, %get3A_494 : vector<16xf32>
        %add3A_496 = arith.constant 7 : i32
        %add3A_497 = arith.addi %mul3A_204, %add3A_496 : i32
        %add3A_498 = arith.constant 16 : i32
        %add3A_499 = arith.addi %squeeze3A_486, %add3A_498 : i32
        %get3A_500 = arith.index_cast %add3A_497 : i32 to index
        %get3A_501 = arith.index_cast %add3A_499 : i32 to index
        %get3A_502 = tpu.vector_load %arg9[%get3A_500, %get3A_501] {strides = array<i32>} : memref<400x128xf32, #tpu.memory_space<vmem>>, vector<1x16xf32>,
        %get3A_503 = vector.shape_cast %get3A_502 : vector<1x16xf32> to vector<16xf32>
        %add3A_504 = arith.addf %add3A_466, %get3A_503 : vector<16xf32>
        %add3A_505 = arith.constant 7 : i32
        %add3A_506 = arith.addi %mul3A_204, %add3A_505 : i32
        %add3A_507 = arith.constant 32 : i32
        %add3A_508 = arith.addi %squeeze3A_486, %add3A_507 : i32
        %get3A_509 = arith.index_cast %add3A_506 : i32 to index
        %get3A_510 = arith.index_cast %add3A_508 : i32 to index
        %get3A_511 = tpu.vector_load %arg9[%get3A_509, %get3A_510] {strides = array<i32>} : memref<400x128xf32, #tpu.memory_space<vmem>>, vector<1x16xf32>,
        %get3A_512 = vector.shape_cast %get3A_511 : vector<1x16xf32> to vector<16xf32>
        %add3A_513 = arith.addf %add3A_475, %get3A_512 : vector<16xf32>
        %add3A_514 = arith.constant 7 : i32
        %add3A_515 = arith.addi %mul3A_204, %add3A_514 : i32
        %add3A_516 = arith.constant 48 : i32
        %add3A_517 = arith.addi %squeeze3A_486, %add3A_516 : i32
        %get3A_518 = arith.index_cast %add3A_515 : i32 to index
        %get3A_519 = arith.index_cast %add3A_517 : i32 to index
        %get3A_520 = tpu.vector_load %arg9[%get3A_518, %get3A_519] {strides = array<i32>} : memref<400x128xf32, #tpu.memory_space<vmem>>, vector<1x16xf32>,
        %get3A_521 = vector.shape_cast %get3A_520 : vector<1x16xf32> to vector<16xf32>
        %add3A_522 = arith.addf %add3A_484, %get3A_521 : vector<16xf32>
        %slice3A_523 = vector.extract_strided_slice %get3A_220 {offsets = [8], sizes = [1], strides = [1]} : vector<16xi32> to vector<1xi32>
        %squeeze3A_524 = vector.extract %slice3A_523[0] : i32 from vector<1xi32>
        %add3A_525 = arith.constant 8 : i32
        %add3A_526 = arith.addi %mul3A_204, %add3A_525 : i32
        %add3A_527 = arith.constant 0 : i32
        %add3A_528 = arith.addi %squeeze3A_524, %add3A_527 : i32
        %get3A_529 = arith.index_cast %add3A_526 : i32 to index
        %get3A_530 = arith.index_cast %add3A_528 : i32 to index
        %get3A_531 = tpu.vector_load %arg9[%get3A_529, %get3A_530] {strides = array<i32>} : memref<400x128xf32, #tpu.memory_space<vmem>>, vector<1x16xf32>,
        %get3A_532 = vector.shape_cast %get3A_531 : vector<1x16xf32> to vector<16xf32>
        %add3A_533 = arith.addf %add3A_495, %get3A_532 : vector<16xf32>
        %add3A_534 = arith.constant 8 : i32
        %add3A_535 = arith.addi %mul3A_204, %add3A_534 : i32
        %add3A_536 = arith.constant 16 : i32
        %add3A_537 = arith.addi %squeeze3A_524, %add3A_536 : i32
        %get3A_538 = arith.index_cast %add3A_535 : i32 to index
        %get3A_539 = arith.index_cast %add3A_537 : i32 to index
        %get3A_540 = tpu.vector_load %arg9[%get3A_538, %get3A_539] {strides = array<i32>} : memref<400x128xf32, #tpu.memory_space<vmem>>, vector<1x16xf32>,
        %get3A_541 = vector.shape_cast %get3A_540 : vector<1x16xf32> to vector<16xf32>
        %add3A_542 = arith.addf %add3A_504, %get3A_541 : vector<16xf32>
        %add3A_543 = arith.constant 8 : i32
        %add3A_544 = arith.addi %mul3A_204, %add3A_543 : i32
        %add3A_545 = arith.constant 32 : i32
        %add3A_546 = arith.addi %squeeze3A_524, %add3A_545 : i32
        %get3A_547 = arith.index_cast %add3A_544 : i32 to index
        %get3A_548 = arith.index_cast %add3A_546 : i32 to index
        %get3A_549 = tpu.vector_load %arg9[%get3A_547, %get3A_548] {strides = array<i32>} : memref<400x128xf32, #tpu.memory_space<vmem>>, vector<1x16xf32>,
        %get3A_550 = vector.shape_cast %get3A_549 : vector<1x16xf32> to vector<16xf32>
        %add3A_551 = arith.addf %add3A_513, %get3A_550 : vector<16xf32>
        %add3A_552 = arith.constant 8 : i32
        %add3A_553 = arith.addi %mul3A_204, %add3A_552 : i32
        %add3A_554 = arith.constant 48 : i32
        %add3A_555 = arith.addi %squeeze3A_524, %add3A_554 : i32
        %get3A_556 = arith.index_cast %add3A_553 : i32 to index
        %get3A_557 = arith.index_cast %add3A_555 : i32 to index
        %get3A_558 = tpu.vector_load %arg9[%get3A_556, %get3A_557] {strides = array<i32>} : memref<400x128xf32, #tpu.memory_space<vmem>>, vector<1x16xf32>,
        %get3A_559 = vector.shape_cast %get3A_558 : vector<1x16xf32> to vector<16xf32>
        %add3A_560 = arith.addf %add3A_522, %get3A_559 : vector<16xf32>
        %slice3A_561 = vector.extract_strided_slice %get3A_220 {offsets = [9], sizes = [1], strides = [1]} : vector<16xi32> to vector<1xi32>
        %squeeze3A_562 = vector.extract %slice3A_561[0] : i32 from vector<1xi32>
        %add3A_563 = arith.constant 9 : i32
        %add3A_564 = arith.addi %mul3A_204, %add3A_563 : i32
        %add3A_565 = arith.constant 0 : i32
        %add3A_566 = arith.addi %squeeze3A_562, %add3A_565 : i32
        %get3A_567 = arith.index_cast %add3A_564 : i32 to index
        %get3A_568 = arith.index_cast %add3A_566 : i32 to index
        %get3A_569 = tpu.vector_load %arg9[%get3A_567, %get3A_568] {strides = array<i32>} : memref<400x128xf32, #tpu.memory_space<vmem>>, vector<1x16xf32>,
        %get3A_570 = vector.shape_cast %get3A_569 : vector<1x16xf32> to vector<16xf32>
        %add3A_571 = arith.addf %add3A_533, %get3A_570 : vector<16xf32>
        %add3A_572 = arith.constant 9 : i32
        %add3A_573 = arith.addi %mul3A_204, %add3A_572 : i32
        %add3A_574 = arith.constant 16 : i32
        %add3A_575 = arith.addi %squeeze3A_562, %add3A_574 : i32
        %get3A_576 = arith.index_cast %add3A_573 : i32 to index
        %get3A_577 = arith.index_cast %add3A_575 : i32 to index
        %get3A_578 = tpu.vector_load %arg9[%get3A_576, %get3A_577] {strides = array<i32>} : memref<400x128xf32, #tpu.memory_space<vmem>>, vector<1x16xf32>,
        %get3A_579 = vector.shape_cast %get3A_578 : vector<1x16xf32> to vector<16xf32>
        %add3A_580 = arith.addf %add3A_542, %get3A_579 : vector<16xf32>
        %add3A_581 = arith.constant 9 : i32
        %add3A_582 = arith.addi %mul3A_204, %add3A_581 : i32
        %add3A_583 = arith.constant 32 : i32
        %add3A_584 = arith.addi %squeeze3A_562, %add3A_583 : i32
        %get3A_585 = arith.index_cast %add3A_582 : i32 to index
        %get3A_586 = arith.index_cast %add3A_584 : i32 to index
        %get3A_587 = tpu.vector_load %arg9[%get3A_585, %get3A_586] {strides = array<i32>} : memref<400x128xf32, #tpu.memory_space<vmem>>, vector<1x16xf32>,
        %get3A_588 = vector.shape_cast %get3A_587 : vector<1x16xf32> to vector<16xf32>
        %add3A_589 = arith.addf %add3A_551, %get3A_588 : vector<16xf32>
        %add3A_590 = arith.constant 9 : i32
        %add3A_591 = arith.addi %mul3A_204, %add3A_590 : i32
        %add3A_592 = arith.constant 48 : i32
        %add3A_593 = arith.addi %squeeze3A_562, %add3A_592 : i32
        %get3A_594 = arith.index_cast %add3A_591 : i32 to index
        %get3A_595 = arith.index_cast %add3A_593 : i32 to index
        %get3A_596 = tpu.vector_load %arg9[%get3A_594, %get3A_595] {strides = array<i32>} : memref<400x128xf32, #tpu.memory_space<vmem>>, vector<1x16xf32>,
        %get3A_597 = vector.shape_cast %get3A_596 : vector<1x16xf32> to vector<16xf32>
        %add3A_598 = arith.addf %add3A_560, %get3A_597 : vector<16xf32>
        %slice3A_599 = vector.extract_strided_slice %get3A_220 {offsets = [10], sizes = [1], strides = [1]} : vector<16xi32> to vector<1xi32>
        %squeeze3A_600 = vector.extract %slice3A_599[0] : i32 from vector<1xi32>
        %add3A_601 = arith.constant 10 : i32
        %add3A_602 = arith.addi %mul3A_204, %add3A_601 : i32
        %add3A_603 = arith.constant 0 : i32
        %add3A_604 = arith.addi %squeeze3A_600, %add3A_603 : i32
        %get3A_605 = arith.index_cast %add3A_602 : i32 to index
        %get3A_606 = arith.index_cast %add3A_604 : i32 to index
        %get3A_607 = tpu.vector_load %arg9[%get3A_605, %get3A_606] {strides = array<i32>} : memref<400x128xf32, #tpu.memory_space<vmem>>, vector<1x16xf32>,
        %get3A_608 = vector.shape_cast %get3A_607 : vector<1x16xf32> to vector<16xf32>
        %add3A_609 = arith.addf %add3A_571, %get3A_608 : vector<16xf32>
        %add3A_610 = arith.constant 10 : i32
        %add3A_611 = arith.addi %mul3A_204, %add3A_610 : i32
        %add3A_612 = arith.constant 16 : i32
        %add3A_613 = arith.addi %squeeze3A_600, %add3A_612 : i32
        %get3A_614 = arith.index_cast %add3A_611 : i32 to index
        %get3A_615 = arith.index_cast %add3A_613 : i32 to index
        %get3A_616 = tpu.vector_load %arg9[%get3A_614, %get3A_615] {strides = array<i32>} : memref<400x128xf32, #tpu.memory_space<vmem>>, vector<1x16xf32>,
        %get3A_617 = vector.shape_cast %get3A_616 : vector<1x16xf32> to vector<16xf32>
        %add3A_618 = arith.addf %add3A_580, %get3A_617 : vector<16xf32>
        %add3A_619 = arith.constant 10 : i32
        %add3A_620 = arith.addi %mul3A_204, %add3A_619 : i32
        %add3A_621 = arith.constant 32 : i32
        %add3A_622 = arith.addi %squeeze3A_600, %add3A_621 : i32
        %get3A_623 = arith.index_cast %add3A_620 : i32 to index
        %get3A_624 = arith.index_cast %add3A_622 : i32 to index
        %get3A_625 = tpu.vector_load %arg9[%get3A_623, %get3A_624] {strides = array<i32>} : memref<400x128xf32, #tpu.memory_space<vmem>>, vector<1x16xf32>,
        %get3A_626 = vector.shape_cast %get3A_625 : vector<1x16xf32> to vector<16xf32>
        %add3A_627 = arith.addf %add3A_589, %get3A_626 : vector<16xf32>
        %add3A_628 = arith.constant 10 : i32
        %add3A_629 = arith.addi %mul3A_204, %add3A_628 : i32
        %add3A_630 = arith.constant 48 : i32
        %add3A_631 = arith.addi %squeeze3A_600, %add3A_630 : i32
        %get3A_632 = arith.index_cast %add3A_629 : i32 to index
        %get3A_633 = arith.index_cast %add3A_631 : i32 to index
        %get3A_634 = tpu.vector_load %arg9[%get3A_632, %get3A_633] {strides = array<i32>} : memref<400x128xf32, #tpu.memory_space<vmem>>, vector<1x16xf32>,
        %get3A_635 = vector.shape_cast %get3A_634 : vector<1x16xf32> to vector<16xf32>
        %add3A_636 = arith.addf %add3A_598, %get3A_635 : vector<16xf32>
        %slice3A_637 = vector.extract_strided_slice %get3A_220 {offsets = [11], sizes = [1], strides = [1]} : vector<16xi32> to vector<1xi32>
        %squeeze3A_638 = vector.extract %slice3A_637[0] : i32 from vector<1xi32>
        %add3A_639 = arith.constant 11 : i32
        %add3A_640 = arith.addi %mul3A_204, %add3A_639 : i32
        %add3A_641 = arith.constant 0 : i32
        %add3A_642 = arith.addi %squeeze3A_638, %add3A_641 : i32
        %get3A_643 = arith.index_cast %add3A_640 : i32 to index
        %get3A_644 = arith.index_cast %add3A_642 : i32 to index
        %get3A_645 = tpu.vector_load %arg9[%get3A_643, %get3A_644] {strides = array<i32>} : memref<400x128xf32, #tpu.memory_space<vmem>>, vector<1x16xf32>,
        %get3A_646 = vector.shape_cast %get3A_645 : vector<1x16xf32> to vector<16xf32>
        %add3A_647 = arith.addf %add3A_609, %get3A_646 : vector<16xf32>
        %add3A_648 = arith.constant 11 : i32
        %add3A_649 = arith.addi %mul3A_204, %add3A_648 : i32
        %add3A_650 = arith.constant 16 : i32
        %add3A_651 = arith.addi %squeeze3A_638, %add3A_650 : i32
        %get3A_652 = arith.index_cast %add3A_649 : i32 to index
        %get3A_653 = arith.index_cast %add3A_651 : i32 to index
        %get3A_654 = tpu.vector_load %arg9[%get3A_652, %get3A_653] {strides = array<i32>} : memref<400x128xf32, #tpu.memory_space<vmem>>, vector<1x16xf32>,
        %get3A_655 = vector.shape_cast %get3A_654 : vector<1x16xf32> to vector<16xf32>
        %add3A_656 = arith.addf %add3A_618, %get3A_655 : vector<16xf32>
        %add3A_657 = arith.constant 11 : i32
        %add3A_658 = arith.addi %mul3A_204, %add3A_657 : i32
        %add3A_659 = arith.constant 32 : i32
        %add3A_660 = arith.addi %squeeze3A_638, %add3A_659 : i32
        %get3A_661 = arith.index_cast %add3A_658 : i32 to index
        %get3A_662 = arith.index_cast %add3A_660 : i32 to index
        %get3A_663 = tpu.vector_load %arg9[%get3A_661, %get3A_662] {strides = array<i32>} : memref<400x128xf32, #tpu.memory_space<vmem>>, vector<1x16xf32>,
        %get3A_664 = vector.shape_cast %get3A_663 : vector<1x16xf32> to vector<16xf32>
        %add3A_665 = arith.addf %add3A_627, %get3A_664 : vector<16xf32>
        %add3A_666 = arith.constant 11 : i32
        %add3A_667 = arith.addi %mul3A_204, %add3A_666 : i32
        %add3A_668 = arith.constant 48 : i32
        %add3A_669 = arith.addi %squeeze3A_638, %add3A_668 : i32
        %get3A_670 = arith.index_cast %add3A_667 : i32 to index
        %get3A_671 = arith.index_cast %add3A_669 : i32 to index
        %get3A_672 = tpu.vector_load %arg9[%get3A_670, %get3A_671] {strides = array<i32>} : memref<400x128xf32, #tpu.memory_space<vmem>>, vector<1x16xf32>,
        %get3A_673 = vector.shape_cast %get3A_672 : vector<1x16xf32> to vector<16xf32>
        %add3A_674 = arith.addf %add3A_636, %get3A_673 : vector<16xf32>
        %slice3A_675 = vector.extract_strided_slice %get3A_220 {offsets = [12], sizes = [1], strides = [1]} : vector<16xi32> to vector<1xi32>
        %squeeze3A_676 = vector.extract %slice3A_675[0] : i32 from vector<1xi32>
        %add3A_677 = arith.constant 12 : i32
        %add3A_678 = arith.addi %mul3A_204, %add3A_677 : i32
        %add3A_679 = arith.constant 0 : i32
        %add3A_680 = arith.addi %squeeze3A_676, %add3A_679 : i32
        %get3A_681 = arith.index_cast %add3A_678 : i32 to index
        %get3A_682 = arith.index_cast %add3A_680 : i32 to index
        %get3A_683 = tpu.vector_load %arg9[%get3A_681, %get3A_682] {strides = array<i32>} : memref<400x128xf32, #tpu.memory_space<vmem>>, vector<1x16xf32>,
        %get3A_684 = vector.shape_cast %get3A_683 : vector<1x16xf32> to vector<16xf32>
        %add3A_685 = arith.addf %add3A_647, %get3A_684 : vector<16xf32>
        %add3A_686 = arith.constant 12 : i32
        %add3A_687 = arith.addi %mul3A_204, %add3A_686 : i32
        %add3A_688 = arith.constant 16 : i32
        %add3A_689 = arith.addi %squeeze3A_676, %add3A_688 : i32
        %get3A_690 = arith.index_cast %add3A_687 : i32 to index
        %get3A_691 = arith.index_cast %add3A_689 : i32 to index
        %get3A_692 = tpu.vector_load %arg9[%get3A_690, %get3A_691] {strides = array<i32>} : memref<400x128xf32, #tpu.memory_space<vmem>>, vector<1x16xf32>,
        %get3A_693 = vector.shape_cast %get3A_692 : vector<1x16xf32> to vector<16xf32>
        %add3A_694 = arith.addf %add3A_656, %get3A_693 : vector<16xf32>
        %add3A_695 = arith.constant 12 : i32
        %add3A_696 = arith.addi %mul3A_204, %add3A_695 : i32
        %add3A_697 = arith.constant 32 : i32
        %add3A_698 = arith.addi %squeeze3A_676, %add3A_697 : i32
        %get3A_699 = arith.index_cast %add3A_696 : i32 to index
        %get3A_700 = arith.index_cast %add3A_698 : i32 to index
        %get3A_701 = tpu.vector_load %arg9[%get3A_699, %get3A_700] {strides = array<i32>} : memref<400x128xf32, #tpu.memory_space<vmem>>, vector<1x16xf32>,
        %get3A_702 = vector.shape_cast %get3A_701 : vector<1x16xf32> to vector<16xf32>
        %add3A_703 = arith.addf %add3A_665, %get3A_702 : vector<16xf32>
        %add3A_704 = arith.constant 12 : i32
        %add3A_705 = arith.addi %mul3A_204, %add3A_704 : i32
        %add3A_706 = arith.constant 48 : i32
        %add3A_707 = arith.addi %squeeze3A_676, %add3A_706 : i32
        %get3A_708 = arith.index_cast %add3A_705 : i32 to index
        %get3A_709 = arith.index_cast %add3A_707 : i32 to index
        %get3A_710 = tpu.vector_load %arg9[%get3A_708, %get3A_709] {strides = array<i32>} : memref<400x128xf32, #tpu.memory_space<vmem>>, vector<1x16xf32>,
        %get3A_711 = vector.shape_cast %get3A_710 : vector<1x16xf32> to vector<16xf32>
        %add3A_712 = arith.addf %add3A_674, %get3A_711 : vector<16xf32>
        %slice3A_713 = vector.extract_strided_slice %get3A_220 {offsets = [13], sizes = [1], strides = [1]} : vector<16xi32> to vector<1xi32>
        %squeeze3A_714 = vector.extract %slice3A_713[0] : i32 from vector<1xi32>
        %add3A_715 = arith.constant 13 : i32
        %add3A_716 = arith.addi %mul3A_204, %add3A_715 : i32
        %add3A_717 = arith.constant 0 : i32
        %add3A_718 = arith.addi %squeeze3A_714, %add3A_717 : i32
        %get3A_719 = arith.index_cast %add3A_716 : i32 to index
        %get3A_720 = arith.index_cast %add3A_718 : i32 to index
        %get3A_721 = tpu.vector_load %arg9[%get3A_719, %get3A_720] {strides = array<i32>} : memref<400x128xf32, #tpu.memory_space<vmem>>, vector<1x16xf32>,
        %get3A_722 = vector.shape_cast %get3A_721 : vector<1x16xf32> to vector<16xf32>
        %add3A_723 = arith.addf %add3A_685, %get3A_722 : vector<16xf32>
        %add3A_724 = arith.constant 13 : i32
        %add3A_725 = arith.addi %mul3A_204, %add3A_724 : i32
        %add3A_726 = arith.constant 16 : i32
        %add3A_727 = arith.addi %squeeze3A_714, %add3A_726 : i32
        %get3A_728 = arith.index_cast %add3A_725 : i32 to index
        %get3A_729 = arith.index_cast %add3A_727 : i32 to index
        %get3A_730 = tpu.vector_load %arg9[%get3A_728, %get3A_729] {strides = array<i32>} : memref<400x128xf32, #tpu.memory_space<vmem>>, vector<1x16xf32>,
        %get3A_731 = vector.shape_cast %get3A_730 : vector<1x16xf32> to vector<16xf32>
        %add3A_732 = arith.addf %add3A_694, %get3A_731 : vector<16xf32>
        %add3A_733 = arith.constant 13 : i32
        %add3A_734 = arith.addi %mul3A_204, %add3A_733 : i32
        %add3A_735 = arith.constant 32 : i32
        %add3A_736 = arith.addi %squeeze3A_714, %add3A_735 : i32
        %get3A_737 = arith.index_cast %add3A_734 : i32 to index
        %get3A_738 = arith.index_cast %add3A_736 : i32 to index
        %get3A_739 = tpu.vector_load %arg9[%get3A_737, %get3A_738] {strides = array<i32>} : memref<400x128xf32, #tpu.memory_space<vmem>>, vector<1x16xf32>,
        %get3A_740 = vector.shape_cast %get3A_739 : vector<1x16xf32> to vector<16xf32>
        %add3A_741 = arith.addf %add3A_703, %get3A_740 : vector<16xf32>
        %add3A_742 = arith.constant 13 : i32
        %add3A_743 = arith.addi %mul3A_204, %add3A_742 : i32
        %add3A_744 = arith.constant 48 : i32
        %add3A_745 = arith.addi %squeeze3A_714, %add3A_744 : i32
        %get3A_746 = arith.index_cast %add3A_743 : i32 to index
        %get3A_747 = arith.index_cast %add3A_745 : i32 to index
        %get3A_748 = tpu.vector_load %arg9[%get3A_746, %get3A_747] {strides = array<i32>} : memref<400x128xf32, #tpu.memory_space<vmem>>, vector<1x16xf32>,
        %get3A_749 = vector.shape_cast %get3A_748 : vector<1x16xf32> to vector<16xf32>
        %add3A_750 = arith.addf %add3A_712, %get3A_749 : vector<16xf32>
        %slice3A_751 = vector.extract_strided_slice %get3A_220 {offsets = [14], sizes = [1], strides = [1]} : vector<16xi32> to vector<1xi32>
        %squeeze3A_752 = vector.extract %slice3A_751[0] : i32 from vector<1xi32>
        %add3A_753 = arith.constant 14 : i32
        %add3A_754 = arith.addi %mul3A_204, %add3A_753 : i32
        %add3A_755 = arith.constant 0 : i32
        %add3A_756 = arith.addi %squeeze3A_752, %add3A_755 : i32
        %get3A_757 = arith.index_cast %add3A_754 : i32 to index
        %get3A_758 = arith.index_cast %add3A_756 : i32 to index
        %get3A_759 = tpu.vector_load %arg9[%get3A_757, %get3A_758] {strides = array<i32>} : memref<400x128xf32, #tpu.memory_space<vmem>>, vector<1x16xf32>,
        %get3A_760 = vector.shape_cast %get3A_759 : vector<1x16xf32> to vector<16xf32>
        %add3A_761 = arith.addf %add3A_723, %get3A_760 : vector<16xf32>
        %add3A_762 = arith.constant 14 : i32
        %add3A_763 = arith.addi %mul3A_204, %add3A_762 : i32
        %add3A_764 = arith.constant 16 : i32
        %add3A_765 = arith.addi %squeeze3A_752, %add3A_764 : i32
        %get3A_766 = arith.index_cast %add3A_763 : i32 to index
        %get3A_767 = arith.index_cast %add3A_765 : i32 to index
        %get3A_768 = tpu.vector_load %arg9[%get3A_766, %get3A_767] {strides = array<i32>} : memref<400x128xf32, #tpu.memory_space<vmem>>, vector<1x16xf32>,
        %get3A_769 = vector.shape_cast %get3A_768 : vector<1x16xf32> to vector<16xf32>
        %add3A_770 = arith.addf %add3A_732, %get3A_769 : vector<16xf32>
        %add3A_771 = arith.constant 14 : i32
        %add3A_772 = arith.addi %mul3A_204, %add3A_771 : i32
        %add3A_773 = arith.constant 32 : i32
        %add3A_774 = arith.addi %squeeze3A_752, %add3A_773 : i32
        %get3A_775 = arith.index_cast %add3A_772 : i32 to index
        %get3A_776 = arith.index_cast %add3A_774 : i32 to index
        %get3A_777 = tpu.vector_load %arg9[%get3A_775, %get3A_776] {strides = array<i32>} : memref<400x128xf32, #tpu.memory_space<vmem>>, vector<1x16xf32>,
        %get3A_778 = vector.shape_cast %get3A_777 : vector<1x16xf32> to vector<16xf32>
        %add3A_779 = arith.addf %add3A_741, %get3A_778 : vector<16xf32>
        %add3A_780 = arith.constant 14 : i32
        %add3A_781 = arith.addi %mul3A_204, %add3A_780 : i32
        %add3A_782 = arith.constant 48 : i32
        %add3A_783 = arith.addi %squeeze3A_752, %add3A_782 : i32
        %get3A_784 = arith.index_cast %add3A_781 : i32 to index
        %get3A_785 = arith.index_cast %add3A_783 : i32 to index
        %get3A_786 = tpu.vector_load %arg9[%get3A_784, %get3A_785] {strides = array<i32>} : memref<400x128xf32, #tpu.memory_space<vmem>>, vector<1x16xf32>,
        %get3A_787 = vector.shape_cast %get3A_786 : vector<1x16xf32> to vector<16xf32>
        %add3A_788 = arith.addf %add3A_750, %get3A_787 : vector<16xf32>
        %slice3A_789 = vector.extract_strided_slice %get3A_220 {offsets = [15], sizes = [1], strides = [1]} : vector<16xi32> to vector<1xi32>
        %squeeze3A_790 = vector.extract %slice3A_789[0] : i32 from vector<1xi32>
        %add3A_791 = arith.constant 15 : i32
        %add3A_792 = arith.addi %mul3A_204, %add3A_791 : i32
        %add3A_793 = arith.constant 0 : i32
        %add3A_794 = arith.addi %squeeze3A_790, %add3A_793 : i32
        %get3A_795 = arith.index_cast %add3A_792 : i32 to index
        %get3A_796 = arith.index_cast %add3A_794 : i32 to index
        %get3A_797 = tpu.vector_load %arg9[%get3A_795, %get3A_796] {strides = array<i32>} : memref<400x128xf32, #tpu.memory_space<vmem>>, vector<1x16xf32>,
        %get3A_798 = vector.shape_cast %get3A_797 : vector<1x16xf32> to vector<16xf32>
        %add3A_799 = arith.addf %add3A_761, %get3A_798 : vector<16xf32>
        %add3A_800 = arith.constant 15 : i32
        %add3A_801 = arith.addi %mul3A_204, %add3A_800 : i32
        %add3A_802 = arith.constant 16 : i32
        %add3A_803 = arith.addi %squeeze3A_790, %add3A_802 : i32
        %get3A_804 = arith.index_cast %add3A_801 : i32 to index
        %get3A_805 = arith.index_cast %add3A_803 : i32 to index
        %get3A_806 = tpu.vector_load %arg9[%get3A_804, %get3A_805] {strides = array<i32>} : memref<400x128xf32, #tpu.memory_space<vmem>>, vector<1x16xf32>,
        %get3A_807 = vector.shape_cast %get3A_806 : vector<1x16xf32> to vector<16xf32>
        %add3A_808 = arith.addf %add3A_770, %get3A_807 : vector<16xf32>
        %add3A_809 = arith.constant 15 : i32
        %add3A_810 = arith.addi %mul3A_204, %add3A_809 : i32
        %add3A_811 = arith.constant 32 : i32
        %add3A_812 = arith.addi %squeeze3A_790, %add3A_811 : i32
        %get3A_813 = arith.index_cast %add3A_810 : i32 to index
        %get3A_814 = arith.index_cast %add3A_812 : i32 to index
        %get3A_815 = tpu.vector_load %arg9[%get3A_813, %get3A_814] {strides = array<i32>} : memref<400x128xf32, #tpu.memory_space<vmem>>, vector<1x16xf32>,
        %get3A_816 = vector.shape_cast %get3A_815 : vector<1x16xf32> to vector<16xf32>
        %add3A_817 = arith.addf %add3A_779, %get3A_816 : vector<16xf32>
        %add3A_818 = arith.constant 15 : i32
        %add3A_819 = arith.addi %mul3A_204, %add3A_818 : i32
        %add3A_820 = arith.constant 48 : i32
        %add3A_821 = arith.addi %squeeze3A_790, %add3A_820 : i32
        %get3A_822 = arith.index_cast %add3A_819 : i32 to index
        %get3A_823 = arith.index_cast %add3A_821 : i32 to index
        %get3A_824 = tpu.vector_load %arg9[%get3A_822, %get3A_823] {strides = array<i32>} : memref<400x128xf32, #tpu.memory_space<vmem>>, vector<1x16xf32>,
        %get3A_825 = vector.shape_cast %get3A_824 : vector<1x16xf32> to vector<16xf32>
        %add3A_826 = arith.addf %add3A_788, %get3A_825 : vector<16xf32>
        %mul3A_827 = arith.constant 64 : i32
        %mul3A_828 = arith.muli %add3A_207, %mul3A_827 : i32
        %add3A_829 = arith.constant 16 : i32
        %add3A_830 = arith.addi %mul3A_828, %add3A_829 : i32
        %get3A_831 = arith.index_cast %add3A_830 : i32 to index
        %get3A_832 = tpu.vector_load %arg7[%get3A_831] {strides = array<i32>} : memref<8192xi32, #tpu.memory_space<vmem>>, vector<16xi32>,
        %get3A_833 = vector.shape_cast %get3A_832 : vector<16xi32> to vector<16xi32>
        %slice3A_834 = vector.extract_strided_slice %get3A_833 {offsets = [0], sizes = [1], strides = [1]} : vector<16xi32> to vector<1xi32>
        %squeeze3A_835 = vector.extract %slice3A_834[0] : i32 from vector<1xi32>
        %add3A_836 = arith.constant 16 : i32
        %add3A_837 = arith.addi %mul3A_204, %add3A_836 : i32
        %add3A_838 = arith.constant 0 : i32
        %add3A_839 = arith.addi %squeeze3A_835, %add3A_838 : i32
        %get3A_840 = arith.index_cast %add3A_837 : i32 to index
        %get3A_841 = arith.index_cast %add3A_839 : i32 to index
        %get3A_842 = tpu.vector_load %arg9[%get3A_840, %get3A_841] {strides = array<i32>} : memref<400x128xf32, #tpu.memory_space<vmem>>, vector<1x16xf32>,
        %get3A_843 = vector.shape_cast %get3A_842 : vector<1x16xf32> to vector<16xf32>
        %add3A_844 = arith.addf %add3A_799, %get3A_843 : vector<16xf32>
        %add3A_845 = arith.constant 16 : i32
        %add3A_846 = arith.addi %mul3A_204, %add3A_845 : i32
        %add3A_847 = arith.constant 16 : i32
        %add3A_848 = arith.addi %squeeze3A_835, %add3A_847 : i32
        %get3A_849 = arith.index_cast %add3A_846 : i32 to index
        %get3A_850 = arith.index_cast %add3A_848 : i32 to index
        %get3A_851 = tpu.vector_load %arg9[%get3A_849, %get3A_850] {strides = array<i32>} : memref<400x128xf32, #tpu.memory_space<vmem>>, vector<1x16xf32>,
        %get3A_852 = vector.shape_cast %get3A_851 : vector<1x16xf32> to vector<16xf32>
        %add3A_853 = arith.addf %add3A_808, %get3A_852 : vector<16xf32>
        %add3A_854 = arith.constant 16 : i32
        %add3A_855 = arith.addi %mul3A_204, %add3A_854 : i32
        %add3A_856 = arith.constant 32 : i32
        %add3A_857 = arith.addi %squeeze3A_835, %add3A_856 : i32
        %get3A_858 = arith.index_cast %add3A_855 : i32 to index
        %get3A_859 = arith.index_cast %add3A_857 : i32 to index
        %get3A_860 = tpu.vector_load %arg9[%get3A_858, %get3A_859] {strides = array<i32>} : memref<400x128xf32, #tpu.memory_space<vmem>>, vector<1x16xf32>,
        %get3A_861 = vector.shape_cast %get3A_860 : vector<1x16xf32> to vector<16xf32>
        %add3A_862 = arith.addf %add3A_817, %get3A_861 : vector<16xf32>
        %add3A_863 = arith.constant 16 : i32
        %add3A_864 = arith.addi %mul3A_204, %add3A_863 : i32
        %add3A_865 = arith.constant 48 : i32
        %add3A_866 = arith.addi %squeeze3A_835, %add3A_865 : i32
        %get3A_867 = arith.index_cast %add3A_864 : i32 to index
        %get3A_868 = arith.index_cast %add3A_866 : i32 to index
        %get3A_869 = tpu.vector_load %arg9[%get3A_867, %get3A_868] {strides = array<i32>} : memref<400x128xf32, #tpu.memory_space<vmem>>, vector<1x16xf32>,
        %get3A_870 = vector.shape_cast %get3A_869 : vector<1x16xf32> to vector<16xf32>
        %add3A_871 = arith.addf %add3A_826, %get3A_870 : vector<16xf32>
        %slice3A_872 = vector.extract_strided_slice %get3A_833 {offsets = [1], sizes = [1], strides = [1]} : vector<16xi32> to vector<1xi32>
        %squeeze3A_873 = vector.extract %slice3A_872[0] : i32 from vector<1xi32>
        %add3A_874 = arith.constant 17 : i32
        %add3A_875 = arith.addi %mul3A_204, %add3A_874 : i32
        %add3A_876 = arith.constant 0 : i32
        %add3A_877 = arith.addi %squeeze3A_873, %add3A_876 : i32
        %get3A_878 = arith.index_cast %add3A_875 : i32 to index
        %get3A_879 = arith.index_cast %add3A_877 : i32 to index
        %get3A_880 = tpu.vector_load %arg9[%get3A_878, %get3A_879] {strides = array<i32>} : memref<400x128xf32, #tpu.memory_space<vmem>>, vector<1x16xf32>,
        %get3A_881 = vector.shape_cast %get3A_880 : vector<1x16xf32> to vector<16xf32>
        %add3A_882 = arith.addf %add3A_844, %get3A_881 : vector<16xf32>
        %add3A_883 = arith.constant 17 : i32
        %add3A_884 = arith.addi %mul3A_204, %add3A_883 : i32
        %add3A_885 = arith.constant 16 : i32
        %add3A_886 = arith.addi %squeeze3A_873, %add3A_885 : i32
        %get3A_887 = arith.index_cast %add3A_884 : i32 to index
        %get3A_888 = arith.index_cast %add3A_886 : i32 to index
        %get3A_889 = tpu.vector_load %arg9[%get3A_887, %get3A_888] {strides = array<i32>} : memref<400x128xf32, #tpu.memory_space<vmem>>, vector<1x16xf32>,
        %get3A_890 = vector.shape_cast %get3A_889 : vector<1x16xf32> to vector<16xf32>
        %add3A_891 = arith.addf %add3A_853, %get3A_890 : vector<16xf32>
        %add3A_892 = arith.constant 17 : i32
        %add3A_893 = arith.addi %mul3A_204, %add3A_892 : i32
        %add3A_894 = arith.constant 32 : i32
        %add3A_895 = arith.addi %squeeze3A_873, %add3A_894 : i32
        %get3A_896 = arith.index_cast %add3A_893 : i32 to index
        %get3A_897 = arith.index_cast %add3A_895 : i32 to index
        %get3A_898 = tpu.vector_load %arg9[%get3A_896, %get3A_897] {strides = array<i32>} : memref<400x128xf32, #tpu.memory_space<vmem>>, vector<1x16xf32>,
        %get3A_899 = vector.shape_cast %get3A_898 : vector<1x16xf32> to vector<16xf32>
        %add3A_900 = arith.addf %add3A_862, %get3A_899 : vector<16xf32>
        %add3A_901 = arith.constant 17 : i32
        %add3A_902 = arith.addi %mul3A_204, %add3A_901 : i32
        %add3A_903 = arith.constant 48 : i32
        %add3A_904 = arith.addi %squeeze3A_873, %add3A_903 : i32
        %get3A_905 = arith.index_cast %add3A_902 : i32 to index
        %get3A_906 = arith.index_cast %add3A_904 : i32 to index
        %get3A_907 = tpu.vector_load %arg9[%get3A_905, %get3A_906] {strides = array<i32>} : memref<400x128xf32, #tpu.memory_space<vmem>>, vector<1x16xf32>,
        %get3A_908 = vector.shape_cast %get3A_907 : vector<1x16xf32> to vector<16xf32>
        %add3A_909 = arith.addf %add3A_871, %get3A_908 : vector<16xf32>
        %slice3A_910 = vector.extract_strided_slice %get3A_833 {offsets = [2], sizes = [1], strides = [1]} : vector<16xi32> to vector<1xi32>
        %squeeze3A_911 = vector.extract %slice3A_910[0] : i32 from vector<1xi32>
        %add3A_912 = arith.constant 18 : i32
        %add3A_913 = arith.addi %mul3A_204, %add3A_912 : i32
        %add3A_914 = arith.constant 0 : i32
        %add3A_915 = arith.addi %squeeze3A_911, %add3A_914 : i32
        %get3A_916 = arith.index_cast %add3A_913 : i32 to index
        %get3A_917 = arith.index_cast %add3A_915 : i32 to index
        %get3A_918 = tpu.vector_load %arg9[%get3A_916, %get3A_917] {strides = array<i32>} : memref<400x128xf32, #tpu.memory_space<vmem>>, vector<1x16xf32>,
        %get3A_919 = vector.shape_cast %get3A_918 : vector<1x16xf32> to vector<16xf32>
        %add3A_920 = arith.addf %add3A_882, %get3A_919 : vector<16xf32>
        %add3A_921 = arith.constant 18 : i32
        %add3A_922 = arith.addi %mul3A_204, %add3A_921 : i32
        %add3A_923 = arith.constant 16 : i32
        %add3A_924 = arith.addi %squeeze3A_911, %add3A_923 : i32
        %get3A_925 = arith.index_cast %add3A_922 : i32 to index
        %get3A_926 = arith.index_cast %add3A_924 : i32 to index
        %get3A_927 = tpu.vector_load %arg9[%get3A_925, %get3A_926] {strides = array<i32>} : memref<400x128xf32, #tpu.memory_space<vmem>>, vector<1x16xf32>,
        %get3A_928 = vector.shape_cast %get3A_927 : vector<1x16xf32> to vector<16xf32>
        %add3A_929 = arith.addf %add3A_891, %get3A_928 : vector<16xf32>
        %add3A_930 = arith.constant 18 : i32
        %add3A_931 = arith.addi %mul3A_204, %add3A_930 : i32
        %add3A_932 = arith.constant 32 : i32
        %add3A_933 = arith.addi %squeeze3A_911, %add3A_932 : i32
        %get3A_934 = arith.index_cast %add3A_931 : i32 to index
        %get3A_935 = arith.index_cast %add3A_933 : i32 to index
        %get3A_936 = tpu.vector_load %arg9[%get3A_934, %get3A_935] {strides = array<i32>} : memref<400x128xf32, #tpu.memory_space<vmem>>, vector<1x16xf32>,
        %get3A_937 = vector.shape_cast %get3A_936 : vector<1x16xf32> to vector<16xf32>
        %add3A_938 = arith.addf %add3A_900, %get3A_937 : vector<16xf32>
        %add3A_939 = arith.constant 18 : i32
        %add3A_940 = arith.addi %mul3A_204, %add3A_939 : i32
        %add3A_941 = arith.constant 48 : i32
        %add3A_942 = arith.addi %squeeze3A_911, %add3A_941 : i32
        %get3A_943 = arith.index_cast %add3A_940 : i32 to index
        %get3A_944 = arith.index_cast %add3A_942 : i32 to index
        %get3A_945 = tpu.vector_load %arg9[%get3A_943, %get3A_944] {strides = array<i32>} : memref<400x128xf32, #tpu.memory_space<vmem>>, vector<1x16xf32>,
        %get3A_946 = vector.shape_cast %get3A_945 : vector<1x16xf32> to vector<16xf32>
        %add3A_947 = arith.addf %add3A_909, %get3A_946 : vector<16xf32>
        %slice3A_948 = vector.extract_strided_slice %get3A_833 {offsets = [3], sizes = [1], strides = [1]} : vector<16xi32> to vector<1xi32>
        %squeeze3A_949 = vector.extract %slice3A_948[0] : i32 from vector<1xi32>
        %add3A_950 = arith.constant 19 : i32
        %add3A_951 = arith.addi %mul3A_204, %add3A_950 : i32
        %add3A_952 = arith.constant 0 : i32
        %add3A_953 = arith.addi %squeeze3A_949, %add3A_952 : i32
        %get3A_954 = arith.index_cast %add3A_951 : i32 to index
        %get3A_955 = arith.index_cast %add3A_953 : i32 to index
        %get3A_956 = tpu.vector_load %arg9[%get3A_954, %get3A_955] {strides = array<i32>} : memref<400x128xf32, #tpu.memory_space<vmem>>, vector<1x16xf32>,
        %get3A_957 = vector.shape_cast %get3A_956 : vector<1x16xf32> to vector<16xf32>
        %add3A_958 = arith.addf %add3A_920, %get3A_957 : vector<16xf32>
        %add3A_959 = arith.constant 19 : i32
        %add3A_960 = arith.addi %mul3A_204, %add3A_959 : i32
        %add3A_961 = arith.constant 16 : i32
        %add3A_962 = arith.addi %squeeze3A_949, %add3A_961 : i32
        %get3A_963 = arith.index_cast %add3A_960 : i32 to index
        %get3A_964 = arith.index_cast %add3A_962 : i32 to index
        %get3A_965 = tpu.vector_load %arg9[%get3A_963, %get3A_964] {strides = array<i32>} : memref<400x128xf32, #tpu.memory_space<vmem>>, vector<1x16xf32>,
        %get3A_966 = vector.shape_cast %get3A_965 : vector<1x16xf32> to vector<16xf32>
        %add3A_967 = arith.addf %add3A_929, %get3A_966 : vector<16xf32>
        %add3A_968 = arith.constant 19 : i32
        %add3A_969 = arith.addi %mul3A_204, %add3A_968 : i32
        %add3A_970 = arith.constant 32 : i32
        %add3A_971 = arith.addi %squeeze3A_949, %add3A_970 : i32
        %get3A_972 = arith.index_cast %add3A_969 : i32 to index
        %get3A_973 = arith.index_cast %add3A_971 : i32 to index
        %get3A_974 = tpu.vector_load %arg9[%get3A_972, %get3A_973] {strides = array<i32>} : memref<400x128xf32, #tpu.memory_space<vmem>>, vector<1x16xf32>,
        %get3A_975 = vector.shape_cast %get3A_974 : vector<1x16xf32> to vector<16xf32>
        %add3A_976 = arith.addf %add3A_938, %get3A_975 : vector<16xf32>
        %add3A_977 = arith.constant 19 : i32
        %add3A_978 = arith.addi %mul3A_204, %add3A_977 : i32
        %add3A_979 = arith.constant 48 : i32
        %add3A_980 = arith.addi %squeeze3A_949, %add3A_979 : i32
        %get3A_981 = arith.index_cast %add3A_978 : i32 to index
        %get3A_982 = arith.index_cast %add3A_980 : i32 to index
        %get3A_983 = tpu.vector_load %arg9[%get3A_981, %get3A_982] {strides = array<i32>} : memref<400x128xf32, #tpu.memory_space<vmem>>, vector<1x16xf32>,
        %get3A_984 = vector.shape_cast %get3A_983 : vector<1x16xf32> to vector<16xf32>
        %add3A_985 = arith.addf %add3A_947, %get3A_984 : vector<16xf32>
        %slice3A_986 = vector.extract_strided_slice %get3A_833 {offsets = [4], sizes = [1], strides = [1]} : vector<16xi32> to vector<1xi32>
        %squeeze3A_987 = vector.extract %slice3A_986[0] : i32 from vector<1xi32>
        %add3A_988 = arith.constant 20 : i32
        %add3A_989 = arith.addi %mul3A_204, %add3A_988 : i32
        %add3A_990 = arith.constant 0 : i32
        %add3A_991 = arith.addi %squeeze3A_987, %add3A_990 : i32
        %get3A_992 = arith.index_cast %add3A_989 : i32 to index
        %get3A_993 = arith.index_cast %add3A_991 : i32 to index
        %get3A_994 = tpu.vector_load %arg9[%get3A_992, %get3A_993] {strides = array<i32>} : memref<400x128xf32, #tpu.memory_space<vmem>>, vector<1x16xf32>,
        %get3A_995 = vector.shape_cast %get3A_994 : vector<1x16xf32> to vector<16xf32>
        %add3A_996 = arith.addf %add3A_958, %get3A_995 : vector<16xf32>
        %add3A_997 = arith.constant 20 : i32
        %add3A_998 = arith.addi %mul3A_204, %add3A_997 : i32
        %add3A_999 = arith.constant 16 : i32
        %add3A_1000 = arith.addi %squeeze3A_987, %add3A_999 : i32
        %get3A_1001 = arith.index_cast %add3A_998 : i32 to index
        %get3A_1002 = arith.index_cast %add3A_1000 : i32 to index
        %get3A_1003 = tpu.vector_load %arg9[%get3A_1001, %get3A_1002] {strides = array<i32>} : memref<400x128xf32, #tpu.memory_space<vmem>>, vector<1x16xf32>,
        %get3A_1004 = vector.shape_cast %get3A_1003 : vector<1x16xf32> to vector<16xf32>
        %add3A_1005 = arith.addf %add3A_967, %get3A_1004 : vector<16xf32>
        %add3A_1006 = arith.constant 20 : i32
        %add3A_1007 = arith.addi %mul3A_204, %add3A_1006 : i32
        %add3A_1008 = arith.constant 32 : i32
        %add3A_1009 = arith.addi %squeeze3A_987, %add3A_1008 : i32
        %get3A_1010 = arith.index_cast %add3A_1007 : i32 to index
        %get3A_1011 = arith.index_cast %add3A_1009 : i32 to index
        %get3A_1012 = tpu.vector_load %arg9[%get3A_1010, %get3A_1011] {strides = array<i32>} : memref<400x128xf32, #tpu.memory_space<vmem>>, vector<1x16xf32>,
        %get3A_1013 = vector.shape_cast %get3A_1012 : vector<1x16xf32> to vector<16xf32>
        %add3A_1014 = arith.addf %add3A_976, %get3A_1013 : vector<16xf32>
        %add3A_1015 = arith.constant 20 : i32
        %add3A_1016 = arith.addi %mul3A_204, %add3A_1015 : i32
        %add3A_1017 = arith.constant 48 : i32
        %add3A_1018 = arith.addi %squeeze3A_987, %add3A_1017 : i32
        %get3A_1019 = arith.index_cast %add3A_1016 : i32 to index
        %get3A_1020 = arith.index_cast %add3A_1018 : i32 to index
        %get3A_1021 = tpu.vector_load %arg9[%get3A_1019, %get3A_1020] {strides = array<i32>} : memref<400x128xf32, #tpu.memory_space<vmem>>, vector<1x16xf32>,
        %get3A_1022 = vector.shape_cast %get3A_1021 : vector<1x16xf32> to vector<16xf32>
        %add3A_1023 = arith.addf %add3A_985, %get3A_1022 : vector<16xf32>
        %slice3A_1024 = vector.extract_strided_slice %get3A_833 {offsets = [5], sizes = [1], strides = [1]} : vector<16xi32> to vector<1xi32>
        %squeeze3A_1025 = vector.extract %slice3A_1024[0] : i32 from vector<1xi32>
        %add3A_1026 = arith.constant 21 : i32
        %add3A_1027 = arith.addi %mul3A_204, %add3A_1026 : i32
        %add3A_1028 = arith.constant 0 : i32
        %add3A_1029 = arith.addi %squeeze3A_1025, %add3A_1028 : i32
        %get3A_1030 = arith.index_cast %add3A_1027 : i32 to index
        %get3A_1031 = arith.index_cast %add3A_1029 : i32 to index
        %get3A_1032 = tpu.vector_load %arg9[%get3A_1030, %get3A_1031] {strides = array<i32>} : memref<400x128xf32, #tpu.memory_space<vmem>>, vector<1x16xf32>,
        %get3A_1033 = vector.shape_cast %get3A_1032 : vector<1x16xf32> to vector<16xf32>
        %add3A_1034 = arith.addf %add3A_996, %get3A_1033 : vector<16xf32>
        %add3A_1035 = arith.constant 21 : i32
        %add3A_1036 = arith.addi %mul3A_204, %add3A_1035 : i32
        %add3A_1037 = arith.constant 16 : i32
        %add3A_1038 = arith.addi %squeeze3A_1025, %add3A_1037 : i32
        %get3A_1039 = arith.index_cast %add3A_1036 : i32 to index
        %get3A_1040 = arith.index_cast %add3A_1038 : i32 to index
        %get3A_1041 = tpu.vector_load %arg9[%get3A_1039, %get3A_1040] {strides = array<i32>} : memref<400x128xf32, #tpu.memory_space<vmem>>, vector<1x16xf32>,
        %get3A_1042 = vector.shape_cast %get3A_1041 : vector<1x16xf32> to vector<16xf32>
        %add3A_1043 = arith.addf %add3A_1005, %get3A_1042 : vector<16xf32>
        %add3A_1044 = arith.constant 21 : i32
        %add3A_1045 = arith.addi %mul3A_204, %add3A_1044 : i32
        %add3A_1046 = arith.constant 32 : i32
        %add3A_1047 = arith.addi %squeeze3A_1025, %add3A_1046 : i32
        %get3A_1048 = arith.index_cast %add3A_1045 : i32 to index
        %get3A_1049 = arith.index_cast %add3A_1047 : i32 to index
        %get3A_1050 = tpu.vector_load %arg9[%get3A_1048, %get3A_1049] {strides = array<i32>} : memref<400x128xf32, #tpu.memory_space<vmem>>, vector<1x16xf32>,
        %get3A_1051 = vector.shape_cast %get3A_1050 : vector<1x16xf32> to vector<16xf32>
        %add3A_1052 = arith.addf %add3A_1014, %get3A_1051 : vector<16xf32>
        %add3A_1053 = arith.constant 21 : i32
        %add3A_1054 = arith.addi %mul3A_204, %add3A_1053 : i32
        %add3A_1055 = arith.constant 48 : i32
        %add3A_1056 = arith.addi %squeeze3A_1025, %add3A_1055 : i32
        %get3A_1057 = arith.index_cast %add3A_1054 : i32 to index
        %get3A_1058 = arith.index_cast %add3A_1056 : i32 to index
        %get3A_1059 = tpu.vector_load %arg9[%get3A_1057, %get3A_1058] {strides = array<i32>} : memref<400x128xf32, #tpu.memory_space<vmem>>, vector<1x16xf32>,
        %get3A_1060 = vector.shape_cast %get3A_1059 : vector<1x16xf32> to vector<16xf32>
        %add3A_1061 = arith.addf %add3A_1023, %get3A_1060 : vector<16xf32>
        %slice3A_1062 = vector.extract_strided_slice %get3A_833 {offsets = [6], sizes = [1], strides = [1]} : vector<16xi32> to vector<1xi32>
        %squeeze3A_1063 = vector.extract %slice3A_1062[0] : i32 from vector<1xi32>
        %add3A_1064 = arith.constant 22 : i32
        %add3A_1065 = arith.addi %mul3A_204, %add3A_1064 : i32
        %add3A_1066 = arith.constant 0 : i32
        %add3A_1067 = arith.addi %squeeze3A_1063, %add3A_1066 : i32
        %get3A_1068 = arith.index_cast %add3A_1065 : i32 to index
        %get3A_1069 = arith.index_cast %add3A_1067 : i32 to index
        %get3A_1070 = tpu.vector_load %arg9[%get3A_1068, %get3A_1069] {strides = array<i32>} : memref<400x128xf32, #tpu.memory_space<vmem>>, vector<1x16xf32>,
        %get3A_1071 = vector.shape_cast %get3A_1070 : vector<1x16xf32> to vector<16xf32>
        %add3A_1072 = arith.addf %add3A_1034, %get3A_1071 : vector<16xf32>
        %add3A_1073 = arith.constant 22 : i32
        %add3A_1074 = arith.addi %mul3A_204, %add3A_1073 : i32
        %add3A_1075 = arith.constant 16 : i32
        %add3A_1076 = arith.addi %squeeze3A_1063, %add3A_1075 : i32
        %get3A_1077 = arith.index_cast %add3A_1074 : i32 to index
        %get3A_1078 = arith.index_cast %add3A_1076 : i32 to index
        %get3A_1079 = tpu.vector_load %arg9[%get3A_1077, %get3A_1078] {strides = array<i32>} : memref<400x128xf32, #tpu.memory_space<vmem>>, vector<1x16xf32>,
        %get3A_1080 = vector.shape_cast %get3A_1079 : vector<1x16xf32> to vector<16xf32>
        %add3A_1081 = arith.addf %add3A_1043, %get3A_1080 : vector<16xf32>
        %add3A_1082 = arith.constant 22 : i32
        %add3A_1083 = arith.addi %mul3A_204, %add3A_1082 : i32
        %add3A_1084 = arith.constant 32 : i32
        %add3A_1085 = arith.addi %squeeze3A_1063, %add3A_1084 : i32
        %get3A_1086 = arith.index_cast %add3A_1083 : i32 to index
        %get3A_1087 = arith.index_cast %add3A_1085 : i32 to index
        %get3A_1088 = tpu.vector_load %arg9[%get3A_1086, %get3A_1087] {strides = array<i32>} : memref<400x128xf32, #tpu.memory_space<vmem>>, vector<1x16xf32>,
        %get3A_1089 = vector.shape_cast %get3A_1088 : vector<1x16xf32> to vector<16xf32>
        %add3A_1090 = arith.addf %add3A_1052, %get3A_1089 : vector<16xf32>
        %add3A_1091 = arith.constant 22 : i32
        %add3A_1092 = arith.addi %mul3A_204, %add3A_1091 : i32
        %add3A_1093 = arith.constant 48 : i32
        %add3A_1094 = arith.addi %squeeze3A_1063, %add3A_1093 : i32
        %get3A_1095 = arith.index_cast %add3A_1092 : i32 to index
        %get3A_1096 = arith.index_cast %add3A_1094 : i32 to index
        %get3A_1097 = tpu.vector_load %arg9[%get3A_1095, %get3A_1096] {strides = array<i32>} : memref<400x128xf32, #tpu.memory_space<vmem>>, vector<1x16xf32>,
        %get3A_1098 = vector.shape_cast %get3A_1097 : vector<1x16xf32> to vector<16xf32>
        %add3A_1099 = arith.addf %add3A_1061, %get3A_1098 : vector<16xf32>
        %slice3A_1100 = vector.extract_strided_slice %get3A_833 {offsets = [7], sizes = [1], strides = [1]} : vector<16xi32> to vector<1xi32>
        %squeeze3A_1101 = vector.extract %slice3A_1100[0] : i32 from vector<1xi32>
        %add3A_1102 = arith.constant 23 : i32
        %add3A_1103 = arith.addi %mul3A_204, %add3A_1102 : i32
        %add3A_1104 = arith.constant 0 : i32
        %add3A_1105 = arith.addi %squeeze3A_1101, %add3A_1104 : i32
        %get3A_1106 = arith.index_cast %add3A_1103 : i32 to index
        %get3A_1107 = arith.index_cast %add3A_1105 : i32 to index
        %get3A_1108 = tpu.vector_load %arg9[%get3A_1106, %get3A_1107] {strides = array<i32>} : memref<400x128xf32, #tpu.memory_space<vmem>>, vector<1x16xf32>,
        %get3A_1109 = vector.shape_cast %get3A_1108 : vector<1x16xf32> to vector<16xf32>
        %add3A_1110 = arith.addf %add3A_1072, %get3A_1109 : vector<16xf32>
        %add3A_1111 = arith.constant 23 : i32
        %add3A_1112 = arith.addi %mul3A_204, %add3A_1111 : i32
        %add3A_1113 = arith.constant 16 : i32
        %add3A_1114 = arith.addi %squeeze3A_1101, %add3A_1113 : i32
        %get3A_1115 = arith.index_cast %add3A_1112 : i32 to index
        %get3A_1116 = arith.index_cast %add3A_1114 : i32 to index
        %get3A_1117 = tpu.vector_load %arg9[%get3A_1115, %get3A_1116] {strides = array<i32>} : memref<400x128xf32, #tpu.memory_space<vmem>>, vector<1x16xf32>,
        %get3A_1118 = vector.shape_cast %get3A_1117 : vector<1x16xf32> to vector<16xf32>
        %add3A_1119 = arith.addf %add3A_1081, %get3A_1118 : vector<16xf32>
        %add3A_1120 = arith.constant 23 : i32
        %add3A_1121 = arith.addi %mul3A_204, %add3A_1120 : i32
        %add3A_1122 = arith.constant 32 : i32
        %add3A_1123 = arith.addi %squeeze3A_1101, %add3A_1122 : i32
        %get3A_1124 = arith.index_cast %add3A_1121 : i32 to index
        %get3A_1125 = arith.index_cast %add3A_1123 : i32 to index
        %get3A_1126 = tpu.vector_load %arg9[%get3A_1124, %get3A_1125] {strides = array<i32>} : memref<400x128xf32, #tpu.memory_space<vmem>>, vector<1x16xf32>,
        %get3A_1127 = vector.shape_cast %get3A_1126 : vector<1x16xf32> to vector<16xf32>
        %add3A_1128 = arith.addf %add3A_1090, %get3A_1127 : vector<16xf32>
        %add3A_1129 = arith.constant 23 : i32
        %add3A_1130 = arith.addi %mul3A_204, %add3A_1129 : i32
        %add3A_1131 = arith.constant 48 : i32
        %add3A_1132 = arith.addi %squeeze3A_1101, %add3A_1131 : i32
        %get3A_1133 = arith.index_cast %add3A_1130 : i32 to index
        %get3A_1134 = arith.index_cast %add3A_1132 : i32 to index
        %get3A_1135 = tpu.vector_load %arg9[%get3A_1133, %get3A_1134] {strides = array<i32>} : memref<400x128xf32, #tpu.memory_space<vmem>>, vector<1x16xf32>,
        %get3A_1136 = vector.shape_cast %get3A_1135 : vector<1x16xf32> to vector<16xf32>
        %add3A_1137 = arith.addf %add3A_1099, %get3A_1136 : vector<16xf32>
        %slice3A_1138 = vector.extract_strided_slice %get3A_833 {offsets = [8], sizes = [1], strides = [1]} : vector<16xi32> to vector<1xi32>
        %squeeze3A_1139 = vector.extract %slice3A_1138[0] : i32 from vector<1xi32>
        %add3A_1140 = arith.constant 24 : i32
        %add3A_1141 = arith.addi %mul3A_204, %add3A_1140 : i32
        %add3A_1142 = arith.constant 0 : i32
        %add3A_1143 = arith.addi %squeeze3A_1139, %add3A_1142 : i32
        %get3A_1144 = arith.index_cast %add3A_1141 : i32 to index
        %get3A_1145 = arith.index_cast %add3A_1143 : i32 to index
        %get3A_1146 = tpu.vector_load %arg9[%get3A_1144, %get3A_1145] {strides = array<i32>} : memref<400x128xf32, #tpu.memory_space<vmem>>, vector<1x16xf32>,
        %get3A_1147 = vector.shape_cast %get3A_1146 : vector<1x16xf32> to vector<16xf32>
        %add3A_1148 = arith.addf %add3A_1110, %get3A_1147 : vector<16xf32>
        %add3A_1149 = arith.constant 24 : i32
        %add3A_1150 = arith.addi %mul3A_204, %add3A_1149 : i32
        %add3A_1151 = arith.constant 16 : i32
        %add3A_1152 = arith.addi %squeeze3A_1139, %add3A_1151 : i32
        %get3A_1153 = arith.index_cast %add3A_1150 : i32 to index
        %get3A_1154 = arith.index_cast %add3A_1152 : i32 to index
        %get3A_1155 = tpu.vector_load %arg9[%get3A_1153, %get3A_1154] {strides = array<i32>} : memref<400x128xf32, #tpu.memory_space<vmem>>, vector<1x16xf32>,
        %get3A_1156 = vector.shape_cast %get3A_1155 : vector<1x16xf32> to vector<16xf32>
        %add3A_1157 = arith.addf %add3A_1119, %get3A_1156 : vector<16xf32>
        %add3A_1158 = arith.constant 24 : i32
        %add3A_1159 = arith.addi %mul3A_204, %add3A_1158 : i32
        %add3A_1160 = arith.constant 32 : i32
        %add3A_1161 = arith.addi %squeeze3A_1139, %add3A_1160 : i32
        %get3A_1162 = arith.index_cast %add3A_1159 : i32 to index
        %get3A_1163 = arith.index_cast %add3A_1161 : i32 to index
        %get3A_1164 = tpu.vector_load %arg9[%get3A_1162, %get3A_1163] {strides = array<i32>} : memref<400x128xf32, #tpu.memory_space<vmem>>, vector<1x16xf32>,
        %get3A_1165 = vector.shape_cast %get3A_1164 : vector<1x16xf32> to vector<16xf32>
        %add3A_1166 = arith.addf %add3A_1128, %get3A_1165 : vector<16xf32>
        %add3A_1167 = arith.constant 24 : i32
        %add3A_1168 = arith.addi %mul3A_204, %add3A_1167 : i32
        %add3A_1169 = arith.constant 48 : i32
        %add3A_1170 = arith.addi %squeeze3A_1139, %add3A_1169 : i32
        %get3A_1171 = arith.index_cast %add3A_1168 : i32 to index
        %get3A_1172 = arith.index_cast %add3A_1170 : i32 to index
        %get3A_1173 = tpu.vector_load %arg9[%get3A_1171, %get3A_1172] {strides = array<i32>} : memref<400x128xf32, #tpu.memory_space<vmem>>, vector<1x16xf32>,
        %get3A_1174 = vector.shape_cast %get3A_1173 : vector<1x16xf32> to vector<16xf32>
        %add3A_1175 = arith.addf %add3A_1137, %get3A_1174 : vector<16xf32>
        %slice3A_1176 = vector.extract_strided_slice %get3A_833 {offsets = [9], sizes = [1], strides = [1]} : vector<16xi32> to vector<1xi32>
        %squeeze3A_1177 = vector.extract %slice3A_1176[0] : i32 from vector<1xi32>
        %add3A_1178 = arith.constant 25 : i32
        %add3A_1179 = arith.addi %mul3A_204, %add3A_1178 : i32
        %add3A_1180 = arith.constant 0 : i32
        %add3A_1181 = arith.addi %squeeze3A_1177, %add3A_1180 : i32
        %get3A_1182 = arith.index_cast %add3A_1179 : i32 to index
        %get3A_1183 = arith.index_cast %add3A_1181 : i32 to index
        %get3A_1184 = tpu.vector_load %arg9[%get3A_1182, %get3A_1183] {strides = array<i32>} : memref<400x128xf32, #tpu.memory_space<vmem>>, vector<1x16xf32>,
        %get3A_1185 = vector.shape_cast %get3A_1184 : vector<1x16xf32> to vector<16xf32>
        %add3A_1186 = arith.addf %add3A_1148, %get3A_1185 : vector<16xf32>
        %add3A_1187 = arith.constant 25 : i32
        %add3A_1188 = arith.addi %mul3A_204, %add3A_1187 : i32
        %add3A_1189 = arith.constant 16 : i32
        %add3A_1190 = arith.addi %squeeze3A_1177, %add3A_1189 : i32
        %get3A_1191 = arith.index_cast %add3A_1188 : i32 to index
        %get3A_1192 = arith.index_cast %add3A_1190 : i32 to index
        %get3A_1193 = tpu.vector_load %arg9[%get3A_1191, %get3A_1192] {strides = array<i32>} : memref<400x128xf32, #tpu.memory_space<vmem>>, vector<1x16xf32>,
        %get3A_1194 = vector.shape_cast %get3A_1193 : vector<1x16xf32> to vector<16xf32>
        %add3A_1195 = arith.addf %add3A_1157, %get3A_1194 : vector<16xf32>
        %add3A_1196 = arith.constant 25 : i32
        %add3A_1197 = arith.addi %mul3A_204, %add3A_1196 : i32
        %add3A_1198 = arith.constant 32 : i32
        %add3A_1199 = arith.addi %squeeze3A_1177, %add3A_1198 : i32
        %get3A_1200 = arith.index_cast %add3A_1197 : i32 to index
        %get3A_1201 = arith.index_cast %add3A_1199 : i32 to index
        %get3A_1202 = tpu.vector_load %arg9[%get3A_1200, %get3A_1201] {strides = array<i32>} : memref<400x128xf32, #tpu.memory_space<vmem>>, vector<1x16xf32>,
        %get3A_1203 = vector.shape_cast %get3A_1202 : vector<1x16xf32> to vector<16xf32>
        %add3A_1204 = arith.addf %add3A_1166, %get3A_1203 : vector<16xf32>
        %add3A_1205 = arith.constant 25 : i32
        %add3A_1206 = arith.addi %mul3A_204, %add3A_1205 : i32
        %add3A_1207 = arith.constant 48 : i32
        %add3A_1208 = arith.addi %squeeze3A_1177, %add3A_1207 : i32
        %get3A_1209 = arith.index_cast %add3A_1206 : i32 to index
        %get3A_1210 = arith.index_cast %add3A_1208 : i32 to index
        %get3A_1211 = tpu.vector_load %arg9[%get3A_1209, %get3A_1210] {strides = array<i32>} : memref<400x128xf32, #tpu.memory_space<vmem>>, vector<1x16xf32>,
        %get3A_1212 = vector.shape_cast %get3A_1211 : vector<1x16xf32> to vector<16xf32>
        %add3A_1213 = arith.addf %add3A_1175, %get3A_1212 : vector<16xf32>
        %slice3A_1214 = vector.extract_strided_slice %get3A_833 {offsets = [10], sizes = [1], strides = [1]} : vector<16xi32> to vector<1xi32>
        %squeeze3A_1215 = vector.extract %slice3A_1214[0] : i32 from vector<1xi32>
        %add3A_1216 = arith.constant 26 : i32
        %add3A_1217 = arith.addi %mul3A_204, %add3A_1216 : i32
        %add3A_1218 = arith.constant 0 : i32
        %add3A_1219 = arith.addi %squeeze3A_1215, %add3A_1218 : i32
        %get3A_1220 = arith.index_cast %add3A_1217 : i32 to index
        %get3A_1221 = arith.index_cast %add3A_1219 : i32 to index
        %get3A_1222 = tpu.vector_load %arg9[%get3A_1220, %get3A_1221] {strides = array<i32>} : memref<400x128xf32, #tpu.memory_space<vmem>>, vector<1x16xf32>,
        %get3A_1223 = vector.shape_cast %get3A_1222 : vector<1x16xf32> to vector<16xf32>
        %add3A_1224 = arith.addf %add3A_1186, %get3A_1223 : vector<16xf32>
        %add3A_1225 = arith.constant 26 : i32
        %add3A_1226 = arith.addi %mul3A_204, %add3A_1225 : i32
        %add3A_1227 = arith.constant 16 : i32
        %add3A_1228 = arith.addi %squeeze3A_1215, %add3A_1227 : i32
        %get3A_1229 = arith.index_cast %add3A_1226 : i32 to index
        %get3A_1230 = arith.index_cast %add3A_1228 : i32 to index
        %get3A_1231 = tpu.vector_load %arg9[%get3A_1229, %get3A_1230] {strides = array<i32>} : memref<400x128xf32, #tpu.memory_space<vmem>>, vector<1x16xf32>,
        %get3A_1232 = vector.shape_cast %get3A_1231 : vector<1x16xf32> to vector<16xf32>
        %add3A_1233 = arith.addf %add3A_1195, %get3A_1232 : vector<16xf32>
        %add3A_1234 = arith.constant 26 : i32
        %add3A_1235 = arith.addi %mul3A_204, %add3A_1234 : i32
        %add3A_1236 = arith.constant 32 : i32
        %add3A_1237 = arith.addi %squeeze3A_1215, %add3A_1236 : i32
        %get3A_1238 = arith.index_cast %add3A_1235 : i32 to index
        %get3A_1239 = arith.index_cast %add3A_1237 : i32 to index
        %get3A_1240 = tpu.vector_load %arg9[%get3A_1238, %get3A_1239] {strides = array<i32>} : memref<400x128xf32, #tpu.memory_space<vmem>>, vector<1x16xf32>,
        %get3A_1241 = vector.shape_cast %get3A_1240 : vector<1x16xf32> to vector<16xf32>
        %add3A_1242 = arith.addf %add3A_1204, %get3A_1241 : vector<16xf32>
        %add3A_1243 = arith.constant 26 : i32
        %add3A_1244 = arith.addi %mul3A_204, %add3A_1243 : i32
        %add3A_1245 = arith.constant 48 : i32
        %add3A_1246 = arith.addi %squeeze3A_1215, %add3A_1245 : i32
        %get3A_1247 = arith.index_cast %add3A_1244 : i32 to index
        %get3A_1248 = arith.index_cast %add3A_1246 : i32 to index
        %get3A_1249 = tpu.vector_load %arg9[%get3A_1247, %get3A_1248] {strides = array<i32>} : memref<400x128xf32, #tpu.memory_space<vmem>>, vector<1x16xf32>,
        %get3A_1250 = vector.shape_cast %get3A_1249 : vector<1x16xf32> to vector<16xf32>
        %add3A_1251 = arith.addf %add3A_1213, %get3A_1250 : vector<16xf32>
        %slice3A_1252 = vector.extract_strided_slice %get3A_833 {offsets = [11], sizes = [1], strides = [1]} : vector<16xi32> to vector<1xi32>
        %squeeze3A_1253 = vector.extract %slice3A_1252[0] : i32 from vector<1xi32>
        %add3A_1254 = arith.constant 27 : i32
        %add3A_1255 = arith.addi %mul3A_204, %add3A_1254 : i32
        %add3A_1256 = arith.constant 0 : i32
        %add3A_1257 = arith.addi %squeeze3A_1253, %add3A_1256 : i32
        %get3A_1258 = arith.index_cast %add3A_1255 : i32 to index
        %get3A_1259 = arith.index_cast %add3A_1257 : i32 to index
        %get3A_1260 = tpu.vector_load %arg9[%get3A_1258, %get3A_1259] {strides = array<i32>} : memref<400x128xf32, #tpu.memory_space<vmem>>, vector<1x16xf32>,
        %get3A_1261 = vector.shape_cast %get3A_1260 : vector<1x16xf32> to vector<16xf32>
        %add3A_1262 = arith.addf %add3A_1224, %get3A_1261 : vector<16xf32>
        %add3A_1263 = arith.constant 27 : i32
        %add3A_1264 = arith.addi %mul3A_204, %add3A_1263 : i32
        %add3A_1265 = arith.constant 16 : i32
        %add3A_1266 = arith.addi %squeeze3A_1253, %add3A_1265 : i32
        %get3A_1267 = arith.index_cast %add3A_1264 : i32 to index
        %get3A_1268 = arith.index_cast %add3A_1266 : i32 to index
        %get3A_1269 = tpu.vector_load %arg9[%get3A_1267, %get3A_1268] {strides = array<i32>} : memref<400x128xf32, #tpu.memory_space<vmem>>, vector<1x16xf32>,
        %get3A_1270 = vector.shape_cast %get3A_1269 : vector<1x16xf32> to vector<16xf32>
        %add3A_1271 = arith.addf %add3A_1233, %get3A_1270 : vector<16xf32>
        %add3A_1272 = arith.constant 27 : i32
        %add3A_1273 = arith.addi %mul3A_204, %add3A_1272 : i32
        %add3A_1274 = arith.constant 32 : i32
        %add3A_1275 = arith.addi %squeeze3A_1253, %add3A_1274 : i32
        %get3A_1276 = arith.index_cast %add3A_1273 : i32 to index
        %get3A_1277 = arith.index_cast %add3A_1275 : i32 to index
        %get3A_1278 = tpu.vector_load %arg9[%get3A_1276, %get3A_1277] {strides = array<i32>} : memref<400x128xf32, #tpu.memory_space<vmem>>, vector<1x16xf32>,
        %get3A_1279 = vector.shape_cast %get3A_1278 : vector<1x16xf32> to vector<16xf32>
        %add3A_1280 = arith.addf %add3A_1242, %get3A_1279 : vector<16xf32>
        %add3A_1281 = arith.constant 27 : i32
        %add3A_1282 = arith.addi %mul3A_204, %add3A_1281 : i32
        %add3A_1283 = arith.constant 48 : i32
        %add3A_1284 = arith.addi %squeeze3A_1253, %add3A_1283 : i32
        %get3A_1285 = arith.index_cast %add3A_1282 : i32 to index
        %get3A_1286 = arith.index_cast %add3A_1284 : i32 to index
        %get3A_1287 = tpu.vector_load %arg9[%get3A_1285, %get3A_1286] {strides = array<i32>} : memref<400x128xf32, #tpu.memory_space<vmem>>, vector<1x16xf32>,
        %get3A_1288 = vector.shape_cast %get3A_1287 : vector<1x16xf32> to vector<16xf32>
        %add3A_1289 = arith.addf %add3A_1251, %get3A_1288 : vector<16xf32>
        %slice3A_1290 = vector.extract_strided_slice %get3A_833 {offsets = [12], sizes = [1], strides = [1]} : vector<16xi32> to vector<1xi32>
        %squeeze3A_1291 = vector.extract %slice3A_1290[0] : i32 from vector<1xi32>
        %add3A_1292 = arith.constant 28 : i32
        %add3A_1293 = arith.addi %mul3A_204, %add3A_1292 : i32
        %add3A_1294 = arith.constant 0 : i32
        %add3A_1295 = arith.addi %squeeze3A_1291, %add3A_1294 : i32
        %get3A_1296 = arith.index_cast %add3A_1293 : i32 to index
        %get3A_1297 = arith.index_cast %add3A_1295 : i32 to index
        %get3A_1298 = tpu.vector_load %arg9[%get3A_1296, %get3A_1297] {strides = array<i32>} : memref<400x128xf32, #tpu.memory_space<vmem>>, vector<1x16xf32>,
        %get3A_1299 = vector.shape_cast %get3A_1298 : vector<1x16xf32> to vector<16xf32>
        %add3A_1300 = arith.addf %add3A_1262, %get3A_1299 : vector<16xf32>
        %add3A_1301 = arith.constant 28 : i32
        %add3A_1302 = arith.addi %mul3A_204, %add3A_1301 : i32
        %add3A_1303 = arith.constant 16 : i32
        %add3A_1304 = arith.addi %squeeze3A_1291, %add3A_1303 : i32
        %get3A_1305 = arith.index_cast %add3A_1302 : i32 to index
        %get3A_1306 = arith.index_cast %add3A_1304 : i32 to index
        %get3A_1307 = tpu.vector_load %arg9[%get3A_1305, %get3A_1306] {strides = array<i32>} : memref<400x128xf32, #tpu.memory_space<vmem>>, vector<1x16xf32>,
        %get3A_1308 = vector.shape_cast %get3A_1307 : vector<1x16xf32> to vector<16xf32>
        %add3A_1309 = arith.addf %add3A_1271, %get3A_1308 : vector<16xf32>
        %add3A_1310 = arith.constant 28 : i32
        %add3A_1311 = arith.addi %mul3A_204, %add3A_1310 : i32
        %add3A_1312 = arith.constant 32 : i32
        %add3A_1313 = arith.addi %squeeze3A_1291, %add3A_1312 : i32
        %get3A_1314 = arith.index_cast %add3A_1311 : i32 to index
        %get3A_1315 = arith.index_cast %add3A_1313 : i32 to index
        %get3A_1316 = tpu.vector_load %arg9[%get3A_1314, %get3A_1315] {strides = array<i32>} : memref<400x128xf32, #tpu.memory_space<vmem>>, vector<1x16xf32>,
        %get3A_1317 = vector.shape_cast %get3A_1316 : vector<1x16xf32> to vector<16xf32>
        %add3A_1318 = arith.addf %add3A_1280, %get3A_1317 : vector<16xf32>
        %add3A_1319 = arith.constant 28 : i32
        %add3A_1320 = arith.addi %mul3A_204, %add3A_1319 : i32
        %add3A_1321 = arith.constant 48 : i32
        %add3A_1322 = arith.addi %squeeze3A_1291, %add3A_1321 : i32
        %get3A_1323 = arith.index_cast %add3A_1320 : i32 to index
        %get3A_1324 = arith.index_cast %add3A_1322 : i32 to index
        %get3A_1325 = tpu.vector_load %arg9[%get3A_1323, %get3A_1324] {strides = array<i32>} : memref<400x128xf32, #tpu.memory_space<vmem>>, vector<1x16xf32>,
        %get3A_1326 = vector.shape_cast %get3A_1325 : vector<1x16xf32> to vector<16xf32>
        %add3A_1327 = arith.addf %add3A_1289, %get3A_1326 : vector<16xf32>
        %slice3A_1328 = vector.extract_strided_slice %get3A_833 {offsets = [13], sizes = [1], strides = [1]} : vector<16xi32> to vector<1xi32>
        %squeeze3A_1329 = vector.extract %slice3A_1328[0] : i32 from vector<1xi32>
        %add3A_1330 = arith.constant 29 : i32
        %add3A_1331 = arith.addi %mul3A_204, %add3A_1330 : i32
        %add3A_1332 = arith.constant 0 : i32
        %add3A_1333 = arith.addi %squeeze3A_1329, %add3A_1332 : i32
        %get3A_1334 = arith.index_cast %add3A_1331 : i32 to index
        %get3A_1335 = arith.index_cast %add3A_1333 : i32 to index
        %get3A_1336 = tpu.vector_load %arg9[%get3A_1334, %get3A_1335] {strides = array<i32>} : memref<400x128xf32, #tpu.memory_space<vmem>>, vector<1x16xf32>,
        %get3A_1337 = vector.shape_cast %get3A_1336 : vector<1x16xf32> to vector<16xf32>
        %add3A_1338 = arith.addf %add3A_1300, %get3A_1337 : vector<16xf32>
        %add3A_1339 = arith.constant 29 : i32
        %add3A_1340 = arith.addi %mul3A_204, %add3A_1339 : i32
        %add3A_1341 = arith.constant 16 : i32
        %add3A_1342 = arith.addi %squeeze3A_1329, %add3A_1341 : i32
        %get3A_1343 = arith.index_cast %add3A_1340 : i32 to index
        %get3A_1344 = arith.index_cast %add3A_1342 : i32 to index
        %get3A_1345 = tpu.vector_load %arg9[%get3A_1343, %get3A_1344] {strides = array<i32>} : memref<400x128xf32, #tpu.memory_space<vmem>>, vector<1x16xf32>,
        %get3A_1346 = vector.shape_cast %get3A_1345 : vector<1x16xf32> to vector<16xf32>
        %add3A_1347 = arith.addf %add3A_1309, %get3A_1346 : vector<16xf32>
        %add3A_1348 = arith.constant 29 : i32
        %add3A_1349 = arith.addi %mul3A_204, %add3A_1348 : i32
        %add3A_1350 = arith.constant 32 : i32
        %add3A_1351 = arith.addi %squeeze3A_1329, %add3A_1350 : i32
        %get3A_1352 = arith.index_cast %add3A_1349 : i32 to index
        %get3A_1353 = arith.index_cast %add3A_1351 : i32 to index
        %get3A_1354 = tpu.vector_load %arg9[%get3A_1352, %get3A_1353] {strides = array<i32>} : memref<400x128xf32, #tpu.memory_space<vmem>>, vector<1x16xf32>,
        %get3A_1355 = vector.shape_cast %get3A_1354 : vector<1x16xf32> to vector<16xf32>
        %add3A_1356 = arith.addf %add3A_1318, %get3A_1355 : vector<16xf32>
        %add3A_1357 = arith.constant 29 : i32
        %add3A_1358 = arith.addi %mul3A_204, %add3A_1357 : i32
        %add3A_1359 = arith.constant 48 : i32
        %add3A_1360 = arith.addi %squeeze3A_1329, %add3A_1359 : i32
        %get3A_1361 = arith.index_cast %add3A_1358 : i32 to index
        %get3A_1362 = arith.index_cast %add3A_1360 : i32 to index
        %get3A_1363 = tpu.vector_load %arg9[%get3A_1361, %get3A_1362] {strides = array<i32>} : memref<400x128xf32, #tpu.memory_space<vmem>>, vector<1x16xf32>,
        %get3A_1364 = vector.shape_cast %get3A_1363 : vector<1x16xf32> to vector<16xf32>
        %add3A_1365 = arith.addf %add3A_1327, %get3A_1364 : vector<16xf32>
        %slice3A_1366 = vector.extract_strided_slice %get3A_833 {offsets = [14], sizes = [1], strides = [1]} : vector<16xi32> to vector<1xi32>
        %squeeze3A_1367 = vector.extract %slice3A_1366[0] : i32 from vector<1xi32>
        %add3A_1368 = arith.constant 30 : i32
        %add3A_1369 = arith.addi %mul3A_204, %add3A_1368 : i32
        %add3A_1370 = arith.constant 0 : i32
        %add3A_1371 = arith.addi %squeeze3A_1367, %add3A_1370 : i32
        %get3A_1372 = arith.index_cast %add3A_1369 : i32 to index
        %get3A_1373 = arith.index_cast %add3A_1371 : i32 to index
        %get3A_1374 = tpu.vector_load %arg9[%get3A_1372, %get3A_1373] {strides = array<i32>} : memref<400x128xf32, #tpu.memory_space<vmem>>, vector<1x16xf32>,
        %get3A_1375 = vector.shape_cast %get3A_1374 : vector<1x16xf32> to vector<16xf32>
        %add3A_1376 = arith.addf %add3A_1338, %get3A_1375 : vector<16xf32>
        %add3A_1377 = arith.constant 30 : i32
        %add3A_1378 = arith.addi %mul3A_204, %add3A_1377 : i32
        %add3A_1379 = arith.constant 16 : i32
        %add3A_1380 = arith.addi %squeeze3A_1367, %add3A_1379 : i32
        %get3A_1381 = arith.index_cast %add3A_1378 : i32 to index
        %get3A_1382 = arith.index_cast %add3A_1380 : i32 to index
        %get3A_1383 = tpu.vector_load %arg9[%get3A_1381, %get3A_1382] {strides = array<i32>} : memref<400x128xf32, #tpu.memory_space<vmem>>, vector<1x16xf32>,
        %get3A_1384 = vector.shape_cast %get3A_1383 : vector<1x16xf32> to vector<16xf32>
        %add3A_1385 = arith.addf %add3A_1347, %get3A_1384 : vector<16xf32>
        %add3A_1386 = arith.constant 30 : i32
        %add3A_1387 = arith.addi %mul3A_204, %add3A_1386 : i32
        %add3A_1388 = arith.constant 32 : i32
        %add3A_1389 = arith.addi %squeeze3A_1367, %add3A_1388 : i32
        %get3A_1390 = arith.index_cast %add3A_1387 : i32 to index
        %get3A_1391 = arith.index_cast %add3A_1389 : i32 to index
        %get3A_1392 = tpu.vector_load %arg9[%get3A_1390, %get3A_1391] {strides = array<i32>} : memref<400x128xf32, #tpu.memory_space<vmem>>, vector<1x16xf32>,
        %get3A_1393 = vector.shape_cast %get3A_1392 : vector<1x16xf32> to vector<16xf32>
        %add3A_1394 = arith.addf %add3A_1356, %get3A_1393 : vector<16xf32>
        %add3A_1395 = arith.constant 30 : i32
        %add3A_1396 = arith.addi %mul3A_204, %add3A_1395 : i32
        %add3A_1397 = arith.constant 48 : i32
        %add3A_1398 = arith.addi %squeeze3A_1367, %add3A_1397 : i32
        %get3A_1399 = arith.index_cast %add3A_1396 : i32 to index
        %get3A_1400 = arith.index_cast %add3A_1398 : i32 to index
        %get3A_1401 = tpu.vector_load %arg9[%get3A_1399, %get3A_1400] {strides = array<i32>} : memref<400x128xf32, #tpu.memory_space<vmem>>, vector<1x16xf32>,
        %get3A_1402 = vector.shape_cast %get3A_1401 : vector<1x16xf32> to vector<16xf32>
        %add3A_1403 = arith.addf %add3A_1365, %get3A_1402 : vector<16xf32>
        %slice3A_1404 = vector.extract_strided_slice %get3A_833 {offsets = [15], sizes = [1], strides = [1]} : vector<16xi32> to vector<1xi32>
        %squeeze3A_1405 = vector.extract %slice3A_1404[0] : i32 from vector<1xi32>
        %add3A_1406 = arith.constant 31 : i32
        %add3A_1407 = arith.addi %mul3A_204, %add3A_1406 : i32
        %add3A_1408 = arith.constant 0 : i32
        %add3A_1409 = arith.addi %squeeze3A_1405, %add3A_1408 : i32
        %get3A_1410 = arith.index_cast %add3A_1407 : i32 to index
        %get3A_1411 = arith.index_cast %add3A_1409 : i32 to index
        %get3A_1412 = tpu.vector_load %arg9[%get3A_1410, %get3A_1411] {strides = array<i32>} : memref<400x128xf32, #tpu.memory_space<vmem>>, vector<1x16xf32>,
        %get3A_1413 = vector.shape_cast %get3A_1412 : vector<1x16xf32> to vector<16xf32>
        %add3A_1414 = arith.addf %add3A_1376, %get3A_1413 : vector<16xf32>
        %add3A_1415 = arith.constant 31 : i32
        %add3A_1416 = arith.addi %mul3A_204, %add3A_1415 : i32
        %add3A_1417 = arith.constant 16 : i32
        %add3A_1418 = arith.addi %squeeze3A_1405, %add3A_1417 : i32
        %get3A_1419 = arith.index_cast %add3A_1416 : i32 to index
        %get3A_1420 = arith.index_cast %add3A_1418 : i32 to index
        %get3A_1421 = tpu.vector_load %arg9[%get3A_1419, %get3A_1420] {strides = array<i32>} : memref<400x128xf32, #tpu.memory_space<vmem>>, vector<1x16xf32>,
        %get3A_1422 = vector.shape_cast %get3A_1421 : vector<1x16xf32> to vector<16xf32>
        %add3A_1423 = arith.addf %add3A_1385, %get3A_1422 : vector<16xf32>
        %add3A_1424 = arith.constant 31 : i32
        %add3A_1425 = arith.addi %mul3A_204, %add3A_1424 : i32
        %add3A_1426 = arith.constant 32 : i32
        %add3A_1427 = arith.addi %squeeze3A_1405, %add3A_1426 : i32
        %get3A_1428 = arith.index_cast %add3A_1425 : i32 to index
        %get3A_1429 = arith.index_cast %add3A_1427 : i32 to index
        %get3A_1430 = tpu.vector_load %arg9[%get3A_1428, %get3A_1429] {strides = array<i32>} : memref<400x128xf32, #tpu.memory_space<vmem>>, vector<1x16xf32>,
        %get3A_1431 = vector.shape_cast %get3A_1430 : vector<1x16xf32> to vector<16xf32>
        %add3A_1432 = arith.addf %add3A_1394, %get3A_1431 : vector<16xf32>
        %add3A_1433 = arith.constant 31 : i32
        %add3A_1434 = arith.addi %mul3A_204, %add3A_1433 : i32
        %add3A_1435 = arith.constant 48 : i32
        %add3A_1436 = arith.addi %squeeze3A_1405, %add3A_1435 : i32
        %get3A_1437 = arith.index_cast %add3A_1434 : i32 to index
        %get3A_1438 = arith.index_cast %add3A_1436 : i32 to index
        %get3A_1439 = tpu.vector_load %arg9[%get3A_1437, %get3A_1438] {strides = array<i32>} : memref<400x128xf32, #tpu.memory_space<vmem>>, vector<1x16xf32>,
        %get3A_1440 = vector.shape_cast %get3A_1439 : vector<1x16xf32> to vector<16xf32>
        %add3A_1441 = arith.addf %add3A_1403, %get3A_1440 : vector<16xf32>
        %mul3A_1442 = arith.constant 64 : i32
        %mul3A_1443 = arith.muli %add3A_207, %mul3A_1442 : i32
        %add3A_1444 = arith.constant 32 : i32
        %add3A_1445 = arith.addi %mul3A_1443, %add3A_1444 : i32
        %get3A_1446 = arith.index_cast %add3A_1445 : i32 to index
        %get3A_1447 = tpu.vector_load %arg7[%get3A_1446] {strides = array<i32>} : memref<8192xi32, #tpu.memory_space<vmem>>, vector<16xi32>,
        %get3A_1448 = vector.shape_cast %get3A_1447 : vector<16xi32> to vector<16xi32>
        %slice3A_1449 = vector.extract_strided_slice %get3A_1448 {offsets = [0], sizes = [1], strides = [1]} : vector<16xi32> to vector<1xi32>
        %squeeze3A_1450 = vector.extract %slice3A_1449[0] : i32 from vector<1xi32>
        %add3A_1451 = arith.constant 32 : i32
        %add3A_1452 = arith.addi %mul3A_204, %add3A_1451 : i32
        %add3A_1453 = arith.constant 0 : i32
        %add3A_1454 = arith.addi %squeeze3A_1450, %add3A_1453 : i32
        %get3A_1455 = arith.index_cast %add3A_1452 : i32 to index
        %get3A_1456 = arith.index_cast %add3A_1454 : i32 to index
        %get3A_1457 = tpu.vector_load %arg9[%get3A_1455, %get3A_1456] {strides = array<i32>} : memref<400x128xf32, #tpu.memory_space<vmem>>, vector<1x16xf32>,
        %get3A_1458 = vector.shape_cast %get3A_1457 : vector<1x16xf32> to vector<16xf32>
        %add3A_1459 = arith.addf %add3A_1414, %get3A_1458 : vector<16xf32>
        %add3A_1460 = arith.constant 32 : i32
        %add3A_1461 = arith.addi %mul3A_204, %add3A_1460 : i32
        %add3A_1462 = arith.constant 16 : i32
        %add3A_1463 = arith.addi %squeeze3A_1450, %add3A_1462 : i32
        %get3A_1464 = arith.index_cast %add3A_1461 : i32 to index
        %get3A_1465 = arith.index_cast %add3A_1463 : i32 to index
        %get3A_1466 = tpu.vector_load %arg9[%get3A_1464, %get3A_1465] {strides = array<i32>} : memref<400x128xf32, #tpu.memory_space<vmem>>, vector<1x16xf32>,
        %get3A_1467 = vector.shape_cast %get3A_1466 : vector<1x16xf32> to vector<16xf32>
        %add3A_1468 = arith.addf %add3A_1423, %get3A_1467 : vector<16xf32>
        %add3A_1469 = arith.constant 32 : i32
        %add3A_1470 = arith.addi %mul3A_204, %add3A_1469 : i32
        %add3A_1471 = arith.constant 32 : i32
        %add3A_1472 = arith.addi %squeeze3A_1450, %add3A_1471 : i32
        %get3A_1473 = arith.index_cast %add3A_1470 : i32 to index
        %get3A_1474 = arith.index_cast %add3A_1472 : i32 to index
        %get3A_1475 = tpu.vector_load %arg9[%get3A_1473, %get3A_1474] {strides = array<i32>} : memref<400x128xf32, #tpu.memory_space<vmem>>, vector<1x16xf32>,
        %get3A_1476 = vector.shape_cast %get3A_1475 : vector<1x16xf32> to vector<16xf32>
        %add3A_1477 = arith.addf %add3A_1432, %get3A_1476 : vector<16xf32>
        %add3A_1478 = arith.constant 32 : i32
        %add3A_1479 = arith.addi %mul3A_204, %add3A_1478 : i32
        %add3A_1480 = arith.constant 48 : i32
        %add3A_1481 = arith.addi %squeeze3A_1450, %add3A_1480 : i32
        %get3A_1482 = arith.index_cast %add3A_1479 : i32 to index
        %get3A_1483 = arith.index_cast %add3A_1481 : i32 to index
        %get3A_1484 = tpu.vector_load %arg9[%get3A_1482, %get3A_1483] {strides = array<i32>} : memref<400x128xf32, #tpu.memory_space<vmem>>, vector<1x16xf32>,
        %get3A_1485 = vector.shape_cast %get3A_1484 : vector<1x16xf32> to vector<16xf32>
        %add3A_1486 = arith.addf %add3A_1441, %get3A_1485 : vector<16xf32>
        %slice3A_1487 = vector.extract_strided_slice %get3A_1448 {offsets = [1], sizes = [1], strides = [1]} : vector<16xi32> to vector<1xi32>
        %squeeze3A_1488 = vector.extract %slice3A_1487[0] : i32 from vector<1xi32>
        %add3A_1489 = arith.constant 33 : i32
        %add3A_1490 = arith.addi %mul3A_204, %add3A_1489 : i32
        %add3A_1491 = arith.constant 0 : i32
        %add3A_1492 = arith.addi %squeeze3A_1488, %add3A_1491 : i32
        %get3A_1493 = arith.index_cast %add3A_1490 : i32 to index
        %get3A_1494 = arith.index_cast %add3A_1492 : i32 to index
        %get3A_1495 = tpu.vector_load %arg9[%get3A_1493, %get3A_1494] {strides = array<i32>} : memref<400x128xf32, #tpu.memory_space<vmem>>, vector<1x16xf32>,
        %get3A_1496 = vector.shape_cast %get3A_1495 : vector<1x16xf32> to vector<16xf32>
        %add3A_1497 = arith.addf %add3A_1459, %get3A_1496 : vector<16xf32>
        %add3A_1498 = arith.constant 33 : i32
        %add3A_1499 = arith.addi %mul3A_204, %add3A_1498 : i32
        %add3A_1500 = arith.constant 16 : i32
        %add3A_1501 = arith.addi %squeeze3A_1488, %add3A_1500 : i32
        %get3A_1502 = arith.index_cast %add3A_1499 : i32 to index
        %get3A_1503 = arith.index_cast %add3A_1501 : i32 to index
        %get3A_1504 = tpu.vector_load %arg9[%get3A_1502, %get3A_1503] {strides = array<i32>} : memref<400x128xf32, #tpu.memory_space<vmem>>, vector<1x16xf32>,
        %get3A_1505 = vector.shape_cast %get3A_1504 : vector<1x16xf32> to vector<16xf32>
        %add3A_1506 = arith.addf %add3A_1468, %get3A_1505 : vector<16xf32>
        %add3A_1507 = arith.constant 33 : i32
        %add3A_1508 = arith.addi %mul3A_204, %add3A_1507 : i32
        %add3A_1509 = arith.constant 32 : i32
        %add3A_1510 = arith.addi %squeeze3A_1488, %add3A_1509 : i32
        %get3A_1511 = arith.index_cast %add3A_1508 : i32 to index
        %get3A_1512 = arith.index_cast %add3A_1510 : i32 to index
        %get3A_1513 = tpu.vector_load %arg9[%get3A_1511, %get3A_1512] {strides = array<i32>} : memref<400x128xf32, #tpu.memory_space<vmem>>, vector<1x16xf32>,
        %get3A_1514 = vector.shape_cast %get3A_1513 : vector<1x16xf32> to vector<16xf32>
        %add3A_1515 = arith.addf %add3A_1477, %get3A_1514 : vector<16xf32>
        %add3A_1516 = arith.constant 33 : i32
        %add3A_1517 = arith.addi %mul3A_204, %add3A_1516 : i32
        %add3A_1518 = arith.constant 48 : i32
        %add3A_1519 = arith.addi %squeeze3A_1488, %add3A_1518 : i32
        %get3A_1520 = arith.index_cast %add3A_1517 : i32 to index
        %get3A_1521 = arith.index_cast %add3A_1519 : i32 to index
        %get3A_1522 = tpu.vector_load %arg9[%get3A_1520, %get3A_1521] {strides = array<i32>} : memref<400x128xf32, #tpu.memory_space<vmem>>, vector<1x16xf32>,
        %get3A_1523 = vector.shape_cast %get3A_1522 : vector<1x16xf32> to vector<16xf32>
        %add3A_1524 = arith.addf %add3A_1486, %get3A_1523 : vector<16xf32>
        %slice3A_1525 = vector.extract_strided_slice %get3A_1448 {offsets = [2], sizes = [1], strides = [1]} : vector<16xi32> to vector<1xi32>
        %squeeze3A_1526 = vector.extract %slice3A_1525[0] : i32 from vector<1xi32>
        %add3A_1527 = arith.constant 34 : i32
        %add3A_1528 = arith.addi %mul3A_204, %add3A_1527 : i32
        %add3A_1529 = arith.constant 0 : i32
        %add3A_1530 = arith.addi %squeeze3A_1526, %add3A_1529 : i32
        %get3A_1531 = arith.index_cast %add3A_1528 : i32 to index
        %get3A_1532 = arith.index_cast %add3A_1530 : i32 to index
        %get3A_1533 = tpu.vector_load %arg9[%get3A_1531, %get3A_1532] {strides = array<i32>} : memref<400x128xf32, #tpu.memory_space<vmem>>, vector<1x16xf32>,
        %get3A_1534 = vector.shape_cast %get3A_1533 : vector<1x16xf32> to vector<16xf32>
        %add3A_1535 = arith.addf %add3A_1497, %get3A_1534 : vector<16xf32>
        %add3A_1536 = arith.constant 34 : i32
        %add3A_1537 = arith.addi %mul3A_204, %add3A_1536 : i32
        %add3A_1538 = arith.constant 16 : i32
        %add3A_1539 = arith.addi %squeeze3A_1526, %add3A_1538 : i32
        %get3A_1540 = arith.index_cast %add3A_1537 : i32 to index
        %get3A_1541 = arith.index_cast %add3A_1539 : i32 to index
        %get3A_1542 = tpu.vector_load %arg9[%get3A_1540, %get3A_1541] {strides = array<i32>} : memref<400x128xf32, #tpu.memory_space<vmem>>, vector<1x16xf32>,
        %get3A_1543 = vector.shape_cast %get3A_1542 : vector<1x16xf32> to vector<16xf32>
        %add3A_1544 = arith.addf %add3A_1506, %get3A_1543 : vector<16xf32>
        %add3A_1545 = arith.constant 34 : i32
        %add3A_1546 = arith.addi %mul3A_204, %add3A_1545 : i32
        %add3A_1547 = arith.constant 32 : i32
        %add3A_1548 = arith.addi %squeeze3A_1526, %add3A_1547 : i32
        %get3A_1549 = arith.index_cast %add3A_1546 : i32 to index
        %get3A_1550 = arith.index_cast %add3A_1548 : i32 to index
        %get3A_1551 = tpu.vector_load %arg9[%get3A_1549, %get3A_1550] {strides = array<i32>} : memref<400x128xf32, #tpu.memory_space<vmem>>, vector<1x16xf32>,
        %get3A_1552 = vector.shape_cast %get3A_1551 : vector<1x16xf32> to vector<16xf32>
        %add3A_1553 = arith.addf %add3A_1515, %get3A_1552 : vector<16xf32>
        %add3A_1554 = arith.constant 34 : i32
        %add3A_1555 = arith.addi %mul3A_204, %add3A_1554 : i32
        %add3A_1556 = arith.constant 48 : i32
        %add3A_1557 = arith.addi %squeeze3A_1526, %add3A_1556 : i32
        %get3A_1558 = arith.index_cast %add3A_1555 : i32 to index
        %get3A_1559 = arith.index_cast %add3A_1557 : i32 to index
        %get3A_1560 = tpu.vector_load %arg9[%get3A_1558, %get3A_1559] {strides = array<i32>} : memref<400x128xf32, #tpu.memory_space<vmem>>, vector<1x16xf32>,
        %get3A_1561 = vector.shape_cast %get3A_1560 : vector<1x16xf32> to vector<16xf32>
        %add3A_1562 = arith.addf %add3A_1524, %get3A_1561 : vector<16xf32>
        %slice3A_1563 = vector.extract_strided_slice %get3A_1448 {offsets = [3], sizes = [1], strides = [1]} : vector<16xi32> to vector<1xi32>
        %squeeze3A_1564 = vector.extract %slice3A_1563[0] : i32 from vector<1xi32>
        %add3A_1565 = arith.constant 35 : i32
        %add3A_1566 = arith.addi %mul3A_204, %add3A_1565 : i32
        %add3A_1567 = arith.constant 0 : i32
        %add3A_1568 = arith.addi %squeeze3A_1564, %add3A_1567 : i32
        %get3A_1569 = arith.index_cast %add3A_1566 : i32 to index
        %get3A_1570 = arith.index_cast %add3A_1568 : i32 to index
        %get3A_1571 = tpu.vector_load %arg9[%get3A_1569, %get3A_1570] {strides = array<i32>} : memref<400x128xf32, #tpu.memory_space<vmem>>, vector<1x16xf32>,
        %get3A_1572 = vector.shape_cast %get3A_1571 : vector<1x16xf32> to vector<16xf32>
        %add3A_1573 = arith.addf %add3A_1535, %get3A_1572 : vector<16xf32>
        %add3A_1574 = arith.constant 35 : i32
        %add3A_1575 = arith.addi %mul3A_204, %add3A_1574 : i32
        %add3A_1576 = arith.constant 16 : i32
        %add3A_1577 = arith.addi %squeeze3A_1564, %add3A_1576 : i32
        %get3A_1578 = arith.index_cast %add3A_1575 : i32 to index
        %get3A_1579 = arith.index_cast %add3A_1577 : i32 to index
        %get3A_1580 = tpu.vector_load %arg9[%get3A_1578, %get3A_1579] {strides = array<i32>} : memref<400x128xf32, #tpu.memory_space<vmem>>, vector<1x16xf32>,
        %get3A_1581 = vector.shape_cast %get3A_1580 : vector<1x16xf32> to vector<16xf32>
        %add3A_1582 = arith.addf %add3A_1544, %get3A_1581 : vector<16xf32>
        %add3A_1583 = arith.constant 35 : i32
        %add3A_1584 = arith.addi %mul3A_204, %add3A_1583 : i32
        %add3A_1585 = arith.constant 32 : i32
        %add3A_1586 = arith.addi %squeeze3A_1564, %add3A_1585 : i32
        %get3A_1587 = arith.index_cast %add3A_1584 : i32 to index
        %get3A_1588 = arith.index_cast %add3A_1586 : i32 to index
        %get3A_1589 = tpu.vector_load %arg9[%get3A_1587, %get3A_1588] {strides = array<i32>} : memref<400x128xf32, #tpu.memory_space<vmem>>, vector<1x16xf32>,
        %get3A_1590 = vector.shape_cast %get3A_1589 : vector<1x16xf32> to vector<16xf32>
        %add3A_1591 = arith.addf %add3A_1553, %get3A_1590 : vector<16xf32>
        %add3A_1592 = arith.constant 35 : i32
        %add3A_1593 = arith.addi %mul3A_204, %add3A_1592 : i32
        %add3A_1594 = arith.constant 48 : i32
        %add3A_1595 = arith.addi %squeeze3A_1564, %add3A_1594 : i32
        %get3A_1596 = arith.index_cast %add3A_1593 : i32 to index
        %get3A_1597 = arith.index_cast %add3A_1595 : i32 to index
        %get3A_1598 = tpu.vector_load %arg9[%get3A_1596, %get3A_1597] {strides = array<i32>} : memref<400x128xf32, #tpu.memory_space<vmem>>, vector<1x16xf32>,
        %get3A_1599 = vector.shape_cast %get3A_1598 : vector<1x16xf32> to vector<16xf32>
        %add3A_1600 = arith.addf %add3A_1562, %get3A_1599 : vector<16xf32>
        %slice3A_1601 = vector.extract_strided_slice %get3A_1448 {offsets = [4], sizes = [1], strides = [1]} : vector<16xi32> to vector<1xi32>
        %squeeze3A_1602 = vector.extract %slice3A_1601[0] : i32 from vector<1xi32>
        %add3A_1603 = arith.constant 36 : i32
        %add3A_1604 = arith.addi %mul3A_204, %add3A_1603 : i32
        %add3A_1605 = arith.constant 0 : i32
        %add3A_1606 = arith.addi %squeeze3A_1602, %add3A_1605 : i32
        %get3A_1607 = arith.index_cast %add3A_1604 : i32 to index
        %get3A_1608 = arith.index_cast %add3A_1606 : i32 to index
        %get3A_1609 = tpu.vector_load %arg9[%get3A_1607, %get3A_1608] {strides = array<i32>} : memref<400x128xf32, #tpu.memory_space<vmem>>, vector<1x16xf32>,
        %get3A_1610 = vector.shape_cast %get3A_1609 : vector<1x16xf32> to vector<16xf32>
        %add3A_1611 = arith.addf %add3A_1573, %get3A_1610 : vector<16xf32>
        %add3A_1612 = arith.constant 36 : i32
        %add3A_1613 = arith.addi %mul3A_204, %add3A_1612 : i32
        %add3A_1614 = arith.constant 16 : i32
        %add3A_1615 = arith.addi %squeeze3A_1602, %add3A_1614 : i32
        %get3A_1616 = arith.index_cast %add3A_1613 : i32 to index
        %get3A_1617 = arith.index_cast %add3A_1615 : i32 to index
        %get3A_1618 = tpu.vector_load %arg9[%get3A_1616, %get3A_1617] {strides = array<i32>} : memref<400x128xf32, #tpu.memory_space<vmem>>, vector<1x16xf32>,
        %get3A_1619 = vector.shape_cast %get3A_1618 : vector<1x16xf32> to vector<16xf32>
        %add3A_1620 = arith.addf %add3A_1582, %get3A_1619 : vector<16xf32>
        %add3A_1621 = arith.constant 36 : i32
        %add3A_1622 = arith.addi %mul3A_204, %add3A_1621 : i32
        %add3A_1623 = arith.constant 32 : i32
        %add3A_1624 = arith.addi %squeeze3A_1602, %add3A_1623 : i32
        %get3A_1625 = arith.index_cast %add3A_1622 : i32 to index
        %get3A_1626 = arith.index_cast %add3A_1624 : i32 to index
        %get3A_1627 = tpu.vector_load %arg9[%get3A_1625, %get3A_1626] {strides = array<i32>} : memref<400x128xf32, #tpu.memory_space<vmem>>, vector<1x16xf32>,
        %get3A_1628 = vector.shape_cast %get3A_1627 : vector<1x16xf32> to vector<16xf32>
        %add3A_1629 = arith.addf %add3A_1591, %get3A_1628 : vector<16xf32>
        %add3A_1630 = arith.constant 36 : i32
        %add3A_1631 = arith.addi %mul3A_204, %add3A_1630 : i32
        %add3A_1632 = arith.constant 48 : i32
        %add3A_1633 = arith.addi %squeeze3A_1602, %add3A_1632 : i32
        %get3A_1634 = arith.index_cast %add3A_1631 : i32 to index
        %get3A_1635 = arith.index_cast %add3A_1633 : i32 to index
        %get3A_1636 = tpu.vector_load %arg9[%get3A_1634, %get3A_1635] {strides = array<i32>} : memref<400x128xf32, #tpu.memory_space<vmem>>, vector<1x16xf32>,
        %get3A_1637 = vector.shape_cast %get3A_1636 : vector<1x16xf32> to vector<16xf32>
        %add3A_1638 = arith.addf %add3A_1600, %get3A_1637 : vector<16xf32>
        %slice3A_1639 = vector.extract_strided_slice %get3A_1448 {offsets = [5], sizes = [1], strides = [1]} : vector<16xi32> to vector<1xi32>
        %squeeze3A_1640 = vector.extract %slice3A_1639[0] : i32 from vector<1xi32>
        %add3A_1641 = arith.constant 37 : i32
        %add3A_1642 = arith.addi %mul3A_204, %add3A_1641 : i32
        %add3A_1643 = arith.constant 0 : i32
        %add3A_1644 = arith.addi %squeeze3A_1640, %add3A_1643 : i32
        %get3A_1645 = arith.index_cast %add3A_1642 : i32 to index
        %get3A_1646 = arith.index_cast %add3A_1644 : i32 to index
        %get3A_1647 = tpu.vector_load %arg9[%get3A_1645, %get3A_1646] {strides = array<i32>} : memref<400x128xf32, #tpu.memory_space<vmem>>, vector<1x16xf32>,
        %get3A_1648 = vector.shape_cast %get3A_1647 : vector<1x16xf32> to vector<16xf32>
        %add3A_1649 = arith.addf %add3A_1611, %get3A_1648 : vector<16xf32>
        %add3A_1650 = arith.constant 37 : i32
        %add3A_1651 = arith.addi %mul3A_204, %add3A_1650 : i32
        %add3A_1652 = arith.constant 16 : i32
        %add3A_1653 = arith.addi %squeeze3A_1640, %add3A_1652 : i32
        %get3A_1654 = arith.index_cast %add3A_1651 : i32 to index
        %get3A_1655 = arith.index_cast %add3A_1653 : i32 to index
        %get3A_1656 = tpu.vector_load %arg9[%get3A_1654, %get3A_1655] {strides = array<i32>} : memref<400x128xf32, #tpu.memory_space<vmem>>, vector<1x16xf32>,
        %get3A_1657 = vector.shape_cast %get3A_1656 : vector<1x16xf32> to vector<16xf32>
        %add3A_1658 = arith.addf %add3A_1620, %get3A_1657 : vector<16xf32>
        %add3A_1659 = arith.constant 37 : i32
        %add3A_1660 = arith.addi %mul3A_204, %add3A_1659 : i32
        %add3A_1661 = arith.constant 32 : i32
        %add3A_1662 = arith.addi %squeeze3A_1640, %add3A_1661 : i32
        %get3A_1663 = arith.index_cast %add3A_1660 : i32 to index
        %get3A_1664 = arith.index_cast %add3A_1662 : i32 to index
        %get3A_1665 = tpu.vector_load %arg9[%get3A_1663, %get3A_1664] {strides = array<i32>} : memref<400x128xf32, #tpu.memory_space<vmem>>, vector<1x16xf32>,
        %get3A_1666 = vector.shape_cast %get3A_1665 : vector<1x16xf32> to vector<16xf32>
        %add3A_1667 = arith.addf %add3A_1629, %get3A_1666 : vector<16xf32>
        %add3A_1668 = arith.constant 37 : i32
        %add3A_1669 = arith.addi %mul3A_204, %add3A_1668 : i32
        %add3A_1670 = arith.constant 48 : i32
        %add3A_1671 = arith.addi %squeeze3A_1640, %add3A_1670 : i32
        %get3A_1672 = arith.index_cast %add3A_1669 : i32 to index
        %get3A_1673 = arith.index_cast %add3A_1671 : i32 to index
        %get3A_1674 = tpu.vector_load %arg9[%get3A_1672, %get3A_1673] {strides = array<i32>} : memref<400x128xf32, #tpu.memory_space<vmem>>, vector<1x16xf32>,
        %get3A_1675 = vector.shape_cast %get3A_1674 : vector<1x16xf32> to vector<16xf32>
        %add3A_1676 = arith.addf %add3A_1638, %get3A_1675 : vector<16xf32>
        %slice3A_1677 = vector.extract_strided_slice %get3A_1448 {offsets = [6], sizes = [1], strides = [1]} : vector<16xi32> to vector<1xi32>
        %squeeze3A_1678 = vector.extract %slice3A_1677[0] : i32 from vector<1xi32>
        %add3A_1679 = arith.constant 38 : i32
        %add3A_1680 = arith.addi %mul3A_204, %add3A_1679 : i32
        %add3A_1681 = arith.constant 0 : i32
        %add3A_1682 = arith.addi %squeeze3A_1678, %add3A_1681 : i32
        %get3A_1683 = arith.index_cast %add3A_1680 : i32 to index
        %get3A_1684 = arith.index_cast %add3A_1682 : i32 to index
        %get3A_1685 = tpu.vector_load %arg9[%get3A_1683, %get3A_1684] {strides = array<i32>} : memref<400x128xf32, #tpu.memory_space<vmem>>, vector<1x16xf32>,
        %get3A_1686 = vector.shape_cast %get3A_1685 : vector<1x16xf32> to vector<16xf32>
        %add3A_1687 = arith.addf %add3A_1649, %get3A_1686 : vector<16xf32>
        %add3A_1688 = arith.constant 38 : i32
        %add3A_1689 = arith.addi %mul3A_204, %add3A_1688 : i32
        %add3A_1690 = arith.constant 16 : i32
        %add3A_1691 = arith.addi %squeeze3A_1678, %add3A_1690 : i32
        %get3A_1692 = arith.index_cast %add3A_1689 : i32 to index
        %get3A_1693 = arith.index_cast %add3A_1691 : i32 to index
        %get3A_1694 = tpu.vector_load %arg9[%get3A_1692, %get3A_1693] {strides = array<i32>} : memref<400x128xf32, #tpu.memory_space<vmem>>, vector<1x16xf32>,
        %get3A_1695 = vector.shape_cast %get3A_1694 : vector<1x16xf32> to vector<16xf32>
        %add3A_1696 = arith.addf %add3A_1658, %get3A_1695 : vector<16xf32>
        %add3A_1697 = arith.constant 38 : i32
        %add3A_1698 = arith.addi %mul3A_204, %add3A_1697 : i32
        %add3A_1699 = arith.constant 32 : i32
        %add3A_1700 = arith.addi %squeeze3A_1678, %add3A_1699 : i32
        %get3A_1701 = arith.index_cast %add3A_1698 : i32 to index
        %get3A_1702 = arith.index_cast %add3A_1700 : i32 to index
        %get3A_1703 = tpu.vector_load %arg9[%get3A_1701, %get3A_1702] {strides = array<i32>} : memref<400x128xf32, #tpu.memory_space<vmem>>, vector<1x16xf32>,
        %get3A_1704 = vector.shape_cast %get3A_1703 : vector<1x16xf32> to vector<16xf32>
        %add3A_1705 = arith.addf %add3A_1667, %get3A_1704 : vector<16xf32>
        %add3A_1706 = arith.constant 38 : i32
        %add3A_1707 = arith.addi %mul3A_204, %add3A_1706 : i32
        %add3A_1708 = arith.constant 48 : i32
        %add3A_1709 = arith.addi %squeeze3A_1678, %add3A_1708 : i32
        %get3A_1710 = arith.index_cast %add3A_1707 : i32 to index
        %get3A_1711 = arith.index_cast %add3A_1709 : i32 to index
        %get3A_1712 = tpu.vector_load %arg9[%get3A_1710, %get3A_1711] {strides = array<i32>} : memref<400x128xf32, #tpu.memory_space<vmem>>, vector<1x16xf32>,
        %get3A_1713 = vector.shape_cast %get3A_1712 : vector<1x16xf32> to vector<16xf32>
        %add3A_1714 = arith.addf %add3A_1676, %get3A_1713 : vector<16xf32>
        %slice3A_1715 = vector.extract_strided_slice %get3A_1448 {offsets = [7], sizes = [1], strides = [1]} : vector<16xi32> to vector<1xi32>
        %squeeze3A_1716 = vector.extract %slice3A_1715[0] : i32 from vector<1xi32>
        %add3A_1717 = arith.constant 39 : i32
        %add3A_1718 = arith.addi %mul3A_204, %add3A_1717 : i32
        %add3A_1719 = arith.constant 0 : i32
        %add3A_1720 = arith.addi %squeeze3A_1716, %add3A_1719 : i32
        %get3A_1721 = arith.index_cast %add3A_1718 : i32 to index
        %get3A_1722 = arith.index_cast %add3A_1720 : i32 to index
        %get3A_1723 = tpu.vector_load %arg9[%get3A_1721, %get3A_1722] {strides = array<i32>} : memref<400x128xf32, #tpu.memory_space<vmem>>, vector<1x16xf32>,
        %get3A_1724 = vector.shape_cast %get3A_1723 : vector<1x16xf32> to vector<16xf32>
        %add3A_1725 = arith.addf %add3A_1687, %get3A_1724 : vector<16xf32>
        %add3A_1726 = arith.constant 39 : i32
        %add3A_1727 = arith.addi %mul3A_204, %add3A_1726 : i32
        %add3A_1728 = arith.constant 16 : i32
        %add3A_1729 = arith.addi %squeeze3A_1716, %add3A_1728 : i32
        %get3A_1730 = arith.index_cast %add3A_1727 : i32 to index
        %get3A_1731 = arith.index_cast %add3A_1729 : i32 to index
        %get3A_1732 = tpu.vector_load %arg9[%get3A_1730, %get3A_1731] {strides = array<i32>} : memref<400x128xf32, #tpu.memory_space<vmem>>, vector<1x16xf32>,
        %get3A_1733 = vector.shape_cast %get3A_1732 : vector<1x16xf32> to vector<16xf32>
        %add3A_1734 = arith.addf %add3A_1696, %get3A_1733 : vector<16xf32>
        %add3A_1735 = arith.constant 39 : i32
        %add3A_1736 = arith.addi %mul3A_204, %add3A_1735 : i32
        %add3A_1737 = arith.constant 32 : i32
        %add3A_1738 = arith.addi %squeeze3A_1716, %add3A_1737 : i32
        %get3A_1739 = arith.index_cast %add3A_1736 : i32 to index
        %get3A_1740 = arith.index_cast %add3A_1738 : i32 to index
        %get3A_1741 = tpu.vector_load %arg9[%get3A_1739, %get3A_1740] {strides = array<i32>} : memref<400x128xf32, #tpu.memory_space<vmem>>, vector<1x16xf32>,
        %get3A_1742 = vector.shape_cast %get3A_1741 : vector<1x16xf32> to vector<16xf32>
        %add3A_1743 = arith.addf %add3A_1705, %get3A_1742 : vector<16xf32>
        %add3A_1744 = arith.constant 39 : i32
        %add3A_1745 = arith.addi %mul3A_204, %add3A_1744 : i32
        %add3A_1746 = arith.constant 48 : i32
        %add3A_1747 = arith.addi %squeeze3A_1716, %add3A_1746 : i32
        %get3A_1748 = arith.index_cast %add3A_1745 : i32 to index
        %get3A_1749 = arith.index_cast %add3A_1747 : i32 to index
        %get3A_1750 = tpu.vector_load %arg9[%get3A_1748, %get3A_1749] {strides = array<i32>} : memref<400x128xf32, #tpu.memory_space<vmem>>, vector<1x16xf32>,
        %get3A_1751 = vector.shape_cast %get3A_1750 : vector<1x16xf32> to vector<16xf32>
        %add3A_1752 = arith.addf %add3A_1714, %get3A_1751 : vector<16xf32>
        %slice3A_1753 = vector.extract_strided_slice %get3A_1448 {offsets = [8], sizes = [1], strides = [1]} : vector<16xi32> to vector<1xi32>
        %squeeze3A_1754 = vector.extract %slice3A_1753[0] : i32 from vector<1xi32>
        %add3A_1755 = arith.constant 40 : i32
        %add3A_1756 = arith.addi %mul3A_204, %add3A_1755 : i32
        %add3A_1757 = arith.constant 0 : i32
        %add3A_1758 = arith.addi %squeeze3A_1754, %add3A_1757 : i32
        %get3A_1759 = arith.index_cast %add3A_1756 : i32 to index
        %get3A_1760 = arith.index_cast %add3A_1758 : i32 to index
        %get3A_1761 = tpu.vector_load %arg9[%get3A_1759, %get3A_1760] {strides = array<i32>} : memref<400x128xf32, #tpu.memory_space<vmem>>, vector<1x16xf32>,
        %get3A_1762 = vector.shape_cast %get3A_1761 : vector<1x16xf32> to vector<16xf32>
        %add3A_1763 = arith.addf %add3A_1725, %get3A_1762 : vector<16xf32>
        %add3A_1764 = arith.constant 40 : i32
        %add3A_1765 = arith.addi %mul3A_204, %add3A_1764 : i32
        %add3A_1766 = arith.constant 16 : i32
        %add3A_1767 = arith.addi %squeeze3A_1754, %add3A_1766 : i32
        %get3A_1768 = arith.index_cast %add3A_1765 : i32 to index
        %get3A_1769 = arith.index_cast %add3A_1767 : i32 to index
        %get3A_1770 = tpu.vector_load %arg9[%get3A_1768, %get3A_1769] {strides = array<i32>} : memref<400x128xf32, #tpu.memory_space<vmem>>, vector<1x16xf32>,
        %get3A_1771 = vector.shape_cast %get3A_1770 : vector<1x16xf32> to vector<16xf32>
        %add3A_1772 = arith.addf %add3A_1734, %get3A_1771 : vector<16xf32>
        %add3A_1773 = arith.constant 40 : i32
        %add3A_1774 = arith.addi %mul3A_204, %add3A_1773 : i32
        %add3A_1775 = arith.constant 32 : i32
        %add3A_1776 = arith.addi %squeeze3A_1754, %add3A_1775 : i32
        %get3A_1777 = arith.index_cast %add3A_1774 : i32 to index
        %get3A_1778 = arith.index_cast %add3A_1776 : i32 to index
        %get3A_1779 = tpu.vector_load %arg9[%get3A_1777, %get3A_1778] {strides = array<i32>} : memref<400x128xf32, #tpu.memory_space<vmem>>, vector<1x16xf32>,
        %get3A_1780 = vector.shape_cast %get3A_1779 : vector<1x16xf32> to vector<16xf32>
        %add3A_1781 = arith.addf %add3A_1743, %get3A_1780 : vector<16xf32>
        %add3A_1782 = arith.constant 40 : i32
        %add3A_1783 = arith.addi %mul3A_204, %add3A_1782 : i32
        %add3A_1784 = arith.constant 48 : i32
        %add3A_1785 = arith.addi %squeeze3A_1754, %add3A_1784 : i32
        %get3A_1786 = arith.index_cast %add3A_1783 : i32 to index
        %get3A_1787 = arith.index_cast %add3A_1785 : i32 to index
        %get3A_1788 = tpu.vector_load %arg9[%get3A_1786, %get3A_1787] {strides = array<i32>} : memref<400x128xf32, #tpu.memory_space<vmem>>, vector<1x16xf32>,
        %get3A_1789 = vector.shape_cast %get3A_1788 : vector<1x16xf32> to vector<16xf32>
        %add3A_1790 = arith.addf %add3A_1752, %get3A_1789 : vector<16xf32>
        %slice3A_1791 = vector.extract_strided_slice %get3A_1448 {offsets = [9], sizes = [1], strides = [1]} : vector<16xi32> to vector<1xi32>
        %squeeze3A_1792 = vector.extract %slice3A_1791[0] : i32 from vector<1xi32>
        %add3A_1793 = arith.constant 41 : i32
        %add3A_1794 = arith.addi %mul3A_204, %add3A_1793 : i32
        %add3A_1795 = arith.constant 0 : i32
        %add3A_1796 = arith.addi %squeeze3A_1792, %add3A_1795 : i32
        %get3A_1797 = arith.index_cast %add3A_1794 : i32 to index
        %get3A_1798 = arith.index_cast %add3A_1796 : i32 to index
        %get3A_1799 = tpu.vector_load %arg9[%get3A_1797, %get3A_1798] {strides = array<i32>} : memref<400x128xf32, #tpu.memory_space<vmem>>, vector<1x16xf32>,
        %get3A_1800 = vector.shape_cast %get3A_1799 : vector<1x16xf32> to vector<16xf32>
        %add3A_1801 = arith.addf %add3A_1763, %get3A_1800 : vector<16xf32>
        %add3A_1802 = arith.constant 41 : i32
        %add3A_1803 = arith.addi %mul3A_204, %add3A_1802 : i32
        %add3A_1804 = arith.constant 16 : i32
        %add3A_1805 = arith.addi %squeeze3A_1792, %add3A_1804 : i32
        %get3A_1806 = arith.index_cast %add3A_1803 : i32 to index
        %get3A_1807 = arith.index_cast %add3A_1805 : i32 to index
        %get3A_1808 = tpu.vector_load %arg9[%get3A_1806, %get3A_1807] {strides = array<i32>} : memref<400x128xf32, #tpu.memory_space<vmem>>, vector<1x16xf32>,
        %get3A_1809 = vector.shape_cast %get3A_1808 : vector<1x16xf32> to vector<16xf32>
        %add3A_1810 = arith.addf %add3A_1772, %get3A_1809 : vector<16xf32>
        %add3A_1811 = arith.constant 41 : i32
        %add3A_1812 = arith.addi %mul3A_204, %add3A_1811 : i32
        %add3A_1813 = arith.constant 32 : i32
        %add3A_1814 = arith.addi %squeeze3A_1792, %add3A_1813 : i32
        %get3A_1815 = arith.index_cast %add3A_1812 : i32 to index
        %get3A_1816 = arith.index_cast %add3A_1814 : i32 to index
        %get3A_1817 = tpu.vector_load %arg9[%get3A_1815, %get3A_1816] {strides = array<i32>} : memref<400x128xf32, #tpu.memory_space<vmem>>, vector<1x16xf32>,
        %get3A_1818 = vector.shape_cast %get3A_1817 : vector<1x16xf32> to vector<16xf32>
        %add3A_1819 = arith.addf %add3A_1781, %get3A_1818 : vector<16xf32>
        %add3A_1820 = arith.constant 41 : i32
        %add3A_1821 = arith.addi %mul3A_204, %add3A_1820 : i32
        %add3A_1822 = arith.constant 48 : i32
        %add3A_1823 = arith.addi %squeeze3A_1792, %add3A_1822 : i32
        %get3A_1824 = arith.index_cast %add3A_1821 : i32 to index
        %get3A_1825 = arith.index_cast %add3A_1823 : i32 to index
        %get3A_1826 = tpu.vector_load %arg9[%get3A_1824, %get3A_1825] {strides = array<i32>} : memref<400x128xf32, #tpu.memory_space<vmem>>, vector<1x16xf32>,
        %get3A_1827 = vector.shape_cast %get3A_1826 : vector<1x16xf32> to vector<16xf32>
        %add3A_1828 = arith.addf %add3A_1790, %get3A_1827 : vector<16xf32>
        %slice3A_1829 = vector.extract_strided_slice %get3A_1448 {offsets = [10], sizes = [1], strides = [1]} : vector<16xi32> to vector<1xi32>
        %squeeze3A_1830 = vector.extract %slice3A_1829[0] : i32 from vector<1xi32>
        %add3A_1831 = arith.constant 42 : i32
        %add3A_1832 = arith.addi %mul3A_204, %add3A_1831 : i32
        %add3A_1833 = arith.constant 0 : i32
        %add3A_1834 = arith.addi %squeeze3A_1830, %add3A_1833 : i32
        %get3A_1835 = arith.index_cast %add3A_1832 : i32 to index
        %get3A_1836 = arith.index_cast %add3A_1834 : i32 to index
        %get3A_1837 = tpu.vector_load %arg9[%get3A_1835, %get3A_1836] {strides = array<i32>} : memref<400x128xf32, #tpu.memory_space<vmem>>, vector<1x16xf32>,
        %get3A_1838 = vector.shape_cast %get3A_1837 : vector<1x16xf32> to vector<16xf32>
        %add3A_1839 = arith.addf %add3A_1801, %get3A_1838 : vector<16xf32>
        %add3A_1840 = arith.constant 42 : i32
        %add3A_1841 = arith.addi %mul3A_204, %add3A_1840 : i32
        %add3A_1842 = arith.constant 16 : i32
        %add3A_1843 = arith.addi %squeeze3A_1830, %add3A_1842 : i32
        %get3A_1844 = arith.index_cast %add3A_1841 : i32 to index
        %get3A_1845 = arith.index_cast %add3A_1843 : i32 to index
        %get3A_1846 = tpu.vector_load %arg9[%get3A_1844, %get3A_1845] {strides = array<i32>} : memref<400x128xf32, #tpu.memory_space<vmem>>, vector<1x16xf32>,
        %get3A_1847 = vector.shape_cast %get3A_1846 : vector<1x16xf32> to vector<16xf32>
        %add3A_1848 = arith.addf %add3A_1810, %get3A_1847 : vector<16xf32>
        %add3A_1849 = arith.constant 42 : i32
        %add3A_1850 = arith.addi %mul3A_204, %add3A_1849 : i32
        %add3A_1851 = arith.constant 32 : i32
        %add3A_1852 = arith.addi %squeeze3A_1830, %add3A_1851 : i32
        %get3A_1853 = arith.index_cast %add3A_1850 : i32 to index
        %get3A_1854 = arith.index_cast %add3A_1852 : i32 to index
        %get3A_1855 = tpu.vector_load %arg9[%get3A_1853, %get3A_1854] {strides = array<i32>} : memref<400x128xf32, #tpu.memory_space<vmem>>, vector<1x16xf32>,
        %get3A_1856 = vector.shape_cast %get3A_1855 : vector<1x16xf32> to vector<16xf32>
        %add3A_1857 = arith.addf %add3A_1819, %get3A_1856 : vector<16xf32>
        %add3A_1858 = arith.constant 42 : i32
        %add3A_1859 = arith.addi %mul3A_204, %add3A_1858 : i32
        %add3A_1860 = arith.constant 48 : i32
        %add3A_1861 = arith.addi %squeeze3A_1830, %add3A_1860 : i32
        %get3A_1862 = arith.index_cast %add3A_1859 : i32 to index
        %get3A_1863 = arith.index_cast %add3A_1861 : i32 to index
        %get3A_1864 = tpu.vector_load %arg9[%get3A_1862, %get3A_1863] {strides = array<i32>} : memref<400x128xf32, #tpu.memory_space<vmem>>, vector<1x16xf32>,
        %get3A_1865 = vector.shape_cast %get3A_1864 : vector<1x16xf32> to vector<16xf32>
        %add3A_1866 = arith.addf %add3A_1828, %get3A_1865 : vector<16xf32>
        %slice3A_1867 = vector.extract_strided_slice %get3A_1448 {offsets = [11], sizes = [1], strides = [1]} : vector<16xi32> to vector<1xi32>
        %squeeze3A_1868 = vector.extract %slice3A_1867[0] : i32 from vector<1xi32>
        %add3A_1869 = arith.constant 43 : i32
        %add3A_1870 = arith.addi %mul3A_204, %add3A_1869 : i32
        %add3A_1871 = arith.constant 0 : i32
        %add3A_1872 = arith.addi %squeeze3A_1868, %add3A_1871 : i32
        %get3A_1873 = arith.index_cast %add3A_1870 : i32 to index
        %get3A_1874 = arith.index_cast %add3A_1872 : i32 to index
        %get3A_1875 = tpu.vector_load %arg9[%get3A_1873, %get3A_1874] {strides = array<i32>} : memref<400x128xf32, #tpu.memory_space<vmem>>, vector<1x16xf32>,
        %get3A_1876 = vector.shape_cast %get3A_1875 : vector<1x16xf32> to vector<16xf32>
        %add3A_1877 = arith.addf %add3A_1839, %get3A_1876 : vector<16xf32>
        %add3A_1878 = arith.constant 43 : i32
        %add3A_1879 = arith.addi %mul3A_204, %add3A_1878 : i32
        %add3A_1880 = arith.constant 16 : i32
        %add3A_1881 = arith.addi %squeeze3A_1868, %add3A_1880 : i32
        %get3A_1882 = arith.index_cast %add3A_1879 : i32 to index
        %get3A_1883 = arith.index_cast %add3A_1881 : i32 to index
        %get3A_1884 = tpu.vector_load %arg9[%get3A_1882, %get3A_1883] {strides = array<i32>} : memref<400x128xf32, #tpu.memory_space<vmem>>, vector<1x16xf32>,
        %get3A_1885 = vector.shape_cast %get3A_1884 : vector<1x16xf32> to vector<16xf32>
        %add3A_1886 = arith.addf %add3A_1848, %get3A_1885 : vector<16xf32>
        %add3A_1887 = arith.constant 43 : i32
        %add3A_1888 = arith.addi %mul3A_204, %add3A_1887 : i32
        %add3A_1889 = arith.constant 32 : i32
        %add3A_1890 = arith.addi %squeeze3A_1868, %add3A_1889 : i32
        %get3A_1891 = arith.index_cast %add3A_1888 : i32 to index
        %get3A_1892 = arith.index_cast %add3A_1890 : i32 to index
        %get3A_1893 = tpu.vector_load %arg9[%get3A_1891, %get3A_1892] {strides = array<i32>} : memref<400x128xf32, #tpu.memory_space<vmem>>, vector<1x16xf32>,
        %get3A_1894 = vector.shape_cast %get3A_1893 : vector<1x16xf32> to vector<16xf32>
        %add3A_1895 = arith.addf %add3A_1857, %get3A_1894 : vector<16xf32>
        %add3A_1896 = arith.constant 43 : i32
        %add3A_1897 = arith.addi %mul3A_204, %add3A_1896 : i32
        %add3A_1898 = arith.constant 48 : i32
        %add3A_1899 = arith.addi %squeeze3A_1868, %add3A_1898 : i32
        %get3A_1900 = arith.index_cast %add3A_1897 : i32 to index
        %get3A_1901 = arith.index_cast %add3A_1899 : i32 to index
        %get3A_1902 = tpu.vector_load %arg9[%get3A_1900, %get3A_1901] {strides = array<i32>} : memref<400x128xf32, #tpu.memory_space<vmem>>, vector<1x16xf32>,
        %get3A_1903 = vector.shape_cast %get3A_1902 : vector<1x16xf32> to vector<16xf32>
        %add3A_1904 = arith.addf %add3A_1866, %get3A_1903 : vector<16xf32>
        %slice3A_1905 = vector.extract_strided_slice %get3A_1448 {offsets = [12], sizes = [1], strides = [1]} : vector<16xi32> to vector<1xi32>
        %squeeze3A_1906 = vector.extract %slice3A_1905[0] : i32 from vector<1xi32>
        %add3A_1907 = arith.constant 44 : i32
        %add3A_1908 = arith.addi %mul3A_204, %add3A_1907 : i32
        %add3A_1909 = arith.constant 0 : i32
        %add3A_1910 = arith.addi %squeeze3A_1906, %add3A_1909 : i32
        %get3A_1911 = arith.index_cast %add3A_1908 : i32 to index
        %get3A_1912 = arith.index_cast %add3A_1910 : i32 to index
        %get3A_1913 = tpu.vector_load %arg9[%get3A_1911, %get3A_1912] {strides = array<i32>} : memref<400x128xf32, #tpu.memory_space<vmem>>, vector<1x16xf32>,
        %get3A_1914 = vector.shape_cast %get3A_1913 : vector<1x16xf32> to vector<16xf32>
        %add3A_1915 = arith.addf %add3A_1877, %get3A_1914 : vector<16xf32>
        %add3A_1916 = arith.constant 44 : i32
        %add3A_1917 = arith.addi %mul3A_204, %add3A_1916 : i32
        %add3A_1918 = arith.constant 16 : i32
        %add3A_1919 = arith.addi %squeeze3A_1906, %add3A_1918 : i32
        %get3A_1920 = arith.index_cast %add3A_1917 : i32 to index
        %get3A_1921 = arith.index_cast %add3A_1919 : i32 to index
        %get3A_1922 = tpu.vector_load %arg9[%get3A_1920, %get3A_1921] {strides = array<i32>} : memref<400x128xf32, #tpu.memory_space<vmem>>, vector<1x16xf32>,
        %get3A_1923 = vector.shape_cast %get3A_1922 : vector<1x16xf32> to vector<16xf32>
        %add3A_1924 = arith.addf %add3A_1886, %get3A_1923 : vector<16xf32>
        %add3A_1925 = arith.constant 44 : i32
        %add3A_1926 = arith.addi %mul3A_204, %add3A_1925 : i32
        %add3A_1927 = arith.constant 32 : i32
        %add3A_1928 = arith.addi %squeeze3A_1906, %add3A_1927 : i32
        %get3A_1929 = arith.index_cast %add3A_1926 : i32 to index
        %get3A_1930 = arith.index_cast %add3A_1928 : i32 to index
        %get3A_1931 = tpu.vector_load %arg9[%get3A_1929, %get3A_1930] {strides = array<i32>} : memref<400x128xf32, #tpu.memory_space<vmem>>, vector<1x16xf32>,
        %get3A_1932 = vector.shape_cast %get3A_1931 : vector<1x16xf32> to vector<16xf32>
        %add3A_1933 = arith.addf %add3A_1895, %get3A_1932 : vector<16xf32>
        %add3A_1934 = arith.constant 44 : i32
        %add3A_1935 = arith.addi %mul3A_204, %add3A_1934 : i32
        %add3A_1936 = arith.constant 48 : i32
        %add3A_1937 = arith.addi %squeeze3A_1906, %add3A_1936 : i32
        %get3A_1938 = arith.index_cast %add3A_1935 : i32 to index
        %get3A_1939 = arith.index_cast %add3A_1937 : i32 to index
        %get3A_1940 = tpu.vector_load %arg9[%get3A_1938, %get3A_1939] {strides = array<i32>} : memref<400x128xf32, #tpu.memory_space<vmem>>, vector<1x16xf32>,
        %get3A_1941 = vector.shape_cast %get3A_1940 : vector<1x16xf32> to vector<16xf32>
        %add3A_1942 = arith.addf %add3A_1904, %get3A_1941 : vector<16xf32>
        %slice3A_1943 = vector.extract_strided_slice %get3A_1448 {offsets = [13], sizes = [1], strides = [1]} : vector<16xi32> to vector<1xi32>
        %squeeze3A_1944 = vector.extract %slice3A_1943[0] : i32 from vector<1xi32>
        %add3A_1945 = arith.constant 45 : i32
        %add3A_1946 = arith.addi %mul3A_204, %add3A_1945 : i32
        %add3A_1947 = arith.constant 0 : i32
        %add3A_1948 = arith.addi %squeeze3A_1944, %add3A_1947 : i32
        %get3A_1949 = arith.index_cast %add3A_1946 : i32 to index
        %get3A_1950 = arith.index_cast %add3A_1948 : i32 to index
        %get3A_1951 = tpu.vector_load %arg9[%get3A_1949, %get3A_1950] {strides = array<i32>} : memref<400x128xf32, #tpu.memory_space<vmem>>, vector<1x16xf32>,
        %get3A_1952 = vector.shape_cast %get3A_1951 : vector<1x16xf32> to vector<16xf32>
        %add3A_1953 = arith.addf %add3A_1915, %get3A_1952 : vector<16xf32>
        %add3A_1954 = arith.constant 45 : i32
        %add3A_1955 = arith.addi %mul3A_204, %add3A_1954 : i32
        %add3A_1956 = arith.constant 16 : i32
        %add3A_1957 = arith.addi %squeeze3A_1944, %add3A_1956 : i32
        %get3A_1958 = arith.index_cast %add3A_1955 : i32 to index
        %get3A_1959 = arith.index_cast %add3A_1957 : i32 to index
        %get3A_1960 = tpu.vector_load %arg9[%get3A_1958, %get3A_1959] {strides = array<i32>} : memref<400x128xf32, #tpu.memory_space<vmem>>, vector<1x16xf32>,
        %get3A_1961 = vector.shape_cast %get3A_1960 : vector<1x16xf32> to vector<16xf32>
        %add3A_1962 = arith.addf %add3A_1924, %get3A_1961 : vector<16xf32>
        %add3A_1963 = arith.constant 45 : i32
        %add3A_1964 = arith.addi %mul3A_204, %add3A_1963 : i32
        %add3A_1965 = arith.constant 32 : i32
        %add3A_1966 = arith.addi %squeeze3A_1944, %add3A_1965 : i32
        %get3A_1967 = arith.index_cast %add3A_1964 : i32 to index
        %get3A_1968 = arith.index_cast %add3A_1966 : i32 to index
        %get3A_1969 = tpu.vector_load %arg9[%get3A_1967, %get3A_1968] {strides = array<i32>} : memref<400x128xf32, #tpu.memory_space<vmem>>, vector<1x16xf32>,
        %get3A_1970 = vector.shape_cast %get3A_1969 : vector<1x16xf32> to vector<16xf32>
        %add3A_1971 = arith.addf %add3A_1933, %get3A_1970 : vector<16xf32>
        %add3A_1972 = arith.constant 45 : i32
        %add3A_1973 = arith.addi %mul3A_204, %add3A_1972 : i32
        %add3A_1974 = arith.constant 48 : i32
        %add3A_1975 = arith.addi %squeeze3A_1944, %add3A_1974 : i32
        %get3A_1976 = arith.index_cast %add3A_1973 : i32 to index
        %get3A_1977 = arith.index_cast %add3A_1975 : i32 to index
        %get3A_1978 = tpu.vector_load %arg9[%get3A_1976, %get3A_1977] {strides = array<i32>} : memref<400x128xf32, #tpu.memory_space<vmem>>, vector<1x16xf32>,
        %get3A_1979 = vector.shape_cast %get3A_1978 : vector<1x16xf32> to vector<16xf32>
        %add3A_1980 = arith.addf %add3A_1942, %get3A_1979 : vector<16xf32>
        %slice3A_1981 = vector.extract_strided_slice %get3A_1448 {offsets = [14], sizes = [1], strides = [1]} : vector<16xi32> to vector<1xi32>
        %squeeze3A_1982 = vector.extract %slice3A_1981[0] : i32 from vector<1xi32>
        %add3A_1983 = arith.constant 46 : i32
        %add3A_1984 = arith.addi %mul3A_204, %add3A_1983 : i32
        %add3A_1985 = arith.constant 0 : i32
        %add3A_1986 = arith.addi %squeeze3A_1982, %add3A_1985 : i32
        %get3A_1987 = arith.index_cast %add3A_1984 : i32 to index
        %get3A_1988 = arith.index_cast %add3A_1986 : i32 to index
        %get3A_1989 = tpu.vector_load %arg9[%get3A_1987, %get3A_1988] {strides = array<i32>} : memref<400x128xf32, #tpu.memory_space<vmem>>, vector<1x16xf32>,
        %get3A_1990 = vector.shape_cast %get3A_1989 : vector<1x16xf32> to vector<16xf32>
        %add3A_1991 = arith.addf %add3A_1953, %get3A_1990 : vector<16xf32>
        %add3A_1992 = arith.constant 46 : i32
        %add3A_1993 = arith.addi %mul3A_204, %add3A_1992 : i32
        %add3A_1994 = arith.constant 16 : i32
        %add3A_1995 = arith.addi %squeeze3A_1982, %add3A_1994 : i32
        %get3A_1996 = arith.index_cast %add3A_1993 : i32 to index
        %get3A_1997 = arith.index_cast %add3A_1995 : i32 to index
        %get3A_1998 = tpu.vector_load %arg9[%get3A_1996, %get3A_1997] {strides = array<i32>} : memref<400x128xf32, #tpu.memory_space<vmem>>, vector<1x16xf32>,
        %get3A_1999 = vector.shape_cast %get3A_1998 : vector<1x16xf32> to vector<16xf32>
        %add3A_2000 = arith.addf %add3A_1962, %get3A_1999 : vector<16xf32>
        %add3A_2001 = arith.constant 46 : i32
        %add3A_2002 = arith.addi %mul3A_204, %add3A_2001 : i32
        %add3A_2003 = arith.constant 32 : i32
        %add3A_2004 = arith.addi %squeeze3A_1982, %add3A_2003 : i32
        %get3A_2005 = arith.index_cast %add3A_2002 : i32 to index
        %get3A_2006 = arith.index_cast %add3A_2004 : i32 to index
        %get3A_2007 = tpu.vector_load %arg9[%get3A_2005, %get3A_2006] {strides = array<i32>} : memref<400x128xf32, #tpu.memory_space<vmem>>, vector<1x16xf32>,
        %get3A_2008 = vector.shape_cast %get3A_2007 : vector<1x16xf32> to vector<16xf32>
        %add3A_2009 = arith.addf %add3A_1971, %get3A_2008 : vector<16xf32>
        %add3A_2010 = arith.constant 46 : i32
        %add3A_2011 = arith.addi %mul3A_204, %add3A_2010 : i32
        %add3A_2012 = arith.constant 48 : i32
        %add3A_2013 = arith.addi %squeeze3A_1982, %add3A_2012 : i32
        %get3A_2014 = arith.index_cast %add3A_2011 : i32 to index
        %get3A_2015 = arith.index_cast %add3A_2013 : i32 to index
        %get3A_2016 = tpu.vector_load %arg9[%get3A_2014, %get3A_2015] {strides = array<i32>} : memref<400x128xf32, #tpu.memory_space<vmem>>, vector<1x16xf32>,
        %get3A_2017 = vector.shape_cast %get3A_2016 : vector<1x16xf32> to vector<16xf32>
        %add3A_2018 = arith.addf %add3A_1980, %get3A_2017 : vector<16xf32>
        %slice3A_2019 = vector.extract_strided_slice %get3A_1448 {offsets = [15], sizes = [1], strides = [1]} : vector<16xi32> to vector<1xi32>
        %squeeze3A_2020 = vector.extract %slice3A_2019[0] : i32 from vector<1xi32>
        %add3A_2021 = arith.constant 47 : i32
        %add3A_2022 = arith.addi %mul3A_204, %add3A_2021 : i32
        %add3A_2023 = arith.constant 0 : i32
        %add3A_2024 = arith.addi %squeeze3A_2020, %add3A_2023 : i32
        %get3A_2025 = arith.index_cast %add3A_2022 : i32 to index
        %get3A_2026 = arith.index_cast %add3A_2024 : i32 to index
        %get3A_2027 = tpu.vector_load %arg9[%get3A_2025, %get3A_2026] {strides = array<i32>} : memref<400x128xf32, #tpu.memory_space<vmem>>, vector<1x16xf32>,
        %get3A_2028 = vector.shape_cast %get3A_2027 : vector<1x16xf32> to vector<16xf32>
        %add3A_2029 = arith.addf %add3A_1991, %get3A_2028 : vector<16xf32>
        %add3A_2030 = arith.constant 47 : i32
        %add3A_2031 = arith.addi %mul3A_204, %add3A_2030 : i32
        %add3A_2032 = arith.constant 16 : i32
        %add3A_2033 = arith.addi %squeeze3A_2020, %add3A_2032 : i32
        %get3A_2034 = arith.index_cast %add3A_2031 : i32 to index
        %get3A_2035 = arith.index_cast %add3A_2033 : i32 to index
        %get3A_2036 = tpu.vector_load %arg9[%get3A_2034, %get3A_2035] {strides = array<i32>} : memref<400x128xf32, #tpu.memory_space<vmem>>, vector<1x16xf32>,
        %get3A_2037 = vector.shape_cast %get3A_2036 : vector<1x16xf32> to vector<16xf32>
        %add3A_2038 = arith.addf %add3A_2000, %get3A_2037 : vector<16xf32>
        %add3A_2039 = arith.constant 47 : i32
        %add3A_2040 = arith.addi %mul3A_204, %add3A_2039 : i32
        %add3A_2041 = arith.constant 32 : i32
        %add3A_2042 = arith.addi %squeeze3A_2020, %add3A_2041 : i32
        %get3A_2043 = arith.index_cast %add3A_2040 : i32 to index
        %get3A_2044 = arith.index_cast %add3A_2042 : i32 to index
        %get3A_2045 = tpu.vector_load %arg9[%get3A_2043, %get3A_2044] {strides = array<i32>} : memref<400x128xf32, #tpu.memory_space<vmem>>, vector<1x16xf32>,
        %get3A_2046 = vector.shape_cast %get3A_2045 : vector<1x16xf32> to vector<16xf32>
        %add3A_2047 = arith.addf %add3A_2009, %get3A_2046 : vector<16xf32>
        %add3A_2048 = arith.constant 47 : i32
        %add3A_2049 = arith.addi %mul3A_204, %add3A_2048 : i32
        %add3A_2050 = arith.constant 48 : i32
        %add3A_2051 = arith.addi %squeeze3A_2020, %add3A_2050 : i32
        %get3A_2052 = arith.index_cast %add3A_2049 : i32 to index
        %get3A_2053 = arith.index_cast %add3A_2051 : i32 to index
        %get3A_2054 = tpu.vector_load %arg9[%get3A_2052, %get3A_2053] {strides = array<i32>} : memref<400x128xf32, #tpu.memory_space<vmem>>, vector<1x16xf32>,
        %get3A_2055 = vector.shape_cast %get3A_2054 : vector<1x16xf32> to vector<16xf32>
        %add3A_2056 = arith.addf %add3A_2018, %get3A_2055 : vector<16xf32>
        %mul3A_2057 = arith.constant 64 : i32
        %mul3A_2058 = arith.muli %add3A_207, %mul3A_2057 : i32
        %add3A_2059 = arith.constant 48 : i32
        %add3A_2060 = arith.addi %mul3A_2058, %add3A_2059 : i32
        %get3A_2061 = arith.index_cast %add3A_2060 : i32 to index
        %get3A_2062 = tpu.vector_load %arg7[%get3A_2061] {strides = array<i32>} : memref<8192xi32, #tpu.memory_space<vmem>>, vector<16xi32>,
        %get3A_2063 = vector.shape_cast %get3A_2062 : vector<16xi32> to vector<16xi32>
        %slice3A_2064 = vector.extract_strided_slice %get3A_2063 {offsets = [0], sizes = [1], strides = [1]} : vector<16xi32> to vector<1xi32>
        %squeeze3A_2065 = vector.extract %slice3A_2064[0] : i32 from vector<1xi32>
        %add3A_2066 = arith.constant 48 : i32
        %add3A_2067 = arith.addi %mul3A_204, %add3A_2066 : i32
        %add3A_2068 = arith.constant 0 : i32
        %add3A_2069 = arith.addi %squeeze3A_2065, %add3A_2068 : i32
        %get3A_2070 = arith.index_cast %add3A_2067 : i32 to index
        %get3A_2071 = arith.index_cast %add3A_2069 : i32 to index
        %get3A_2072 = tpu.vector_load %arg9[%get3A_2070, %get3A_2071] {strides = array<i32>} : memref<400x128xf32, #tpu.memory_space<vmem>>, vector<1x16xf32>,
        %get3A_2073 = vector.shape_cast %get3A_2072 : vector<1x16xf32> to vector<16xf32>
        %add3A_2074 = arith.addf %add3A_2029, %get3A_2073 : vector<16xf32>
        %add3A_2075 = arith.constant 48 : i32
        %add3A_2076 = arith.addi %mul3A_204, %add3A_2075 : i32
        %add3A_2077 = arith.constant 16 : i32
        %add3A_2078 = arith.addi %squeeze3A_2065, %add3A_2077 : i32
        %get3A_2079 = arith.index_cast %add3A_2076 : i32 to index
        %get3A_2080 = arith.index_cast %add3A_2078 : i32 to index
        %get3A_2081 = tpu.vector_load %arg9[%get3A_2079, %get3A_2080] {strides = array<i32>} : memref<400x128xf32, #tpu.memory_space<vmem>>, vector<1x16xf32>,
        %get3A_2082 = vector.shape_cast %get3A_2081 : vector<1x16xf32> to vector<16xf32>
        %add3A_2083 = arith.addf %add3A_2038, %get3A_2082 : vector<16xf32>
        %add3A_2084 = arith.constant 48 : i32
        %add3A_2085 = arith.addi %mul3A_204, %add3A_2084 : i32
        %add3A_2086 = arith.constant 32 : i32
        %add3A_2087 = arith.addi %squeeze3A_2065, %add3A_2086 : i32
        %get3A_2088 = arith.index_cast %add3A_2085 : i32 to index
        %get3A_2089 = arith.index_cast %add3A_2087 : i32 to index
        %get3A_2090 = tpu.vector_load %arg9[%get3A_2088, %get3A_2089] {strides = array<i32>} : memref<400x128xf32, #tpu.memory_space<vmem>>, vector<1x16xf32>,
        %get3A_2091 = vector.shape_cast %get3A_2090 : vector<1x16xf32> to vector<16xf32>
        %add3A_2092 = arith.addf %add3A_2047, %get3A_2091 : vector<16xf32>
        %add3A_2093 = arith.constant 48 : i32
        %add3A_2094 = arith.addi %mul3A_204, %add3A_2093 : i32
        %add3A_2095 = arith.constant 48 : i32
        %add3A_2096 = arith.addi %squeeze3A_2065, %add3A_2095 : i32
        %get3A_2097 = arith.index_cast %add3A_2094 : i32 to index
        %get3A_2098 = arith.index_cast %add3A_2096 : i32 to index
        %get3A_2099 = tpu.vector_load %arg9[%get3A_2097, %get3A_2098] {strides = array<i32>} : memref<400x128xf32, #tpu.memory_space<vmem>>, vector<1x16xf32>,
        %get3A_2100 = vector.shape_cast %get3A_2099 : vector<1x16xf32> to vector<16xf32>
        %add3A_2101 = arith.addf %add3A_2056, %get3A_2100 : vector<16xf32>
        %slice3A_2102 = vector.extract_strided_slice %get3A_2063 {offsets = [1], sizes = [1], strides = [1]} : vector<16xi32> to vector<1xi32>
        %squeeze3A_2103 = vector.extract %slice3A_2102[0] : i32 from vector<1xi32>
        %add3A_2104 = arith.constant 49 : i32
        %add3A_2105 = arith.addi %mul3A_204, %add3A_2104 : i32
        %add3A_2106 = arith.constant 0 : i32
        %add3A_2107 = arith.addi %squeeze3A_2103, %add3A_2106 : i32
        %get3A_2108 = arith.index_cast %add3A_2105 : i32 to index
        %get3A_2109 = arith.index_cast %add3A_2107 : i32 to index
        %get3A_2110 = tpu.vector_load %arg9[%get3A_2108, %get3A_2109] {strides = array<i32>} : memref<400x128xf32, #tpu.memory_space<vmem>>, vector<1x16xf32>,
        %get3A_2111 = vector.shape_cast %get3A_2110 : vector<1x16xf32> to vector<16xf32>
        %add3A_2112 = arith.addf %add3A_2074, %get3A_2111 : vector<16xf32>
        %add3A_2113 = arith.constant 49 : i32
        %add3A_2114 = arith.addi %mul3A_204, %add3A_2113 : i32
        %add3A_2115 = arith.constant 16 : i32
        %add3A_2116 = arith.addi %squeeze3A_2103, %add3A_2115 : i32
        %get3A_2117 = arith.index_cast %add3A_2114 : i32 to index
        %get3A_2118 = arith.index_cast %add3A_2116 : i32 to index
        %get3A_2119 = tpu.vector_load %arg9[%get3A_2117, %get3A_2118] {strides = array<i32>} : memref<400x128xf32, #tpu.memory_space<vmem>>, vector<1x16xf32>,
        %get3A_2120 = vector.shape_cast %get3A_2119 : vector<1x16xf32> to vector<16xf32>
        %add3A_2121 = arith.addf %add3A_2083, %get3A_2120 : vector<16xf32>
        %add3A_2122 = arith.constant 49 : i32
        %add3A_2123 = arith.addi %mul3A_204, %add3A_2122 : i32
        %add3A_2124 = arith.constant 32 : i32
        %add3A_2125 = arith.addi %squeeze3A_2103, %add3A_2124 : i32
        %get3A_2126 = arith.index_cast %add3A_2123 : i32 to index
        %get3A_2127 = arith.index_cast %add3A_2125 : i32 to index
        %get3A_2128 = tpu.vector_load %arg9[%get3A_2126, %get3A_2127] {strides = array<i32>} : memref<400x128xf32, #tpu.memory_space<vmem>>, vector<1x16xf32>,
        %get3A_2129 = vector.shape_cast %get3A_2128 : vector<1x16xf32> to vector<16xf32>
        %add3A_2130 = arith.addf %add3A_2092, %get3A_2129 : vector<16xf32>
        %add3A_2131 = arith.constant 49 : i32
        %add3A_2132 = arith.addi %mul3A_204, %add3A_2131 : i32
        %add3A_2133 = arith.constant 48 : i32
        %add3A_2134 = arith.addi %squeeze3A_2103, %add3A_2133 : i32
        %get3A_2135 = arith.index_cast %add3A_2132 : i32 to index
        %get3A_2136 = arith.index_cast %add3A_2134 : i32 to index
        %get3A_2137 = tpu.vector_load %arg9[%get3A_2135, %get3A_2136] {strides = array<i32>} : memref<400x128xf32, #tpu.memory_space<vmem>>, vector<1x16xf32>,
        %get3A_2138 = vector.shape_cast %get3A_2137 : vector<1x16xf32> to vector<16xf32>
        %add3A_2139 = arith.addf %add3A_2101, %get3A_2138 : vector<16xf32>
        %shift_right_arithmetic3A = arith.constant 1 : i32
        %shift_right_arithmetic3A_2140 = arith.shrsi %add3A_207, %shift_right_arithmetic3A : i32
        %and3A = arith.constant 1 : i32
        %and3A_2141 = arith.andi %add3A_207, %and3A : i32
        %mul3A_2142 = arith.constant 64 : i32
        %mul3A_2143 = arith.muli %and3A_2141, %mul3A_2142 : i32
        %mul3A_2144 = arith.constant 2.000000e-02 : f32
        %mul3A_2145 = vector.broadcast %mul3A_2144 : f32 to vector<16xf32>
        %mul3A_2146 = arith.mulf %add3A_2112, %mul3A_2145 : vector<16xf32>
        %add3A_2147 = arith.constant 0 : i32
        %add3A_2148 = arith.addi %mul3A_2143, %add3A_2147 : i32
        %swap3A = arith.index_cast %shift_right_arithmetic3A_2140 : i32 to index
        %swap3A_2149 = arith.index_cast %add3A_2148 : i32 to index
        %swap3A_2150 = tpu.vector_load %arg10[%swap3A, %swap3A_2149] {strides = array<i32>} : memref<64x128xf32, #tpu.memory_space<vmem>>, vector<1x16xf32>,
        %swap3A_2151 = vector.shape_cast %swap3A_2150 : vector<1x16xf32> to vector<16xf32>
        %swap3A_2152 = vector.shape_cast %mul3A_2146 : vector<16xf32> to vector<1x16xf32>
        tpu.vector_store %arg10[%swap3A, %swap3A_2149], %swap3A_2152 {strides = array<i32>} : memref<64x128xf32, #tpu.memory_space<vmem>>, vector<1x16xf32>,
        %mul3A_2153 = arith.constant 2.000000e-02 : f32
        %mul3A_2154 = vector.broadcast %mul3A_2153 : f32 to vector<16xf32>
        %mul3A_2155 = arith.mulf %add3A_2121, %mul3A_2154 : vector<16xf32>
        %add3A_2156 = arith.constant 16 : i32
        %add3A_2157 = arith.addi %mul3A_2143, %add3A_2156 : i32
        %swap3A_2158 = arith.index_cast %shift_right_arithmetic3A_2140 : i32 to index
        %swap3A_2159 = arith.index_cast %add3A_2157 : i32 to index
        %swap3A_2160 = tpu.vector_load %arg10[%swap3A_2158, %swap3A_2159] {strides = array<i32>} : memref<64x128xf32, #tpu.memory_space<vmem>>, vector<1x16xf32>,
        %swap3A_2161 = vector.shape_cast %swap3A_2160 : vector<1x16xf32> to vector<16xf32>
        %swap3A_2162 = vector.shape_cast %mul3A_2155 : vector<16xf32> to vector<1x16xf32>
        tpu.vector_store %arg10[%swap3A_2158, %swap3A_2159], %swap3A_2162 {strides = array<i32>} : memref<64x128xf32, #tpu.memory_space<vmem>>, vector<1x16xf32>,
        %mul3A_2163 = arith.constant 2.000000e-02 : f32
        %mul3A_2164 = vector.broadcast %mul3A_2163 : f32 to vector<16xf32>
        %mul3A_2165 = arith.mulf %add3A_2130, %mul3A_2164 : vector<16xf32>
        %add3A_2166 = arith.constant 32 : i32
        %add3A_2167 = arith.addi %mul3A_2143, %add3A_2166 : i32
        %swap3A_2168 = arith.index_cast %shift_right_arithmetic3A_2140 : i32 to index
        %swap3A_2169 = arith.index_cast %add3A_2167 : i32 to index
        %swap3A_2170 = tpu.vector_load %arg10[%swap3A_2168, %swap3A_2169] {strides = array<i32>} : memref<64x128xf32, #tpu.memory_space<vmem>>, vector<1x16xf32>,
        %swap3A_2171 = vector.shape_cast %swap3A_2170 : vector<1x16xf32> to vector<16xf32>
        %swap3A_2172 = vector.shape_cast %mul3A_2165 : vector<16xf32> to vector<1x16xf32>
        tpu.vector_store %arg10[%swap3A_2168, %swap3A_2169], %swap3A_2172 {strides = array<i32>} : memref<64x128xf32, #tpu.memory_space<vmem>>, vector<1x16xf32>,
        %mul3A_2173 = arith.constant 2.000000e-02 : f32
        %mul3A_2174 = vector.broadcast %mul3A_2173 : f32 to vector<16xf32>
        %mul3A_2175 = arith.mulf %add3A_2139, %mul3A_2174 : vector<16xf32>
        %add3A_2176 = arith.constant 48 : i32
        %add3A_2177 = arith.addi %mul3A_2143, %add3A_2176 : i32
        %swap3A_2178 = arith.index_cast %shift_right_arithmetic3A_2140 : i32 to index
        %swap3A_2179 = arith.index_cast %add3A_2177 : i32 to index
        %swap3A_2180 = tpu.vector_load %arg10[%swap3A_2178, %swap3A_2179] {strides = array<i32>} : memref<64x128xf32, #tpu.memory_space<vmem>>, vector<1x16xf32>,
        %swap3A_2181 = vector.shape_cast %swap3A_2180 : vector<1x16xf32> to vector<16xf32>
        %swap3A_2182 = vector.shape_cast %mul3A_2175 : vector<16xf32> to vector<1x16xf32>
        tpu.vector_store %arg10[%swap3A_2178, %swap3A_2179], %swap3A_2182 {strides = array<i32>} : memref<64x128xf32, #tpu.memory_space<vmem>>, vector<1x16xf32>,
      }
      %scan3A_194 = arith.constant 8 : i32
      %add3A_195 = arith.constant 2 : i32
      %add3A_196 = arith.addi %add3A_148, %add3A_195 : i32
      %lt3A_197 = arith.constant 16 : i32
      %lt3A_198 = arith.cmpi slt, %add3A_196, %lt3A_197 : i32
      %convert_element_type3A_199 = arith.extui %lt3A_198 : i1 to i32
      %cond3A_200 = arith.constant 0 : i32
      %cond3A_201 = arith.cmpi ne, %convert_element_type3A_199, %cond3A_200 : i32
      scf.if %cond3A_201 {
        %add3A_202 = arith.constant 2 : i32
        %add3A_203 = arith.addi %add3A_148, %add3A_202 : i32
        %mul3A_204 = arith.constant 400 : i32
        %mul3A_205 = arith.muli %add3A_203, %mul3A_204 : i32
        %add3A_206 = arith.constant 0 : i32
        %add3A_207 = arith.addi %mul3A_205, %add3A_206 : i32
        %dma_start3A_208 = arith.constant 0 : i32
        %dma_start3A_209 = arith.constant 0 : i32
        %dma_start3A_210 = tpu.memref_slice %arg9[%dma_start3A_208, %dma_start3A_209] : memref<400x128xf32, #tpu.memory_space<vmem>> -> memref<80x128xf32, #tpu.memory_space<vmem>>
        %dma_start3A_211 = tpu.memref_slice %arg6[%add3A_207] : memref<6400xi32, #tpu.memory_space<vmem>> -> memref<80xi32, #tpu.memory_space<vmem>>
        %dma_start3A_212 = arith.constant 0 : i32
        %dma_start3A_213 = arith.constant 0 : i32
        %dma_start3A_214 = tpu.memref_slice %arg4[%dma_start3A_212, %dma_start3A_213] : memref<500000x128xf32, #tpu.memory_space<hbm>> -> memref<500000x128xf32, #tpu.memory_space<hbm>>
        tpu.enqueue_indirect_dma source(%dma_start3A_214 : memref<500000x128xf32, #tpu.memory_space<hbm>>) target(%dma_start3A_210 : memref<80x128xf32, #tpu.memory_space<vmem>>) offsets(%dma_start3A_211 : memref<80xi32, #tpu.memory_space<vmem>>) semaphore(%arg12 : memref<!tpu.dma_semaphore, #tpu.memory_space<semaphore_mem>>)
        %add3A_215 = arith.constant 80 : i32
        %add3A_216 = arith.addi %mul3A_205, %add3A_215 : i32
        %dma_start3A_217 = arith.constant 80 : i32
        %dma_start3A_218 = arith.constant 0 : i32
        %dma_start3A_219 = tpu.memref_slice %arg9[%dma_start3A_217, %dma_start3A_218] : memref<400x128xf32, #tpu.memory_space<vmem>> -> memref<80x128xf32, #tpu.memory_space<vmem>>
        %dma_start3A_220 = tpu.memref_slice %arg6[%add3A_216] : memref<6400xi32, #tpu.memory_space<vmem>> -> memref<80xi32, #tpu.memory_space<vmem>>
        %dma_start3A_221 = arith.constant 0 : i32
        %dma_start3A_222 = arith.constant 0 : i32
        %dma_start3A_223 = tpu.memref_slice %arg4[%dma_start3A_221, %dma_start3A_222] : memref<500000x128xf32, #tpu.memory_space<hbm>> -> memref<500000x128xf32, #tpu.memory_space<hbm>>
        tpu.enqueue_indirect_dma source(%dma_start3A_223 : memref<500000x128xf32, #tpu.memory_space<hbm>>) target(%dma_start3A_219 : memref<80x128xf32, #tpu.memory_space<vmem>>) offsets(%dma_start3A_220 : memref<80xi32, #tpu.memory_space<vmem>>) semaphore(%arg12 : memref<!tpu.dma_semaphore, #tpu.memory_space<semaphore_mem>>)
        %add3A_224 = arith.constant 160 : i32
        %add3A_225 = arith.addi %mul3A_205, %add3A_224 : i32
        %dma_start3A_226 = arith.constant 160 : i32
        %dma_start3A_227 = arith.constant 0 : i32
        %dma_start3A_228 = tpu.memref_slice %arg9[%dma_start3A_226, %dma_start3A_227] : memref<400x128xf32, #tpu.memory_space<vmem>> -> memref<80x128xf32, #tpu.memory_space<vmem>>
        %dma_start3A_229 = tpu.memref_slice %arg6[%add3A_225] : memref<6400xi32, #tpu.memory_space<vmem>> -> memref<80xi32, #tpu.memory_space<vmem>>
        %dma_start3A_230 = arith.constant 0 : i32
        %dma_start3A_231 = arith.constant 0 : i32
        %dma_start3A_232 = tpu.memref_slice %arg4[%dma_start3A_230, %dma_start3A_231] : memref<500000x128xf32, #tpu.memory_space<hbm>> -> memref<500000x128xf32, #tpu.memory_space<hbm>>
        tpu.enqueue_indirect_dma source(%dma_start3A_232 : memref<500000x128xf32, #tpu.memory_space<hbm>>) target(%dma_start3A_228 : memref<80x128xf32, #tpu.memory_space<vmem>>) offsets(%dma_start3A_229 : memref<80xi32, #tpu.memory_space<vmem>>) semaphore(%arg12 : memref<!tpu.dma_semaphore, #tpu.memory_space<semaphore_mem>>)
        %add3A_233 = arith.constant 240 : i32
        %add3A_234 = arith.addi %mul3A_205, %add3A_233 : i32
        %dma_start3A_235 = arith.constant 240 : i32
        %dma_start3A_236 = arith.constant 0 : i32
        %dma_start3A_237 = tpu.memref_slice %arg9[%dma_start3A_235, %dma_start3A_236] : memref<400x128xf32, #tpu.memory_space<vmem>> -> memref<80x128xf32, #tpu.memory_space<vmem>>
        %dma_start3A_238 = tpu.memref_slice %arg6[%add3A_234] : memref<6400xi32, #tpu.memory_space<vmem>> -> memref<80xi32, #tpu.memory_space<vmem>>
        %dma_start3A_239 = arith.constant 0 : i32
        %dma_start3A_240 = arith.constant 0 : i32
        %dma_start3A_241 = tpu.memref_slice %arg4[%dma_start3A_239, %dma_start3A_240] : memref<500000x128xf32, #tpu.memory_space<hbm>> -> memref<500000x128xf32, #tpu.memory_space<hbm>>
        tpu.enqueue_indirect_dma source(%dma_start3A_241 : memref<500000x128xf32, #tpu.memory_space<hbm>>) target(%dma_start3A_237 : memref<80x128xf32, #tpu.memory_space<vmem>>) offsets(%dma_start3A_238 : memref<80xi32, #tpu.memory_space<vmem>>) semaphore(%arg12 : memref<!tpu.dma_semaphore, #tpu.memory_space<semaphore_mem>>)
        %add3A_242 = arith.constant 320 : i32
        %add3A_243 = arith.addi %mul3A_205, %add3A_242 : i32
        %dma_start3A_244 = arith.constant 320 : i32
        %dma_start3A_245 = arith.constant 0 : i32
        %dma_start3A_246 = tpu.memref_slice %arg9[%dma_start3A_244, %dma_start3A_245] : memref<400x128xf32, #tpu.memory_space<vmem>> -> memref<80x128xf32, #tpu.memory_space<vmem>>
        %dma_start3A_247 = tpu.memref_slice %arg6[%add3A_243] : memref<6400xi32, #tpu.memory_space<vmem>> -> memref<80xi32, #tpu.memory_space<vmem>>
        %dma_start3A_248 = arith.constant 0 : i32
        %dma_start3A_249 = arith.constant 0 : i32
        %dma_start3A_250 = tpu.memref_slice %arg4[%dma_start3A_248, %dma_start3A_249] : memref<500000x128xf32, #tpu.memory_space<hbm>> -> memref<500000x128xf32, #tpu.memory_space<hbm>>
        tpu.enqueue_indirect_dma source(%dma_start3A_250 : memref<500000x128xf32, #tpu.memory_space<hbm>>) target(%dma_start3A_246 : memref<80x128xf32, #tpu.memory_space<vmem>>) offsets(%dma_start3A_247 : memref<80xi32, #tpu.memory_space<vmem>>) semaphore(%arg12 : memref<!tpu.dma_semaphore, #tpu.memory_space<semaphore_mem>>)
      } else {
      }
    }
    %scan3A_88 = arith.constant 8 : i32
    %mul3A_89 = arith.constant 64 : i32
    %mul3A_90 = arith.muli %add3A, %mul3A_89 : i32
    "tpu.region"() ({
      %run_scoped3A = tpu.sem_alloc : memref<!tpu.dma_semaphore, #tpu.memory_space<semaphore_mem>>
      %dma_start3A_91 = arith.constant 0 : i32
      %dma_start3A_92 = tpu.memref_slice %arg5[%mul3A_90, %dma_start3A_91] : memref<2048x128xf32, #tpu.memory_space<hbm>> -> memref<64x128xf32, #tpu.memory_space<hbm>>
      %dma_start3A_93 = arith.constant 0 : i32
      %dma_start3A_94 = tpu.memref_slice %arg5[%mul3A_90, %dma_start3A_93] : memref<2048x128xf32, #tpu.memory_space<hbm>> -> memref<64x128xf32, #tpu.memory_space<hbm>>
      tpu.enqueue_dma source(%arg10 : memref<64x128xf32, #tpu.memory_space<vmem>>) target(%dma_start3A_94 : memref<64x128xf32, #tpu.memory_space<hbm>>) target_semaphore(%run_scoped3A : memref<!tpu.dma_semaphore, #tpu.memory_space<semaphore_mem>>)
      %dma_wait3A = arith.constant 0 : i32
      %dma_wait3A_95 = tpu.memref_slice %arg5[%mul3A_90, %dma_wait3A] : memref<2048x128xf32, #tpu.memory_space<hbm>> -> memref<64x128xf32, #tpu.memory_space<hbm>>
      %dma_wait3A_96 = arith.constant 0 : i32
      %dma_wait3A_97 = tpu.memref_slice %arg5[%mul3A_90, %dma_wait3A_96] : memref<2048x128xf32, #tpu.memory_space<hbm>> -> memref<64x128xf32, #tpu.memory_space<hbm>>
      tpu.wait_dma2 semaphore(%run_scoped3A : memref<!tpu.dma_semaphore, #tpu.memory_space<semaphore_mem>>) src(%arg10 : memref<64x128xf32, #tpu.memory_space<vmem>>) dst(%dma_wait3A_97 : memref<64x128xf32, #tpu.memory_space<hbm>>)
      tpu.yield
    }) : () -> ()
    return
  }
}

</mosaic_0001>

<sc_bundles>
// kernel: kernel.3.cloned.1.call-start
scs
__scs_entry_jumppad:
0x0: {  	(pc) =	sbr.rel $0x88, $3  }
0x1: {  	(tag) =	ssettag $0x0;
	lr =	simm.s32 $0x1  }
0x2: {  	[smem:$0x3F9F] =	sst lr;
	_ =	strace $0xD0000000  }
0x3: {  	_ = 	snop  }
0x4: {  	_ = 	snop  }
0x5: {  	_ = 	snop  }
0x6: {  	_ = 	snop  }
0x7: {  	_ = 	snop  }
__scs_overlays_trampoline_lowered:
0x8: {  	[smem:$0x3FAE] =	sst s0  }
0x9: {  	[smem:$0x3FAF] =	sst s1  }
0xa: {  	[smem:$0x3FB0] =	sst s2  }
0xb: {  	[smem:$0x3FB1] =	sst s3  }
0xc: {  	[smem:$0x3FB2] =	sst s4  }
0xd: {  	[smem:$0x3FB3] =	sst s5  }
0xe: {  	[smem:$0x3FB4] =	sst s6  }
0xf: {  	[smem:$0x3FB5] =	sst s7  }
0x10: {  	[smem:$0x3FB6] =	sst s8  }
0x11: {  	[smem:$0x3FB7] =	sst s9;
	s0 =	simm.s32 @!p0 $0x0  }
0x12: {  	s1 =	sld [smem:$0x3F9D];
	s0 =	simm.s32 @p0 $0x1  }
0x13: {  	[smem:$0x3FB8] =	sst s0;
	s0 =	simm.s32 @!p1 $0x0  }
0x14: {  	s2 =	sld [smem:$0x3F9C];
	s0 =	simm.s32 @p1 $0x1  }
0x15: {  	[smem:$0x3FB9] =	sst s0;
	s0 =	simm.s32 @!p2 $0x0  }
0x16: {  	s3 =	sld [smem:$0x3FDB];
	s0 =	simm.s32 @p2 $0x1  }
0x17: {  	s4 =	simm.s32 $0x1BF5;
	[smem:$0x3FBB] =	sst s0  }
0x18: {  	s0 =	sld [smem:$0x3F9E];
	_ =	swait.ge [sflag:s4], $0x0  }
0x19: {  	s7 =	sld [smem:$0x3F9F]  }
0x1a: {  	s8 =	sadd.s32 $0xFFFFE003, lr  }
0x1b: {  	s9 =	sadd.s32 $0xFFFFFEF7, lr;
	s5 =	simm.s32 $0xFFFFFFFF;
	p2 =	slt.u32 s8, $0xFFFFF086  }
0x1c: {  	p1 =	slt.u32 s9, $0xF7A;
	s5 =	simm.s32 @!p2 $0x0  }
0x1d: {  	s5 =	simm.s32 @p1 $0x1;
	p0 =	seq.s32 s7, s2  }
0x1e: {  	s7 =	smul.u32 @!p0 $0xF7A, s2;
	p2 =	seq.s32 @!p0 s5, $0x0  }
0x1f: {  	s9 =	smul.u32 $0xF7A, s1;
	s8 =	simm.s32 @!p0 $0x1BF5;
	p2 =	por !p2, p0  }
0x20: {  	[sflag:s8] =	ssyncset.s32 @!p0 $0xFFFFF086;
	s6 =	sadd.s32 @!p0 s3, s7;
	s7 =	simm.s32 @!p0 $0x108  }
0x21: {  	s3 =	sadd.s32 s3, s9;
	s6 =	sadd.s32 @!p0 $0x88, s6;
	s7 =	simm.s32 @p2 $0x1082  }
0x22: {  	[simem:s7], [sflag:s8] =	dma.local @!p0 [hbm:s6], $0xF7A  }
0x23: {  	s9 =	sor.u32 $0xD0000000, s2;
	s6 =	simm.s32 $0x108;
	_ =	swait.ge @!p0 [sflag:s8], $0x0  }
0x24: {  	s3 =	sadd.s32 $0x88, s3;
	s6 =	simm.s32 @!p1 $0x1082;
	[sflag:s4] =	ssyncset.s32 $0xFFFFF086  }
0x25: {  	[simem:s6], [sflag:s4] =	dma.local [hbm:s3], $0xF7A  }
0x26: {  	[smem:$0x3F9F] =	sst s1;
	(tag) =	ssettag s2;
	_ =	strace s9  }
0x27: {  	s1 =	sld [smem:$0x3FAF]  }
0x28: {  	s2 =	sld [smem:$0x3FB0]  }
0x29: {  	s4 =	sld [smem:$0x3FB2]  }
0x2a: {  	p0 =	seq.s32 s5, $0x0;
	s5 =	sld [smem:$0x3FB3]  }
0x2b: {  	s6 =	sld [smem:$0x3FB4]  }
0x2c: {  	s7 =	sld [smem:$0x3FB5]  }
0x2d: {  	s3 =	simm.s32 $0x108;
	s8 =	sld [smem:$0x3FB6]  }
0x2e: {  	s3 =	simm.s32 @!p0 $0x1082;
	s9 =	sld [smem:$0x3FB7]  }
0x2f: {  	lr =	sadd.s32 s0, s3;
	s0 =	sld [smem:$0x3FAE]  }
0x30: {  	s3 =	sld [smem:$0x3FB1]  }
0x31: {  	[smem:$0x3FBA] =	sst s10  }
0x32: {  	s10 =	sld [smem:$0x3FB8];
	_ =	sdelay $0x3  }
0x33: {  	p0 =	seq.s32 s10, $0x1;
	s10 =	sld [smem:$0x3FBA];
	_ =	sdelay $0x3  }
0x34: {  	[smem:$0x3FBA] =	sst s10  }
0x35: {  	s10 =	sld [smem:$0x3FB9];
	_ =	sdelay $0x3  }
0x36: {  	p1 =	seq.s32 s10, $0x1;
	s10 =	sld [smem:$0x3FBA];
	_ =	sdelay $0x3  }
0x37: {  	[smem:$0x3FBA] =	sst s10  }
0x38: {  	s10 =	sld [smem:$0x3FBB]  }
0x39: {  	_ = 	snop;
	(pc) =	sbr.ind lr, $3  }
0x3a: {  	_ = 	snop  }
0x3b: {  	_ = 	snop  }
0x3c: {  	p2 =	seq.s32 s10, $0x1;
	s10 =	sld [smem:$0x3FBA]  }
0x3d: {  	_ =	shalt  }
0x3e: {  	_ =	shalt  }
0x3f: {  	_ =	shalt  }
0x40: {  	_ =	shalt  }
0x41: {  	_ =	shalt  }
0x42: {  	_ =	shalt  }
0x43: {  	_ =	shalt  }
0x44: {  	_ =	shalt  }
0x45: {  	_ =	shalt  }
0x46: {  	_ =	shalt  }
0x47: {  	_ =	shalt  }
0x48: {  	_ =	shalt  }
0x49: {  	_ =	shalt  }
0x4a: {  	_ =	shalt  }
0x4b: {  	_ =	shalt  }
0x4c: {  	_ =	shalt  }
0x4d: {  	_ =	shalt  }
0x4e: {  	_ =	shalt  }
0x4f: {  	_ =	shalt  }
0x50: {  	_ =	shalt  }
0x51: {  	_ =	shalt  }
0x52: {  	_ =	shalt  }
0x53: {  	_ =	shalt  }
0x54: {  	_ =	shalt  }
0x55: {  	_ =	shalt  }
0x56: {  	_ =	shalt  }
0x57: {  	_ =	shalt  }
0x58: {  	_ =	shalt  }
0x59: {  	_ =	shalt  }
0x5a: {  	_ =	shalt  }
0x5b: {  	_ =	shalt  }
0x5c: {  	_ =	shalt  }
0x5d: {  	_ =	shalt  }
0x5e: {  	_ =	shalt  }
0x5f: {  	_ =	shalt  }
0x60: {  	_ =	shalt  }
0x61: {  	_ =	shalt  }
0x62: {  	_ =	shalt  }
0x63: {  	_ =	shalt  }
0x64: {  	_ =	shalt  }
0x65: {  	_ =	shalt  }
0x66: {  	_ =	shalt  }
0x67: {  	_ =	shalt  }
0x68: {  	_ =	shalt  }
0x69: {  	_ =	shalt  }
0x6a: {  	_ =	shalt  }
0x6b: {  	_ =	shalt  }
0x6c: {  	_ =	shalt  }
0x6d: {  	_ =	shalt  }
0x6e: {  	_ =	shalt  }
0x6f: {  	_ =	shalt  }
0x70: {  	_ =	shalt  }
0x71: {  	_ =	shalt  }
0x72: {  	_ =	shalt  }
0x73: {  	_ =	shalt  }
0x74: {  	_ =	shalt  }
0x75: {  	_ =	shalt  }
0x76: {  	_ =	shalt  }
0x77: {  	_ =	shalt  }
0x78: {  	_ =	shalt  }
0x79: {  	_ =	shalt  }
0x7a: {  	_ =	shalt  }
0x7b: {  	_ =	shalt  }
0x7c: {  	_ =	shalt  }
0x7d: {  	_ =	shalt  }
0x7e: {  	_ =	shalt  }
0x7f: {  	_ =	shalt  }
0x80: {  	_ =	shalt  }
0x81: {  	_ =	shalt  }
0x82: {  	_ =	shalt  }
0x83: {  	_ =	shalt  }
0x84: {  	_ =	shalt  }
0x85: {  	_ =	shalt  }
0x86: {  	_ =	shalt  }
0x87: {  	_ =	shalt  }
.Lfunc_end0:
.L_simem_size_0:
called_computation_lowered:
.L_overlay_start_0:
0x88: {  	s2 =	sld [smem:$0x3FD9]  }
0x89: {  	s3 =	sld [smem:$0x3FFE];
	_ =	sdelay $0x1  }
0x8a: {  	s1 =	srdreg.scid  }
0x8b: {  	s0 =	sand.u32 $0x1, s1  }
0x8c: {  	s17 =	sshll.u32 s0, $0xA;
	s2 =	sadd.s32 s3, s2  }
0x8d: {  	s2 =	sadd.s32 s2, s17  }
0x8e: {  	[smem:$0x3FC6] =	sst s2  }
0x8f: {  	_ = 	snop  }
0x90: {  	s2 =	sld [smem:$0x3FD0];
	(tm) =	ssettm $0x1  }
0x91: {  	s18 =	sld [smem:$0x3FFB];
	_ =	sdelay $0x3  }
0x92: {  	_ =	strace s18  }
0x93: {  	s3 =	sld [smem:$0x3FFC];
	_ =	sdelay $0x3  }
0x94: {  	_ =	strace s3  }
0x95: {  	s3 =	sld [smem:$0x3FFD];
	_ =	sdelay $0x3  }
0x96: {  	_ =	strace s3  }
0x97: {  	_ =	strace $0x8FFFFFFF  }
0x98: {  	s19 =	sld [smem:$0x3FDB];
	_ =	sdelay $0x1  }
0x99: {  	s4 =	simm.s32 $_scs_section_size  }
0x9a: {  	s5 =	simm.s32 $_size__tile_overlayer_lowered;
	s6 =	simm.s32 $_tile_overlayer_lowered  }
0x9b: {  	s22 =	simm.s32 $0x1BFF;
	s21 =	sshll.u32 s6, $0x1;
	s3 =	sadd.s32 s4, s19  }
0x9c: {  	s7 =	simm.s32 $0x0;
	s20 =	sshll.u32 s5, $0x1;
	s5 =	sadd.s32 s21, s3  }
0x9d: {  	[timem:s7], [sflag:s22] =	dma.local [hbm:s5], s20  }
0x9e: {  	_ =	swait.ge [sflag:s22], s20  }
0x9f: {  	s4 =	ssub.s32 $0x0, s20;
	[sflag:s22] =	ssyncset.done $0x0  }
0xa0: {  	[sflag:s22] =	ssyncadd.s32 s4;
	_ =	sdelay $0x1  }
0xa1: {  	s23 =	simm.s32 $0x1B8B  }
0xa2: {  	_ =	swait.ge [sflag:s23], $0x1  }
0xa3: {  	[sflag:s23] =	ssyncset.done $0x0  }
0xa4: {  	s25 =	simm.s32 $0x1B8E;
	s24 =	sld [smem:$0x3FFE];
	[sflag:s23] =	ssyncadd.s32 $0xFFFFFFFF  }
0xa5: {  	s26 =	simm.s32 $execute0_lowered;
	[smem:$0x3FD2] =	sst s25  }
0xa6: {  	s5 =	sshll.u32 s26, $0x1;
	_ =	strace $0x80000046;
	[dreg:$0x1] =	wrdreg $0xFFFFFFFF  }
0xa7: {  	s28 =	simm.s32 $_size_execute0_lowered;
	s3 =	sadd.s32 s3, s5;
	[dreg:$0x0] =	wrdreg $0x0  }
0xa8: {  	s5 =	sshll.u32 s28, $0x1;
	[dreg:$0x2] =	wrdreg s3  }
0xa9: {  	[dreg:$0x3] =	wrdreg s5  }
0xaa: {  	[dreg:$0x4] =	wrdreg $0xC0  }
0xab: {  	_ =	task [dreg:s7], $0x5FFFF  }
0xac: {  	[dreg:$0x1] =	wrdreg $0xFFFFFFFF  }
0xad: {  	[dreg:$0x0] =	wrdreg $0x60  }
0xae: {  	[dreg:$0x2] =	wrdreg s24  }
0xaf: {  	[dreg:$0x3] =	wrdreg s2  }
0xb0: {  	[dreg:$0x4] =	wrdreg $0x9  }
0xb1: {  	_ =	task.clear_ibuf [dreg:s7], $0x5FFFF;
	_ =	strace $0x90000046  }
0xb2: {  	s29 =	simm.s32 $0x9;
	_ =	strace $0x80000048  }
0xb3: {  	_ =	swait.ge [sflag:s29], $0x1  }
0xb4: {  	[sflag:s29] =	ssyncadd.s32 $0xFFFFFFFF  }
0xb5: {  	_ =	strace $0x90000048  }
0xb6: {  	_ =	sfence  }
0xb7: {  	s30 =	sld [smem:$0x0];
	_ =	sdelay $0x2  }
0xb8: {  	s31 =	sshll.u32 s1, $0xD;
	s1 =	sshrl.u32 s1, $0x2  }
0xb9: {  	s3 =	sand.u32 $0x4000, s31;
	s1 =	sadd.s32 s1, s30  }
0xba: {  	s0 =	sor.u32 s3, s0;
	s1 =	sshll.u32 s1, $0x11  }
0xbb: {  	s0 =	sor.u32 s1, s0  }
0xbc: {  	s0 =	sadd.s32 $0x8F2B, s0  }
0xbd: {  	[sflag:s0] =	ssyncadd.remote.s32 $0x1  }
0xbe: {  	_ =	sfence.sel $0xFFFF  }
0xbf: {  	[dreg:$0x0] =	wrdreg $0xFFFFFFFF;
	(pc) =	sbr.abs _section_cstart, $3  }
0xc0: {  	[dreg:$0x1] =	wrdreg $0xFFFFFFFF  }
0xc1: {  	_ =	task.clear_ibuf [dreg:s7], $0x2FFFF;
	_ =	strace $0x9FFFFFFF  }
0xc2: {  	(tm) =	ssettm $0x7FFFFFFF  }
0xc3: {  	_ =	shalt  }
tec
execute0_lowered:
.L_overlay_start_1:
0x0: {  	(tag) =	ssettag $0x1  }
0x1: {  	s0 =	rddreg [dreg:$0x0];
	s1 =	srdreg.scid  }
0x2: {  	s3 =	stileid.u32;
	s2 =	rddreg [dreg:$0x1]  }
0x3: {  	s6 =	simm.s32 $0x0;
	s1 =	sand.u32 $0x1, s1;
	s3 =	sshll.u32 s3, $0x1  }
0x4: {  	[smem:$0x7FF] =	sst s6;
	s5 =	sadd.s32 $0xF48E00, s0;
	s3 =	sor.u32 s1, s3  }
0x5: {  	_ =	strace $0x80000047;
	s1 =	ssub.s32 $0x2, s1;
	[dreg:$0x3] =	wrdreg s5  }
0x6: {  	s4 =	smul.u32 $0x320, s3;
	s3 =	sshll.u32 s3, $0xA;
	s30 =	sshrl.u32 s1, $0x1  }
.Ltmp0:
0x7: {  	s1 =	ssub.s32 s1, s30;
	s2 =	sadd.s32 s2, s3;
	(pc) =	sbr.rel .LBB2_1-.Ltmp0, $4  }
0x8: {  	s4 =	sadd.s32 s4, s0;
	[dreg:$0x5] =	wrdreg s2;
	s31 =	smax.u32 s1, $0x1  }
0x9: {  	s0 =	sadd.s32 s3, s0;
	s4 =	sadd.s32 $0x600, s4;
	[dreg:$0x7] =	wrdreg s31  }
0xa: {  	s0 =	sadd.s32 $0x6A00, s0;
	[dreg:$0x4] =	wrdreg s4  }
0xb: {  	s1 =	simm.s32 $0x3;
	s2 =	simm.s32 $0x0;
	[dreg:$0x6] =	wrdreg s0  }
.LBB2_8:
0xc: {  	s6 =	simm.s32 $0x0;
	s0 =	rddreg [dreg:$0x6];
	s1 =	simm.s32 $0x1C900  }
0xd: {  	[hbm4b:s0+s6] =	stream.linear.scatter [tilespmem:s1], [sflag:$0x3], $0x2000, $0x38;
	[tilespmem:$0x1E900] =	vst v63  }
0xe: {  	s1 =	simm.s32 $0x3  }
0xf: {  	_ =	swait.ge [sflag:s1], $0x2000  }
0x10: {  	s2 =	rddreg [dreg:$0x8]  }
0x11: {  	s31 =	rddreg [dreg:$0x7];
	s2 =	sadd.s32 $0x1, s2  }
0x12: {  	p0 =	sne.s32 s2, s31  }
.Ltmp1:
0x13: {  	_ = 	snop;
	(pc) =	sbr.rel @!p0 .LBB2_9-.Ltmp1, $3  }
0x14: {  	_ =	sdelay $0x1  }
0x15: {  	[sflag:s1] =	ssyncset.done $0x0  }
0x16: {  	[sflag:s1] =	ssyncadd.s32 $0xFFFFE000  }
.LBB2_1:
0x17: {  	[dreg:$0x8] =	wrdreg s2  }
0x18: {  	s0 =	rddreg [dreg:$0x4]  }
0x19: {  	[tilespmem:s6], [sflag:$0x3] =	stream.linear.gather [hbm4b:s0+s6], $0x1900, $0x38;
	[tilespmem:$0x1E900] =	vst v63  }
0x1a: {  	_ =	swait.ge [sflag:s1], $0x1900  }
0x1b: {  	[sflag:s1] =	ssyncset.done $0x0  }
0x1c: {  	s11 =	simm.s32 $0x1900;
	s10 =	rddreg [dreg:$0x5];
	[sflag:s1] =	ssyncadd.s32 $0xFFFFE700  }
0x1d: {  	[tilespmem:s11], [sflag:$0x3] =	stream.linear.gather [hbm4b:s10+s6], $0x2000, $0x38;
	[tilespmem:$0x1E900] =	vst v63  }
0x1e: {  	_ =	swait.ge [sflag:s1], $0x2000  }
0x1f: {  	s13 =	simm.s32 $0x50;
	[sflag:s1] =	ssyncset.done $0x0  }
0x20: {  	s14 =	simm.s32 $0x3900;
	s12 =	rddreg [dreg:$0x3];
	[sflag:s1] =	ssyncadd.s32 $0xFFFFE000  }
0x21: {  	[tilespmem:s14], [sflag:$0x1] =	stream.indirect.gather [hbm4b:s12+s13], $0x80, s6, s13, $0xb8;
	[tilespmem:$0x1E900] =	vst v63  }
0x22: {  	s15 =	simm.s32 $0x6100  }
0x23: {  	[tilespmem:s15], [sflag:$0x1] =	stream.indirect.gather [hbm4b:s12+s13], $0x80, s13, s13, $0xb8;
	[tilespmem:$0x1E900] =	vst v63  }
0x24: {  	s16 =	simm.s32 $0xA0;
	s3 =	simm.s32 $0x8900  }
0x25: {  	[tilespmem:s3], [sflag:$0x1] =	stream.indirect.gather [hbm4b:s12+s13], $0x80, s16, s13, $0xb8;
	[tilespmem:$0x1E900] =	vst v63  }
0x26: {  	s17 =	simm.s32 $0xF0;
	s18 =	simm.s32 $0xB100  }
0x27: {  	[tilespmem:s18], [sflag:$0x1] =	stream.indirect.gather [hbm4b:s12+s13], $0x80, s17, s13, $0xb8;
	[tilespmem:$0x1E900] =	vst v63  }
0x28: {  	s19 =	simm.s32 $0x140;
	s20 =	simm.s32 $0xD900  }
0x29: {  	[tilespmem:s20], [sflag:$0x1] =	stream.indirect.gather [hbm4b:s12+s13], $0x80, s19, s13, $0xb8;
	[tilespmem:$0x1E900] =	vst v63  }
0x2a: {  	s21 =	simm.s32 $0x190;
	s22 =	simm.s32 $0x10100  }
0x2b: {  	[tilespmem:s22], [sflag:$0x2] =	stream.indirect.gather [hbm4b:s12+s13], $0x80, s21, s13, $0xb8;
	[tilespmem:$0x1E900] =	vst v63  }
0x2c: {  	s23 =	simm.s32 $0x1E0;
	s24 =	simm.s32 $0x12900  }
0x2d: {  	[tilespmem:s24], [sflag:$0x2] =	stream.indirect.gather [hbm4b:s12+s13], $0x80, s23, s13, $0xb8;
	[tilespmem:$0x1E900] =	vst v63  }
0x2e: {  	s25 =	simm.s32 $0x230;
	s26 =	simm.s32 $0x15100  }
0x2f: {  	[tilespmem:s26], [sflag:$0x2] =	stream.indirect.gather [hbm4b:s12+s13], $0x80, s25, s13, $0xb8;
	[tilespmem:$0x1E900] =	vst v63  }
0x30: {  	s28 =	simm.s32 $0x280;
	s29 =	simm.s32 $0x17900  }
0x31: {  	[tilespmem:s29], [sflag:$0x2] =	stream.indirect.gather [hbm4b:s12+s13], $0x80, s28, s13, $0xb8;
	[tilespmem:$0x1E900] =	vst v63  }
0x32: {  	s30 =	simm.s32 $0x2D0;
	s31 =	simm.s32 $0x1A100;
	s5 =	simm.s32 $0x0  }
0x33: {  	[tilespmem:s31], [sflag:$0x2] =	stream.indirect.gather [hbm4b:s12+s13], $0x80, s30, s13, $0xb8;
	[tilespmem:$0x1E900] =	vst v63  }
.LBB2_2:
0x34: {  	s0 =	simm.s32 $0x1  }
0x35: {  	_ =	swait.ge [sflag:s0], $0x2800  }
0x36: {  	[sflag:s0] =	ssyncset.done $0x0  }
0x37: {  	[sflag:s0] =	ssyncadd.s32 $0xFFFFD800  }
0x38: {  	_ =	swait.ge [sflag:s0], $0x2800  }
0x39: {  	[sflag:s0] =	ssyncset.done $0x0  }
0x3a: {  	[sflag:s0] =	ssyncadd.s32 $0xFFFFD800  }
0x3b: {  	_ =	swait.ge [sflag:s0], $0x2800  }
0x3c: {  	[sflag:s0] =	ssyncset.done $0x0  }
0x3d: {  	[sflag:s0] =	ssyncadd.s32 $0xFFFFD800  }
0x3e: {  	_ =	swait.ge [sflag:s0], $0x2800  }
0x3f: {  	[sflag:s0] =	ssyncset.done $0x0  }
0x40: {  	[sflag:s0] =	ssyncadd.s32 $0xFFFFD800  }
0x41: {  	s1 =	sshll.u32 s5, $0xA;
	_ =	swait.ge [sflag:s0], $0x2800  }
0x42: {  	v0 =	vmov s1;
	[dreg:$0x9] =	wrdreg s5;
	[sflag:s0] =	ssyncset.done $0x0  }
0x43: {  	[dreg:$0xa] =	wrdreg s1;
	[tilespmem:$0x1FFF0] =	vst v0;
	[sflag:s0] =	ssyncadd.s32 $0xFFFFD800;
	s0 =	simm.s32 $0x0  }
.LBB2_3:
0x44: {  	v2 =	vld [tilespmem:$0x1FFF0];
	_ =	sdelay $0x6  }
0x45: {  	s7 =	sshll.u32 s0, $0x6  }
0x46: {  	v0 =	vld.idx.msk [tilespmem:v2+s7+$0x1900 ss:$0x1], $0xffff;
	_ =	sdelay $0x4  }
0x47: {  	(v2sf) =	vpush v0, $0x0;
	_ =	sdelay $0x5  }
0x48: {  	(v2sf) =	vpush v0, $0x1;
	_ =	sdelay $0x1  }
0x49: {  	(v2sf) =	vpush v0, $0x2  }
0x4a: {  	[dreg:$0xc] =	wrdreg s0  }
0x4b: {  	s28 =	rddreg [dreg:$0xc]  }
0x4c: {  	s0 =	smul.u32 $0x6400, s28;
	_ =	sdelay $0x1  }
0x4d: {  	s14 =	sshra.s32 s0, $0x2  }
0x4e: {  	s2 =	sadd.s32 $0x3900, s14  }
0x4f: {  	s6 =	sadd.s32 $0x3980, s14;
	s24 =	sadd.s32 $0x3A00, s14;
	s1 =	spop (v2sf)  }
0x50: {  	s29 =	sand.u32 $0xFFFFFF80, s1;
	s3 =	sand.u32 $0x7F, s1;
	s30 =	sadd.s32 $0x10, s1  }
0x51: {  	s31 =	sadd.s32 $0x20, s1;
	s0 =	sadd.s32 s29, s2;
	s4 =	sand.u32 $0xFFFFFF80, s30  }
0x52: {  	s5 =	sand.u32 $0xFFFFFF80, s31;
	s8 =	sor.u32 s3, s0;
	s0 =	sand.u32 $0x7F, s30  }
0x53: {  	s4 =	sadd.s32 s4, s2;
	s3 =	sand.u32 $0x7F, s31;
	s5 =	sadd.s32 s5, s2  }
0x54: {  	(v2sf) =	vpush v0, $0x3;
	s10 =	sor.u32 s0, s4;
	s9 =	sor.u32 s3, s5;
	s3 =	sadd.s32 $0x30, s1  }
0x55: {  	s4 =	spop (v2sf);
	s1 =	sand.u32 $0xFFFFFF80, s3;
	s0 =	sand.u32 $0x7F, s3  }
0x56: {  	s5 =	sand.u32 $0xFFFFFF80, s4;
	s13 =	sand.u32 $0x7F, s4;
	s16 =	sadd.s32 $0x10, s4  }
0x57: {  	(v2sf) =	vpush v0, $0x4;
	s17 =	sadd.s32 $0x20, s4;
	s20 =	sadd.s32 $0x30, s4;
	s22 =	spop (v2sf)  }
0x58: {  	s4 =	sadd.s32 $0x3B00, s14;
	s1 =	sadd.s32 s1, s2;
	s15 =	sadd.s32 s5, s6  }
0x59: {  	s18 =	sand.u32 $0xFFFFFF80, s16;
	s19 =	sand.u32 $0xFFFFFF80, s17;
	s21 =	sand.u32 $0xFFFFFF80, s20  }
0x5a: {  	s23 =	sand.u32 $0xFFFFFF80, s22;
	s25 =	sand.u32 $0x7F, s22;
	s28 =	sadd.s32 $0x10, s22  }
0x5b: {  	s29 =	sadd.s32 $0x20, s22;
	s12 =	sor.u32 s0, s1;
	s11 =	sor.u32 s13, s15  }
0x5c: {  	s0 =	sand.u32 $0x7F, s16;
	s2 =	sadd.s32 s18, s6;
	s1 =	sand.u32 $0x7F, s17  }
0x5d: {  	s5 =	sadd.s32 s19, s6;
	s26 =	sadd.s32 s23, s24;
	s30 =	sand.u32 $0xFFFFFF80, s28  }
0x5e: {  	s31 =	sand.u32 $0xFFFFFF80, s29;
	s15 =	sor.u32 s0, s2;
	s13 =	sor.u32 s1, s5  }
0x5f: {  	s0 =	sand.u32 $0x7F, s20;
	s1 =	sadd.s32 s21, s6;
	s3 =	sadd.s32 s30, s24  }
0x60: {  	s5 =	sadd.s32 s31, s24;
	s17 =	sor.u32 s0, s1;
	s0 =	sand.u32 $0x7F, s28  }
0x61: {  	(v2sf) =	vpush v0, $0x5;
	s1 =	sand.u32 $0x7F, s29;
	s19 =	sor.u32 s0, s3;
	s3 =	sadd.s32 $0x30, s22  }
0x62: {  	s16 =	sor.u32 s25, s26;
	s18 =	sor.u32 s1, s5;
	s5 =	sand.u32 $0xFFFFFF80, s3  }
0x63: {  	s0 =	sand.u32 $0x7F, s3;
	s1 =	sadd.s32 s5, s24;
	s6 =	spop (v2sf)  }
0x64: {  	s24 =	sadd.s32 $0x3A80, s14;
	s21 =	sor.u32 s0, s1;
	s23 =	sand.u32 $0xFFFFFF80, s6  }
0x65: {  	s25 =	sand.u32 $0x7F, s6;
	s28 =	sadd.s32 $0x10, s6;
	s29 =	sadd.s32 $0x20, s6  }
0x66: {  	s2 =	spop (v2sf);
	s26 =	sadd.s32 s23, s24;
	s30 =	sand.u32 $0xFFFFFF80, s28  }
0x67: {  	s0 =	sand.u32 $0x7F, s28;
	s31 =	sand.u32 $0xFFFFFF80, s29;
	s1 =	sand.u32 $0x7F, s29  }
0x68: {  	s28 =	sadd.s32 $0x10, s2;
	s29 =	sadd.s32 $0x20, s2;
	s20 =	sor.u32 s25, s26  }
0x69: {  	(v2sf) =	vpush v0, $0x6;
	s3 =	sadd.s32 s30, s24;
	s5 =	sadd.s32 s31, s24;
	s30 =	sand.u32 $0xFFFFFF80, s28  }
0x6a: {  	s31 =	sand.u32 $0xFFFFFF80, s29;
	s23 =	sor.u32 s0, s3;
	s3 =	sadd.s32 $0x30, s6  }
0x6b: {  	s22 =	sor.u32 s1, s5;
	s6 =	sand.u32 $0xFFFFFF80, s2;
	s5 =	sand.u32 $0xFFFFFF80, s3  }
0x6c: {  	s0 =	sand.u32 $0x7F, s3;
	s26 =	sadd.s32 s6, s4;
	s3 =	sadd.s32 s30, s4  }
0x6d: {  	s1 =	sadd.s32 s5, s24;
	s24 =	sand.u32 $0x7F, s2;
	s5 =	sadd.s32 s31, s4  }
0x6e: {  	s25 =	sor.u32 s0, s1;
	s24 =	sor.u32 s24, s26;
	s1 =	sand.u32 $0x7F, s29  }
0x6f: {  	s0 =	sand.u32 $0x7F, s28;
	s26 =	sor.u32 s1, s5;
	s5 =	sadd.s32 $0x30, s2  }
0x70: {  	s28 =	sor.u32 s0, s3;
	s2 =	spop (v2sf);
	s6 =	sand.u32 $0xFFFFFF80, s5  }
0x71: {  	(v2sf) =	vpush v0, $0x7;
	s0 =	sand.u32 $0x7F, s5;
	s29 =	sand.u32 $0xFFFFFF80, s2;
	s30 =	sand.u32 $0x7F, s2  }
0x72: {  	s5 =	sadd.s32 $0x20, s2;
	s1 =	sadd.s32 s6, s4;
	s4 =	sadd.s32 $0x3B80, s14  }
0x73: {  	s6 =	sadd.s32 $0x10, s2;
	s3 =	sadd.s32 s29, s4;
	s31 =	sor.u32 s0, s1  }
0x74: {  	s1 =	sand.u32 $0xFFFFFF80, s6;
	s29 =	sor.u32 s30, s3;
	s3 =	sand.u32 $0x7F, s6  }
0x75: {  	s0 =	sadd.s32 s1, s4;
	s6 =	sadd.s32 $0x30, s2;
	s2 =	sand.u32 $0xFFFFFF80, s5  }
0x76: {  	s30 =	sor.u32 s3, s0;
	s3 =	sand.u32 $0x7F, s5;
	s1 =	sadd.s32 s2, s4  }
0x77: {  	[dreg:$0xe] =	wrdreg s7;
	s5 =	sand.u32 $0xFFFFFF80, s6;
	s1 =	sor.u32 s3, s1  }
0x78: {  	s0 =	sand.u32 $0x7F, s6;
	[dreg:$0x10] =	wrdreg s1;
	s2 =	spop (v2sf)  }
0x79: {  	(v2sf) =	vpush v0, $0x8;
	s1 =	sadd.s32 s5, s4;
	s4 =	sadd.s32 $0x3C00, s14;
	s6 =	sand.u32 $0xFFFFFF80, s2  }
0x7a: {  	s5 =	sand.u32 $0x7F, s2;
	s0 =	sor.u32 s0, s1;
	s3 =	sadd.s32 s6, s4  }
0x7b: {  	s6 =	sadd.s32 $0x10, s2;
	[dreg:$0x16] =	wrdreg s0;
	s5 =	sor.u32 s5, s3  }
0x7c: {  	s1 =	sand.u32 $0xFFFFFF80, s6;
	s3 =	sand.u32 $0x7F, s6;
	s6 =	sadd.s32 $0x30, s2  }
0x7d: {  	[dreg:$0x12] =	wrdreg s5;
	s0 =	sadd.s32 s1, s4;
	s5 =	sadd.s32 $0x20, s2  }
0x7e: {  	s0 =	sor.u32 s3, s0;
	s2 =	sand.u32 $0xFFFFFF80, s5;
	s3 =	sand.u32 $0x7F, s5  }
0x7f: {  	s5 =	sand.u32 $0xFFFFFF80, s6;
	[dreg:$0x14] =	wrdreg s0;
	s1 =	sadd.s32 s2, s4  }
0x80: {  	s2 =	spop (v2sf);
	s0 =	sand.u32 $0x7F, s6;
	s1 =	sor.u32 s3, s1  }
0x81: {  	(v2sf) =	vpush v0, $0x9;
	s6 =	sand.u32 $0xFFFFFF80, s2;
	[dreg:$0x17] =	wrdreg s1;
	s1 =	sadd.s32 s5, s4  }
0x82: {  	s4 =	sadd.s32 $0x3C80, s14;
	s5 =	sand.u32 $0x7F, s2;
	s0 =	sor.u32 s0, s1  }
0x83: {  	s3 =	sadd.s32 s6, s4;
	s6 =	sadd.s32 $0x10, s2;
	[dreg:$0x1e] =	wrdreg s0  }
0x84: {  	s5 =	sor.u32 s5, s3;
	s1 =	sand.u32 $0xFFFFFF80, s6;
	s3 =	sand.u32 $0x7F, s6  }
0x85: {  	[dreg:$0x1a] =	wrdreg s5;
	s0 =	sadd.s32 s1, s4;
	s5 =	sadd.s32 $0x20, s2  }
0x86: {  	s6 =	sadd.s32 $0x30, s2;
	s0 =	sor.u32 s3, s0;
	s2 =	sand.u32 $0xFFFFFF80, s5  }
0x87: {  	s3 =	sand.u32 $0x7F, s5;
	s5 =	sand.u32 $0xFFFFFF80, s6;
	s1 =	sadd.s32 s2, s4  }
0x88: {  	[dreg:$0x1c] =	wrdreg s0;
	s2 =	spop (v2sf);
	s1 =	sor.u32 s3, s1  }
0x89: {  	s0 =	sand.u32 $0x7F, s6;
	s6 =	sand.u32 $0xFFFFFF80, s2;
	[smem:$0x7A6] =	sst s1  }
0x8a: {  	(v2sf) =	vpush v0, $0xA;
	s1 =	sadd.s32 s5, s4;
	s4 =	sadd.s32 $0x3D00, s14;
	s5 =	sand.u32 $0x7F, s2  }
0x8b: {  	s3 =	sadd.s32 s6, s4;
	s6 =	sadd.s32 $0x10, s2;
	s0 =	sor.u32 s0, s1  }
0x8c: {  	[smem:$0x7A7] =	sst s0;
	s5 =	sor.u32 s5, s3;
	s1 =	sand.u32 $0xFFFFFF80, s6  }
0x8d: {  	s3 =	sand.u32 $0x7F, s6;
	s6 =	sadd.s32 $0x30, s2;
	s0 =	sadd.s32 s1, s4  }
0x8e: {  	[smem:$0x7A8] =	sst s5;
	s5 =	sadd.s32 $0x20, s2;
	s0 =	sor.u32 s3, s0  }
0x8f: {  	s2 =	sand.u32 $0xFFFFFF80, s5;
	s3 =	sand.u32 $0x7F, s5;
	s5 =	sand.u32 $0xFFFFFF80, s6  }
0x90: {  	[smem:$0x7A9] =	sst s0;
	s1 =	sadd.s32 s2, s4;
	s2 =	spop (v2sf)  }
0x91: {  	s0 =	sand.u32 $0x7F, s6;
	s1 =	sor.u32 s3, s1;
	s6 =	sand.u32 $0xFFFFFF80, s2  }
0x92: {  	(v2sf) =	vpush v0, $0xB;
	[smem:$0x7AA] =	sst s1;
	s1 =	sadd.s32 s5, s4;
	s4 =	sadd.s32 $0x3D80, s14  }
0x93: {  	s5 =	sand.u32 $0x7F, s2;
	s3 =	sadd.s32 s6, s4;
	s0 =	sor.u32 s0, s1  }
0x94: {  	s6 =	sadd.s32 $0x10, s2;
	[smem:$0x7AB] =	sst s0;
	s5 =	sor.u32 s5, s3  }
0x95: {  	s1 =	sand.u32 $0xFFFFFF80, s6;
	s3 =	sand.u32 $0x7F, s6;
	s6 =	sadd.s32 $0x30, s2  }
0x96: {  	[smem:$0x7AC] =	sst s5;
	s0 =	sadd.s32 s1, s4;
	s5 =	sadd.s32 $0x20, s2  }
0x97: {  	s0 =	sor.u32 s3, s0;
	s2 =	sand.u32 $0xFFFFFF80, s5;
	s3 =	sand.u32 $0x7F, s5  }
0x98: {  	s5 =	sand.u32 $0xFFFFFF80, s6;
	[smem:$0x7AD] =	sst s0;
	s1 =	sadd.s32 s2, s4  }
0x99: {  	s2 =	spop (v2sf);
	s0 =	sand.u32 $0x7F, s6;
	s1 =	sor.u32 s3, s1  }
0x9a: {  	(v2sf) =	vpush v0, $0xC;
	s6 =	sand.u32 $0xFFFFFF80, s2;
	[smem:$0x7AE] =	sst s1;
	s1 =	sadd.s32 s5, s4  }
0x9b: {  	s4 =	sadd.s32 $0x3E00, s14;
	s5 =	sand.u32 $0x7F, s2;
	s0 =	sor.u32 s0, s1  }
0x9c: {  	s3 =	sadd.s32 s6, s4;
	s6 =	sadd.s32 $0x10, s2;
	[smem:$0x7AF] =	sst s0  }
0x9d: {  	s5 =	sor.u32 s5, s3;
	s1 =	sand.u32 $0xFFFFFF80, s6;
	s3 =	sand.u32 $0x7F, s6  }
0x9e: {  	[smem:$0x7B0] =	sst s5;
	s0 =	sadd.s32 s1, s4;
	s5 =	sadd.s32 $0x20, s2  }
0x9f: {  	s6 =	sadd.s32 $0x30, s2;
	s0 =	sor.u32 s3, s0;
	s2 =	sand.u32 $0xFFFFFF80, s5  }
0xa0: {  	s3 =	sand.u32 $0x7F, s5;
	s5 =	sand.u32 $0xFFFFFF80, s6;
	s1 =	sadd.s32 s2, s4  }
0xa1: {  	[smem:$0x7B1] =	sst s0;
	s2 =	spop (v2sf);
	s1 =	sor.u32 s3, s1  }
0xa2: {  	s0 =	sand.u32 $0x7F, s6;
	s6 =	sand.u32 $0xFFFFFF80, s2;
	[smem:$0x7B2] =	sst s1  }
0xa3: {  	(v2sf) =	vpush v0, $0xD;
	s1 =	sadd.s32 s5, s4;
	s4 =	sadd.s32 $0x3E80, s14;
	s5 =	sand.u32 $0x7F, s2  }
0xa4: {  	s3 =	sadd.s32 s6, s4;
	s6 =	sadd.s32 $0x10, s2;
	s0 =	sor.u32 s0, s1  }
0xa5: {  	[smem:$0x7B3] =	sst s0;
	s5 =	sor.u32 s5, s3;
	s1 =	sand.u32 $0xFFFFFF80, s6  }
0xa6: {  	s3 =	sand.u32 $0x7F, s6;
	s6 =	sadd.s32 $0x30, s2;
	s0 =	sadd.s32 s1, s4  }
0xa7: {  	[smem:$0x7B4] =	sst s5;
	s5 =	sadd.s32 $0x20, s2;
	s0 =	sor.u32 s3, s0  }
0xa8: {  	s2 =	sand.u32 $0xFFFFFF80, s5;
	s3 =	sand.u32 $0x7F, s5;
	s5 =	sand.u32 $0xFFFFFF80, s6  }
0xa9: {  	[smem:$0x7B5] =	sst s0;
	s1 =	sadd.s32 s2, s4;
	s2 =	spop (v2sf)  }
0xaa: {  	s0 =	sand.u32 $0x7F, s6;
	s1 =	sor.u32 s3, s1;
	s6 =	sand.u32 $0xFFFFFF80, s2  }
0xab: {  	(v2sf) =	vpush v0, $0xE;
	[smem:$0x7B6] =	sst s1;
	s1 =	sadd.s32 s5, s4;
	s4 =	sadd.s32 $0x3F00, s14  }
0xac: {  	s5 =	sand.u32 $0x7F, s2;
	s3 =	sadd.s32 s6, s4;
	s0 =	sor.u32 s0, s1  }
0xad: {  	s6 =	sadd.s32 $0x10, s2;
	[smem:$0x7B7] =	sst s0;
	s5 =	sor.u32 s5, s3  }
0xae: {  	s1 =	sand.u32 $0xFFFFFF80, s6;
	s3 =	sand.u32 $0x7F, s6;
	s6 =	sadd.s32 $0x30, s2  }
0xaf: {  	[smem:$0x7B8] =	sst s5;
	s0 =	sadd.s32 s1, s4;
	s5 =	sadd.s32 $0x20, s2  }
0xb0: {  	s0 =	sor.u32 s3, s0;
	s2 =	sand.u32 $0xFFFFFF80, s5;
	s3 =	sand.u32 $0x7F, s5  }
0xb1: {  	s5 =	sand.u32 $0xFFFFFF80, s6;
	[smem:$0x7B9] =	sst s0;
	s1 =	sadd.s32 s2, s4  }
0xb2: {  	s2 =	spop (v2sf);
	s0 =	sand.u32 $0x7F, s6;
	s1 =	sor.u32 s3, s1  }
0xb3: {  	(v2sf) =	vpush v0, $0xF;
	s6 =	sand.u32 $0xFFFFFF80, s2;
	[smem:$0x7BA] =	sst s1;
	s1 =	sadd.s32 s5, s4  }
0xb4: {  	s4 =	sadd.s32 $0x3F80, s14;
	s5 =	sand.u32 $0x7F, s2;
	s0 =	sor.u32 s0, s1  }
0xb5: {  	s3 =	sadd.s32 s6, s4;
	s6 =	sadd.s32 $0x10, s2;
	[smem:$0x7BB] =	sst s0  }
0xb6: {  	s5 =	sor.u32 s5, s3;
	s1 =	sand.u32 $0xFFFFFF80, s6;
	s3 =	sand.u32 $0x7F, s6  }
0xb7: {  	v1 =	vld.idx.msk [tilespmem:v2+s7+$0x1910 ss:$0x1], $0xffff;
	[smem:$0x7BC] =	sst s5;
	s0 =	sadd.s32 s1, s4;
	s5 =	sadd.s32 $0x20, s2  }
0xb8: {  	s6 =	sadd.s32 $0x30, s2;
	s0 =	sor.u32 s3, s0;
	s2 =	sand.u32 $0xFFFFFF80, s5  }
0xb9: {  	s3 =	sand.u32 $0x7F, s5;
	s5 =	sand.u32 $0xFFFFFF80, s6;
	s1 =	sadd.s32 s2, s4  }
0xba: {  	[smem:$0x7BD] =	sst s0;
	s2 =	spop (v2sf);
	s1 =	sor.u32 s3, s1  }
0xbb: {  	s0 =	sand.u32 $0x7F, s6;
	s6 =	sand.u32 $0xFFFFFF80, s2;
	[smem:$0x7BE] =	sst s1  }
0xbc: {  	(v2sf) =	vpush v1, $0x0;
	s1 =	sadd.s32 s5, s4;
	s4 =	sadd.s32 $0x4000, s14;
	s5 =	sand.u32 $0x7F, s2  }
0xbd: {  	s3 =	sadd.s32 s6, s4;
	s6 =	sadd.s32 $0x10, s2;
	s0 =	sor.u32 s0, s1  }
0xbe: {  	[smem:$0x7BF] =	sst s0;
	s5 =	sor.u32 s5, s3;
	s1 =	sand.u32 $0xFFFFFF80, s6  }
0xbf: {  	s3 =	sand.u32 $0x7F, s6;
	s6 =	sadd.s32 $0x30, s2;
	s0 =	sadd.s32 s1, s4  }
0xc0: {  	[smem:$0x7C0] =	sst s5;
	s5 =	sadd.s32 $0x20, s2;
	s0 =	sor.u32 s3, s0  }
0xc1: {  	s2 =	sand.u32 $0xFFFFFF80, s5;
	s3 =	sand.u32 $0x7F, s5;
	s5 =	sand.u32 $0xFFFFFF80, s6  }
0xc2: {  	[smem:$0x7C1] =	sst s0;
	s1 =	sadd.s32 s2, s4;
	s2 =	spop (v2sf)  }
0xc3: {  	s0 =	sand.u32 $0x7F, s6;
	s1 =	sor.u32 s3, s1;
	s6 =	sand.u32 $0xFFFFFF80, s2  }
0xc4: {  	(v2sf) =	vpush v1, $0x1;
	[smem:$0x7C2] =	sst s1;
	s1 =	sadd.s32 s5, s4;
	s4 =	sadd.s32 $0x4080, s14  }
0xc5: {  	s5 =	sand.u32 $0x7F, s2;
	s3 =	sadd.s32 s6, s4;
	s0 =	sor.u32 s0, s1  }
0xc6: {  	s6 =	sadd.s32 $0x10, s2;
	[smem:$0x7C3] =	sst s0;
	s5 =	sor.u32 s5, s3  }
0xc7: {  	s1 =	sand.u32 $0xFFFFFF80, s6;
	s3 =	sand.u32 $0x7F, s6;
	s6 =	sadd.s32 $0x30, s2  }
0xc8: {  	[smem:$0x7C4] =	sst s5;
	s0 =	sadd.s32 s1, s4;
	s5 =	sadd.s32 $0x20, s2  }
0xc9: {  	s0 =	sor.u32 s3, s0;
	s2 =	sand.u32 $0xFFFFFF80, s5;
	s3 =	sand.u32 $0x7F, s5  }
0xca: {  	s5 =	sand.u32 $0xFFFFFF80, s6;
	[smem:$0x7C5] =	sst s0;
	s1 =	sadd.s32 s2, s4  }
0xcb: {  	s2 =	spop (v2sf);
	s0 =	sand.u32 $0x7F, s6;
	s1 =	sor.u32 s3, s1  }
0xcc: {  	(v2sf) =	vpush v1, $0x2;
	s6 =	sand.u32 $0xFFFFFF80, s2;
	[smem:$0x7C6] =	sst s1;
	s1 =	sadd.s32 s5, s4  }
0xcd: {  	s4 =	sadd.s32 $0x4100, s14;
	s5 =	sand.u32 $0x7F, s2;
	s0 =	sor.u32 s0, s1  }
0xce: {  	s3 =	sadd.s32 s6, s4;
	s6 =	sadd.s32 $0x10, s2;
	[smem:$0x7C7] =	sst s0  }
0xcf: {  	s5 =	sor.u32 s5, s3;
	s1 =	sand.u32 $0xFFFFFF80, s6;
	s3 =	sand.u32 $0x7F, s6  }
0xd0: {  	[smem:$0x7C8] =	sst s5;
	s0 =	sadd.s32 s1, s4;
	s5 =	sadd.s32 $0x20, s2  }
0xd1: {  	s6 =	sadd.s32 $0x30, s2;
	s0 =	sor.u32 s3, s0;
	s2 =	sand.u32 $0xFFFFFF80, s5  }
0xd2: {  	s3 =	sand.u32 $0x7F, s5;
	s5 =	sand.u32 $0xFFFFFF80, s6;
	s1 =	sadd.s32 s2, s4  }
0xd3: {  	[smem:$0x7C9] =	sst s0;
	s2 =	spop (v2sf);
	s1 =	sor.u32 s3, s1  }
0xd4: {  	s0 =	sand.u32 $0x7F, s6;
	s6 =	sand.u32 $0xFFFFFF80, s2;
	[smem:$0x7CA] =	sst s1  }
0xd5: {  	(v2sf) =	vpush v1, $0x3;
	s1 =	sadd.s32 s5, s4;
	s4 =	sadd.s32 $0x4180, s14;
	s5 =	sand.u32 $0x7F, s2  }
0xd6: {  	s3 =	sadd.s32 s6, s4;
	s6 =	sadd.s32 $0x10, s2;
	s0 =	sor.u32 s0, s1  }
0xd7: {  	[smem:$0x7CB] =	sst s0;
	s5 =	sor.u32 s5, s3;
	s1 =	sand.u32 $0xFFFFFF80, s6  }
0xd8: {  	s3 =	sand.u32 $0x7F, s6;
	s6 =	sadd.s32 $0x30, s2;
	s0 =	sadd.s32 s1, s4  }
0xd9: {  	[smem:$0x7CC] =	sst s5;
	s5 =	sadd.s32 $0x20, s2;
	s0 =	sor.u32 s3, s0  }
0xda: {  	s2 =	sand.u32 $0xFFFFFF80, s5;
	s3 =	sand.u32 $0x7F, s5;
	s5 =	sand.u32 $0xFFFFFF80, s6  }
0xdb: {  	[smem:$0x7CD] =	sst s0;
	s1 =	sadd.s32 s2, s4;
	s2 =	spop (v2sf)  }
0xdc: {  	s0 =	sand.u32 $0x7F, s6;
	s1 =	sor.u32 s3, s1;
	s6 =	sand.u32 $0xFFFFFF80, s2  }
0xdd: {  	(v2sf) =	vpush v1, $0x4;
	[smem:$0x7CE] =	sst s1;
	s1 =	sadd.s32 s5, s4;
	s4 =	sadd.s32 $0x4200, s14  }
0xde: {  	s5 =	sand.u32 $0x7F, s2;
	s3 =	sadd.s32 s6, s4;
	s0 =	sor.u32 s0, s1  }
0xdf: {  	s6 =	sadd.s32 $0x10, s2;
	[smem:$0x7CF] =	sst s0;
	s5 =	sor.u32 s5, s3  }
0xe0: {  	s1 =	sand.u32 $0xFFFFFF80, s6;
	s3 =	sand.u32 $0x7F, s6;
	s6 =	sadd.s32 $0x30, s2  }
0xe1: {  	[smem:$0x7D0] =	sst s5;
	s0 =	sadd.s32 s1, s4;
	s5 =	sadd.s32 $0x20, s2  }
0xe2: {  	s0 =	sor.u32 s3, s0;
	s2 =	sand.u32 $0xFFFFFF80, s5;
	s3 =	sand.u32 $0x7F, s5  }
0xe3: {  	s5 =	sand.u32 $0xFFFFFF80, s6;
	[smem:$0x7D1] =	sst s0;
	s1 =	sadd.s32 s2, s4  }
0xe4: {  	s2 =	spop (v2sf);
	s0 =	sand.u32 $0x7F, s6;
	s1 =	sor.u32 s3, s1  }
0xe5: {  	(v2sf) =	vpush v1, $0x5;
	s6 =	sand.u32 $0xFFFFFF80, s2;
	[smem:$0x7D2] =	sst s1;
	s1 =	sadd.s32 s5, s4  }
0xe6: {  	s4 =	sadd.s32 $0x4280, s14;
	s5 =	sand.u32 $0x7F, s2;
	s0 =	sor.u32 s0, s1  }
0xe7: {  	s3 =	sadd.s32 s6, s4;
	s6 =	sadd.s32 $0x10, s2;
	[smem:$0x7D3] =	sst s0  }
0xe8: {  	s5 =	sor.u32 s5, s3;
	s1 =	sand.u32 $0xFFFFFF80, s6;
	s3 =	sand.u32 $0x7F, s6  }
0xe9: {  	[smem:$0x7D4] =	sst s5;
	s0 =	sadd.s32 s1, s4;
	s5 =	sadd.s32 $0x20, s2  }
0xea: {  	s6 =	sadd.s32 $0x30, s2;
	s0 =	sor.u32 s3, s0;
	s2 =	sand.u32 $0xFFFFFF80, s5  }
0xeb: {  	s3 =	sand.u32 $0x7F, s5;
	s5 =	sand.u32 $0xFFFFFF80, s6;
	s1 =	sadd.s32 s2, s4  }
0xec: {  	[smem:$0x7D5] =	sst s0;
	s2 =	spop (v2sf);
	s1 =	sor.u32 s3, s1  }
0xed: {  	s0 =	sand.u32 $0x7F, s6;
	s6 =	sand.u32 $0xFFFFFF80, s2;
	[smem:$0x7D6] =	sst s1  }
0xee: {  	(v2sf) =	vpush v1, $0x6;
	s1 =	sadd.s32 s5, s4;
	s4 =	sadd.s32 $0x4300, s14;
	s5 =	sand.u32 $0x7F, s2  }
0xef: {  	s3 =	sadd.s32 s6, s4;
	s6 =	sadd.s32 $0x10, s2;
	s0 =	sor.u32 s0, s1  }
0xf0: {  	[smem:$0x7D7] =	sst s0;
	s5 =	sor.u32 s5, s3;
	s1 =	sand.u32 $0xFFFFFF80, s6  }
0xf1: {  	s3 =	sand.u32 $0x7F, s6;
	s6 =	sadd.s32 $0x30, s2;
	s0 =	sadd.s32 s1, s4  }
0xf2: {  	[smem:$0x7D8] =	sst s5;
	s5 =	sadd.s32 $0x20, s2;
	s0 =	sor.u32 s3, s0  }
0xf3: {  	s2 =	sand.u32 $0xFFFFFF80, s5;
	s3 =	sand.u32 $0x7F, s5;
	s5 =	sand.u32 $0xFFFFFF80, s6  }
0xf4: {  	(v2sf) =	vpush v1, $0x7;
	[smem:$0x7D9] =	sst s0;
	s1 =	sadd.s32 s2, s4;
	s2 =	spop (v2sf)  }
0xf5: {  	s0 =	sand.u32 $0x7F, s6;
	s1 =	sor.u32 s3, s1;
	s6 =	sand.u32 $0xFFFFFF80, s2  }
0xf6: {  	v0 =	vld [tilespmem:s8+$0x0];
	s8 =	sadd.s32 $0x30, s2;
	[smem:$0x7DA] =	sst s1;
	s1 =	sadd.s32 s5, s4  }
0xf7: {  	s4 =	sadd.s32 $0x4380, s14;
	s5 =	sand.u32 $0x7F, s2;
	s0 =	sor.u32 s0, s1  }
0xf8: {  	s3 =	sadd.s32 s6, s4;
	s6 =	sadd.s32 $0x10, s2;
	[smem:$0x7DB] =	sst s0  }
0xf9: {  	s1 =	sor.u32 s5, s3;
	s3 =	sand.u32 $0xFFFFFF80, s6;
	s5 =	sand.u32 $0x7F, s6  }
0xfa: {  	v3 =	vld [tilespmem:s10+$0x0];
	s6 =	sadd.s32 $0x20, s2;
	[smem:$0x7DC] =	sst s1;
	s0 =	sadd.s32 s3, s4  }
0xfb: {  	v4 =	vld [tilespmem:s9+$0x0];
	s2 =	sand.u32 $0xFFFFFF80, s6;
	s3 =	sand.u32 $0x7F, s6;
	s10 =	sor.u32 s5, s0;
	(v2sf) =	vpush v1, $0x8  }
0xfc: {  	s1 =	sadd.s32 s2, s4;
	s5 =	sand.u32 $0xFFFFFF80, s8;
	s0 =	sand.u32 $0x7F, s8;
	v6 =	vld [tilespmem:s12+$0x0]  }
0xfd: {  	s9 =	sor.u32 s3, s1;
	s6 =	sadd.s32 s5, s4;
	s2 =	spop (v2sf);
	v9 =	vld [tilespmem:s11+$0x0]  }
0xfe: {  	s4 =	sadd.s32 $0x4400, s14;
	v24 =	vld [tilespmem:s30+$0x0];
	s30 =	rddreg [dreg:$0x10];
	s8 =	sand.u32 $0xFFFFFF80, s2  }
0xff: {  	v7 =	vld [tilespmem:s15+$0x0];
	s11 =	sand.u32 $0x7F, s2;
	s15 =	sadd.s32 $0x10, s2;
	s12 =	sor.u32 s0, s6  }
0x100: {  	v8 =	vld [tilespmem:s17+$0x0];
	s17 =	sadd.s32 $0x30, s2;
	s3 =	sadd.s32 s8, s4;
	s8 =	sand.u32 $0xFFFFFF80, s15  }
0x101: {  	v10 =	vld [tilespmem:s13+$0x0];
	(v2sf) =	vpush v1, $0x9;
	s13 =	sand.u32 $0x7F, s15;
	s15 =	sadd.s32 $0x20, s2;
	s5 =	sand.u32 $0xFFFFFF80, s17  }
0x102: {  	v11 =	vld [tilespmem:s16+$0x0];
	s11 =	sor.u32 s11, s3;
	s0 =	sadd.s32 s8, s4;
	s2 =	sand.u32 $0xFFFFFF80, s15  }
0x103: {  	v12 =	vld [tilespmem:s19+$0x0];
	s3 =	sand.u32 $0x7F, s15;
	s6 =	sadd.s32 s5, s4;
	s8 =	spop (v2sf)  }
0x104: {  	v15 =	vld [tilespmem:s18+$0x0];
	s13 =	sor.u32 s13, s0;
	s0 =	sand.u32 $0x7F, s17;
	s16 =	sand.u32 $0xFFFFFF80, s8  }
0x105: {  	v16 =	vld [tilespmem:s25+$0x0];
	s17 =	sadd.s32 $0x4480, s14;
	s18 =	sand.u32 $0x7F, s8;
	s25 =	sadd.s32 $0x30, s8  }
0x106: {  	v17 =	vld [tilespmem:s20+$0x0];
	s20 =	sadd.s32 $0x10, s8;
	s19 =	sor.u32 s0, s6;
	s6 =	sand.u32 $0xFFFFFF80, s25  }
0x107: {  	v18 =	vld [tilespmem:s23+$0x0];
	s23 =	sadd.s32 $0x20, s8;
	s8 =	sadd.s32 s6, s17;
	s6 =	rddreg [dreg:$0x16]  }
0x108: {  	s1 =	sadd.s32 s2, s4;
	s4 =	sadd.s32 $0x4500, s14;
	v27 =	vld [tilespmem:s6+$0x0];
	s6 =	sld [smem:$0x7A6]  }
0x109: {  	v14 =	vld [tilespmem:s21+$0x0];
	s15 =	sor.u32 s3, s1;
	s3 =	sadd.s32 s16, s17;
	s21 =	sand.u32 $0xFFFFFF80, s20  }
0x10a: {  	v13 =	vld [tilespmem:s22+$0x0];
	s22 =	sand.u32 $0x7F, s20;
	s2 =	sand.u32 $0xFFFFFF80, s23;
	s5 =	sand.u32 $0x7F, s23  }
0x10b: {  	s16 =	sor.u32 s18, s3;
	s0 =	sadd.s32 s21, s17;
	v34 =	vld [tilespmem:s6+$0x0];
	s6 =	sld [smem:$0x7AD]  }
0x10c: {  	v19 =	vld [tilespmem:s24+$0x0];
	s1 =	sadd.s32 s2, s17;
	s18 =	sor.u32 s22, s0;
	s0 =	sand.u32 $0x7F, s25  }
0x10d: {  	v22 =	vld [tilespmem:s28+$0x0];
	(v2sf) =	vpush v1, $0xA;
	s20 =	sor.u32 s5, s1;
	s24 =	sor.u32 s0, s8;
	s17 =	spop (v2sf)  }
0x10e: {  	v41 =	vld [tilespmem:s6+$0x0];
	s6 =	sld [smem:$0x7B4];
	s21 =	sand.u32 $0xFFFFFF80, s17;
	s22 =	sand.u32 $0x7F, s17  }
0x10f: {  	v23 =	vld [tilespmem:s31+$0x0];
	s23 =	sadd.s32 $0x10, s17;
	s28 =	sadd.s32 $0x20, s17;
	s31 =	sadd.s32 $0x30, s17  }
0x110: {  	s2 =	spop (v2sf);
	s3 =	sadd.s32 s21, s4;
	s25 =	sand.u32 $0xFFFFFF80, s23  }
0x111: {  	v20 =	vld [tilespmem:s26+$0x0];
	s26 =	sand.u32 $0x7F, s23;
	s5 =	sand.u32 $0xFFFFFF80, s28;
	s21 =	rddreg [dreg:$0x12]  }
0x112: {  	s8 =	sand.u32 $0x7F, s28;
	s17 =	sand.u32 $0xFFFFFF80, s31;
	s28 =	rddreg [dreg:$0x17]  }
0x113: {  	v25 =	vld [tilespmem:s30+$0x0];
	s30 =	sand.u32 $0x7F, s2;
	s22 =	sor.u32 s22, s3;
	s0 =	sadd.s32 s25, s4  }
0x114: {  	s1 =	sadd.s32 s5, s4;
	s23 =	sadd.s32 s17, s4;
	s25 =	rddreg [dreg:$0x14]  }
0x115: {  	s4 =	sadd.s32 $0x4580, s14;
	v33 =	vld [tilespmem:s28+$0x0];
	s17 =	rddreg [dreg:$0x1e];
	s28 =	sadd.s32 $0x20, s2  }
0x116: {  	v21 =	vld [tilespmem:s29+$0x0];
	s29 =	sor.u32 s26, s0;
	s1 =	sor.u32 s8, s1;
	s0 =	sand.u32 $0x7F, s31  }
0x117: {  	v31 =	vld [tilespmem:s25+$0x0];
	s26 =	sand.u32 $0xFFFFFF80, s2;
	s31 =	sadd.s32 $0x10, s2;
	s25 =	rddreg [dreg:$0x1a]  }
0x118: {  	(v2sf) =	vpush v1, $0xB;
	s5 =	sand.u32 $0xFFFFFF80, s28;
	s8 =	sand.u32 $0x7F, s28;
	s28 =	sld [smem:$0x7A9]  }
0x119: {  	[smem:$0x7DD] =	sst s1;
	s3 =	sadd.s32 s26, s4;
	s0 =	sor.u32 s0, s23  }
0x11a: {  	s23 =	sand.u32 $0xFFFFFF80, s31;
	v29 =	vld [tilespmem:s25+$0x0];
	s26 =	sand.u32 $0x7F, s31;
	s25 =	sld [smem:$0x7A8]  }
0x11b: {  	s31 =	sadd.s32 $0x30, s2;
	s1 =	sadd.s32 s5, s4;
	[smem:$0x7DE] =	sst s0  }
0x11c: {  	v26 =	vld [tilespmem:s21+$0x0];
	s2 =	spop (v2sf);
	s21 =	sor.u32 s30, s3;
	s30 =	rddreg [dreg:$0x1c]  }
0x11d: {  	v28 =	vld [tilespmem:s17+$0x0];
	s0 =	sadd.s32 s23, s4;
	s17 =	sand.u32 $0xFFFFFF80, s31;
	[smem:$0x7DF] =	sst s21  }
0x11e: {  	s1 =	sor.u32 s8, s1;
	s0 =	sor.u32 s26, s0;
	s21 =	sld [smem:$0x7A7]  }
0x11f: {  	[smem:$0x7E1] =	sst s1;
	s23 =	sadd.s32 s17, s4;
	s26 =	sand.u32 $0xFFFFFF80, s2  }
0x120: {  	v5 =	vld [tilespmem:s30+$0x0];
	s4 =	sadd.s32 $0x4600, s14;
	s30 =	sand.u32 $0x7F, s2;
	s17 =	sld [smem:$0x7AA]  }
0x121: {  	v37 =	vld [tilespmem:s28+$0x0];
	s28 =	sadd.s32 $0x20, s2;
	[smem:$0x7E0] =	sst s0;
	s0 =	sand.u32 $0x7F, s31  }
0x122: {  	v36 =	vld [tilespmem:s25+$0x0];
	s31 =	sadd.s32 $0x10, s2;
	s25 =	sld [smem:$0x7AB];
	s5 =	sand.u32 $0xFFFFFF80, s28  }
0x123: {  	s8 =	sand.u32 $0x7F, s28;
	s28 =	sld [smem:$0x7B0];
	s0 =	sor.u32 s0, s23  }
0x124: {  	s3 =	sadd.s32 s26, s4;
	s23 =	sand.u32 $0xFFFFFF80, s31;
	[smem:$0x7E2] =	sst s0  }
0x125: {  	s26 =	sand.u32 $0x7F, s31;
	v35 =	vld [tilespmem:s21+$0x0];
	s21 =	sor.u32 s30, s3;
	s30 =	sld [smem:$0x7AC]  }
0x126: {  	s31 =	sadd.s32 $0x30, s2;
	s1 =	sadd.s32 s5, s4;
	[smem:$0x7E3] =	sst s21  }
0x127: {  	v0 =	vadd.f32 $0.0e+00, v0;
	s2 =	spop (v2sf);
	s1 =	sor.u32 s8, s1;
	s21 =	sld [smem:$0x7AE]  }
0x128: {  	(v2sf) =	vpush v1, $0xC;
	v38 =	vld [tilespmem:s17+$0x0];
	s0 =	sadd.s32 s23, s4;
	s17 =	sand.u32 $0xFFFFFF80, s31;
	[smem:$0x7E5] =	sst s1  }
0x129: {  	v0 =	vadd.f32 v9, v0;
	v39 =	vld [tilespmem:s25+$0x0];
	s0 =	sor.u32 s26, s0;
	s23 =	sadd.s32 s17, s4;
	s25 =	sld [smem:$0x7AF]  }
0x12a: {  	s26 =	sand.u32 $0xFFFFFF80, s2;
	s4 =	sadd.s32 $0x4680, s14;
	s17 =	sld [smem:$0x7B1]  }
0x12b: {  	v0 =	vadd.f32 v11, v0;
	v44 =	vld [tilespmem:s28+$0x0];
	s28 =	sadd.s32 $0x20, s2;
	[smem:$0x7E4] =	sst s0;
	s0 =	sand.u32 $0x7F, s31  }
0x12c: {  	v48 =	vld [tilespmem:s6+$0x0];
	s5 =	sand.u32 $0xFFFFFF80, s28;
	s8 =	sand.u32 $0x7F, s28;
	s28 =	sld [smem:$0x7B7]  }
0x12d: {  	v0 =	vadd.f32 v17, v0;
	[tilespmem:$0x1FC80] =	vst v5;
	v5 =	vld.idx.msk [tilespmem:v2+s7+$0x1920 ss:$0x1], $0xffff;
	s0 =	sor.u32 s0, s23;
	s1 =	sadd.s32 s5, s4;
	s5 =	sld [smem:$0x7BB]  }
0x12e: {  	s3 =	sadd.s32 s26, s4;
	v40 =	vld [tilespmem:s30+$0x0];
	[smem:$0x7E6] =	sst s0  }
0x12f: {  	v0 =	vadd.f32 v19, v0;
	(v2sf) =	vpush v1, $0xD;
	s31 =	sadd.s32 $0x10, s2;
	s30 =	sand.u32 $0x7F, s2;
	v43 =	vld [tilespmem:s25+$0x0];
	s25 =	sld [smem:$0x7B2]  }
0x130: {  	s23 =	sand.u32 $0xFFFFFF80, s31;
	v42 =	vld [tilespmem:s21+$0x0];
	s21 =	sor.u32 s30, s3;
	s30 =	sld [smem:$0x7B3]  }
0x131: {  	v0 =	vadd.f32 v21, v0;
	s26 =	sand.u32 $0x7F, s31;
	s31 =	sadd.s32 $0x30, s2;
	v21 =	vld [tilespmem:$0x1FC80];
	[smem:$0x7E7] =	sst s21  }
0x132: {  	v45 =	vld [tilespmem:s17+$0x0];
	s17 =	sand.u32 $0xFFFFFF80, s31;
	s21 =	sld [smem:$0x7B5]  }
0x133: {  	s0 =	sadd.s32 s23, s4;
	s23 =	sadd.s32 s17, s4;
	v51 =	vld [tilespmem:s28+$0x0];
	s17 =	sld [smem:$0x7B8]  }
0x134: {  	s0 =	sor.u32 s26, s0;
	s28 =	sld [smem:$0x7BA];
	v55 =	vld [tilespmem:s5+$0x0]  }
0x135: {  	[smem:$0x7E8] =	sst s0;
	v46 =	vld [tilespmem:s25+$0x0]  }
0x136: {  	s1 =	sor.u32 s8, s1;
	s4 =	sadd.s32 $0x4700, s14;
	s5 =	sld [smem:$0x7C6];
	v47 =	vld [tilespmem:s30+$0x0]  }
0x137: {  	s2 =	spop (v2sf);
	s0 =	sand.u32 $0x7F, s31;
	s25 =	sld [smem:$0x7B6];
	v49 =	vld [tilespmem:s21+$0x0]  }
0x138: {  	s26 =	sand.u32 $0xFFFFFF80, s2;
	s30 =	sand.u32 $0x7F, s2;
	s31 =	sadd.s32 $0x10, s2;
	v52 =	vld [tilespmem:s17+$0x0]  }
0x139: {  	s0 =	sor.u32 s0, s23;
	s23 =	sld [smem:$0x7B9];
	s3 =	sadd.s32 s26, s4;
	v54 =	vld [tilespmem:s28+$0x0]  }
0x13a: {  	[tilespmem:$0x1FC90] =	vst v34;
	[smem:$0x7EA] =	sst s0;
	s21 =	sand.u32 $0xFFFFFF80, s31;
	s26 =	sadd.s32 $0x20, s2;
	v34 =	vld [tilespmem:s5+$0x0]  }
0x13b: {  	s0 =	sadd.s32 s21, s4;
	s6 =	sand.u32 $0x7F, s26;
	s21 =	sld [smem:$0x7BC];
	v50 =	vld [tilespmem:s25+$0x0]  }
0x13c: {  	(v2sf) =	vpush v1, $0xE;
	[tilespmem:$0x1FD10] =	vst v42;
	v53 =	vld [tilespmem:s23+$0x0];
	s25 =	sand.u32 $0x7F, s31;
	s31 =	sand.u32 $0xFFFFFF80, s26;
	s26 =	sld [smem:$0x7BD]  }
0x13d: {  	v9 =	vadd.f32 $0.0e+00, v6;
	[smem:$0x7E9] =	sst s1;
	s8 =	sor.u32 s30, s3;
	s30 =	sadd.s32 $0x30, s2;
	v6 =	vld [tilespmem:$0x1FD10]  }
0x13e: {  	s17 =	sand.u32 $0xFFFFFF80, s30;
	s2 =	spop (v2sf);
	s0 =	sor.u32 s25, s0;
	v56 =	vld [tilespmem:s21+$0x0]  }
0x13f: {  	s1 =	sadd.s32 s31, s4;
	s23 =	sadd.s32 s17, s4;
	s31 =	sld [smem:$0x7BE];
	[tilespmem:$0x1FD60] =	vst v47;
	v57 =	vld [tilespmem:s26+$0x0]  }
0x140: {  	s25 =	sand.u32 $0xFFFFFF80, s2;
	s4 =	sadd.s32 $0x4780, s14;
	[smem:$0x7EB] =	sst s0;
	[tilespmem:$0x1FDB0] =	vst v52;
	v52 =	vld [tilespmem:s10+$0x0]  }
0x141: {  	s28 =	sand.u32 $0x7F, s2;
	s3 =	sadd.s32 s25, s4;
	s21 =	sld [smem:$0x7BF];
	[tilespmem:$0x1FDD0] =	vst v54;
	v54 =	vld [tilespmem:s9+$0x0]  }
0x142: {  	s7 =	sor.u32 s28, s3;
	s26 =	sld [smem:$0x7C0];
	v11 =	vld [tilespmem:$0x1FD60]  }
0x143: {  	s1 =	sor.u32 s6, s1;
	s0 =	sand.u32 $0x7F, s30;
	v58 =	vld [tilespmem:s31+$0x0];
	[smem:$0x7EE] =	sst s7  }
0x144: {  	s30 =	sadd.s32 $0x10, s2;
	s25 =	sadd.s32 $0x20, s2;
	s31 =	sld [smem:$0x7C1];
	v59 =	vld [tilespmem:s21+$0x0]  }
0x145: {  	s0 =	sor.u32 s0, s23;
	s17 =	sand.u32 $0xFFFFFF80, s30;
	s7 =	sld [smem:$0x7C2];
	[tilespmem:$0x1FDC0] =	vst v53;
	v60 =	vld [tilespmem:s26+$0x0]  }
0x146: {  	s23 =	sand.u32 $0x7F, s30;
	[smem:$0x7ED] =	sst s0;
	s0 =	sadd.s32 s17, s4;
	v17 =	vld [tilespmem:$0x1FDC0]  }
0x147: {  	s30 =	sand.u32 $0xFFFFFF80, s25;
	s0 =	sor.u32 s23, s0;
	s23 =	sld [smem:$0x7C3];
	v61 =	vld [tilespmem:s31+$0x0]  }
0x148: {  	[smem:$0x7EC] =	sst s1;
	s3 =	sand.u32 $0x7F, s25;
	s1 =	sadd.s32 s30, s4;
	v62 =	vld [tilespmem:s7+$0x0]  }
0x149: {  	s28 =	sadd.s32 $0x30, s2;
	s1 =	sor.u32 s3, s1;
	[smem:$0x7EF] =	sst s0;
	[tilespmem:$0x1FDF0] =	vst v56;
	v56 =	vld [tilespmem:s12+$0x0]  }
0x14a: {  	[tilespmem:$0x1FCC0] =	vst v37;
	s6 =	sand.u32 $0xFFFFFF80, s28;
	[smem:$0x7F0] =	sst s1;
	v63 =	vld [tilespmem:s23+$0x0]  }
0x14b: {  	s17 =	sadd.s32 s6, s4;
	s21 =	spop (v2sf);
	s26 =	sld [smem:$0x7C4];
	[tilespmem:$0x1FE00] =	vst v57;
	v57 =	vld [tilespmem:s13+$0x0]  }
0x14c: {  	(v2sf) =	vpush v1, $0xF;
	s4 =	sadd.s32 $0x4800, s14;
	s25 =	sand.u32 $0xFFFFFF80, s21;
	s31 =	sld [smem:$0x7C5];
	[tilespmem:$0x1FFC0] =	vst v54;
	v54 =	vld [tilespmem:s22+$0x0]  }
0x14d: {  	s30 =	sadd.s32 $0x10, s21;
	s3 =	sadd.s32 s25, s4;
	s25 =	sld [smem:$0x7C8];
	[tilespmem:$0x1FFB0] =	vst v52;
	v52 =	vld [tilespmem:s29+$0x0]  }
0x14e: {  	[tilespmem:$0x1FCB0] =	vst v36;
	s0 =	sand.u32 $0x7F, s28;
	s28 =	sand.u32 $0x7F, s21;
	s6 =	sand.u32 $0x7F, s30;
	v30 =	vld [tilespmem:s26+$0x0]  }
0x14f: {  	[tilespmem:$0x1FCA0] =	vst v35;
	s1 =	sor.u32 s28, s3;
	s3 =	sand.u32 $0xFFFFFF80, s30;
	s30 =	sld [smem:$0x7C9];
	v32 =	vld [tilespmem:s31+$0x0]  }
0x150: {  	s7 =	sadd.s32 $0x20, s21;
	[tilespmem:$0x1FE10] =	vst v58;
	v36 =	vld [tilespmem:s25+$0x0]  }
0x151: {  	s23 =	sand.u32 $0xFFFFFF80, s7;
	[smem:$0x7F1] =	sst s1;
	v58 =	vadd.f32 $0.0e+00, v3;
	[tilespmem:$0x1FE20] =	vst v59;
	v59 =	vld [tilespmem:s19+$0x0]  }
0x152: {  	[tilespmem:$0x1FCF0] =	vst v40;
	s1 =	sadd.s32 s23, s4;
	s23 =	sld [smem:$0x7CB];
	v37 =	vld [tilespmem:s30+$0x0]  }
0x153: {  	[tilespmem:$0x1FD20] =	vst v43;
	v2 =	vadd.f32 v7, v58;
	v58 =	vld [tilespmem:$0x1FCF0]  }
0x154: {  	[tilespmem:$0x1FCE0] =	vst v39;
	s31 =	sor.u32 s0, s17;
	s17 =	sld [smem:$0x7C7];
	v7 =	vld [tilespmem:$0x1FD20]  }
0x155: {  	[tilespmem:$0x1FD30] =	vst v44;
	v39 =	vld [tilespmem:s23+$0x0]  }
0x156: {  	[tilespmem:$0x1FFD0] =	vst v56;
	v56 =	vld [tilespmem:s20+$0x0]  }
0x157: {  	[tilespmem:$0x1FD40] =	vst v45;
	v35 =	vld [tilespmem:s17+$0x0]  }
0x158: {  	s21 =	sadd.s32 $0x30, s21;
	s26 =	sand.u32 $0x7F, s7;
	[tilespmem:$0x1FFE0] =	vst v57;
	v57 =	vld [tilespmem:$0x1FCE0]  }
0x159: {  	s0 =	sadd.s32 s3, s4;
	s1 =	sor.u32 s26, s1;
	s30 =	sld [smem:$0x7CC];
	[tilespmem:$0x1FE60] =	vst v63;
	v63 =	vadd.f32 $0.0e+00, v4;
	v4 =	vadd.f32 v8, v9;
	v8 =	vld [tilespmem:$0x1FD30]  }
0x15a: {  	[tilespmem:$0x1FD70] =	vst v48;
	s28 =	sand.u32 $0xFFFFFF80, s21;
	s0 =	sor.u32 s6, s0;
	[smem:$0x7F3] =	sst s1;
	v9 =	vld [tilespmem:$0x1FD40]  }
0x15b: {  	s6 =	sadd.s32 s28, s4;
	s2 =	spop (v2sf);
	s4 =	sadd.s32 $0x4880, s14;
	v2 =	vadd.f32 v12, v2;
	v12 =	vld [tilespmem:$0x1FD70]  }
0x15c: {  	[tilespmem:$0x1FD00] =	vst v41;
	[smem:$0x7F2] =	sst s0;
	s0 =	sand.u32 $0x7F, s21;
	s21 =	sand.u32 $0xFFFFFF80, s2;
	v40 =	vld [tilespmem:s30+$0x0]  }
0x15d: {  	(v2sf) =	vpush v5, $0x0;
	[tilespmem:$0x1FD50] =	vst v46;
	s25 =	sand.u32 $0x7F, s2;
	s26 =	sadd.s32 $0x10, s2;
	s23 =	sadd.s32 $0x20, s2;
	v3 =	vadd.f32 v10, v63;
	v63 =	vld [tilespmem:$0x1FD00]  }
0x15e: {  	[tilespmem:$0x1FD90] =	vst v50;
	s17 =	sld [smem:$0x7CA];
	s3 =	sadd.s32 s21, s4;
	s28 =	sor.u32 s0, s6;
	v10 =	vld [tilespmem:$0x1FD50]  }
0x15f: {  	s7 =	sand.u32 $0xFFFFFF80, s26;
	s5 =	sor.u32 s25, s3;
	s25 =	sld [smem:$0x7CE];
	v4 =	vadd.f32 v14, v4;
	v14 =	vld [tilespmem:$0x1FD90]  }
0x160: {  	s6 =	sand.u32 $0xFFFFFF80, s23;
	s0 =	sadd.s32 s7, s4;
	s7 =	sld [smem:$0x7CF];
	v2 =	vadd.f32 v18, v2;
	v18 =	vld [tilespmem:$0x1FDD0]  }
0x161: {  	[tilespmem:$0x1FCD0] =	vst v38;
	s1 =	sadd.s32 s6, s4;
	s6 =	sld [smem:$0x7D1];
	v38 =	vld [tilespmem:s17+$0x0]  }
0x162: {  	v42 =	vld [tilespmem:s25+$0x0]  }
0x163: {  	[smem:$0x7F4] =	sst s5;
	v43 =	vld [tilespmem:s7+$0x0]  }
0x164: {  	s21 =	sand.u32 $0x7F, s26;
	s5 =	sld [smem:$0x7D4];
	v45 =	vld [tilespmem:s6+$0x0]  }
0x165: {  	[tilespmem:$0x1FDA0] =	vst v51;
	s0 =	sor.u32 s21, s0;
	s17 =	sld [smem:$0x7CD];
	v2 =	vadd.f32 v22, v2;
	v22 =	vld [tilespmem:$0x1FC90]  }
0x166: {  	s26 =	sadd.s32 $0x30, s2;
	[smem:$0x7F5] =	sst s0;
	v3 =	vadd.f32 v15, v3;
	v15 =	vld [tilespmem:$0x1FDA0]  }
0x167: {  	s21 =	sand.u32 $0xFFFFFF80, s26;
	s0 =	sand.u32 $0x7F, s26;
	s26 =	sld [smem:$0x7D3];
	v4 =	vadd.f32 v16, v4;
	v16 =	vld [tilespmem:$0x1FDB0]  }
0x168: {  	v47 =	vld [tilespmem:s5+$0x0]  }
0x169: {  	v41 =	vld [tilespmem:s17+$0x0]  }
0x16a: {  	[tilespmem:$0x1FE30] =	vst v60;
	v60 =	vld [tilespmem:s26+$0x0]  }
0x16b: {  	s5 =	sld [smem:$0x7D6];
	v4 =	vadd.f32 v23, v4;
	v23 =	vld [tilespmem:$0x1FCA0]  }
0x16c: {  	[tilespmem:$0x1FD80] =	vst v49;
	(v2sf) =	vpush v5, $0x1;
	s2 =	spop (v2sf);
	v2 =	vadd.f32 v24, v2;
	v24 =	vld [tilespmem:$0x1FCB0]  }
0x16d: {  	s25 =	sadd.s32 s21, s4;
	s17 =	sand.u32 $0x7F, s23;
	s23 =	sld [smem:$0x7D0];
	v3 =	vadd.f32 v13, v3;
	v13 =	vld [tilespmem:$0x1FD80]  }
0x16e: {  	[tilespmem:$0x1FE50] =	vst v62;
	s7 =	sand.u32 $0xFFFFFF80, s2;
	s4 =	sadd.s32 $0x4900, s14;
	s21 =	sand.u32 $0x7F, s2;
	v62 =	vld [tilespmem:s5+$0x0]  }
0x16f: {  	(v2sf) =	vpush v5, $0x2;
	s3 =	sadd.s32 s7, s4;
	s30 =	sor.u32 s17, s1;
	s17 =	sld [smem:$0x7D2];
	v4 =	vadd.f32 v27, v4;
	v27 =	vld [tilespmem:s8+$0x0]  }
0x170: {  	s1 =	sor.u32 s21, s3;
	s21 =	sld [smem:$0x7D5];
	v44 =	vld [tilespmem:s23+$0x0]  }
0x171: {  	[tilespmem:$0x1FF40] =	vst v45;
	v45 =	vld [tilespmem:s18+$0x0]  }
0x172: {  	v0 =	vadd.f32 v26, v0;
	v46 =	vld [tilespmem:s17+$0x0]  }
0x173: {  	[tilespmem:$0x1FE40] =	vst v61;
	v3 =	vadd.f32 v20, v3;
	v61 =	vld [tilespmem:s21+$0x0]  }
0x174: {  	v0 =	vadd.f32 v29, v0;
	[tilespmem:$0x1FF60] =	vst v47;
	v47 =	vld [tilespmem:s15+$0x0]  }
0x175: {  	s5 =	sld [smem:$0x7D8];
	v2 =	vadd.f32 v31, v2;
	v3 =	vadd.f32 v25, v3;
	v25 =	vld [tilespmem:$0x1FCC0]  }
0x176: {  	(v2sf) =	vpush v5, $0x3;
	s23 =	sadd.s32 $0x10, s2;
	s17 =	sadd.s32 $0x20, s2;
	v4 =	vadd.f32 v28, v4;
	v28 =	vld [tilespmem:$0x1FCD0]  }
0x177: {  	v2 =	vadd.f32 v21, v2;
	v21 =	vld [tilespmem:s31+$0x0];
	s26 =	sand.u32 $0xFFFFFF80, s17;
	s6 =	sand.u32 $0x7F, s17;
	s17 =	sld [smem:$0x7D7];
	v0 =	vadd.f32 v24, v0  }
0x178: {  	s3 =	sand.u32 $0xFFFFFF80, s23;
	v49 =	vld [tilespmem:s5+$0x0]  }
0x179: {  	s25 =	sor.u32 s0, s25;
	s7 =	sand.u32 $0x7F, s23;
	s0 =	sadd.s32 s3, s4;
	v0 =	vadd.f32 v58, v0;
	v58 =	vld [tilespmem:$0x1FDF0]  }
0x17a: {  	[smem:$0x7F6] =	sst s1;
	s23 =	sadd.s32 $0x30, s2;
	s0 =	sor.u32 s7, s0;
	v3 =	vadd.f32 v33, v3;
	v48 =	vld [tilespmem:s17+$0x0]  }
0x17b: {  	s2 =	spop (v2sf);
	s7 =	sand.u32 $0xFFFFFF80, s23;
	v4 =	vadd.f32 v23, v4;
	[smem:$0x7F7] =	sst s0;
	[tilespmem:$0x1FF30] =	vst v44;
	v44 =	vld [tilespmem:s24+$0x0]  }
0x17c: {  	[tilespmem:$0x1FDE0] =	vst v55;
	s1 =	sadd.s32 s26, s4;
	s21 =	sadd.s32 s7, s4;
	s7 =	sld [smem:$0x7D9];
	v3 =	vadd.f32 v22, v3;
	v22 =	vld [tilespmem:s28+$0x0]  }
0x17d: {  	s26 =	sor.u32 s6, s1;
	s0 =	sand.u32 $0x7F, s23;
	s23 =	sld [smem:$0x7DA];
	v4 =	vadd.f32 v57, v4;
	v57 =	vld [tilespmem:$0x1FDE0]  }
0x17e: {  	s6 =	sand.u32 $0xFFFFFF80, s2;
	s4 =	sadd.s32 $0x4980, s14;
	s9 =	spop (v2sf);
	v0 =	vadd.f32 v8, v0;
	v8 =	vld [tilespmem:$0x1FE30]  }
0x17f: {  	s3 =	sadd.s32 s6, s4;
	s17 =	sand.u32 $0x7F, s2;
	s6 =	sadd.s32 $0x10, s2;
	v50 =	vld [tilespmem:s7+$0x0]  }
0x180: {  	s21 =	sor.u32 s0, s21;
	s10 =	sand.u32 $0xFFFFFF80, s9;
	s12 =	sadd.s32 $0x10, s9;
	v55 =	vld [tilespmem:s23+$0x0]  }
0x181: {  	v2 =	vadd.f32 v25, v2;
	[tilespmem:$0x1FF80] =	vst v49;
	s7 =	sor.u32 s17, s3;
	s17 =	sand.u32 $0xFFFFFF80, s6;
	s23 =	sld [smem:$0x7DB];
	v49 =	vld [tilespmem:s11+$0x0]  }
0x182: {  	s3 =	sand.u32 $0x7F, s6;
	s6 =	sadd.s32 $0x20, s2;
	v4 =	vadd.f32 v7, v4;
	v7 =	vld [tilespmem:$0x1FE20];
	[smem:$0x7F8] =	sst s7  }
0x183: {  	[tilespmem:$0x1FE70] =	vst v30;
	s11 =	sand.u32 $0x7F, s9;
	v3 =	vadd.f32 v28, v3;
	s0 =	sadd.s32 s17, s4;
	s7 =	sld [smem:$0x7DC];
	v2 =	vadd.f32 v63, v2;
	v63 =	vld [tilespmem:$0x1FE00]  }
0x184: {  	s17 =	sadd.s32 $0x30, s2;
	s2 =	sand.u32 $0xFFFFFF80, s6;
	s5 =	sand.u32 $0x7F, s6;
	v0 =	vadd.f32 v12, v0;
	v12 =	vld [tilespmem:$0x1FE70]  }
0x185: {  	s15 =	spop (v2sf);
	s1 =	sadd.s32 s2, s4;
	s6 =	sand.u32 $0xFFFFFF80, s17;
	v3 =	vadd.f32 v6, v3;
	v6 =	vld [tilespmem:$0x1FE10]  }
0x186: {  	s20 =	sand.u32 $0x7F, s15;
	s24 =	sadd.s32 $0x10, s15;
	v51 =	vld [tilespmem:s23+$0x0];
	s23 =	sor.u32 s3, s0  }
0x187: {  	(v2sf) =	vpush v5, $0x4;
	v4 =	vadd.f32 v11, v4;
	v11 =	vld [tilespmem:$0x1FE60];
	s1 =	sor.u32 s5, s1;
	s0 =	sand.u32 $0x7F, s17;
	s5 =	sand.u32 $0xFFFFFF80, s12  }
0x188: {  	v53 =	vld [tilespmem:s7+$0x0];
	[smem:$0x7F9] =	sst s1;
	s7 =	sadd.s32 s6, s4;
	s4 =	sadd.s32 $0x4A00, s14  }
0x189: {  	v2 =	vadd.f32 v9, v2;
	v9 =	vld [tilespmem:$0x1FE40];
	s6 =	sand.u32 $0x7F, s12;
	s3 =	sadd.s32 s10, s4;
	s17 =	sor.u32 s0, s7  }
0x18a: {  	v3 =	vadd.f32 v10, v3;
	v10 =	vld [tilespmem:$0x1FE50];
	s0 =	sadd.s32 s5, s4;
	s7 =	sadd.s32 $0x20, s9;
	s9 =	sadd.s32 $0x30, s9  }
0x18b: {  	v0 =	vadd.f32 v16, v0;
	[tilespmem:$0x1FF90] =	vst v50;
	v50 =	vld [tilespmem:s16+$0x0];
	s16 =	sand.u32 $0xFFFFFF80, s15;
	s5 =	sand.u32 $0xFFFFFF80, s24;
	s3 =	sor.u32 s11, s3  }
0x18c: {  	[tilespmem:$0x1FE90] =	vst v34;
	v2 =	vadd.f32 v13, v2;
	v13 =	vld [tilespmem:s21+$0x0];
	s19 =	sor.u32 s6, s0;
	s10 =	sand.u32 $0xFFFFFF80, s7;
	s11 =	sand.u32 $0x7F, s7  }
0x18d: {  	v4 =	vadd.f32 v15, v4;
	v0 =	vadd.f32 v58, v0;
	v58 =	vld [tilespmem:$0x1FE90];
	s12 =	sand.u32 $0xFFFFFF80, s9;
	s7 =	sand.u32 $0x7F, s24;
	s24 =	sld [smem:$0x7DF]  }
0x18e: {  	[tilespmem:$0x1FE80] =	vst v32;
	(v2sf) =	vpush v5, $0x5;
	s0 =	sand.u32 $0x7F, s9;
	v3 =	vadd.f32 v14, v3;
	v14 =	vld [tilespmem:s26+$0x0];
	[smem:$0x7FA] =	sst s3;
	s1 =	sadd.s32 s10, s4  }
0x18f: {  	v4 =	vadd.f32 v57, v4;
	v57 =	vld [tilespmem:$0x1FE80];
	s13 =	sadd.s32 s12, s4;
	s4 =	sadd.s32 $0x4A80, s14;
	s10 =	sld [smem:$0x7DD]  }
0x190: {  	[tilespmem:$0x1FED0] =	vst v38;
	s9 =	sadd.s32 $0x20, s15;
	v2 =	vadd.f32 v17, v2;
	v17 =	vld [tilespmem:s30+$0x0];
	s3 =	sadd.s32 s16, s4;
	s16 =	sld [smem:$0x7DE]  }
0x191: {  	v0 =	vadd.f32 v8, v0;
	v8 =	vld [tilespmem:$0x1FED0];
	s12 =	sor.u32 s0, s13;
	s0 =	sadd.s32 s5, s4;
	s5 =	sld [smem:$0x7E0]  }
0x192: {  	[tilespmem:$0x1FEC0] =	vst v37;
	s18 =	sor.u32 s11, s1;
	s11 =	sadd.s32 $0x30, s15;
	v3 =	vadd.f32 v18, v3;
	v18 =	vld [tilespmem:s25+$0x0];
	s25 =	sld [smem:$0x7F6]  }
0x193: {  	[tilespmem:$0x1FEE0] =	vst v39;
	s15 =	sand.u32 $0xFFFFFF80, s9;
	v4 =	vadd.f32 v7, v4;
	v7 =	vld [tilespmem:$0x1FEC0];
	s0 =	sor.u32 s7, s0;
	s7 =	sld [smem:$0x7E1]  }
0x194: {  	[tilespmem:$0x1FEA0] =	vst v35;
	s3 =	sor.u32 s20, s3;
	s1 =	sadd.s32 s15, s4;
	v39 =	vld [tilespmem:s24+$0x0];
	s15 =	sld [smem:$0x7E2]  }
0x195: {  	s20 =	sand.u32 $0x7F, s9;
	s22 =	sand.u32 $0xFFFFFF80, s11;
	v2 =	vadd.f32 v63, v2;
	v63 =	vld [tilespmem:$0x1FEA0];
	[smem:$0x7FB] =	sst s3  }
0x196: {  	[tilespmem:$0x1FF10] =	vst v42;
	s2 =	spop (v2sf);
	v42 =	vld [tilespmem:s10+$0x0];
	[smem:$0x7FC] =	sst s0;
	s13 =	sor.u32 s20, s1  }
0x197: {  	[tilespmem:$0x1FEB0] =	vst v36;
	s29 =	sadd.s32 s22, s4;
	s0 =	sand.u32 $0x7F, s11;
	s6 =	sand.u32 $0xFFFFFF80, s2;
	v4 =	vadd.f32 v11, v4;
	v11 =	vld [tilespmem:s23+$0x0]  }
0x198: {  	s4 =	sadd.s32 $0x4B00, s14;
	s9 =	sand.u32 $0x7F, s2;
	s11 =	sadd.s32 $0x10, s2;
	v3 =	vadd.f32 v6, v3;
	v6 =	vld [tilespmem:$0x1FEB0]  }
0x199: {  	[tilespmem:$0x1FF00] =	vst v41;
	(v2sf) =	vpush v5, $0x6;
	s22 =	sld [smem:$0x7E3];
	v41 =	vld [tilespmem:s16+$0x0];
	s3 =	sadd.s32 s6, s4;
	s10 =	sor.u32 s0, s29  }
0x19a: {  	[tilespmem:$0x1FFA0] =	vst v51;
	v51 =	vld [tilespmem:s5+$0x0];
	s20 =	sand.u32 $0xFFFFFF80, s11;
	s24 =	sand.u32 $0x7F, s11;
	s29 =	sadd.s32 $0x20, s2  }
0x19b: {  	s6 =	sld [smem:$0x7E4];
	v37 =	vld [tilespmem:s7+$0x0];
	s16 =	sor.u32 s9, s3;
	s0 =	sadd.s32 s20, s4  }
0x19c: {  	[tilespmem:$0x1FF70] =	vst v48;
	v2 =	vadd.f32 v9, v2;
	v48 =	vld [tilespmem:s15+$0x0];
	s7 =	sadd.s32 $0x30, s2;
	s11 =	sand.u32 $0xFFFFFF80, s29;
	s15 =	sld [smem:$0x7E5]  }
0x19d: {  	[tilespmem:$0x1FF50] =	vst v46;
	s2 =	spop (v2sf);
	[smem:$0x7FD] =	sst s16;
	v46 =	vld [tilespmem:s22+$0x0];
	s9 =	sor.u32 s24, s0  }
0x19e: {  	[tilespmem:$0x1FEF0] =	vst v40;
	v3 =	vadd.f32 v10, v3;
	s16 =	sand.u32 $0x7F, s29;
	s1 =	sadd.s32 s11, s4;
	s22 =	sld [smem:$0x7E6];
	v2 =	vadd.f32 v57, v2;
	v57 =	vld [tilespmem:$0x1FEE0]  }
0x19f: {  	[tilespmem:$0x1FF20] =	vst v43;
	s20 =	sand.u32 $0xFFFFFF80, s7;
	s0 =	sand.u32 $0x7F, s7;
	s7 =	sld [smem:$0x7E8];
	v43 =	vld [tilespmem:s6+$0x0]  }
0x1a0: {  	s11 =	sand.u32 $0x7F, s2;
	s29 =	sor.u32 s16, s1;
	s24 =	sadd.s32 s20, s4;
	v1 =	vadd.f32 v58, v3;
	v58 =	vld [tilespmem:$0x1FEF0]  }
0x1a1: {  	s4 =	sld [smem:$0x7E7];
	s6 =	sand.u32 $0xFFFFFF80, s2;
	s1 =	sadd.s32 $0x4B80, s14;
	v34 =	vld [tilespmem:s15+$0x0]  }
0x1a2: {  	s8 =	sadd.s32 $0x30, s2;
	s16 =	sld [smem:$0x7E9];
	s3 =	sadd.s32 s6, s1;
	v40 =	vld [tilespmem:s22+$0x0]  }
0x1a3: {  	v0 =	vadd.f32 v12, v0;
	s15 =	sadd.s32 $0x10, s2;
	s6 =	sadd.s32 $0x20, s2;
	v38 =	vld [tilespmem:s7+$0x0];
	s7 =	sor.u32 s0, s24  }
0x1a4: {  	(v2sf) =	vpush v5, $0x7;
	v4 =	vadd.f32 v63, v4;
	s24 =	sor.u32 s11, s3;
	s20 =	sand.u32 $0xFFFFFF80, s15;
	s22 =	sld [smem:$0x7EA];
	v32 =	vld [tilespmem:s4+$0x0]  }
0x1a5: {  	v3 =	vadd.f32 v6, v0;
	s5 =	sand.u32 $0x7F, s15;
	s11 =	sand.u32 $0xFFFFFF80, s6;
	s15 =	sld [smem:$0x7EB];
	v30 =	vld [tilespmem:s16+$0x0]  }
0x1a6: {  	v0 =	vadd.f32 v8, v1;
	s0 =	sadd.s32 s20, s1;
	s16 =	sand.u32 $0xFFFFFF80, s8;
	s20 =	sld [smem:$0x7EC];
	v1 =	vadd.f32 v57, v4;
	v57 =	vld [tilespmem:$0x1FF20]  }
0x1a7: {  	s4 =	sand.u32 $0x7F, s6;
	s6 =	sadd.s32 s16, s1;
	s16 =	sld [smem:$0x7EE];
	v36 =	vld [tilespmem:s22+$0x0]  }
0x1a8: {  	s3 =	sld [smem:$0x7ED];
	s2 =	sadd.s32 s11, s1;
	s1 =	spop (v2sf);
	v26 =	vld [tilespmem:s15+$0x0]  }
0x1a9: {  	s22 =	sor.u32 s5, s0;
	s15 =	sand.u32 $0xFFFFFF80, s1;
	s0 =	sadd.s32 $0x4C00, s14;
	v35 =	vld [tilespmem:s20+$0x0]  }
0x1aa: {  	s11 =	sadd.s32 $0x10, s1;
	s20 =	sor.u32 s4, s2;
	v31 =	vld [tilespmem:s16+$0x0];
	s16 =	sld [smem:$0x7EF]  }
0x1ab: {  	v33 =	vld [tilespmem:s3+$0x0];
	s4 =	sand.u32 $0x7F, s8;
	s3 =	sadd.s32 s15, s0;
	s2 =	sand.u32 $0x7F, s1  }
0x1ac: {  	(v2sf) =	vpush v5, $0x8;
	v16 =	vld [tilespmem:s25+$0x0];
	s5 =	sand.u32 $0xFFFFFF80, s11;
	s8 =	sadd.s32 $0x20, s1;
	s15 =	sor.u32 s4, s6  }
0x1ad: {  	s4 =	sadd.s32 s5, s0;
	v29 =	vld [tilespmem:s16+$0x0];
	s16 =	sor.u32 s2, s3;
	s2 =	sand.u32 $0x7F, s11  }
0x1ae: {  	v63 =	vld [tilespmem:$0x1FF00];
	s6 =	sld [smem:$0x7F0];
	s11 =	sand.u32 $0xFFFFFF80, s8;
	s31 =	sor.u32 s2, s4  }
0x1af: {  	v3 =	vadd.f32 v58, v3;
	v58 =	vld [tilespmem:$0x1FF30];
	s2 =	sadd.s32 $0x30, s1;
	s1 =	sadd.s32 s11, s0;
	s11 =	sld [smem:$0x7F2]  }
0x1b0: {  	v1 =	vadd.f32 v57, v1;
	v57 =	vld [tilespmem:$0x1FF60];
	s4 =	sld [smem:$0x7F1]  }
0x1b1: {  	v28 =	vld [tilespmem:s6+$0x0];
	s6 =	sand.u32 $0x7F, s8;
	s8 =	sand.u32 $0xFFFFFF80, s2  }
0x1b2: {  	s2 =	sand.u32 $0x7F, s2;
	v19 =	vld [tilespmem:s11+$0x0];
	s11 =	sor.u32 s6, s1;
	s1 =	sld [smem:$0x7F3]  }
0x1b3: {  	v25 =	vld [tilespmem:s4+$0x0];
	s6 =	sadd.s32 s8, s0;
	s4 =	spop (v2sf);
	s8 =	sld [smem:$0x7F4]  }
0x1b4: {  	v3 =	vadd.f32 v58, v3;
	v58 =	vld [tilespmem:$0x1FF70];
	s0 =	sadd.s32 $0x4C80, s14;
	s3 =	sand.u32 $0xFFFFFF80, s4;
	s28 =	sand.u32 $0x7F, s4  }
0x1b5: {  	(v2sf) =	vpush v5, $0x9;
	s5 =	sadd.s32 s3, s0;
	s3 =	sadd.s32 $0x20, s4;
	v24 =	vld [tilespmem:s1+$0x0];
	s1 =	sadd.s32 $0x10, s4  }
0x1b6: {  	v23 =	vld [tilespmem:s8+$0x0];
	s8 =	sor.u32 s2, s6;
	s28 =	sor.u32 s28, s5;
	s5 =	sand.u32 $0xFFFFFF80, s1  }
0x1b7: {  	v2 =	vadd.f32 v7, v2;
	v3 =	vadd.f32 v57, v3;
	v57 =	vld [tilespmem:$0x1FF80];
	s6 =	sld [smem:$0x7F5];
	s1 =	sand.u32 $0x7F, s1;
	s2 =	sadd.s32 s5, s0  }
0x1b8: {  	v6 =	vld [tilespmem:$0x1FF10];
	v1 =	vadd.f32 v60, v1;
	s30 =	sor.u32 s1, s2;
	s1 =	sadd.s32 $0x30, s4;
	s4 =	sand.u32 $0xFFFFFF80, s3  }
0x1b9: {  	v4 =	vadd.f32 v63, v2;
	v63 =	vld [tilespmem:$0x1FF40];
	s5 =	sand.u32 $0x7F, s3;
	s2 =	sadd.s32 s4, s0  }
0x1ba: {  	v1 =	vadd.f32 v58, v1;
	v58 =	vld [tilespmem:$0x1FFA0];
	s25 =	sor.u32 s5, s2;
	s5 =	sld [smem:$0x7F7]  }
0x1bb: {  	v20 =	vld [tilespmem:s6+$0x0];
	s6 =	sand.u32 $0xFFFFFF80, s1;
	s2 =	spop (v2sf)  }
0x1bc: {  	v3 =	vadd.f32 v57, v3;
	v57 =	vld [tilespmem:$0x1FF90];
	s3 =	sand.u32 $0x7F, s1;
	s6 =	sadd.s32 s6, s0;
	s1 =	sand.u32 $0xFFFFFF80, s2  }
0x1bd: {  	(v2sf) =	vpush v5, $0xA;
	s26 =	sor.u32 s3, s6;
	s6 =	sld [smem:$0x7F8];
	v15 =	vld [tilespmem:s5+$0x0];
	s5 =	sadd.s32 $0x4D00, s14  }
0x1be: {  	v2 =	vadd.f32 v6, v0;
	v0 =	vadd.f32 v63, v4;
	v63 =	vld [tilespmem:$0x1FF50];
	s0 =	sadd.s32 $0x10, s2;
	s4 =	sadd.s32 s1, s5;
	s1 =	sand.u32 $0x7F, s2  }
0x1bf: {  	v1 =	vadd.f32 v58, v1;
	v58 =	vld [tilespmem:$0x1FFB0];
	s3 =	sadd.s32 $0x20, s2;
	s21 =	sor.u32 s1, s4;
	s4 =	sand.u32 $0xFFFFFF80, s0  }
0x1c0: {  	v0 =	vadd.f32 v61, v0;
	v12 =	vld [tilespmem:s6+$0x0];
	s6 =	sld [smem:$0x7F9];
	s0 =	sand.u32 $0x7F, s0;
	s1 =	sadd.s32 s4, s5  }
0x1c1: {  	v9 =	vld [tilespmem:s17+$0x0];
	s4 =	sand.u32 $0xFFFFFF80, s3;
	s23 =	sor.u32 s0, s1;
	s0 =	sadd.s32 $0x30, s2  }
0x1c2: {  	v8 =	vld [tilespmem:s19+$0x0];
	v0 =	vadd.f32 v57, v0;
	s3 =	sand.u32 $0x7F, s3;
	s1 =	sadd.s32 s4, s5;
	s4 =	sand.u32 $0xFFFFFF80, s0  }
0x1c3: {  	v4 =	vld [tilespmem:s12+$0x0];
	s17 =	sor.u32 s3, s1;
	s1 =	sadd.s32 s4, s5;
	s5 =	sld [smem:$0x7FA]  }
0x1c4: {  	v2 =	vadd.f32 v63, v2;
	v0 =	vadd.f32 v58, v0;
	v58 =	vld [tilespmem:$0x1FFC0];
	s2 =	spop (v2sf)  }
0x1c5: {  	s12 =	sld [smem:$0x7FB];
	(v2sf) =	vpush v5, $0xB;
	v10 =	vld [tilespmem:s6+$0x0];
	s6 =	sand.u32 $0xFFFFFF80, s2;
	s4 =	sadd.s32 $0x4D80, s14  }
0x1c6: {  	v2 =	vadd.f32 v62, v2;
	s3 =	sadd.s32 s6, s4;
	s6 =	sadd.s32 $0x10, s2;
	v7 =	vld [tilespmem:s5+$0x0];
	s5 =	sand.u32 $0x7F, s2  }
0x1c7: {  	v6 =	vld [tilespmem:s18+$0x0];
	s0 =	sand.u32 $0x7F, s0;
	s18 =	sor.u32 s5, s3;
	s5 =	sand.u32 $0xFFFFFF80, s6  }
0x1c8: {  	v60 =	vld [tilespmem:s10+$0x0];
	v2 =	vadd.f32 v55, v2;
	s19 =	sor.u32 s0, s1;
	s6 =	sand.u32 $0x7F, s6;
	s0 =	sadd.s32 s5, s4  }
0x1c9: {  	v63 =	vld [tilespmem:s12+$0x0];
	s12 =	sor.u32 s6, s0;
	s6 =	sld [smem:$0x7FC]  }
0x1ca: {  	s10 =	sld [smem:$0x7FD];
	v3 =	vadd.f32 v53, v3;
	v2 =	vadd.f32 v58, v2;
	v58 =	vld [tilespmem:$0x1FFD0];
	s3 =	sadd.s32 $0x20, s2  }
0x1cb: {  	s1 =	sand.u32 $0xFFFFFF80, s3;
	s5 =	sand.u32 $0x7F, s3;
	s0 =	sadd.s32 $0x30, s2  }
0x1cc: {  	v3 =	vadd.f32 v49, v3;
	(v2sf) =	vpush v5, $0xC;
	s1 =	sadd.s32 s1, s4;
	s2 =	spop (v2sf);
	v61 =	vld [tilespmem:s6+$0x0];
	s6 =	sand.u32 $0xFFFFFF80, s0  }
0x1cd: {  	v62 =	vld [tilespmem:s13+$0x0];
	s13 =	sor.u32 s5, s1;
	s0 =	sand.u32 $0x7F, s0;
	s3 =	sadd.s32 s6, s4  }
0x1ce: {  	v57 =	vld [tilespmem:s10+$0x0];
	v3 =	vadd.f32 v50, v3;
	s6 =	sand.u32 $0xFFFFFF80, s2;
	s4 =	sadd.s32 $0x4E00, s14;
	s10 =	sor.u32 s0, s3  }
0x1cf: {  	v1 =	vadd.f32 v58, v1;
	v58 =	vld [tilespmem:$0x1FFE0];
	s5 =	sadd.s32 s6, s4;
	s6 =	sand.u32 $0x7F, s2;
	s3 =	sadd.s32 $0x10, s2  }
0x1d0: {  	v55 =	vld [tilespmem:s9+$0x0];
	v3 =	vadd.f32 v54, v3;
	s9 =	sor.u32 s6, s5;
	s5 =	sadd.s32 $0x20, s2;
	s6 =	sand.u32 $0xFFFFFF80, s3  }
0x1d1: {  	v53 =	vld [tilespmem:s29+$0x0];
	v2 =	vadd.f32 v47, v2;
	v1 =	vadd.f32 v59, v1;
	s0 =	sand.u32 $0x7F, s3;
	s29 =	sand.u32 $0xFFFFFF80, s5;
	s3 =	sadd.s32 s6, s4  }
0x1d2: {  	v49 =	vld [tilespmem:s7+$0x0];
	v3 =	vadd.f32 v39, v3;
	(v2sf) =	vpush v5, $0xD;
	s1 =	sand.u32 $0x7F, s5;
	s6 =	sadd.s32 $0x30, s2;
	s5 =	sadd.s32 s29, s4  }
0x1d3: {  	v47 =	vld [tilespmem:s24+$0x0];
	v2 =	vadd.f32 v56, v2;
	v1 =	vadd.f32 v44, v1;
	s7 =	sor.u32 s0, s3;
	s24 =	sand.u32 $0xFFFFFF80, s6;
	s0 =	sand.u32 $0x7F, s6  }
0x1d4: {  	v50 =	vld [tilespmem:s22+$0x0];
	v3 =	vadd.f32 v46, v3;
	v0 =	vadd.f32 v58, v0;
	s6 =	spop (v2sf);
	s5 =	sor.u32 s1, s5;
	s1 =	sadd.s32 s24, s4  }
0x1d5: {  	v2 =	vadd.f32 v42, v2;
	v1 =	vadd.f32 v41, v1;
	v41 =	vld [tilespmem:s16+$0x0];
	s29 =	sand.u32 $0xFFFFFF80, s6;
	s4 =	sadd.s32 $0x4E80, s14;
	s16 =	sadd.s32 $0x10, s6  }
0x1d6: {  	v3 =	vadd.f32 v32, v3;
	v0 =	vadd.f32 v45, v0;
	v45 =	vld [tilespmem:s20+$0x0];
	s20 =	sadd.s32 $0x20, s6;
	s2 =	sor.u32 s0, s1;
	s1 =	sand.u32 $0x7F, s6  }
0x1d7: {  	v2 =	vadd.f32 v37, v2;
	v44 =	vld [tilespmem:s15+$0x0];
	s15 =	sadd.s32 s29, s4;
	s22 =	sand.u32 $0xFFFFFF80, s16;
	s0 =	sand.u32 $0x7F, s16  }
0x1d8: {  	v39 =	vld [tilespmem:s31+$0x0];
	v3 =	vadd.f32 v27, v3;
	v0 =	vadd.f32 v52, v0;
	s24 =	sand.u32 $0xFFFFFF80, s20;
	s31 =	sand.u32 $0x7F, s20;
	s6 =	sadd.s32 $0x30, s6  }
0x1d9: {  	v32 =	vld [tilespmem:s30+$0x0];
	v2 =	vadd.f32 v34, v2;
	s3 =	sor.u32 s1, s15;
	s29 =	sadd.s32 s22, s4;
	s16 =	sadd.s32 s24, s4  }
0x1da: {  	v27 =	vld [tilespmem:s26+$0x0];
	v3 =	vadd.f32 v31, v3;
	v0 =	vadd.f32 v51, v0;
	s15 =	sand.u32 $0xFFFFFF80, s6;
	s6 =	sand.u32 $0x7F, s6;
	s1 =	sor.u32 s0, s29  }
0x1db: {  	v34 =	vld [tilespmem:s28+$0x0];
	v2 =	vadd.f32 v30, v2;
	(v2sf) =	vpush v5, $0xE;
	s0 =	sor.u32 s31, s16;
	s16 =	spop (v2sf);
	s4 =	sadd.s32 s15, s4  }
0x1dc: {  	v1 =	vadd.f32 v48, v1;
	s24 =	sadd.s32 $0x4F00, s14;
	v0 =	vadd.f32 v43, v0;
	v43 =	vld [tilespmem:$0x1FFF0];
	s22 =	sand.u32 $0xFFFFFF80, s16;
	s6 =	sor.u32 s6, s4  }
0x1dd: {  	v3 =	vadd.f32 v25, v3;
	v30 =	vld [tilespmem:s25+$0x0];
	s25 =	sand.u32 $0x7F, s16;
	s26 =	sadd.s32 $0x10, s16;
	s28 =	sadd.s32 $0x20, s16  }
0x1de: {  	v37 =	vld [tilespmem:s8+$0x0];
	v2 =	vadd.f32 v35, v2;
	v1 =	vadd.f32 v40, v1;
	s15 =	sadd.s32 $0x30, s16;
	s8 =	sadd.s32 s22, s24;
	s29 =	sand.u32 $0xFFFFFF80, s26  }
0x1df: {  	v46 =	vld [tilespmem:s18+$0x0];
	(v2sf) =	vpush v5, $0xF;
	v0 =	vadd.f32 v38, v0;
	s30 =	sand.u32 $0xFFFFFF80, s28;
	s31 =	sand.u32 $0x7F, s28;
	s22 =	rddreg [dreg:$0xe]  }
0x1e0: {  	v42 =	vld [tilespmem:s11+$0x0];
	v3 =	vadd.f32 v23, v3;
	v36 =	vadd.f32 v36, v1;
	s4 =	sor.u32 s25, s8;
	s8 =	sand.u32 $0x7F, s26;
	s20 =	sadd.s32 s29, s24  }
0x1e1: {  	v2 =	vadd.f32 v28, v2;
	v0 =	vadd.f32 v26, v0;
	v26 =	vld [tilespmem:s21+$0x0];
	s21 =	sadd.s32 s30, s24;
	s11 =	sor.u32 s8, s20;
	s20 =	spop (v2sf)  }
0x1e2: {  	v48 =	vld [tilespmem:s13+$0x0];
	v40 =	vadd.f32 v33, v36;
	s8 =	sor.u32 s31, s21;
	s21 =	sand.u32 $0xFFFFFF80, s15;
	s15 =	sand.u32 $0x7F, s15  }
0x1e3: {  	v3 =	vadd.f32 v16, v3;
	v1 =	vld [tilespmem:s23+$0x0];
	v2 =	vadd.f32 v24, v2;
	s23 =	sand.u32 $0xFFFFFF80, s20;
	s25 =	sand.u32 $0x7F, s20;
	s26 =	sadd.s32 $0x10, s20  }
0x1e4: {  	v5 =	vadd.f32 v21, v40;
	s30 =	sadd.s32 $0x20, s20;
	v0 =	vadd.f32 v29, v0;
	s16 =	sadd.s32 s21, s24;
	s24 =	sadd.s32 $0x4F80, s14;
	v29 =	vld.idx.msk [tilespmem:v43+s22+$0x1930 ss:$0x1], $0xffff  }
0x1e5: {  	v3 =	vadd.f32 v12, v3;
	v52 =	vld [tilespmem:s7+$0x0];
	s28 =	sand.u32 $0xFFFFFF80, s26;
	s29 =	sand.u32 $0x7F, s26;
	s31 =	sand.u32 $0xFFFFFF80, s30  }
0x1e6: {  	v2 =	vadd.f32 v17, v2;
	v21 =	vld [tilespmem:s17+$0x0];
	v5 =	vadd.f32 v22, v5;
	s17 =	sadd.s32 s23, s24;
	s15 =	sor.u32 s15, s16;
	s16 =	sadd.s32 s28, s24  }
0x1e7: {  	v3 =	vadd.f32 v7, v3;
	v24 =	vld [tilespmem:s12+$0x0];
	s13 =	sadd.s32 s31, s24;
	v0 =	vadd.f32 v19, v0;
	s12 =	sor.u32 s25, s17;
	s17 =	sadd.s32 $0x30, s20  }
0x1e8: {  	v2 =	vadd.f32 v14, v2;
	v5 =	vadd.f32 v18, v5;
	v18 =	vld [tilespmem:s10+$0x0];
	s10 =	sor.u32 s29, s16;
	s16 =	sand.u32 $0x7F, s30;
	s20 =	sand.u32 $0xFFFFFF80, s17  }
0x1e9: {  	v51 =	vld [tilespmem:s9+$0x0];
	s25 =	sadd.s32 $0x5000, s14;
	s21 =	sand.u32 $0x7F, s17;
	v0 =	vadd.f32 v20, v0;
	s23 =	sadd.s32 s20, s24;
	(v2sf) =	vpush v29, $0x0  }
0x1ea: {  	v58 =	vld [tilespmem:s3+$0x0];
	v3 =	vadd.f32 v63, v3;
	v5 =	vadd.f32 v13, v5;
	s7 =	sor.u32 s16, s13;
	s18 =	spop (v2sf);
	s3 =	sor.u32 s21, s23  }
0x1eb: {  	v54 =	vld [tilespmem:s5+$0x0];
	v2 =	vadd.f32 v10, v2;
	v0 =	vadd.f32 v15, v0;
	s24 =	sand.u32 $0xFFFFFF80, s18;
	s26 =	sand.u32 $0x7F, s18;
	s28 =	sadd.s32 $0x10, s18  }
0x1ec: {  	v3 =	vadd.f32 v57, v3;
	v19 =	vld [tilespmem:s19+$0x0];
	v5 =	vadd.f32 v9, v5;
	s31 =	sadd.s32 $0x20, s18;
	s19 =	sadd.s32 $0x30, s18;
	s29 =	sand.u32 $0xFFFFFF80, s28  }
0x1ed: {  	v56 =	vld [tilespmem:s2+$0x0];
	v2 =	vadd.f32 v6, v2;
	s18 =	sadd.s32 $0x5100, s14;
	s30 =	sand.u32 $0x7F, s28;
	v0 =	vadd.f32 v11, v0;
	s5 =	sadd.s32 s29, s25  }
0x1ee: {  	v63 =	vld [tilespmem:s0+$0x0];
	s9 =	sadd.s32 s24, s25;
	v4 =	vadd.f32 v4, v5;
	s0 =	sor.u32 s30, s5;
	s5 =	spop (v2sf);
	(v2sf) =	vpush v29, $0x1  }
0x1ef: {  	v59 =	vld [tilespmem:s1+$0x0];
	v2 =	vadd.f32 v62, v2;
	s13 =	sand.u32 $0xFFFFFF80, s31;
	s17 =	sand.u32 $0x7F, s31;
	s20 =	sand.u32 $0xFFFFFF80, s19;
	v0 =	vadd.f32 v8, v0  }
0x1f0: {  	v33 =	vld [tilespmem:s6+$0x0];
	v3 =	vadd.f32 v47, v3;
	s21 =	sand.u32 $0x7F, s19;
	s24 =	sadd.s32 $0x5080, s14;
	s1 =	sadd.s32 s13, s25;
	v4 =	vadd.f32 v60, v4  }
0x1f1: {  	v35 =	vld [tilespmem:s4+$0x0];
	v2 =	vadd.f32 v53, v2;
	s2 =	sor.u32 s26, s9;
	s4 =	sadd.s32 s20, s25;
	s1 =	sor.u32 s17, s1;
	v0 =	vadd.f32 v61, v0  }
0x1f2: {  	v36 =	vld [tilespmem:s11+$0x0];
	v3 =	vadd.f32 v41, v3;
	s4 =	sor.u32 s21, s4;
	s23 =	sand.u32 $0xFFFFFF80, s5;
	s25 =	sand.u32 $0x7F, s5;
	v4 =	vadd.f32 v49, v4  }
0x1f3: {  	v38 =	vld [tilespmem:s8+$0x0];
	v2 =	vadd.f32 v45, v2;
	s26 =	sadd.s32 $0x10, s5;
	s30 =	sadd.s32 $0x20, s5;
	s5 =	sadd.s32 $0x30, s5;
	v0 =	vadd.f32 v55, v0  }
0x1f4: {  	v40 =	vld [tilespmem:s15+$0x0];
	v3 =	vadd.f32 v34, v3;
	s9 =	sadd.s32 s23, s24;
	s28 =	sand.u32 $0xFFFFFF80, s26;
	s29 =	sand.u32 $0x7F, s26;
	v4 =	vadd.f32 v44, v4  }
0x1f5: {  	v41 =	vld [tilespmem:s12+$0x0];
	v2 =	vadd.f32 v42, v2;
	s31 =	sand.u32 $0xFFFFFF80, s30;
	s12 =	sand.u32 $0x7F, s30;
	s15 =	sand.u32 $0xFFFFFF80, s5;
	v0 =	vadd.f32 v50, v0  }
0x1f6: {  	v43 =	vld [tilespmem:s7+$0x0];
	v3 =	vadd.f32 v26, v3;
	s5 =	sand.u32 $0x7F, s5;
	s6 =	sor.u32 s25, s9;
	s8 =	sadd.s32 s28, s24;
	v4 =	vadd.f32 v37, v4  }
0x1f7: {  	v45 =	vld [tilespmem:s2+$0x0];
	s9 =	sadd.s32 s31, s24;
	v2 =	vadd.f32 v30, v2;
	s16 =	sadd.s32 s15, s24;
	s8 =	sor.u32 s29, s8;
	v0 =	vadd.f32 v39, v0  }
0x1f8: {  	v3 =	vadd.f32 v46, v3;
	v42 =	vld [tilespmem:s10+$0x0];
	s13 =	sor.u32 s12, s9;
	s19 =	sor.u32 s5, s16;
	v4 =	vadd.f32 v27, v4;
	s10 =	spop (v2sf)  }
0x1f9: {  	v46 =	vld [tilespmem:s0+$0x0];
	s12 =	sadd.s32 $0x5180, s14;
	v2 =	vadd.f32 v21, v2;
	v0 =	vadd.f32 v32, v0;
	s17 =	sand.u32 $0xFFFFFF80, s10;
	s20 =	sand.u32 $0x7F, s10  }
0x1fa: {  	v47 =	vld [tilespmem:s1+$0x0];
	v4 =	vadd.f32 v19, v4;
	s24 =	sadd.s32 $0x10, s10;
	s25 =	sadd.s32 $0x20, s10;
	s31 =	sadd.s32 $0x30, s10  }
0x1fb: {  	v44 =	vld [tilespmem:s3+$0x0];
	v2 =	vadd.f32 v48, v2;
	v0 =	vadd.f32 v1, v0;
	s21 =	sadd.s32 s17, s18;
	s26 =	sand.u32 $0xFFFFFF80, s24;
	s2 =	sand.u32 $0x7F, s24  }
0x1fc: {  	v3 =	vadd.f32 v51, v3;
	v49 =	vld [tilespmem:s6+$0x0];
	v4 =	vadd.f32 v18, v4;
	s28 =	sand.u32 $0xFFFFFF80, s25;
	s5 =	sand.u32 $0x7F, s25;
	s6 =	sand.u32 $0xFFFFFF80, s31  }
0x1fd: {  	v48 =	vld [tilespmem:s4+$0x0];
	v2 =	vadd.f32 v54, v2;
	v0 =	vadd.f32 v24, v0;
	s7 =	spop (v2sf);
	s23 =	sor.u32 s20, s21;
	s4 =	sadd.s32 s26, s18  }
0x1fe: {  	v3 =	vadd.f32 v58, v3;
	v51 =	vld [tilespmem:s13+$0x0];
	v4 =	vadd.f32 v56, v4;
	s29 =	sadd.s32 s28, s18;
	s10 =	sadd.s32 s6, s18;
	s11 =	sand.u32 $0xFFFFFF80, s7  }
0x1ff: {  	v50 =	vld [tilespmem:s8+$0x0];
	v2 =	vadd.f32 v63, v2;
	s13 =	sand.u32 $0x7F, s7;
	s14 =	sadd.s32 $0x10, s7;
	s17 =	sadd.s32 $0x20, s7;
	v0 =	vadd.f32 v52, v0  }
0x200: {  	v3 =	vadd.f32 v35, v3;
	v4 =	vadd.f32 v33, v4;
	s20 =	sadd.s32 $0x30, s7;
	s2 =	sor.u32 s2, s4;
	s30 =	sor.u32 s5, s29;
	v52 =	vld [tilespmem:s19+$0x0]  }
0x201: {  	v2 =	vadd.f32 v38, v2;
	s5 =	sand.u32 $0x7F, s31;
	v53 =	vld [tilespmem:s23+$0x0];
	s3 =	sadd.s32 s11, s12;
	s15 =	sand.u32 $0xFFFFFF80, s14;
	v0 =	vadd.f32 v59, v0  }
0x202: {  	v3 =	vadd.f32 v41, v3;
	s16 =	sand.u32 $0x7F, s14;
	s19 =	sand.u32 $0xFFFFFF80, s17;
	s21 =	sand.u32 $0x7F, s17;
	v54 =	vld [tilespmem:s2+$0x0];
	v4 =	vadd.f32 v40, v4  }
0x203: {  	v2 =	vadd.f32 v43, v2;
	s23 =	sand.u32 $0xFFFFFF80, s20;
	s0 =	sor.u32 s5, s10;
	v55 =	vld [tilespmem:s30+$0x0];
	s2 =	sadd.s32 s15, s12;
	v0 =	vadd.f32 v36, v0  }
0x204: {  	v1 =	vadd.f32 v45, v3;
	s1 =	sor.u32 s13, s3;
	v56 =	vld [tilespmem:s0+$0x0];
	s18 =	sor.u32 s16, s2;
	s2 =	sadd.s32 s19, s12;
	v57 =	vadd.f32 v44, v4  }
0x205: {  	v2 =	vadd.f32 v47, v2;
	s25 =	sand.u32 $0x7F, s20;
	s26 =	sadd.s32 s23, s12;
	v58 =	vld [tilespmem:s1+$0x0];
	s24 =	sor.u32 s21, s2;
	v0 =	vadd.f32 v42, v0  }
0x206: {  	v1 =	vadd.f32 v49, v1;
	s28 =	sor.u32 s25, s26;
	v60 =	vld [tilespmem:s24+$0x0];
	v3 =	vadd.f32 v48, v57  }
0x207: {  	v2 =	vadd.f32 v51, v2;
	v61 =	vld [tilespmem:s28+$0x0];
	v0 =	vadd.f32 v46, v0  }
0x208: {  	v59 =	vld [tilespmem:s18+$0x0];
	v1 =	vadd.f32 v53, v1;
	v3 =	vadd.f32 v52, v3  }
0x209: {  	v2 =	vadd.f32 v55, v2;
	v0 =	vadd.f32 v50, v0  }
0x20a: {  	s29 =	rddreg [dreg:$0xa];
	v1 =	vadd.f32 v58, v1;
	v3 =	vadd.f32 v56, v3  }
0x20b: {  	s31 =	rddreg [dreg:$0xc];
	s0 =	sadd.s32 s29, s22;
	v2 =	vadd.f32 v60, v2;
	v0 =	vadd.f32 v54, v0  }
0x20c: {  	s30 =	sand.u32 $0x40, s22;
	p0 =	sne.s32 s31, $0x7;
	s0 =	sand.u32 $0x1D80, s0;
	v1 =	vmul.f32 $1.999999960e-02, v1;
	v3 =	vadd.f32 v61, v3  }
.Ltmp2:
0x20d: {  	s0 =	sor.u32 s30, s0;
	v62 =	vmul.f32 $1.999999960e-02, v2;
	v0 =	vadd.f32 v59, v0;
	(pc) =	sbr.rel @p0 .LBB2_3-.Ltmp2, $4  }
0x20e: {  	s1 =	sadd.s32 $0x1C900, s0;
	[tilespmem:s0+$0x1C900] =	vst v1;
	v63 =	vmul.f32 $1.999999960e-02, v3  }
0x20f: {  	[tilespmem:s1+$0x20] =	vst v62;
	v0 =	vmul.f32 $1.999999960e-02, v0  }
0x210: {  	[tilespmem:s1+$0x30] =	vst v63  }
0x211: {  	s0 =	sadd.s32 $0x1, s31;
	[tilespmem:s1+$0x10] =	vst v0  }
0x212: {  	s0 =	rddreg [dreg:$0x9]  }
0x213: {  	p0 =	seq.s32 s0, $0x7  }
0x214: {  	s0 =	smul.u32 @!p0 $0xC80, s0;
	_ =	sdelay $0x1  }
0x215: {  	s4 =	rddreg [dreg:$0x3];
	s0 =	sshra.s32 @!p0 s0, $0x2  }
0x216: {  	s2 =	simm.s32 @!p0 $0x50;
	s3 =	simm.s32 @!p0 $0x3900;
	s1 =	sadd.s32 @!p0 $0x320, s0  }
0x217: {  	[tilespmem:s3], [sflag:$0x1] =	stream.indirect.gather @!p0 [hbm4b:s4+s2], $0x80, s1, s2, $0xb8;
	[tilespmem:$0x1E900] =	vst v63  }
0x218: {  	s1 =	sadd.s32 @!p0 $0x370, s0;
	s3 =	simm.s32 @!p0 $0x6100  }
0x219: {  	[tilespmem:s3], [sflag:$0x1] =	stream.indirect.gather @!p0 [hbm4b:s4+s2], $0x80, s1, s2, $0xb8;
	[tilespmem:$0x1E900] =	vst v63  }
0x21a: {  	s1 =	sadd.s32 @!p0 $0x3C0, s0;
	s3 =	simm.s32 @!p0 $0x8900  }
0x21b: {  	[tilespmem:s3], [sflag:$0x1] =	stream.indirect.gather @!p0 [hbm4b:s4+s2], $0x80, s1, s2, $0xb8;
	[tilespmem:$0x1E900] =	vst v63  }
0x21c: {  	s1 =	sadd.s32 @!p0 $0x410, s0;
	s3 =	simm.s32 @!p0 $0xB100  }
0x21d: {  	[tilespmem:s3], [sflag:$0x1] =	stream.indirect.gather @!p0 [hbm4b:s4+s2], $0x80, s1, s2, $0xb8;
	[tilespmem:$0x1E900] =	vst v63  }
0x21e: {  	s30 =	simm.s32 $0x2;
	s0 =	sadd.s32 @!p0 $0x460, s0;
	s1 =	simm.s32 @!p0 $0xD900  }
0x21f: {  	[tilespmem:s1], [sflag:$0x1] =	stream.indirect.gather @!p0 [hbm4b:s4+s2], $0x80, s0, s2, $0xb8;
	[tilespmem:$0x1E900] =	vst v63  }
0x220: {  	_ =	swait.ge [sflag:s30], $0x2800  }
0x221: {  	[sflag:s30] =	ssyncset.done $0x0  }
0x222: {  	[sflag:s30] =	ssyncadd.s32 $0xFFFFD800  }
0x223: {  	_ =	swait.ge [sflag:s30], $0x2800  }
0x224: {  	[sflag:s30] =	ssyncset.done $0x0  }
0x225: {  	[sflag:s30] =	ssyncadd.s32 $0xFFFFD800  }
0x226: {  	_ =	swait.ge [sflag:s30], $0x2800  }
0x227: {  	[sflag:s30] =	ssyncset.done $0x0  }
0x228: {  	[sflag:s30] =	ssyncadd.s32 $0xFFFFD800  }
0x229: {  	_ =	swait.ge [sflag:s30], $0x2800  }
0x22a: {  	[sflag:s30] =	ssyncset.done $0x0  }
0x22b: {  	[sflag:s30] =	ssyncadd.s32 $0xFFFFD800  }
0x22c: {  	_ =	swait.ge [sflag:s30], $0x2800  }
0x22d: {  	s31 =	rddreg [dreg:$0xa]  }
0x22e: {  	s1 =	sor.u32 $0x200, s31  }
0x22f: {  	[sflag:s30] =	ssyncset.done $0x0;
	v0 =	vmov s1  }
0x230: {  	s0 =	simm.s32 $0x0;
	[sflag:s30] =	ssyncadd.s32 $0xFFFFD800;
	[dreg:$0xb] =	wrdreg s1;
	[tilespmem:$0x1FC70] =	vst v0  }
.LBB2_5:
0x231: {  	v2 =	vld [tilespmem:$0x1FC70];
	_ =	sdelay $0x6  }
0x232: {  	s7 =	sshll.u32 s0, $0x6  }
0x233: {  	v0 =	vld.idx.msk [tilespmem:v2+s7+$0x1900 ss:$0x1], $0xffff;
	_ =	sdelay $0x4  }
0x234: {  	(v2sf) =	vpush v0, $0x0;
	_ =	sdelay $0x5  }
0x235: {  	(v2sf) =	vpush v0, $0x1;
	_ =	sdelay $0x1  }
0x236: {  	(v2sf) =	vpush v0, $0x2  }
0x237: {  	[dreg:$0xd] =	wrdreg s0  }
0x238: {  	s28 =	rddreg [dreg:$0xd]  }
0x239: {  	s0 =	smul.u32 $0x6400, s28;
	_ =	sdelay $0x1  }
0x23a: {  	s14 =	sshra.s32 s0, $0x2  }
0x23b: {  	s2 =	sadd.s32 $0x10100, s14  }
0x23c: {  	s6 =	sadd.s32 $0x10180, s14;
	s24 =	sadd.s32 $0x10200, s14;
	s1 =	spop (v2sf)  }
0x23d: {  	s29 =	sand.u32 $0xFFFFFF80, s1;
	s3 =	sand.u32 $0x7F, s1;
	s30 =	sadd.s32 $0x10, s1  }
0x23e: {  	s31 =	sadd.s32 $0x20, s1;
	s0 =	sadd.s32 s29, s2;
	s4 =	sand.u32 $0xFFFFFF80, s30  }
0x23f: {  	s5 =	sand.u32 $0xFFFFFF80, s31;
	s8 =	sor.u32 s3, s0;
	s0 =	sand.u32 $0x7F, s30  }
0x240: {  	s4 =	sadd.s32 s4, s2;
	s3 =	sand.u32 $0x7F, s31;
	s5 =	sadd.s32 s5, s2  }
0x241: {  	(v2sf) =	vpush v0, $0x3;
	s10 =	sor.u32 s0, s4;
	s9 =	sor.u32 s3, s5;
	s3 =	sadd.s32 $0x30, s1  }
0x242: {  	s4 =	spop (v2sf);
	s1 =	sand.u32 $0xFFFFFF80, s3;
	s0 =	sand.u32 $0x7F, s3  }
0x243: {  	s5 =	sand.u32 $0xFFFFFF80, s4;
	s13 =	sand.u32 $0x7F, s4;
	s16 =	sadd.s32 $0x10, s4  }
0x244: {  	(v2sf) =	vpush v0, $0x4;
	s17 =	sadd.s32 $0x20, s4;
	s20 =	sadd.s32 $0x30, s4;
	s22 =	spop (v2sf)  }
0x245: {  	s4 =	sadd.s32 $0x10300, s14;
	s1 =	sadd.s32 s1, s2;
	s15 =	sadd.s32 s5, s6  }
0x246: {  	s18 =	sand.u32 $0xFFFFFF80, s16;
	s19 =	sand.u32 $0xFFFFFF80, s17;
	s21 =	sand.u32 $0xFFFFFF80, s20  }
0x247: {  	s23 =	sand.u32 $0xFFFFFF80, s22;
	s25 =	sand.u32 $0x7F, s22;
	s28 =	sadd.s32 $0x10, s22  }
0x248: {  	s29 =	sadd.s32 $0x20, s22;
	s12 =	sor.u32 s0, s1;
	s11 =	sor.u32 s13, s15  }
0x249: {  	s0 =	sand.u32 $0x7F, s16;
	s2 =	sadd.s32 s18, s6;
	s1 =	sand.u32 $0x7F, s17  }
0x24a: {  	s5 =	sadd.s32 s19, s6;
	s26 =	sadd.s32 s23, s24;
	s30 =	sand.u32 $0xFFFFFF80, s28  }
0x24b: {  	s31 =	sand.u32 $0xFFFFFF80, s29;
	s15 =	sor.u32 s0, s2;
	s13 =	sor.u32 s1, s5  }
0x24c: {  	s0 =	sand.u32 $0x7F, s20;
	s1 =	sadd.s32 s21, s6;
	s3 =	sadd.s32 s30, s24  }
0x24d: {  	s5 =	sadd.s32 s31, s24;
	s17 =	sor.u32 s0, s1;
	s0 =	sand.u32 $0x7F, s28  }
0x24e: {  	(v2sf) =	vpush v0, $0x5;
	s1 =	sand.u32 $0x7F, s29;
	s19 =	sor.u32 s0, s3;
	s3 =	sadd.s32 $0x30, s22  }
0x24f: {  	s16 =	sor.u32 s25, s26;
	s18 =	sor.u32 s1, s5;
	s5 =	sand.u32 $0xFFFFFF80, s3  }
0x250: {  	s0 =	sand.u32 $0x7F, s3;
	s1 =	sadd.s32 s5, s24;
	s6 =	spop (v2sf)  }
0x251: {  	s24 =	sadd.s32 $0x10280, s14;
	s21 =	sor.u32 s0, s1;
	s23 =	sand.u32 $0xFFFFFF80, s6  }
0x252: {  	s25 =	sand.u32 $0x7F, s6;
	s28 =	sadd.s32 $0x10, s6;
	s29 =	sadd.s32 $0x20, s6  }
0x253: {  	s2 =	spop (v2sf);
	s26 =	sadd.s32 s23, s24;
	s30 =	sand.u32 $0xFFFFFF80, s28  }
0x254: {  	s0 =	sand.u32 $0x7F, s28;
	s31 =	sand.u32 $0xFFFFFF80, s29;
	s1 =	sand.u32 $0x7F, s29  }
0x255: {  	s28 =	sadd.s32 $0x10, s2;
	s29 =	sadd.s32 $0x20, s2;
	s20 =	sor.u32 s25, s26  }
0x256: {  	(v2sf) =	vpush v0, $0x6;
	s3 =	sadd.s32 s30, s24;
	s5 =	sadd.s32 s31, s24;
	s30 =	sand.u32 $0xFFFFFF80, s28  }
0x257: {  	s31 =	sand.u32 $0xFFFFFF80, s29;
	s23 =	sor.u32 s0, s3;
	s3 =	sadd.s32 $0x30, s6  }
0x258: {  	s22 =	sor.u32 s1, s5;
	s6 =	sand.u32 $0xFFFFFF80, s2;
	s5 =	sand.u32 $0xFFFFFF80, s3  }
0x259: {  	s0 =	sand.u32 $0x7F, s3;
	s26 =	sadd.s32 s6, s4;
	s3 =	sadd.s32 s30, s4  }
0x25a: {  	s1 =	sadd.s32 s5, s24;
	s24 =	sand.u32 $0x7F, s2;
	s5 =	sadd.s32 s31, s4  }
0x25b: {  	s25 =	sor.u32 s0, s1;
	s24 =	sor.u32 s24, s26;
	s1 =	sand.u32 $0x7F, s29  }
0x25c: {  	s0 =	sand.u32 $0x7F, s28;
	s26 =	sor.u32 s1, s5;
	s5 =	sadd.s32 $0x30, s2  }
0x25d: {  	s28 =	sor.u32 s0, s3;
	s2 =	spop (v2sf);
	s6 =	sand.u32 $0xFFFFFF80, s5  }
0x25e: {  	(v2sf) =	vpush v0, $0x7;
	s0 =	sand.u32 $0x7F, s5;
	s29 =	sand.u32 $0xFFFFFF80, s2;
	s30 =	sand.u32 $0x7F, s2  }
0x25f: {  	s5 =	sadd.s32 $0x20, s2;
	s1 =	sadd.s32 s6, s4;
	s4 =	sadd.s32 $0x10380, s14  }
0x260: {  	s6 =	sadd.s32 $0x10, s2;
	s3 =	sadd.s32 s29, s4;
	s31 =	sor.u32 s0, s1  }
0x261: {  	s1 =	sand.u32 $0xFFFFFF80, s6;
	s29 =	sor.u32 s30, s3;
	s3 =	sand.u32 $0x7F, s6  }
0x262: {  	s0 =	sadd.s32 s1, s4;
	s6 =	sadd.s32 $0x30, s2;
	s2 =	sand.u32 $0xFFFFFF80, s5  }
0x263: {  	s30 =	sor.u32 s3, s0;
	s3 =	sand.u32 $0x7F, s5;
	s1 =	sadd.s32 s2, s4  }
0x264: {  	[dreg:$0xf] =	wrdreg s7;
	s5 =	sand.u32 $0xFFFFFF80, s6;
	s1 =	sor.u32 s3, s1  }
0x265: {  	s0 =	sand.u32 $0x7F, s6;
	[dreg:$0x11] =	wrdreg s1;
	s2 =	spop (v2sf)  }
0x266: {  	(v2sf) =	vpush v0, $0x8;
	s1 =	sadd.s32 s5, s4;
	s4 =	sadd.s32 $0x10400, s14;
	s6 =	sand.u32 $0xFFFFFF80, s2  }
0x267: {  	s5 =	sand.u32 $0x7F, s2;
	s0 =	sor.u32 s0, s1;
	s3 =	sadd.s32 s6, s4  }
0x268: {  	s6 =	sadd.s32 $0x10, s2;
	[dreg:$0x18] =	wrdreg s0;
	s5 =	sor.u32 s5, s3  }
0x269: {  	s1 =	sand.u32 $0xFFFFFF80, s6;
	s3 =	sand.u32 $0x7F, s6;
	s6 =	sadd.s32 $0x30, s2  }
0x26a: {  	[dreg:$0x13] =	wrdreg s5;
	s0 =	sadd.s32 s1, s4;
	s5 =	sadd.s32 $0x20, s2  }
0x26b: {  	s0 =	sor.u32 s3, s0;
	s2 =	sand.u32 $0xFFFFFF80, s5;
	s3 =	sand.u32 $0x7F, s5  }
0x26c: {  	s5 =	sand.u32 $0xFFFFFF80, s6;
	[dreg:$0x15] =	wrdreg s0;
	s1 =	sadd.s32 s2, s4  }
0x26d: {  	s2 =	spop (v2sf);
	s0 =	sand.u32 $0x7F, s6;
	s1 =	sor.u32 s3, s1  }
0x26e: {  	(v2sf) =	vpush v0, $0x9;
	s6 =	sand.u32 $0xFFFFFF80, s2;
	[dreg:$0x19] =	wrdreg s1;
	s1 =	sadd.s32 s5, s4  }
0x26f: {  	s4 =	sadd.s32 $0x10480, s14;
	s5 =	sand.u32 $0x7F, s2;
	s0 =	sor.u32 s0, s1  }
0x270: {  	s3 =	sadd.s32 s6, s4;
	s6 =	sadd.s32 $0x10, s2;
	[dreg:$0x1f] =	wrdreg s0  }
0x271: {  	s5 =	sor.u32 s5, s3;
	s1 =	sand.u32 $0xFFFFFF80, s6;
	s3 =	sand.u32 $0x7F, s6  }
0x272: {  	[dreg:$0x1b] =	wrdreg s5;
	s0 =	sadd.s32 s1, s4;
	s5 =	sadd.s32 $0x20, s2  }
0x273: {  	s6 =	sadd.s32 $0x30, s2;
	s0 =	sor.u32 s3, s0;
	s2 =	sand.u32 $0xFFFFFF80, s5  }
0x274: {  	s3 =	sand.u32 $0x7F, s5;
	s5 =	sand.u32 $0xFFFFFF80, s6;
	s1 =	sadd.s32 s2, s4  }
0x275: {  	[dreg:$0x1d] =	wrdreg s0;
	s2 =	spop (v2sf);
	s1 =	sor.u32 s3, s1  }
0x276: {  	s0 =	sand.u32 $0x7F, s6;
	s6 =	sand.u32 $0xFFFFFF80, s2;
	[smem:$0x74E] =	sst s1  }
0x277: {  	(v2sf) =	vpush v0, $0xA;
	s1 =	sadd.s32 s5, s4;
	s4 =	sadd.s32 $0x10500, s14;
	s5 =	sand.u32 $0x7F, s2  }
0x278: {  	s3 =	sadd.s32 s6, s4;
	s6 =	sadd.s32 $0x10, s2;
	s0 =	sor.u32 s0, s1  }
0x279: {  	[smem:$0x74F] =	sst s0;
	s5 =	sor.u32 s5, s3;
	s1 =	sand.u32 $0xFFFFFF80, s6  }
0x27a: {  	s3 =	sand.u32 $0x7F, s6;
	s6 =	sadd.s32 $0x30, s2;
	s0 =	sadd.s32 s1, s4  }
0x27b: {  	[smem:$0x750] =	sst s5;
	s5 =	sadd.s32 $0x20, s2;
	s0 =	sor.u32 s3, s0  }
0x27c: {  	s2 =	sand.u32 $0xFFFFFF80, s5;
	s3 =	sand.u32 $0x7F, s5;
	s5 =	sand.u32 $0xFFFFFF80, s6  }
0x27d: {  	[smem:$0x751] =	sst s0;
	s1 =	sadd.s32 s2, s4;
	s2 =	spop (v2sf)  }
0x27e: {  	s0 =	sand.u32 $0x7F, s6;
	s1 =	sor.u32 s3, s1;
	s6 =	sand.u32 $0xFFFFFF80, s2  }
0x27f: {  	(v2sf) =	vpush v0, $0xB;
	[smem:$0x752] =	sst s1;
	s1 =	sadd.s32 s5, s4;
	s4 =	sadd.s32 $0x10580, s14  }
0x280: {  	s5 =	sand.u32 $0x7F, s2;
	s3 =	sadd.s32 s6, s4;
	s0 =	sor.u32 s0, s1  }
0x281: {  	s6 =	sadd.s32 $0x10, s2;
	[smem:$0x753] =	sst s0;
	s5 =	sor.u32 s5, s3  }
0x282: {  	s1 =	sand.u32 $0xFFFFFF80, s6;
	s3 =	sand.u32 $0x7F, s6;
	s6 =	sadd.s32 $0x30, s2  }
0x283: {  	[smem:$0x754] =	sst s5;
	s0 =	sadd.s32 s1, s4;
	s5 =	sadd.s32 $0x20, s2  }
0x284: {  	s0 =	sor.u32 s3, s0;
	s2 =	sand.u32 $0xFFFFFF80, s5;
	s3 =	sand.u32 $0x7F, s5  }
0x285: {  	s5 =	sand.u32 $0xFFFFFF80, s6;
	[smem:$0x755] =	sst s0;
	s1 =	sadd.s32 s2, s4  }
0x286: {  	s2 =	spop (v2sf);
	s0 =	sand.u32 $0x7F, s6;
	s1 =	sor.u32 s3, s1  }
0x287: {  	(v2sf) =	vpush v0, $0xC;
	s6 =	sand.u32 $0xFFFFFF80, s2;
	[smem:$0x756] =	sst s1;
	s1 =	sadd.s32 s5, s4  }
0x288: {  	s4 =	sadd.s32 $0x10600, s14;
	s5 =	sand.u32 $0x7F, s2;
	s0 =	sor.u32 s0, s1  }
0x289: {  	s3 =	sadd.s32 s6, s4;
	s6 =	sadd.s32 $0x10, s2;
	[smem:$0x757] =	sst s0  }
0x28a: {  	s5 =	sor.u32 s5, s3;
	s1 =	sand.u32 $0xFFFFFF80, s6;
	s3 =	sand.u32 $0x7F, s6  }
0x28b: {  	[smem:$0x758] =	sst s5;
	s0 =	sadd.s32 s1, s4;
	s5 =	sadd.s32 $0x20, s2  }
0x28c: {  	s6 =	sadd.s32 $0x30, s2;
	s0 =	sor.u32 s3, s0;
	s2 =	sand.u32 $0xFFFFFF80, s5  }
0x28d: {  	s3 =	sand.u32 $0x7F, s5;
	s5 =	sand.u32 $0xFFFFFF80, s6;
	s1 =	sadd.s32 s2, s4  }
0x28e: {  	[smem:$0x759] =	sst s0;
	s2 =	spop (v2sf);
	s1 =	sor.u32 s3, s1  }
0x28f: {  	s0 =	sand.u32 $0x7F, s6;
	s6 =	sand.u32 $0xFFFFFF80, s2;
	[smem:$0x75A] =	sst s1  }
0x290: {  	(v2sf) =	vpush v0, $0xD;
	s1 =	sadd.s32 s5, s4;
	s4 =	sadd.s32 $0x10680, s14;
	s5 =	sand.u32 $0x7F, s2  }
0x291: {  	s3 =	sadd.s32 s6, s4;
	s6 =	sadd.s32 $0x10, s2;
	s0 =	sor.u32 s0, s1  }
0x292: {  	[smem:$0x75B] =	sst s0;
	s5 =	sor.u32 s5, s3;
	s1 =	sand.u32 $0xFFFFFF80, s6  }
0x293: {  	s3 =	sand.u32 $0x7F, s6;
	s6 =	sadd.s32 $0x30, s2;
	s0 =	sadd.s32 s1, s4  }
0x294: {  	[smem:$0x75C] =	sst s5;
	s5 =	sadd.s32 $0x20, s2;
	s0 =	sor.u32 s3, s0  }
0x295: {  	s2 =	sand.u32 $0xFFFFFF80, s5;
	s3 =	sand.u32 $0x7F, s5;
	s5 =	sand.u32 $0xFFFFFF80, s6  }
0x296: {  	[smem:$0x75D] =	sst s0;
	s1 =	sadd.s32 s2, s4;
	s2 =	spop (v2sf)  }
0x297: {  	s0 =	sand.u32 $0x7F, s6;
	s1 =	sor.u32 s3, s1;
	s6 =	sand.u32 $0xFFFFFF80, s2  }
0x298: {  	(v2sf) =	vpush v0, $0xE;
	[smem:$0x75E] =	sst s1;
	s1 =	sadd.s32 s5, s4;
	s4 =	sadd.s32 $0x10700, s14  }
0x299: {  	s5 =	sand.u32 $0x7F, s2;
	s3 =	sadd.s32 s6, s4;
	s0 =	sor.u32 s0, s1  }
0x29a: {  	s6 =	sadd.s32 $0x10, s2;
	[smem:$0x75F] =	sst s0;
	s5 =	sor.u32 s5, s3  }
0x29b: {  	s1 =	sand.u32 $0xFFFFFF80, s6;
	s3 =	sand.u32 $0x7F, s6;
	s6 =	sadd.s32 $0x30, s2  }
0x29c: {  	[smem:$0x760] =	sst s5;
	s0 =	sadd.s32 s1, s4;
	s5 =	sadd.s32 $0x20, s2  }
0x29d: {  	s0 =	sor.u32 s3, s0;
	s2 =	sand.u32 $0xFFFFFF80, s5;
	s3 =	sand.u32 $0x7F, s5  }
0x29e: {  	s5 =	sand.u32 $0xFFFFFF80, s6;
	[smem:$0x761] =	sst s0;
	s1 =	sadd.s32 s2, s4  }
0x29f: {  	s2 =	spop (v2sf);
	s0 =	sand.u32 $0x7F, s6;
	s1 =	sor.u32 s3, s1  }
0x2a0: {  	(v2sf) =	vpush v0, $0xF;
	s6 =	sand.u32 $0xFFFFFF80, s2;
	[smem:$0x762] =	sst s1;
	s1 =	sadd.s32 s5, s4  }
0x2a1: {  	s4 =	sadd.s32 $0x10780, s14;
	s5 =	sand.u32 $0x7F, s2;
	s0 =	sor.u32 s0, s1  }
0x2a2: {  	s3 =	sadd.s32 s6, s4;
	s6 =	sadd.s32 $0x10, s2;
	[smem:$0x763] =	sst s0  }
0x2a3: {  	s5 =	sor.u32 s5, s3;
	s1 =	sand.u32 $0xFFFFFF80, s6;
	s3 =	sand.u32 $0x7F, s6  }
0x2a4: {  	v1 =	vld.idx.msk [tilespmem:v2+s7+$0x1910 ss:$0x1], $0xffff;
	[smem:$0x764] =	sst s5;
	s0 =	sadd.s32 s1, s4;
	s5 =	sadd.s32 $0x20, s2  }
0x2a5: {  	s6 =	sadd.s32 $0x30, s2;
	s0 =	sor.u32 s3, s0;
	s2 =	sand.u32 $0xFFFFFF80, s5  }
0x2a6: {  	s3 =	sand.u32 $0x7F, s5;
	s5 =	sand.u32 $0xFFFFFF80, s6;
	s1 =	sadd.s32 s2, s4  }
0x2a7: {  	[smem:$0x765] =	sst s0;
	s2 =	spop (v2sf);
	s1 =	sor.u32 s3, s1  }
0x2a8: {  	s0 =	sand.u32 $0x7F, s6;
	s6 =	sand.u32 $0xFFFFFF80, s2;
	[smem:$0x766] =	sst s1  }
0x2a9: {  	(v2sf) =	vpush v1, $0x0;
	s1 =	sadd.s32 s5, s4;
	s4 =	sadd.s32 $0x10800, s14;
	s5 =	sand.u32 $0x7F, s2  }
0x2aa: {  	s3 =	sadd.s32 s6, s4;
	s6 =	sadd.s32 $0x10, s2;
	s0 =	sor.u32 s0, s1  }
0x2ab: {  	[smem:$0x767] =	sst s0;
	s5 =	sor.u32 s5, s3;
	s1 =	sand.u32 $0xFFFFFF80, s6  }
0x2ac: {  	s3 =	sand.u32 $0x7F, s6;
	s6 =	sadd.s32 $0x30, s2;
	s0 =	sadd.s32 s1, s4  }
0x2ad: {  	[smem:$0x768] =	sst s5;
	s5 =	sadd.s32 $0x20, s2;
	s0 =	sor.u32 s3, s0  }
0x2ae: {  	s2 =	sand.u32 $0xFFFFFF80, s5;
	s3 =	sand.u32 $0x7F, s5;
	s5 =	sand.u32 $0xFFFFFF80, s6  }
0x2af: {  	[smem:$0x769] =	sst s0;
	s1 =	sadd.s32 s2, s4;
	s2 =	spop (v2sf)  }
0x2b0: {  	s0 =	sand.u32 $0x7F, s6;
	s1 =	sor.u32 s3, s1;
	s6 =	sand.u32 $0xFFFFFF80, s2  }
0x2b1: {  	(v2sf) =	vpush v1, $0x1;
	[smem:$0x76A] =	sst s1;
	s1 =	sadd.s32 s5, s4;
	s4 =	sadd.s32 $0x10880, s14  }
0x2b2: {  	s5 =	sand.u32 $0x7F, s2;
	s3 =	sadd.s32 s6, s4;
	s0 =	sor.u32 s0, s1  }
0x2b3: {  	s6 =	sadd.s32 $0x10, s2;
	[smem:$0x76B] =	sst s0;
	s5 =	sor.u32 s5, s3  }
0x2b4: {  	s1 =	sand.u32 $0xFFFFFF80, s6;
	s3 =	sand.u32 $0x7F, s6;
	s6 =	sadd.s32 $0x30, s2  }
0x2b5: {  	[smem:$0x76C] =	sst s5;
	s0 =	sadd.s32 s1, s4;
	s5 =	sadd.s32 $0x20, s2  }
0x2b6: {  	s0 =	sor.u32 s3, s0;
	s2 =	sand.u32 $0xFFFFFF80, s5;
	s3 =	sand.u32 $0x7F, s5  }
0x2b7: {  	s5 =	sand.u32 $0xFFFFFF80, s6;
	[smem:$0x76D] =	sst s0;
	s1 =	sadd.s32 s2, s4  }
0x2b8: {  	s2 =	spop (v2sf);
	s0 =	sand.u32 $0x7F, s6;
	s1 =	sor.u32 s3, s1  }
0x2b9: {  	(v2sf) =	vpush v1, $0x2;
	s6 =	sand.u32 $0xFFFFFF80, s2;
	[smem:$0x76E] =	sst s1;
	s1 =	sadd.s32 s5, s4  }
0x2ba: {  	s4 =	sadd.s32 $0x10900, s14;
	s5 =	sand.u32 $0x7F, s2;
	s0 =	sor.u32 s0, s1  }
0x2bb: {  	s3 =	sadd.s32 s6, s4;
	s6 =	sadd.s32 $0x10, s2;
	[smem:$0x76F] =	sst s0  }
0x2bc: {  	s5 =	sor.u32 s5, s3;
	s1 =	sand.u32 $0xFFFFFF80, s6;
	s3 =	sand.u32 $0x7F, s6  }
0x2bd: {  	[smem:$0x770] =	sst s5;
	s0 =	sadd.s32 s1, s4;
	s5 =	sadd.s32 $0x20, s2  }
0x2be: {  	s6 =	sadd.s32 $0x30, s2;
	s0 =	sor.u32 s3, s0;
	s2 =	sand.u32 $0xFFFFFF80, s5  }
0x2bf: {  	s3 =	sand.u32 $0x7F, s5;
	s5 =	sand.u32 $0xFFFFFF80, s6;
	s1 =	sadd.s32 s2, s4  }
0x2c0: {  	[smem:$0x771] =	sst s0;
	s2 =	spop (v2sf);
	s1 =	sor.u32 s3, s1  }
0x2c1: {  	s0 =	sand.u32 $0x7F, s6;
	s6 =	sand.u32 $0xFFFFFF80, s2;
	[smem:$0x772] =	sst s1  }
0x2c2: {  	(v2sf) =	vpush v1, $0x3;
	s1 =	sadd.s32 s5, s4;
	s4 =	sadd.s32 $0x10980, s14;
	s5 =	sand.u32 $0x7F, s2  }
0x2c3: {  	s3 =	sadd.s32 s6, s4;
	s6 =	sadd.s32 $0x10, s2;
	s0 =	sor.u32 s0, s1  }
0x2c4: {  	[smem:$0x773] =	sst s0;
	s5 =	sor.u32 s5, s3;
	s1 =	sand.u32 $0xFFFFFF80, s6  }
0x2c5: {  	s3 =	sand.u32 $0x7F, s6;
	s6 =	sadd.s32 $0x30, s2;
	s0 =	sadd.s32 s1, s4  }
0x2c6: {  	[smem:$0x774] =	sst s5;
	s5 =	sadd.s32 $0x20, s2;
	s0 =	sor.u32 s3, s0  }
0x2c7: {  	s2 =	sand.u32 $0xFFFFFF80, s5;
	s3 =	sand.u32 $0x7F, s5;
	s5 =	sand.u32 $0xFFFFFF80, s6  }
0x2c8: {  	[smem:$0x775] =	sst s0;
	s1 =	sadd.s32 s2, s4;
	s2 =	spop (v2sf)  }
0x2c9: {  	s0 =	sand.u32 $0x7F, s6;
	s1 =	sor.u32 s3, s1;
	s6 =	sand.u32 $0xFFFFFF80, s2  }
0x2ca: {  	(v2sf) =	vpush v1, $0x4;
	[smem:$0x776] =	sst s1;
	s1 =	sadd.s32 s5, s4;
	s4 =	sadd.s32 $0x10A00, s14  }
0x2cb: {  	s5 =	sand.u32 $0x7F, s2;
	s3 =	sadd.s32 s6, s4;
	s0 =	sor.u32 s0, s1  }
0x2cc: {  	s6 =	sadd.s32 $0x10, s2;
	[smem:$0x777] =	sst s0;
	s5 =	sor.u32 s5, s3  }
0x2cd: {  	s1 =	sand.u32 $0xFFFFFF80, s6;
	s3 =	sand.u32 $0x7F, s6;
	s6 =	sadd.s32 $0x30, s2  }
0x2ce: {  	[smem:$0x778] =	sst s5;
	s0 =	sadd.s32 s1, s4;
	s5 =	sadd.s32 $0x20, s2  }
0x2cf: {  	s0 =	sor.u32 s3, s0;
	s2 =	sand.u32 $0xFFFFFF80, s5;
	s3 =	sand.u32 $0x7F, s5  }
0x2d0: {  	s5 =	sand.u32 $0xFFFFFF80, s6;
	[smem:$0x779] =	sst s0;
	s1 =	sadd.s32 s2, s4  }
0x2d1: {  	s2 =	spop (v2sf);
	s0 =	sand.u32 $0x7F, s6;
	s1 =	sor.u32 s3, s1  }
0x2d2: {  	(v2sf) =	vpush v1, $0x5;
	s6 =	sand.u32 $0xFFFFFF80, s2;
	[smem:$0x77A] =	sst s1;
	s1 =	sadd.s32 s5, s4  }
0x2d3: {  	s4 =	sadd.s32 $0x10A80, s14;
	s5 =	sand.u32 $0x7F, s2;
	s0 =	sor.u32 s0, s1  }
0x2d4: {  	s3 =	sadd.s32 s6, s4;
	s6 =	sadd.s32 $0x10, s2;
	[smem:$0x77B] =	sst s0  }
0x2d5: {  	s5 =	sor.u32 s5, s3;
	s1 =	sand.u32 $0xFFFFFF80, s6;
	s3 =	sand.u32 $0x7F, s6  }
0x2d6: {  	[smem:$0x77C] =	sst s5;
	s0 =	sadd.s32 s1, s4;
	s5 =	sadd.s32 $0x20, s2  }
0x2d7: {  	s6 =	sadd.s32 $0x30, s2;
	s0 =	sor.u32 s3, s0;
	s2 =	sand.u32 $0xFFFFFF80, s5  }
0x2d8: {  	s3 =	sand.u32 $0x7F, s5;
	s5 =	sand.u32 $0xFFFFFF80, s6;
	s1 =	sadd.s32 s2, s4  }
0x2d9: {  	[smem:$0x77D] =	sst s0;
	s2 =	spop (v2sf);
	s1 =	sor.u32 s3, s1  }
0x2da: {  	s0 =	sand.u32 $0x7F, s6;
	s6 =	sand.u32 $0xFFFFFF80, s2;
	[smem:$0x77E] =	sst s1  }
0x2db: {  	(v2sf) =	vpush v1, $0x6;
	s1 =	sadd.s32 s5, s4;
	s4 =	sadd.s32 $0x10B00, s14;
	s5 =	sand.u32 $0x7F, s2  }
0x2dc: {  	s3 =	sadd.s32 s6, s4;
	s6 =	sadd.s32 $0x10, s2;
	s0 =	sor.u32 s0, s1  }
0x2dd: {  	[smem:$0x77F] =	sst s0;
	s5 =	sor.u32 s5, s3;
	s1 =	sand.u32 $0xFFFFFF80, s6  }
0x2de: {  	s3 =	sand.u32 $0x7F, s6;
	s6 =	sadd.s32 $0x30, s2;
	s0 =	sadd.s32 s1, s4  }
0x2df: {  	[smem:$0x780] =	sst s5;
	s5 =	sadd.s32 $0x20, s2;
	s0 =	sor.u32 s3, s0  }
0x2e0: {  	s2 =	sand.u32 $0xFFFFFF80, s5;
	s3 =	sand.u32 $0x7F, s5;
	s5 =	sand.u32 $0xFFFFFF80, s6  }
0x2e1: {  	(v2sf) =	vpush v1, $0x7;
	[smem:$0x781] =	sst s0;
	s1 =	sadd.s32 s2, s4;
	s2 =	spop (v2sf)  }
0x2e2: {  	s0 =	sand.u32 $0x7F, s6;
	s1 =	sor.u32 s3, s1;
	s6 =	sand.u32 $0xFFFFFF80, s2  }
0x2e3: {  	v0 =	vld [tilespmem:s8+$0x0];
	s8 =	sadd.s32 $0x30, s2;
	[smem:$0x782] =	sst s1;
	s1 =	sadd.s32 s5, s4  }
0x2e4: {  	s4 =	sadd.s32 $0x10B80, s14;
	s5 =	sand.u32 $0x7F, s2;
	s0 =	sor.u32 s0, s1  }
0x2e5: {  	s3 =	sadd.s32 s6, s4;
	s6 =	sadd.s32 $0x10, s2;
	[smem:$0x783] =	sst s0  }
0x2e6: {  	s1 =	sor.u32 s5, s3;
	s3 =	sand.u32 $0xFFFFFF80, s6;
	s5 =	sand.u32 $0x7F, s6  }
0x2e7: {  	v3 =	vld [tilespmem:s10+$0x0];
	s6 =	sadd.s32 $0x20, s2;
	[smem:$0x784] =	sst s1;
	s0 =	sadd.s32 s3, s4  }
0x2e8: {  	v4 =	vld [tilespmem:s9+$0x0];
	s2 =	sand.u32 $0xFFFFFF80, s6;
	s3 =	sand.u32 $0x7F, s6;
	s10 =	sor.u32 s5, s0;
	(v2sf) =	vpush v1, $0x8  }
0x2e9: {  	s1 =	sadd.s32 s2, s4;
	s5 =	sand.u32 $0xFFFFFF80, s8;
	s0 =	sand.u32 $0x7F, s8;
	v6 =	vld [tilespmem:s12+$0x0]  }
0x2ea: {  	s9 =	sor.u32 s3, s1;
	s6 =	sadd.s32 s5, s4;
	s2 =	spop (v2sf);
	v9 =	vld [tilespmem:s11+$0x0]  }
0x2eb: {  	s4 =	sadd.s32 $0x10C00, s14;
	v24 =	vld [tilespmem:s30+$0x0];
	s30 =	rddreg [dreg:$0x11];
	s8 =	sand.u32 $0xFFFFFF80, s2  }
0x2ec: {  	v7 =	vld [tilespmem:s15+$0x0];
	s11 =	sand.u32 $0x7F, s2;
	s15 =	sadd.s32 $0x10, s2;
	s12 =	sor.u32 s0, s6  }
0x2ed: {  	v8 =	vld [tilespmem:s17+$0x0];
	s17 =	sadd.s32 $0x30, s2;
	s3 =	sadd.s32 s8, s4;
	s8 =	sand.u32 $0xFFFFFF80, s15  }
0x2ee: {  	v10 =	vld [tilespmem:s13+$0x0];
	(v2sf) =	vpush v1, $0x9;
	s13 =	sand.u32 $0x7F, s15;
	s15 =	sadd.s32 $0x20, s2;
	s5 =	sand.u32 $0xFFFFFF80, s17  }
0x2ef: {  	v11 =	vld [tilespmem:s16+$0x0];
	s11 =	sor.u32 s11, s3;
	s0 =	sadd.s32 s8, s4;
	s2 =	sand.u32 $0xFFFFFF80, s15  }
0x2f0: {  	v12 =	vld [tilespmem:s19+$0x0];
	s3 =	sand.u32 $0x7F, s15;
	s6 =	sadd.s32 s5, s4;
	s8 =	spop (v2sf)  }
0x2f1: {  	v15 =	vld [tilespmem:s18+$0x0];
	s13 =	sor.u32 s13, s0;
	s0 =	sand.u32 $0x7F, s17;
	s16 =	sand.u32 $0xFFFFFF80, s8  }
0x2f2: {  	v16 =	vld [tilespmem:s25+$0x0];
	s17 =	sadd.s32 $0x10C80, s14;
	s18 =	sand.u32 $0x7F, s8;
	s25 =	sadd.s32 $0x30, s8  }
0x2f3: {  	v17 =	vld [tilespmem:s20+$0x0];
	s20 =	sadd.s32 $0x10, s8;
	s19 =	sor.u32 s0, s6;
	s6 =	sand.u32 $0xFFFFFF80, s25  }
0x2f4: {  	v18 =	vld [tilespmem:s23+$0x0];
	s23 =	sadd.s32 $0x20, s8;
	s8 =	sadd.s32 s6, s17;
	s6 =	rddreg [dreg:$0x18]  }
0x2f5: {  	s1 =	sadd.s32 s2, s4;
	s4 =	sadd.s32 $0x10D00, s14;
	v27 =	vld [tilespmem:s6+$0x0];
	s6 =	sld [smem:$0x74E]  }
0x2f6: {  	v14 =	vld [tilespmem:s21+$0x0];
	s15 =	sor.u32 s3, s1;
	s3 =	sadd.s32 s16, s17;
	s21 =	sand.u32 $0xFFFFFF80, s20  }
0x2f7: {  	v13 =	vld [tilespmem:s22+$0x0];
	s22 =	sand.u32 $0x7F, s20;
	s2 =	sand.u32 $0xFFFFFF80, s23;
	s5 =	sand.u32 $0x7F, s23  }
0x2f8: {  	s16 =	sor.u32 s18, s3;
	s0 =	sadd.s32 s21, s17;
	v34 =	vld [tilespmem:s6+$0x0];
	s6 =	sld [smem:$0x755]  }
0x2f9: {  	v19 =	vld [tilespmem:s24+$0x0];
	s1 =	sadd.s32 s2, s17;
	s18 =	sor.u32 s22, s0;
	s0 =	sand.u32 $0x7F, s25  }
0x2fa: {  	v22 =	vld [tilespmem:s28+$0x0];
	(v2sf) =	vpush v1, $0xA;
	s20 =	sor.u32 s5, s1;
	s24 =	sor.u32 s0, s8;
	s17 =	spop (v2sf)  }
0x2fb: {  	v41 =	vld [tilespmem:s6+$0x0];
	s6 =	sld [smem:$0x75C];
	s21 =	sand.u32 $0xFFFFFF80, s17;
	s22 =	sand.u32 $0x7F, s17  }
0x2fc: {  	v23 =	vld [tilespmem:s31+$0x0];
	s23 =	sadd.s32 $0x10, s17;
	s28 =	sadd.s32 $0x20, s17;
	s31 =	sadd.s32 $0x30, s17  }
0x2fd: {  	s2 =	spop (v2sf);
	s3 =	sadd.s32 s21, s4;
	s25 =	sand.u32 $0xFFFFFF80, s23  }
0x2fe: {  	v20 =	vld [tilespmem:s26+$0x0];
	s26 =	sand.u32 $0x7F, s23;
	s5 =	sand.u32 $0xFFFFFF80, s28;
	s21 =	rddreg [dreg:$0x13]  }
0x2ff: {  	s8 =	sand.u32 $0x7F, s28;
	s17 =	sand.u32 $0xFFFFFF80, s31;
	s28 =	rddreg [dreg:$0x19]  }
0x300: {  	v25 =	vld [tilespmem:s30+$0x0];
	s30 =	sand.u32 $0x7F, s2;
	s22 =	sor.u32 s22, s3;
	s0 =	sadd.s32 s25, s4  }
0x301: {  	s1 =	sadd.s32 s5, s4;
	s23 =	sadd.s32 s17, s4;
	s25 =	rddreg [dreg:$0x15]  }
0x302: {  	s4 =	sadd.s32 $0x10D80, s14;
	v33 =	vld [tilespmem:s28+$0x0];
	s17 =	rddreg [dreg:$0x1f];
	s28 =	sadd.s32 $0x20, s2  }
0x303: {  	v21 =	vld [tilespmem:s29+$0x0];
	s29 =	sor.u32 s26, s0;
	s1 =	sor.u32 s8, s1;
	s0 =	sand.u32 $0x7F, s31  }
0x304: {  	v31 =	vld [tilespmem:s25+$0x0];
	s26 =	sand.u32 $0xFFFFFF80, s2;
	s31 =	sadd.s32 $0x10, s2;
	s25 =	rddreg [dreg:$0x1b]  }
0x305: {  	(v2sf) =	vpush v1, $0xB;
	s5 =	sand.u32 $0xFFFFFF80, s28;
	s8 =	sand.u32 $0x7F, s28;
	s28 =	sld [smem:$0x751]  }
0x306: {  	[smem:$0x785] =	sst s1;
	s3 =	sadd.s32 s26, s4;
	s0 =	sor.u32 s0, s23  }
0x307: {  	s23 =	sand.u32 $0xFFFFFF80, s31;
	v29 =	vld [tilespmem:s25+$0x0];
	s26 =	sand.u32 $0x7F, s31;
	s25 =	sld [smem:$0x750]  }
0x308: {  	s31 =	sadd.s32 $0x30, s2;
	s1 =	sadd.s32 s5, s4;
	[smem:$0x786] =	sst s0  }
0x309: {  	v26 =	vld [tilespmem:s21+$0x0];
	s2 =	spop (v2sf);
	s21 =	sor.u32 s30, s3;
	s30 =	rddreg [dreg:$0x1d]  }
0x30a: {  	v28 =	vld [tilespmem:s17+$0x0];
	s0 =	sadd.s32 s23, s4;
	s17 =	sand.u32 $0xFFFFFF80, s31;
	[smem:$0x787] =	sst s21  }
0x30b: {  	s1 =	sor.u32 s8, s1;
	s0 =	sor.u32 s26, s0;
	s21 =	sld [smem:$0x74F]  }
0x30c: {  	[smem:$0x789] =	sst s1;
	s23 =	sadd.s32 s17, s4;
	s26 =	sand.u32 $0xFFFFFF80, s2  }
0x30d: {  	v5 =	vld [tilespmem:s30+$0x0];
	s4 =	sadd.s32 $0x10E00, s14;
	s30 =	sand.u32 $0x7F, s2;
	s17 =	sld [smem:$0x752]  }
0x30e: {  	v37 =	vld [tilespmem:s28+$0x0];
	s28 =	sadd.s32 $0x20, s2;
	[smem:$0x788] =	sst s0;
	s0 =	sand.u32 $0x7F, s31  }
0x30f: {  	v36 =	vld [tilespmem:s25+$0x0];
	s31 =	sadd.s32 $0x10, s2;
	s25 =	sld [smem:$0x753];
	s5 =	sand.u32 $0xFFFFFF80, s28  }
0x310: {  	s8 =	sand.u32 $0x7F, s28;
	s28 =	sld [smem:$0x758];
	s0 =	sor.u32 s0, s23  }
0x311: {  	s3 =	sadd.s32 s26, s4;
	s23 =	sand.u32 $0xFFFFFF80, s31;
	[smem:$0x78A] =	sst s0  }
0x312: {  	s26 =	sand.u32 $0x7F, s31;
	v35 =	vld [tilespmem:s21+$0x0];
	s21 =	sor.u32 s30, s3;
	s30 =	sld [smem:$0x754]  }
0x313: {  	s31 =	sadd.s32 $0x30, s2;
	s1 =	sadd.s32 s5, s4;
	[smem:$0x78B] =	sst s21  }
0x314: {  	v0 =	vadd.f32 $0.0e+00, v0;
	s2 =	spop (v2sf);
	s1 =	sor.u32 s8, s1;
	s21 =	sld [smem:$0x756]  }
0x315: {  	(v2sf) =	vpush v1, $0xC;
	v38 =	vld [tilespmem:s17+$0x0];
	s0 =	sadd.s32 s23, s4;
	s17 =	sand.u32 $0xFFFFFF80, s31;
	[smem:$0x78D] =	sst s1  }
0x316: {  	v0 =	vadd.f32 v9, v0;
	v39 =	vld [tilespmem:s25+$0x0];
	s0 =	sor.u32 s26, s0;
	s23 =	sadd.s32 s17, s4;
	s25 =	sld [smem:$0x757]  }
0x317: {  	s26 =	sand.u32 $0xFFFFFF80, s2;
	s4 =	sadd.s32 $0x10E80, s14;
	s17 =	sld [smem:$0x759]  }
0x318: {  	v0 =	vadd.f32 v11, v0;
	v44 =	vld [tilespmem:s28+$0x0];
	s28 =	sadd.s32 $0x20, s2;
	[smem:$0x78C] =	sst s0;
	s0 =	sand.u32 $0x7F, s31  }
0x319: {  	v48 =	vld [tilespmem:s6+$0x0];
	s5 =	sand.u32 $0xFFFFFF80, s28;
	s8 =	sand.u32 $0x7F, s28;
	s28 =	sld [smem:$0x75F]  }
0x31a: {  	v0 =	vadd.f32 v17, v0;
	[tilespmem:$0x1F900] =	vst v5;
	v5 =	vld.idx.msk [tilespmem:v2+s7+$0x1920 ss:$0x1], $0xffff;
	s0 =	sor.u32 s0, s23;
	s1 =	sadd.s32 s5, s4;
	s5 =	sld [smem:$0x763]  }
0x31b: {  	s3 =	sadd.s32 s26, s4;
	v40 =	vld [tilespmem:s30+$0x0];
	[smem:$0x78E] =	sst s0  }
0x31c: {  	v0 =	vadd.f32 v19, v0;
	(v2sf) =	vpush v1, $0xD;
	s31 =	sadd.s32 $0x10, s2;
	s30 =	sand.u32 $0x7F, s2;
	v43 =	vld [tilespmem:s25+$0x0];
	s25 =	sld [smem:$0x75A]  }
0x31d: {  	s23 =	sand.u32 $0xFFFFFF80, s31;
	v42 =	vld [tilespmem:s21+$0x0];
	s21 =	sor.u32 s30, s3;
	s30 =	sld [smem:$0x75B]  }
0x31e: {  	v0 =	vadd.f32 v21, v0;
	s26 =	sand.u32 $0x7F, s31;
	s31 =	sadd.s32 $0x30, s2;
	v21 =	vld [tilespmem:$0x1F900];
	[smem:$0x78F] =	sst s21  }
0x31f: {  	v45 =	vld [tilespmem:s17+$0x0];
	s17 =	sand.u32 $0xFFFFFF80, s31;
	s21 =	sld [smem:$0x75D]  }
0x320: {  	s0 =	sadd.s32 s23, s4;
	s23 =	sadd.s32 s17, s4;
	v51 =	vld [tilespmem:s28+$0x0];
	s17 =	sld [smem:$0x760]  }
0x321: {  	s0 =	sor.u32 s26, s0;
	s28 =	sld [smem:$0x762];
	v55 =	vld [tilespmem:s5+$0x0]  }
0x322: {  	[smem:$0x790] =	sst s0;
	v46 =	vld [tilespmem:s25+$0x0]  }
0x323: {  	s1 =	sor.u32 s8, s1;
	s4 =	sadd.s32 $0x10F00, s14;
	s5 =	sld [smem:$0x76E];
	v47 =	vld [tilespmem:s30+$0x0]  }
0x324: {  	s2 =	spop (v2sf);
	s0 =	sand.u32 $0x7F, s31;
	s25 =	sld [smem:$0x75E];
	v49 =	vld [tilespmem:s21+$0x0]  }
0x325: {  	s26 =	sand.u32 $0xFFFFFF80, s2;
	s30 =	sand.u32 $0x7F, s2;
	s31 =	sadd.s32 $0x10, s2;
	v52 =	vld [tilespmem:s17+$0x0]  }
0x326: {  	s0 =	sor.u32 s0, s23;
	s23 =	sld [smem:$0x761];
	s3 =	sadd.s32 s26, s4;
	v54 =	vld [tilespmem:s28+$0x0]  }
0x327: {  	[tilespmem:$0x1F910] =	vst v34;
	[smem:$0x792] =	sst s0;
	s21 =	sand.u32 $0xFFFFFF80, s31;
	s26 =	sadd.s32 $0x20, s2;
	v34 =	vld [tilespmem:s5+$0x0]  }
0x328: {  	s0 =	sadd.s32 s21, s4;
	s6 =	sand.u32 $0x7F, s26;
	s21 =	sld [smem:$0x764];
	v50 =	vld [tilespmem:s25+$0x0]  }
0x329: {  	(v2sf) =	vpush v1, $0xE;
	[tilespmem:$0x1F990] =	vst v42;
	v53 =	vld [tilespmem:s23+$0x0];
	s25 =	sand.u32 $0x7F, s31;
	s31 =	sand.u32 $0xFFFFFF80, s26;
	s26 =	sld [smem:$0x765]  }
0x32a: {  	v9 =	vadd.f32 $0.0e+00, v6;
	[smem:$0x791] =	sst s1;
	s8 =	sor.u32 s30, s3;
	s30 =	sadd.s32 $0x30, s2;
	v6 =	vld [tilespmem:$0x1F990]  }
0x32b: {  	s17 =	sand.u32 $0xFFFFFF80, s30;
	s2 =	spop (v2sf);
	s0 =	sor.u32 s25, s0;
	v56 =	vld [tilespmem:s21+$0x0]  }
0x32c: {  	s1 =	sadd.s32 s31, s4;
	s23 =	sadd.s32 s17, s4;
	s31 =	sld [smem:$0x766];
	[tilespmem:$0x1F9E0] =	vst v47;
	v57 =	vld [tilespmem:s26+$0x0]  }
0x32d: {  	s25 =	sand.u32 $0xFFFFFF80, s2;
	s4 =	sadd.s32 $0x10F80, s14;
	[smem:$0x793] =	sst s0;
	[tilespmem:$0x1FA30] =	vst v52;
	v52 =	vld [tilespmem:s10+$0x0]  }
0x32e: {  	s28 =	sand.u32 $0x7F, s2;
	s3 =	sadd.s32 s25, s4;
	s21 =	sld [smem:$0x767];
	[tilespmem:$0x1FA50] =	vst v54;
	v54 =	vld [tilespmem:s9+$0x0]  }
0x32f: {  	s7 =	sor.u32 s28, s3;
	s26 =	sld [smem:$0x768];
	v11 =	vld [tilespmem:$0x1F9E0]  }
0x330: {  	s1 =	sor.u32 s6, s1;
	s0 =	sand.u32 $0x7F, s30;
	v58 =	vld [tilespmem:s31+$0x0];
	[smem:$0x796] =	sst s7  }
0x331: {  	s30 =	sadd.s32 $0x10, s2;
	s25 =	sadd.s32 $0x20, s2;
	s31 =	sld [smem:$0x769];
	v59 =	vld [tilespmem:s21+$0x0]  }
0x332: {  	s0 =	sor.u32 s0, s23;
	s17 =	sand.u32 $0xFFFFFF80, s30;
	s7 =	sld [smem:$0x76A];
	[tilespmem:$0x1FA40] =	vst v53;
	v60 =	vld [tilespmem:s26+$0x0]  }
0x333: {  	s23 =	sand.u32 $0x7F, s30;
	[smem:$0x795] =	sst s0;
	s0 =	sadd.s32 s17, s4;
	v17 =	vld [tilespmem:$0x1FA40]  }
0x334: {  	s30 =	sand.u32 $0xFFFFFF80, s25;
	s0 =	sor.u32 s23, s0;
	s23 =	sld [smem:$0x76B];
	v61 =	vld [tilespmem:s31+$0x0]  }
0x335: {  	[smem:$0x794] =	sst s1;
	s3 =	sand.u32 $0x7F, s25;
	s1 =	sadd.s32 s30, s4;
	v62 =	vld [tilespmem:s7+$0x0]  }
0x336: {  	s28 =	sadd.s32 $0x30, s2;
	s1 =	sor.u32 s3, s1;
	[smem:$0x797] =	sst s0;
	[tilespmem:$0x1FA70] =	vst v56;
	v56 =	vld [tilespmem:s12+$0x0]  }
0x337: {  	[tilespmem:$0x1F940] =	vst v37;
	s6 =	sand.u32 $0xFFFFFF80, s28;
	[smem:$0x798] =	sst s1;
	v63 =	vld [tilespmem:s23+$0x0]  }
0x338: {  	s17 =	sadd.s32 s6, s4;
	s21 =	spop (v2sf);
	s26 =	sld [smem:$0x76C];
	[tilespmem:$0x1FA80] =	vst v57;
	v57 =	vld [tilespmem:s13+$0x0]  }
0x339: {  	(v2sf) =	vpush v1, $0xF;
	s4 =	sadd.s32 $0x11000, s14;
	s25 =	sand.u32 $0xFFFFFF80, s21;
	s31 =	sld [smem:$0x76D];
	[tilespmem:$0x1FC40] =	vst v54;
	v54 =	vld [tilespmem:s22+$0x0]  }
0x33a: {  	s30 =	sadd.s32 $0x10, s21;
	s3 =	sadd.s32 s25, s4;
	s25 =	sld [smem:$0x770];
	[tilespmem:$0x1FC30] =	vst v52;
	v52 =	vld [tilespmem:s29+$0x0]  }
0x33b: {  	[tilespmem:$0x1F930] =	vst v36;
	s0 =	sand.u32 $0x7F, s28;
	s28 =	sand.u32 $0x7F, s21;
	s6 =	sand.u32 $0x7F, s30;
	v30 =	vld [tilespmem:s26+$0x0]  }
0x33c: {  	[tilespmem:$0x1F920] =	vst v35;
	s1 =	sor.u32 s28, s3;
	s3 =	sand.u32 $0xFFFFFF80, s30;
	s30 =	sld [smem:$0x771];
	v32 =	vld [tilespmem:s31+$0x0]  }
0x33d: {  	s7 =	sadd.s32 $0x20, s21;
	[tilespmem:$0x1FA90] =	vst v58;
	v36 =	vld [tilespmem:s25+$0x0]  }
0x33e: {  	s23 =	sand.u32 $0xFFFFFF80, s7;
	[smem:$0x799] =	sst s1;
	v58 =	vadd.f32 $0.0e+00, v3;
	[tilespmem:$0x1FAA0] =	vst v59;
	v59 =	vld [tilespmem:s19+$0x0]  }
0x33f: {  	[tilespmem:$0x1F970] =	vst v40;
	s1 =	sadd.s32 s23, s4;
	s23 =	sld [smem:$0x773];
	v37 =	vld [tilespmem:s30+$0x0]  }
0x340: {  	[tilespmem:$0x1F9A0] =	vst v43;
	v2 =	vadd.f32 v7, v58;
	v58 =	vld [tilespmem:$0x1F970]  }
0x341: {  	[tilespmem:$0x1F960] =	vst v39;
	s31 =	sor.u32 s0, s17;
	s17 =	sld [smem:$0x76F];
	v7 =	vld [tilespmem:$0x1F9A0]  }
0x342: {  	[tilespmem:$0x1F9B0] =	vst v44;
	v39 =	vld [tilespmem:s23+$0x0]  }
0x343: {  	[tilespmem:$0x1FC50] =	vst v56;
	v56 =	vld [tilespmem:s20+$0x0]  }
0x344: {  	[tilespmem:$0x1F9C0] =	vst v45;
	v35 =	vld [tilespmem:s17+$0x0]  }
0x345: {  	s21 =	sadd.s32 $0x30, s21;
	s26 =	sand.u32 $0x7F, s7;
	[tilespmem:$0x1FC60] =	vst v57;
	v57 =	vld [tilespmem:$0x1F960]  }
0x346: {  	s0 =	sadd.s32 s3, s4;
	s1 =	sor.u32 s26, s1;
	s30 =	sld [smem:$0x774];
	[tilespmem:$0x1FAE0] =	vst v63;
	v63 =	vadd.f32 $0.0e+00, v4;
	v4 =	vadd.f32 v8, v9;
	v8 =	vld [tilespmem:$0x1F9B0]  }
0x347: {  	[tilespmem:$0x1F9F0] =	vst v48;
	s28 =	sand.u32 $0xFFFFFF80, s21;
	s0 =	sor.u32 s6, s0;
	[smem:$0x79B] =	sst s1;
	v9 =	vld [tilespmem:$0x1F9C0]  }
0x348: {  	s6 =	sadd.s32 s28, s4;
	s2 =	spop (v2sf);
	s4 =	sadd.s32 $0x11080, s14;
	v2 =	vadd.f32 v12, v2;
	v12 =	vld [tilespmem:$0x1F9F0]  }
0x349: {  	[tilespmem:$0x1F980] =	vst v41;
	[smem:$0x79A] =	sst s0;
	s0 =	sand.u32 $0x7F, s21;
	s21 =	sand.u32 $0xFFFFFF80, s2;
	v40 =	vld [tilespmem:s30+$0x0]  }
0x34a: {  	(v2sf) =	vpush v5, $0x0;
	[tilespmem:$0x1F9D0] =	vst v46;
	s25 =	sand.u32 $0x7F, s2;
	s26 =	sadd.s32 $0x10, s2;
	s23 =	sadd.s32 $0x20, s2;
	v3 =	vadd.f32 v10, v63;
	v63 =	vld [tilespmem:$0x1F980]  }
0x34b: {  	[tilespmem:$0x1FA10] =	vst v50;
	s17 =	sld [smem:$0x772];
	s3 =	sadd.s32 s21, s4;
	s28 =	sor.u32 s0, s6;
	v10 =	vld [tilespmem:$0x1F9D0]  }
0x34c: {  	s7 =	sand.u32 $0xFFFFFF80, s26;
	s5 =	sor.u32 s25, s3;
	s25 =	sld [smem:$0x776];
	v4 =	vadd.f32 v14, v4;
	v14 =	vld [tilespmem:$0x1FA10]  }
0x34d: {  	s6 =	sand.u32 $0xFFFFFF80, s23;
	s0 =	sadd.s32 s7, s4;
	s7 =	sld [smem:$0x777];
	v2 =	vadd.f32 v18, v2;
	v18 =	vld [tilespmem:$0x1FA50]  }
0x34e: {  	[tilespmem:$0x1F950] =	vst v38;
	s1 =	sadd.s32 s6, s4;
	s6 =	sld [smem:$0x779];
	v38 =	vld [tilespmem:s17+$0x0]  }
0x34f: {  	v42 =	vld [tilespmem:s25+$0x0]  }
0x350: {  	[smem:$0x79C] =	sst s5;
	v43 =	vld [tilespmem:s7+$0x0]  }
0x351: {  	s21 =	sand.u32 $0x7F, s26;
	s5 =	sld [smem:$0x77C];
	v45 =	vld [tilespmem:s6+$0x0]  }
0x352: {  	[tilespmem:$0x1FA20] =	vst v51;
	s0 =	sor.u32 s21, s0;
	s17 =	sld [smem:$0x775];
	v2 =	vadd.f32 v22, v2;
	v22 =	vld [tilespmem:$0x1F910]  }
0x353: {  	s26 =	sadd.s32 $0x30, s2;
	[smem:$0x79D] =	sst s0;
	v3 =	vadd.f32 v15, v3;
	v15 =	vld [tilespmem:$0x1FA20]  }
0x354: {  	s21 =	sand.u32 $0xFFFFFF80, s26;
	s0 =	sand.u32 $0x7F, s26;
	s26 =	sld [smem:$0x77B];
	v4 =	vadd.f32 v16, v4;
	v16 =	vld [tilespmem:$0x1FA30]  }
0x355: {  	v47 =	vld [tilespmem:s5+$0x0]  }
0x356: {  	v41 =	vld [tilespmem:s17+$0x0]  }
0x357: {  	[tilespmem:$0x1FAB0] =	vst v60;
	v60 =	vld [tilespmem:s26+$0x0]  }
0x358: {  	s5 =	sld [smem:$0x77E];
	v4 =	vadd.f32 v23, v4;
	v23 =	vld [tilespmem:$0x1F920]  }
0x359: {  	[tilespmem:$0x1FA00] =	vst v49;
	(v2sf) =	vpush v5, $0x1;
	s2 =	spop (v2sf);
	v2 =	vadd.f32 v24, v2;
	v24 =	vld [tilespmem:$0x1F930]  }
0x35a: {  	s25 =	sadd.s32 s21, s4;
	s17 =	sand.u32 $0x7F, s23;
	s23 =	sld [smem:$0x778];
	v3 =	vadd.f32 v13, v3;
	v13 =	vld [tilespmem:$0x1FA00]  }
0x35b: {  	[tilespmem:$0x1FAD0] =	vst v62;
	s7 =	sand.u32 $0xFFFFFF80, s2;
	s4 =	sadd.s32 $0x11100, s14;
	s21 =	sand.u32 $0x7F, s2;
	v62 =	vld [tilespmem:s5+$0x0]  }
0x35c: {  	(v2sf) =	vpush v5, $0x2;
	s3 =	sadd.s32 s7, s4;
	s30 =	sor.u32 s17, s1;
	s17 =	sld [smem:$0x77A];
	v4 =	vadd.f32 v27, v4;
	v27 =	vld [tilespmem:s8+$0x0]  }
0x35d: {  	s1 =	sor.u32 s21, s3;
	s21 =	sld [smem:$0x77D];
	v44 =	vld [tilespmem:s23+$0x0]  }
0x35e: {  	[tilespmem:$0x1FBC0] =	vst v45;
	v45 =	vld [tilespmem:s18+$0x0]  }
0x35f: {  	v0 =	vadd.f32 v26, v0;
	v46 =	vld [tilespmem:s17+$0x0]  }
0x360: {  	[tilespmem:$0x1FAC0] =	vst v61;
	v3 =	vadd.f32 v20, v3;
	v61 =	vld [tilespmem:s21+$0x0]  }
0x361: {  	v0 =	vadd.f32 v29, v0;
	[tilespmem:$0x1FBE0] =	vst v47;
	v47 =	vld [tilespmem:s15+$0x0]  }
0x362: {  	s5 =	sld [smem:$0x780];
	v2 =	vadd.f32 v31, v2;
	v3 =	vadd.f32 v25, v3;
	v25 =	vld [tilespmem:$0x1F940]  }
0x363: {  	(v2sf) =	vpush v5, $0x3;
	s23 =	sadd.s32 $0x10, s2;
	s17 =	sadd.s32 $0x20, s2;
	v4 =	vadd.f32 v28, v4;
	v28 =	vld [tilespmem:$0x1F950]  }
0x364: {  	v2 =	vadd.f32 v21, v2;
	v21 =	vld [tilespmem:s31+$0x0];
	s26 =	sand.u32 $0xFFFFFF80, s17;
	s6 =	sand.u32 $0x7F, s17;
	s17 =	sld [smem:$0x77F];
	v0 =	vadd.f32 v24, v0  }
0x365: {  	s3 =	sand.u32 $0xFFFFFF80, s23;
	v49 =	vld [tilespmem:s5+$0x0]  }
0x366: {  	s25 =	sor.u32 s0, s25;
	s7 =	sand.u32 $0x7F, s23;
	s0 =	sadd.s32 s3, s4;
	v0 =	vadd.f32 v58, v0;
	v58 =	vld [tilespmem:$0x1FA70]  }
0x367: {  	[smem:$0x79E] =	sst s1;
	s23 =	sadd.s32 $0x30, s2;
	s0 =	sor.u32 s7, s0;
	v3 =	vadd.f32 v33, v3;
	v48 =	vld [tilespmem:s17+$0x0]  }
0x368: {  	s2 =	spop (v2sf);
	s7 =	sand.u32 $0xFFFFFF80, s23;
	v4 =	vadd.f32 v23, v4;
	[smem:$0x79F] =	sst s0;
	[tilespmem:$0x1FBB0] =	vst v44;
	v44 =	vld [tilespmem:s24+$0x0]  }
0x369: {  	[tilespmem:$0x1FA60] =	vst v55;
	s1 =	sadd.s32 s26, s4;
	s21 =	sadd.s32 s7, s4;
	s7 =	sld [smem:$0x781];
	v3 =	vadd.f32 v22, v3;
	v22 =	vld [tilespmem:s28+$0x0]  }
0x36a: {  	s26 =	sor.u32 s6, s1;
	s0 =	sand.u32 $0x7F, s23;
	s23 =	sld [smem:$0x782];
	v4 =	vadd.f32 v57, v4;
	v57 =	vld [tilespmem:$0x1FA60]  }
0x36b: {  	s6 =	sand.u32 $0xFFFFFF80, s2;
	s4 =	sadd.s32 $0x11180, s14;
	s9 =	spop (v2sf);
	v0 =	vadd.f32 v8, v0;
	v8 =	vld [tilespmem:$0x1FAB0]  }
0x36c: {  	s3 =	sadd.s32 s6, s4;
	s17 =	sand.u32 $0x7F, s2;
	s6 =	sadd.s32 $0x10, s2;
	v50 =	vld [tilespmem:s7+$0x0]  }
0x36d: {  	s21 =	sor.u32 s0, s21;
	s10 =	sand.u32 $0xFFFFFF80, s9;
	s12 =	sadd.s32 $0x10, s9;
	v55 =	vld [tilespmem:s23+$0x0]  }
0x36e: {  	v2 =	vadd.f32 v25, v2;
	[tilespmem:$0x1FC00] =	vst v49;
	s7 =	sor.u32 s17, s3;
	s17 =	sand.u32 $0xFFFFFF80, s6;
	s23 =	sld [smem:$0x783];
	v49 =	vld [tilespmem:s11+$0x0]  }
0x36f: {  	s3 =	sand.u32 $0x7F, s6;
	s6 =	sadd.s32 $0x20, s2;
	v4 =	vadd.f32 v7, v4;
	v7 =	vld [tilespmem:$0x1FAA0];
	[smem:$0x7A0] =	sst s7  }
0x370: {  	[tilespmem:$0x1FAF0] =	vst v30;
	s11 =	sand.u32 $0x7F, s9;
	v3 =	vadd.f32 v28, v3;
	s0 =	sadd.s32 s17, s4;
	s7 =	sld [smem:$0x784];
	v2 =	vadd.f32 v63, v2;
	v63 =	vld [tilespmem:$0x1FA80]  }
0x371: {  	s17 =	sadd.s32 $0x30, s2;
	s2 =	sand.u32 $0xFFFFFF80, s6;
	s5 =	sand.u32 $0x7F, s6;
	v0 =	vadd.f32 v12, v0;
	v12 =	vld [tilespmem:$0x1FAF0]  }
0x372: {  	s15 =	spop (v2sf);
	s1 =	sadd.s32 s2, s4;
	s6 =	sand.u32 $0xFFFFFF80, s17;
	v3 =	vadd.f32 v6, v3;
	v6 =	vld [tilespmem:$0x1FA90]  }
0x373: {  	s20 =	sand.u32 $0x7F, s15;
	s24 =	sadd.s32 $0x10, s15;
	v51 =	vld [tilespmem:s23+$0x0];
	s23 =	sor.u32 s3, s0  }
0x374: {  	(v2sf) =	vpush v5, $0x4;
	v4 =	vadd.f32 v11, v4;
	v11 =	vld [tilespmem:$0x1FAE0];
	s1 =	sor.u32 s5, s1;
	s0 =	sand.u32 $0x7F, s17;
	s5 =	sand.u32 $0xFFFFFF80, s12  }
0x375: {  	v53 =	vld [tilespmem:s7+$0x0];
	[smem:$0x7A1] =	sst s1;
	s7 =	sadd.s32 s6, s4;
	s4 =	sadd.s32 $0x11200, s14  }
0x376: {  	v2 =	vadd.f32 v9, v2;
	v9 =	vld [tilespmem:$0x1FAC0];
	s6 =	sand.u32 $0x7F, s12;
	s3 =	sadd.s32 s10, s4;
	s17 =	sor.u32 s0, s7  }
0x377: {  	v3 =	vadd.f32 v10, v3;
	v10 =	vld [tilespmem:$0x1FAD0];
	s0 =	sadd.s32 s5, s4;
	s7 =	sadd.s32 $0x20, s9;
	s9 =	sadd.s32 $0x30, s9  }
0x378: {  	v0 =	vadd.f32 v16, v0;
	[tilespmem:$0x1FC10] =	vst v50;
	v50 =	vld [tilespmem:s16+$0x0];
	s16 =	sand.u32 $0xFFFFFF80, s15;
	s5 =	sand.u32 $0xFFFFFF80, s24;
	s3 =	sor.u32 s11, s3  }
0x379: {  	[tilespmem:$0x1FB10] =	vst v34;
	v2 =	vadd.f32 v13, v2;
	v13 =	vld [tilespmem:s21+$0x0];
	s19 =	sor.u32 s6, s0;
	s10 =	sand.u32 $0xFFFFFF80, s7;
	s11 =	sand.u32 $0x7F, s7  }
0x37a: {  	v4 =	vadd.f32 v15, v4;
	v0 =	vadd.f32 v58, v0;
	v58 =	vld [tilespmem:$0x1FB10];
	s12 =	sand.u32 $0xFFFFFF80, s9;
	s7 =	sand.u32 $0x7F, s24;
	s24 =	sld [smem:$0x787]  }
0x37b: {  	[tilespmem:$0x1FB00] =	vst v32;
	(v2sf) =	vpush v5, $0x5;
	s0 =	sand.u32 $0x7F, s9;
	v3 =	vadd.f32 v14, v3;
	v14 =	vld [tilespmem:s26+$0x0];
	[smem:$0x7A2] =	sst s3;
	s1 =	sadd.s32 s10, s4  }
0x37c: {  	v4 =	vadd.f32 v57, v4;
	v57 =	vld [tilespmem:$0x1FB00];
	s13 =	sadd.s32 s12, s4;
	s4 =	sadd.s32 $0x11280, s14;
	s10 =	sld [smem:$0x785]  }
0x37d: {  	[tilespmem:$0x1FB50] =	vst v38;
	s9 =	sadd.s32 $0x20, s15;
	v2 =	vadd.f32 v17, v2;
	v17 =	vld [tilespmem:s30+$0x0];
	s3 =	sadd.s32 s16, s4;
	s16 =	sld [smem:$0x786]  }
0x37e: {  	v0 =	vadd.f32 v8, v0;
	v8 =	vld [tilespmem:$0x1FB50];
	s12 =	sor.u32 s0, s13;
	s0 =	sadd.s32 s5, s4;
	s5 =	sld [smem:$0x788]  }
0x37f: {  	[tilespmem:$0x1FB40] =	vst v37;
	s18 =	sor.u32 s11, s1;
	s11 =	sadd.s32 $0x30, s15;
	v3 =	vadd.f32 v18, v3;
	v18 =	vld [tilespmem:s25+$0x0];
	s25 =	sld [smem:$0x79E]  }
0x380: {  	[tilespmem:$0x1FB60] =	vst v39;
	s15 =	sand.u32 $0xFFFFFF80, s9;
	v4 =	vadd.f32 v7, v4;
	v7 =	vld [tilespmem:$0x1FB40];
	s0 =	sor.u32 s7, s0;
	s7 =	sld [smem:$0x789]  }
0x381: {  	[tilespmem:$0x1FB20] =	vst v35;
	s3 =	sor.u32 s20, s3;
	s1 =	sadd.s32 s15, s4;
	v39 =	vld [tilespmem:s24+$0x0];
	s15 =	sld [smem:$0x78A]  }
0x382: {  	s20 =	sand.u32 $0x7F, s9;
	s22 =	sand.u32 $0xFFFFFF80, s11;
	v2 =	vadd.f32 v63, v2;
	v63 =	vld [tilespmem:$0x1FB20];
	[smem:$0x7A3] =	sst s3  }
0x383: {  	[tilespmem:$0x1FB90] =	vst v42;
	s2 =	spop (v2sf);
	v42 =	vld [tilespmem:s10+$0x0];
	[smem:$0x7A4] =	sst s0;
	s13 =	sor.u32 s20, s1  }
0x384: {  	[tilespmem:$0x1FB30] =	vst v36;
	s29 =	sadd.s32 s22, s4;
	s0 =	sand.u32 $0x7F, s11;
	s6 =	sand.u32 $0xFFFFFF80, s2;
	v4 =	vadd.f32 v11, v4;
	v11 =	vld [tilespmem:s23+$0x0]  }
0x385: {  	s4 =	sadd.s32 $0x11300, s14;
	s9 =	sand.u32 $0x7F, s2;
	s11 =	sadd.s32 $0x10, s2;
	v3 =	vadd.f32 v6, v3;
	v6 =	vld [tilespmem:$0x1FB30]  }
0x386: {  	[tilespmem:$0x1FB80] =	vst v41;
	(v2sf) =	vpush v5, $0x6;
	s22 =	sld [smem:$0x78B];
	v41 =	vld [tilespmem:s16+$0x0];
	s3 =	sadd.s32 s6, s4;
	s10 =	sor.u32 s0, s29  }
0x387: {  	[tilespmem:$0x1FC20] =	vst v51;
	v51 =	vld [tilespmem:s5+$0x0];
	s20 =	sand.u32 $0xFFFFFF80, s11;
	s24 =	sand.u32 $0x7F, s11;
	s29 =	sadd.s32 $0x20, s2  }
0x388: {  	s6 =	sld [smem:$0x78C];
	v37 =	vld [tilespmem:s7+$0x0];
	s16 =	sor.u32 s9, s3;
	s0 =	sadd.s32 s20, s4  }
0x389: {  	[tilespmem:$0x1FBF0] =	vst v48;
	v2 =	vadd.f32 v9, v2;
	v48 =	vld [tilespmem:s15+$0x0];
	s7 =	sadd.s32 $0x30, s2;
	s11 =	sand.u32 $0xFFFFFF80, s29;
	s15 =	sld [smem:$0x78D]  }
0x38a: {  	[tilespmem:$0x1FBD0] =	vst v46;
	s2 =	spop (v2sf);
	[smem:$0x7A5] =	sst s16;
	v46 =	vld [tilespmem:s22+$0x0];
	s9 =	sor.u32 s24, s0  }
0x38b: {  	[tilespmem:$0x1FB70] =	vst v40;
	v3 =	vadd.f32 v10, v3;
	s16 =	sand.u32 $0x7F, s29;
	s1 =	sadd.s32 s11, s4;
	s22 =	sld [smem:$0x78E];
	v2 =	vadd.f32 v57, v2;
	v57 =	vld [tilespmem:$0x1FB60]  }
0x38c: {  	[tilespmem:$0x1FBA0] =	vst v43;
	s20 =	sand.u32 $0xFFFFFF80, s7;
	s0 =	sand.u32 $0x7F, s7;
	s7 =	sld [smem:$0x790];
	v43 =	vld [tilespmem:s6+$0x0]  }
0x38d: {  	s11 =	sand.u32 $0x7F, s2;
	s29 =	sor.u32 s16, s1;
	s24 =	sadd.s32 s20, s4;
	v1 =	vadd.f32 v58, v3;
	v58 =	vld [tilespmem:$0x1FB70]  }
0x38e: {  	s4 =	sld [smem:$0x78F];
	s6 =	sand.u32 $0xFFFFFF80, s2;
	s1 =	sadd.s32 $0x11380, s14;
	v34 =	vld [tilespmem:s15+$0x0]  }
0x38f: {  	s8 =	sadd.s32 $0x30, s2;
	s16 =	sld [smem:$0x791];
	s3 =	sadd.s32 s6, s1;
	v40 =	vld [tilespmem:s22+$0x0]  }
0x390: {  	v0 =	vadd.f32 v12, v0;
	s15 =	sadd.s32 $0x10, s2;
	s6 =	sadd.s32 $0x20, s2;
	v38 =	vld [tilespmem:s7+$0x0];
	s7 =	sor.u32 s0, s24  }
0x391: {  	(v2sf) =	vpush v5, $0x7;
	v4 =	vadd.f32 v63, v4;
	s24 =	sor.u32 s11, s3;
	s20 =	sand.u32 $0xFFFFFF80, s15;
	s22 =	sld [smem:$0x792];
	v32 =	vld [tilespmem:s4+$0x0]  }
0x392: {  	v3 =	vadd.f32 v6, v0;
	s5 =	sand.u32 $0x7F, s15;
	s11 =	sand.u32 $0xFFFFFF80, s6;
	s15 =	sld [smem:$0x793];
	v30 =	vld [tilespmem:s16+$0x0]  }
0x393: {  	v0 =	vadd.f32 v8, v1;
	s0 =	sadd.s32 s20, s1;
	s16 =	sand.u32 $0xFFFFFF80, s8;
	s20 =	sld [smem:$0x794];
	v1 =	vadd.f32 v57, v4;
	v57 =	vld [tilespmem:$0x1FBA0]  }
0x394: {  	s4 =	sand.u32 $0x7F, s6;
	s6 =	sadd.s32 s16, s1;
	s16 =	sld [smem:$0x796];
	v36 =	vld [tilespmem:s22+$0x0]  }
0x395: {  	s3 =	sld [smem:$0x795];
	s2 =	sadd.s32 s11, s1;
	s1 =	spop (v2sf);
	v26 =	vld [tilespmem:s15+$0x0]  }
0x396: {  	s22 =	sor.u32 s5, s0;
	s15 =	sand.u32 $0xFFFFFF80, s1;
	s0 =	sadd.s32 $0x11400, s14;
	v35 =	vld [tilespmem:s20+$0x0]  }
0x397: {  	s11 =	sadd.s32 $0x10, s1;
	s20 =	sor.u32 s4, s2;
	v31 =	vld [tilespmem:s16+$0x0];
	s16 =	sld [smem:$0x797]  }
0x398: {  	v33 =	vld [tilespmem:s3+$0x0];
	s4 =	sand.u32 $0x7F, s8;
	s3 =	sadd.s32 s15, s0;
	s2 =	sand.u32 $0x7F, s1  }
0x399: {  	(v2sf) =	vpush v5, $0x8;
	v16 =	vld [tilespmem:s25+$0x0];
	s5 =	sand.u32 $0xFFFFFF80, s11;
	s8 =	sadd.s32 $0x20, s1;
	s15 =	sor.u32 s4, s6  }
0x39a: {  	s4 =	sadd.s32 s5, s0;
	v29 =	vld [tilespmem:s16+$0x0];
	s16 =	sor.u32 s2, s3;
	s2 =	sand.u32 $0x7F, s11  }
0x39b: {  	v63 =	vld [tilespmem:$0x1FB80];
	s6 =	sld [smem:$0x798];
	s11 =	sand.u32 $0xFFFFFF80, s8;
	s31 =	sor.u32 s2, s4  }
0x39c: {  	v3 =	vadd.f32 v58, v3;
	v58 =	vld [tilespmem:$0x1FBB0];
	s2 =	sadd.s32 $0x30, s1;
	s1 =	sadd.s32 s11, s0;
	s11 =	sld [smem:$0x79A]  }
0x39d: {  	v1 =	vadd.f32 v57, v1;
	v57 =	vld [tilespmem:$0x1FBE0];
	s4 =	sld [smem:$0x799]  }
0x39e: {  	v28 =	vld [tilespmem:s6+$0x0];
	s6 =	sand.u32 $0x7F, s8;
	s8 =	sand.u32 $0xFFFFFF80, s2  }
0x39f: {  	s2 =	sand.u32 $0x7F, s2;
	v19 =	vld [tilespmem:s11+$0x0];
	s11 =	sor.u32 s6, s1;
	s1 =	sld [smem:$0x79B]  }
0x3a0: {  	v25 =	vld [tilespmem:s4+$0x0];
	s6 =	sadd.s32 s8, s0;
	s4 =	spop (v2sf);
	s8 =	sld [smem:$0x79C]  }
0x3a1: {  	v3 =	vadd.f32 v58, v3;
	v58 =	vld [tilespmem:$0x1FBF0];
	s0 =	sadd.s32 $0x11480, s14;
	s3 =	sand.u32 $0xFFFFFF80, s4;
	s28 =	sand.u32 $0x7F, s4  }
0x3a2: {  	(v2sf) =	vpush v5, $0x9;
	s5 =	sadd.s32 s3, s0;
	s3 =	sadd.s32 $0x20, s4;
	v24 =	vld [tilespmem:s1+$0x0];
	s1 =	sadd.s32 $0x10, s4  }
0x3a3: {  	v23 =	vld [tilespmem:s8+$0x0];
	s8 =	sor.u32 s2, s6;
	s28 =	sor.u32 s28, s5;
	s5 =	sand.u32 $0xFFFFFF80, s1  }
0x3a4: {  	v2 =	vadd.f32 v7, v2;
	v3 =	vadd.f32 v57, v3;
	v57 =	vld [tilespmem:$0x1FC00];
	s6 =	sld [smem:$0x79D];
	s1 =	sand.u32 $0x7F, s1;
	s2 =	sadd.s32 s5, s0  }
0x3a5: {  	v6 =	vld [tilespmem:$0x1FB90];
	v1 =	vadd.f32 v60, v1;
	s30 =	sor.u32 s1, s2;
	s1 =	sadd.s32 $0x30, s4;
	s4 =	sand.u32 $0xFFFFFF80, s3  }
0x3a6: {  	v4 =	vadd.f32 v63, v2;
	v63 =	vld [tilespmem:$0x1FBC0];
	s5 =	sand.u32 $0x7F, s3;
	s2 =	sadd.s32 s4, s0  }
0x3a7: {  	v1 =	vadd.f32 v58, v1;
	v58 =	vld [tilespmem:$0x1FC20];
	s25 =	sor.u32 s5, s2;
	s5 =	sld [smem:$0x79F]  }
0x3a8: {  	v20 =	vld [tilespmem:s6+$0x0];
	s6 =	sand.u32 $0xFFFFFF80, s1;
	s2 =	spop (v2sf)  }
0x3a9: {  	v3 =	vadd.f32 v57, v3;
	v57 =	vld [tilespmem:$0x1FC10];
	s3 =	sand.u32 $0x7F, s1;
	s6 =	sadd.s32 s6, s0;
	s1 =	sand.u32 $0xFFFFFF80, s2  }
0x3aa: {  	(v2sf) =	vpush v5, $0xA;
	s26 =	sor.u32 s3, s6;
	s6 =	sld [smem:$0x7A0];
	v15 =	vld [tilespmem:s5+$0x0];
	s5 =	sadd.s32 $0x11500, s14  }
0x3ab: {  	v2 =	vadd.f32 v6, v0;
	v0 =	vadd.f32 v63, v4;
	v63 =	vld [tilespmem:$0x1FBD0];
	s0 =	sadd.s32 $0x10, s2;
	s4 =	sadd.s32 s1, s5;
	s1 =	sand.u32 $0x7F, s2  }
0x3ac: {  	v1 =	vadd.f32 v58, v1;
	v58 =	vld [tilespmem:$0x1FC30];
	s3 =	sadd.s32 $0x20, s2;
	s21 =	sor.u32 s1, s4;
	s4 =	sand.u32 $0xFFFFFF80, s0  }
0x3ad: {  	v0 =	vadd.f32 v61, v0;
	v12 =	vld [tilespmem:s6+$0x0];
	s6 =	sld [smem:$0x7A1];
	s0 =	sand.u32 $0x7F, s0;
	s1 =	sadd.s32 s4, s5  }
0x3ae: {  	v9 =	vld [tilespmem:s17+$0x0];
	s4 =	sand.u32 $0xFFFFFF80, s3;
	s23 =	sor.u32 s0, s1;
	s0 =	sadd.s32 $0x30, s2  }
0x3af: {  	v8 =	vld [tilespmem:s19+$0x0];
	v0 =	vadd.f32 v57, v0;
	s3 =	sand.u32 $0x7F, s3;
	s1 =	sadd.s32 s4, s5;
	s4 =	sand.u32 $0xFFFFFF80, s0  }
0x3b0: {  	v4 =	vld [tilespmem:s12+$0x0];
	s17 =	sor.u32 s3, s1;
	s1 =	sadd.s32 s4, s5;
	s5 =	sld [smem:$0x7A2]  }
0x3b1: {  	v2 =	vadd.f32 v63, v2;
	v0 =	vadd.f32 v58, v0;
	v58 =	vld [tilespmem:$0x1FC40];
	s2 =	spop (v2sf)  }
0x3b2: {  	s12 =	sld [smem:$0x7A3];
	(v2sf) =	vpush v5, $0xB;
	v10 =	vld [tilespmem:s6+$0x0];
	s6 =	sand.u32 $0xFFFFFF80, s2;
	s4 =	sadd.s32 $0x11580, s14  }
0x3b3: {  	v2 =	vadd.f32 v62, v2;
	s3 =	sadd.s32 s6, s4;
	s6 =	sadd.s32 $0x10, s2;
	v7 =	vld [tilespmem:s5+$0x0];
	s5 =	sand.u32 $0x7F, s2  }
0x3b4: {  	v6 =	vld [tilespmem:s18+$0x0];
	s0 =	sand.u32 $0x7F, s0;
	s18 =	sor.u32 s5, s3;
	s5 =	sand.u32 $0xFFFFFF80, s6  }
0x3b5: {  	v60 =	vld [tilespmem:s10+$0x0];
	v2 =	vadd.f32 v55, v2;
	s19 =	sor.u32 s0, s1;
	s6 =	sand.u32 $0x7F, s6;
	s0 =	sadd.s32 s5, s4  }
0x3b6: {  	v63 =	vld [tilespmem:s12+$0x0];
	s12 =	sor.u32 s6, s0;
	s6 =	sld [smem:$0x7A4]  }
0x3b7: {  	s10 =	sld [smem:$0x7A5];
	v3 =	vadd.f32 v53, v3;
	v2 =	vadd.f32 v58, v2;
	v58 =	vld [tilespmem:$0x1FC50];
	s3 =	sadd.s32 $0x20, s2  }
0x3b8: {  	s1 =	sand.u32 $0xFFFFFF80, s3;
	s5 =	sand.u32 $0x7F, s3;
	s0 =	sadd.s32 $0x30, s2  }
0x3b9: {  	v3 =	vadd.f32 v49, v3;
	(v2sf) =	vpush v5, $0xC;
	s1 =	sadd.s32 s1, s4;
	s2 =	spop (v2sf);
	v61 =	vld [tilespmem:s6+$0x0];
	s6 =	sand.u32 $0xFFFFFF80, s0  }
0x3ba: {  	v62 =	vld [tilespmem:s13+$0x0];
	s13 =	sor.u32 s5, s1;
	s0 =	sand.u32 $0x7F, s0;
	s3 =	sadd.s32 s6, s4  }
0x3bb: {  	v57 =	vld [tilespmem:s10+$0x0];
	v3 =	vadd.f32 v50, v3;
	s6 =	sand.u32 $0xFFFFFF80, s2;
	s4 =	sadd.s32 $0x11600, s14;
	s10 =	sor.u32 s0, s3  }
0x3bc: {  	v1 =	vadd.f32 v58, v1;
	v58 =	vld [tilespmem:$0x1FC60];
	s5 =	sadd.s32 s6, s4;
	s6 =	sand.u32 $0x7F, s2;
	s3 =	sadd.s32 $0x10, s2  }
0x3bd: {  	v55 =	vld [tilespmem:s9+$0x0];
	v3 =	vadd.f32 v54, v3;
	s9 =	sor.u32 s6, s5;
	s5 =	sadd.s32 $0x20, s2;
	s6 =	sand.u32 $0xFFFFFF80, s3  }
0x3be: {  	v53 =	vld [tilespmem:s29+$0x0];
	v2 =	vadd.f32 v47, v2;
	v1 =	vadd.f32 v59, v1;
	s0 =	sand.u32 $0x7F, s3;
	s29 =	sand.u32 $0xFFFFFF80, s5;
	s3 =	sadd.s32 s6, s4  }
0x3bf: {  	v49 =	vld [tilespmem:s7+$0x0];
	v3 =	vadd.f32 v39, v3;
	(v2sf) =	vpush v5, $0xD;
	s1 =	sand.u32 $0x7F, s5;
	s6 =	sadd.s32 $0x30, s2;
	s5 =	sadd.s32 s29, s4  }
0x3c0: {  	v47 =	vld [tilespmem:s24+$0x0];
	v2 =	vadd.f32 v56, v2;
	v1 =	vadd.f32 v44, v1;
	s7 =	sor.u32 s0, s3;
	s24 =	sand.u32 $0xFFFFFF80, s6;
	s0 =	sand.u32 $0x7F, s6  }
0x3c1: {  	v50 =	vld [tilespmem:s22+$0x0];
	v3 =	vadd.f32 v46, v3;
	v0 =	vadd.f32 v58, v0;
	s6 =	spop (v2sf);
	s5 =	sor.u32 s1, s5;
	s1 =	sadd.s32 s24, s4  }
0x3c2: {  	v2 =	vadd.f32 v42, v2;
	v1 =	vadd.f32 v41, v1;
	v41 =	vld [tilespmem:s16+$0x0];
	s29 =	sand.u32 $0xFFFFFF80, s6;
	s4 =	sadd.s32 $0x11680, s14;
	s16 =	sadd.s32 $0x10, s6  }
0x3c3: {  	v3 =	vadd.f32 v32, v3;
	v0 =	vadd.f32 v45, v0;
	v45 =	vld [tilespmem:s20+$0x0];
	s20 =	sadd.s32 $0x20, s6;
	s2 =	sor.u32 s0, s1;
	s1 =	sand.u32 $0x7F, s6  }
0x3c4: {  	v2 =	vadd.f32 v37, v2;
	v44 =	vld [tilespmem:s15+$0x0];
	s15 =	sadd.s32 s29, s4;
	s22 =	sand.u32 $0xFFFFFF80, s16;
	s0 =	sand.u32 $0x7F, s16  }
0x3c5: {  	v39 =	vld [tilespmem:s31+$0x0];
	v3 =	vadd.f32 v27, v3;
	v0 =	vadd.f32 v52, v0;
	s24 =	sand.u32 $0xFFFFFF80, s20;
	s31 =	sand.u32 $0x7F, s20;
	s6 =	sadd.s32 $0x30, s6  }
0x3c6: {  	v32 =	vld [tilespmem:s30+$0x0];
	v2 =	vadd.f32 v34, v2;
	s3 =	sor.u32 s1, s15;
	s29 =	sadd.s32 s22, s4;
	s16 =	sadd.s32 s24, s4  }
0x3c7: {  	v27 =	vld [tilespmem:s26+$0x0];
	v3 =	vadd.f32 v31, v3;
	v0 =	vadd.f32 v51, v0;
	s15 =	sand.u32 $0xFFFFFF80, s6;
	s6 =	sand.u32 $0x7F, s6;
	s1 =	sor.u32 s0, s29  }
0x3c8: {  	v34 =	vld [tilespmem:s28+$0x0];
	v2 =	vadd.f32 v30, v2;
	(v2sf) =	vpush v5, $0xE;
	s0 =	sor.u32 s31, s16;
	s16 =	spop (v2sf);
	s4 =	sadd.s32 s15, s4  }
0x3c9: {  	v1 =	vadd.f32 v48, v1;
	s24 =	sadd.s32 $0x11700, s14;
	v0 =	vadd.f32 v43, v0;
	v43 =	vld [tilespmem:$0x1FC70];
	s22 =	sand.u32 $0xFFFFFF80, s16;
	s6 =	sor.u32 s6, s4  }
0x3ca: {  	v3 =	vadd.f32 v25, v3;
	v30 =	vld [tilespmem:s25+$0x0];
	s25 =	sand.u32 $0x7F, s16;
	s26 =	sadd.s32 $0x10, s16;
	s28 =	sadd.s32 $0x20, s16  }
0x3cb: {  	v37 =	vld [tilespmem:s8+$0x0];
	v2 =	vadd.f32 v35, v2;
	v1 =	vadd.f32 v40, v1;
	s15 =	sadd.s32 $0x30, s16;
	s8 =	sadd.s32 s22, s24;
	s29 =	sand.u32 $0xFFFFFF80, s26  }
0x3cc: {  	v46 =	vld [tilespmem:s18+$0x0];
	(v2sf) =	vpush v5, $0xF;
	v0 =	vadd.f32 v38, v0;
	s30 =	sand.u32 $0xFFFFFF80, s28;
	s31 =	sand.u32 $0x7F, s28;
	s22 =	rddreg [dreg:$0xf]  }
0x3cd: {  	v42 =	vld [tilespmem:s11+$0x0];
	v3 =	vadd.f32 v23, v3;
	v36 =	vadd.f32 v36, v1;
	s4 =	sor.u32 s25, s8;
	s8 =	sand.u32 $0x7F, s26;
	s20 =	sadd.s32 s29, s24  }
0x3ce: {  	v2 =	vadd.f32 v28, v2;
	v0 =	vadd.f32 v26, v0;
	v26 =	vld [tilespmem:s21+$0x0];
	s21 =	sadd.s32 s30, s24;
	s11 =	sor.u32 s8, s20;
	s20 =	spop (v2sf)  }
0x3cf: {  	v48 =	vld [tilespmem:s13+$0x0];
	v40 =	vadd.f32 v33, v36;
	s8 =	sor.u32 s31, s21;
	s21 =	sand.u32 $0xFFFFFF80, s15;
	s15 =	sand.u32 $0x7F, s15  }
0x3d0: {  	v3 =	vadd.f32 v16, v3;
	v1 =	vld [tilespmem:s23+$0x0];
	v2 =	vadd.f32 v24, v2;
	s23 =	sand.u32 $0xFFFFFF80, s20;
	s25 =	sand.u32 $0x7F, s20;
	s26 =	sadd.s32 $0x10, s20  }
0x3d1: {  	v5 =	vadd.f32 v21, v40;
	s30 =	sadd.s32 $0x20, s20;
	v0 =	vadd.f32 v29, v0;
	s16 =	sadd.s32 s21, s24;
	s24 =	sadd.s32 $0x11780, s14;
	v29 =	vld.idx.msk [tilespmem:v43+s22+$0x1930 ss:$0x1], $0xffff  }
0x3d2: {  	v3 =	vadd.f32 v12, v3;
	v52 =	vld [tilespmem:s7+$0x0];
	s28 =	sand.u32 $0xFFFFFF80, s26;
	s29 =	sand.u32 $0x7F, s26;
	s31 =	sand.u32 $0xFFFFFF80, s30  }
0x3d3: {  	v2 =	vadd.f32 v17, v2;
	v21 =	vld [tilespmem:s17+$0x0];
	v5 =	vadd.f32 v22, v5;
	s17 =	sadd.s32 s23, s24;
	s15 =	sor.u32 s15, s16;
	s16 =	sadd.s32 s28, s24  }
0x3d4: {  	v3 =	vadd.f32 v7, v3;
	v24 =	vld [tilespmem:s12+$0x0];
	s13 =	sadd.s32 s31, s24;
	v0 =	vadd.f32 v19, v0;
	s12 =	sor.u32 s25, s17;
	s17 =	sadd.s32 $0x30, s20  }
0x3d5: {  	v2 =	vadd.f32 v14, v2;
	v5 =	vadd.f32 v18, v5;
	v18 =	vld [tilespmem:s10+$0x0];
	s10 =	sor.u32 s29, s16;
	s16 =	sand.u32 $0x7F, s30;
	s20 =	sand.u32 $0xFFFFFF80, s17  }
0x3d6: {  	v51 =	vld [tilespmem:s9+$0x0];
	s25 =	sadd.s32 $0x11800, s14;
	s21 =	sand.u32 $0x7F, s17;
	v0 =	vadd.f32 v20, v0;
	s23 =	sadd.s32 s20, s24;
	(v2sf) =	vpush v29, $0x0  }
0x3d7: {  	v58 =	vld [tilespmem:s3+$0x0];
	v3 =	vadd.f32 v63, v3;
	v5 =	vadd.f32 v13, v5;
	s7 =	sor.u32 s16, s13;
	s18 =	spop (v2sf);
	s3 =	sor.u32 s21, s23  }
0x3d8: {  	v54 =	vld [tilespmem:s5+$0x0];
	v2 =	vadd.f32 v10, v2;
	v0 =	vadd.f32 v15, v0;
	s24 =	sand.u32 $0xFFFFFF80, s18;
	s26 =	sand.u32 $0x7F, s18;
	s28 =	sadd.s32 $0x10, s18  }
0x3d9: {  	v3 =	vadd.f32 v57, v3;
	v19 =	vld [tilespmem:s19+$0x0];
	v5 =	vadd.f32 v9, v5;
	s31 =	sadd.s32 $0x20, s18;
	s19 =	sadd.s32 $0x30, s18;
	s29 =	sand.u32 $0xFFFFFF80, s28  }
0x3da: {  	v56 =	vld [tilespmem:s2+$0x0];
	v2 =	vadd.f32 v6, v2;
	s18 =	sadd.s32 $0x11900, s14;
	s30 =	sand.u32 $0x7F, s28;
	v0 =	vadd.f32 v11, v0;
	s5 =	sadd.s32 s29, s25  }
0x3db: {  	v63 =	vld [tilespmem:s0+$0x0];
	s9 =	sadd.s32 s24, s25;
	v4 =	vadd.f32 v4, v5;
	s0 =	sor.u32 s30, s5;
	s5 =	spop (v2sf);
	(v2sf) =	vpush v29, $0x1  }
0x3dc: {  	v59 =	vld [tilespmem:s1+$0x0];
	v2 =	vadd.f32 v62, v2;
	s13 =	sand.u32 $0xFFFFFF80, s31;
	s17 =	sand.u32 $0x7F, s31;
	s20 =	sand.u32 $0xFFFFFF80, s19;
	v0 =	vadd.f32 v8, v0  }
0x3dd: {  	v33 =	vld [tilespmem:s6+$0x0];
	v3 =	vadd.f32 v47, v3;
	s21 =	sand.u32 $0x7F, s19;
	s24 =	sadd.s32 $0x11880, s14;
	s1 =	sadd.s32 s13, s25;
	v4 =	vadd.f32 v60, v4  }
0x3de: {  	v35 =	vld [tilespmem:s4+$0x0];
	v2 =	vadd.f32 v53, v2;
	s2 =	sor.u32 s26, s9;
	s4 =	sadd.s32 s20, s25;
	s1 =	sor.u32 s17, s1;
	v0 =	vadd.f32 v61, v0  }
0x3df: {  	v36 =	vld [tilespmem:s11+$0x0];
	v3 =	vadd.f32 v41, v3;
	s4 =	sor.u32 s21, s4;
	s23 =	sand.u32 $0xFFFFFF80, s5;
	s25 =	sand.u32 $0x7F, s5;
	v4 =	vadd.f32 v49, v4  }
0x3e0: {  	v38 =	vld [tilespmem:s8+$0x0];
	v2 =	vadd.f32 v45, v2;
	s26 =	sadd.s32 $0x10, s5;
	s30 =	sadd.s32 $0x20, s5;
	s5 =	sadd.s32 $0x30, s5;
	v0 =	vadd.f32 v55, v0  }
0x3e1: {  	v40 =	vld [tilespmem:s15+$0x0];
	v3 =	vadd.f32 v34, v3;
	s9 =	sadd.s32 s23, s24;
	s28 =	sand.u32 $0xFFFFFF80, s26;
	s29 =	sand.u32 $0x7F, s26;
	v4 =	vadd.f32 v44, v4  }
0x3e2: {  	v41 =	vld [tilespmem:s12+$0x0];
	v2 =	vadd.f32 v42, v2;
	s31 =	sand.u32 $0xFFFFFF80, s30;
	s12 =	sand.u32 $0x7F, s30;
	s15 =	sand.u32 $0xFFFFFF80, s5;
	v0 =	vadd.f32 v50, v0  }
0x3e3: {  	v43 =	vld [tilespmem:s7+$0x0];
	v3 =	vadd.f32 v26, v3;
	s5 =	sand.u32 $0x7F, s5;
	s6 =	sor.u32 s25, s9;
	s8 =	sadd.s32 s28, s24;
	v4 =	vadd.f32 v37, v4  }
0x3e4: {  	v45 =	vld [tilespmem:s2+$0x0];
	s9 =	sadd.s32 s31, s24;
	v2 =	vadd.f32 v30, v2;
	s16 =	sadd.s32 s15, s24;
	s8 =	sor.u32 s29, s8;
	v0 =	vadd.f32 v39, v0  }
0x3e5: {  	v3 =	vadd.f32 v46, v3;
	v42 =	vld [tilespmem:s10+$0x0];
	s13 =	sor.u32 s12, s9;
	s19 =	sor.u32 s5, s16;
	v4 =	vadd.f32 v27, v4;
	s10 =	spop (v2sf)  }
0x3e6: {  	v46 =	vld [tilespmem:s0+$0x0];
	s12 =	sadd.s32 $0x11980, s14;
	v2 =	vadd.f32 v21, v2;
	v0 =	vadd.f32 v32, v0;
	s17 =	sand.u32 $0xFFFFFF80, s10;
	s20 =	sand.u32 $0x7F, s10  }
0x3e7: {  	v47 =	vld [tilespmem:s1+$0x0];
	v4 =	vadd.f32 v19, v4;
	s24 =	sadd.s32 $0x10, s10;
	s25 =	sadd.s32 $0x20, s10;
	s31 =	sadd.s32 $0x30, s10  }
0x3e8: {  	v44 =	vld [tilespmem:s3+$0x0];
	v2 =	vadd.f32 v48, v2;
	v0 =	vadd.f32 v1, v0;
	s21 =	sadd.s32 s17, s18;
	s26 =	sand.u32 $0xFFFFFF80, s24;
	s2 =	sand.u32 $0x7F, s24  }
0x3e9: {  	v3 =	vadd.f32 v51, v3;
	v49 =	vld [tilespmem:s6+$0x0];
	v4 =	vadd.f32 v18, v4;
	s28 =	sand.u32 $0xFFFFFF80, s25;
	s5 =	sand.u32 $0x7F, s25;
	s6 =	sand.u32 $0xFFFFFF80, s31  }
0x3ea: {  	v48 =	vld [tilespmem:s4+$0x0];
	v2 =	vadd.f32 v54, v2;
	v0 =	vadd.f32 v24, v0;
	s7 =	spop (v2sf);
	s23 =	sor.u32 s20, s21;
	s4 =	sadd.s32 s26, s18  }
0x3eb: {  	v3 =	vadd.f32 v58, v3;
	v51 =	vld [tilespmem:s13+$0x0];
	v4 =	vadd.f32 v56, v4;
	s29 =	sadd.s32 s28, s18;
	s10 =	sadd.s32 s6, s18;
	s11 =	sand.u32 $0xFFFFFF80, s7  }
0x3ec: {  	v50 =	vld [tilespmem:s8+$0x0];
	v2 =	vadd.f32 v63, v2;
	s13 =	sand.u32 $0x7F, s7;
	s14 =	sadd.s32 $0x10, s7;
	s17 =	sadd.s32 $0x20, s7;
	v0 =	vadd.f32 v52, v0  }
0x3ed: {  	v3 =	vadd.f32 v35, v3;
	v4 =	vadd.f32 v33, v4;
	s20 =	sadd.s32 $0x30, s7;
	s2 =	sor.u32 s2, s4;
	s30 =	sor.u32 s5, s29;
	v52 =	vld [tilespmem:s19+$0x0]  }
0x3ee: {  	v2 =	vadd.f32 v38, v2;
	s5 =	sand.u32 $0x7F, s31;
	v53 =	vld [tilespmem:s23+$0x0];
	s3 =	sadd.s32 s11, s12;
	s15 =	sand.u32 $0xFFFFFF80, s14;
	v0 =	vadd.f32 v59, v0  }
0x3ef: {  	v3 =	vadd.f32 v41, v3;
	s16 =	sand.u32 $0x7F, s14;
	s19 =	sand.u32 $0xFFFFFF80, s17;
	s21 =	sand.u32 $0x7F, s17;
	v54 =	vld [tilespmem:s2+$0x0];
	v4 =	vadd.f32 v40, v4  }
0x3f0: {  	v2 =	vadd.f32 v43, v2;
	s23 =	sand.u32 $0xFFFFFF80, s20;
	s0 =	sor.u32 s5, s10;
	v55 =	vld [tilespmem:s30+$0x0];
	s2 =	sadd.s32 s15, s12;
	v0 =	vadd.f32 v36, v0  }
0x3f1: {  	v1 =	vadd.f32 v45, v3;
	s1 =	sor.u32 s13, s3;
	v56 =	vld [tilespmem:s0+$0x0];
	s18 =	sor.u32 s16, s2;
	s2 =	sadd.s32 s19, s12;
	v57 =	vadd.f32 v44, v4  }
0x3f2: {  	v2 =	vadd.f32 v47, v2;
	s25 =	sand.u32 $0x7F, s20;
	s26 =	sadd.s32 s23, s12;
	v58 =	vld [tilespmem:s1+$0x0];
	s24 =	sor.u32 s21, s2;
	v0 =	vadd.f32 v42, v0  }
0x3f3: {  	v1 =	vadd.f32 v49, v1;
	s28 =	sor.u32 s25, s26;
	v60 =	vld [tilespmem:s24+$0x0];
	v3 =	vadd.f32 v48, v57  }
0x3f4: {  	v2 =	vadd.f32 v51, v2;
	v61 =	vld [tilespmem:s28+$0x0];
	v0 =	vadd.f32 v46, v0  }
0x3f5: {  	v59 =	vld [tilespmem:s18+$0x0];
	v1 =	vadd.f32 v53, v1;
	v3 =	vadd.f32 v52, v3  }
0x3f6: {  	v2 =	vadd.f32 v55, v2;
	v0 =	vadd.f32 v50, v0  }
0x3f7: {  	s29 =	rddreg [dreg:$0xb];
	v1 =	vadd.f32 v58, v1;
	v3 =	vadd.f32 v56, v3  }
0x3f8: {  	s31 =	rddreg [dreg:$0xd];
	s0 =	sadd.s32 s29, s22;
	v2 =	vadd.f32 v60, v2;
	v0 =	vadd.f32 v54, v0  }
0x3f9: {  	s30 =	sand.u32 $0x40, s22;
	p1 =	sne.s32 s31, $0x7;
	s0 =	sand.u32 $0x1F80, s0;
	v1 =	vmul.f32 $1.999999960e-02, v1;
	v3 =	vadd.f32 v61, v3  }
.Ltmp3:
0x3fa: {  	s0 =	sor.u32 s30, s0;
	v62 =	vmul.f32 $1.999999960e-02, v2;
	v0 =	vadd.f32 v59, v0;
	(pc) =	sbr.rel @p1 .LBB2_5-.Ltmp3, $4  }
0x3fb: {  	s1 =	sadd.s32 $0x1C900, s0;
	[tilespmem:s0+$0x1C900] =	vst v1;
	v63 =	vmul.f32 $1.999999960e-02, v3  }
0x3fc: {  	[tilespmem:s1+$0x20] =	vst v62;
	v0 =	vmul.f32 $1.999999960e-02, v0  }
0x3fd: {  	[tilespmem:s1+$0x30] =	vst v63  }
0x3fe: {  	s0 =	sadd.s32 $0x1, s31;
	[tilespmem:s1+$0x10] =	vst v0  }
.Ltmp4:
0x3ff: {  	(pc) =	sbr.rel @p0 .LBB2_8-.Ltmp4, $1  }
0x400: {  	_ =	sdelay $0x3  }
0x401: {  	s5 =	rddreg [dreg:$0x9]  }
0x402: {  	s0 =	smul.u32 $0xC80, s5;
	_ =	sdelay $0x1  }
0x403: {  	s2 =	rddreg [dreg:$0x3];
	s0 =	sshra.s32 s0, $0x2  }
0x404: {  	s3 =	simm.s32 $0x50;
	s4 =	simm.s32 $0x10100;
	s1 =	sadd.s32 $0x4B0, s0  }
0x405: {  	[tilespmem:s4], [sflag:$0x2] =	stream.indirect.gather [hbm4b:s2+s3], $0x80, s1, s3, $0xb8;
	[tilespmem:$0x1E900] =	vst v63  }
0x406: {  	s25 =	simm.s32 $0x12900;
	s24 =	sadd.s32 $0x500, s0  }
0x407: {  	[tilespmem:s25], [sflag:$0x2] =	stream.indirect.gather [hbm4b:s2+s3], $0x80, s24, s3, $0xb8;
	[tilespmem:$0x1E900] =	vst v63  }
0x408: {  	s28 =	simm.s32 $0x15100;
	s26 =	sadd.s32 $0x550, s0  }
0x409: {  	[tilespmem:s28], [sflag:$0x2] =	stream.indirect.gather [hbm4b:s2+s3], $0x80, s26, s3, $0xb8;
	[tilespmem:$0x1E900] =	vst v63  }
.Ltmp5:
0x40a: {  	_ = 	snop;
	(pc) =	sbr.rel .LBB2_2-.Ltmp5, $4  }
0x40b: {  	s30 =	simm.s32 $0x17900;
	s29 =	sadd.s32 $0x5A0, s0  }
0x40c: {  	[tilespmem:s30], [sflag:$0x2] =	stream.indirect.gather [hbm4b:s2+s3], $0x80, s29, s3, $0xb8;
	[tilespmem:$0x1E900] =	vst v63  }
0x40d: {  	s31 =	simm.s32 $0x1A100;
	s5 =	sadd.s32 $0x1, s5;
	s0 =	sadd.s32 $0x5F0, s0  }
0x40e: {  	[tilespmem:s31], [sflag:$0x2] =	stream.indirect.gather [hbm4b:s2+s3], $0x80, s0, s3, $0xb8;
	[tilespmem:$0x1E900] =	vst v63  }
.LBB2_9:
0x40f: {  	_ =	sfence.sel $0x180000  }
0x410: {  	[bflag:$0x0] =	sbarrier.arrive $0xFFFF  }
0x411: {  	_ =	strace $0x90000047  }
0x412: {  	s0 =	stileid.u32;
	[bflag:$0x2] =	sbarrier.arrive $0xFFFF  }
0x413: {  	p0 =	sne.s32 s0, $0x0;
	s0 =	rddreg [dreg:$0x2]  }
0x414: {  	s0 =	sadd.s32 @!p0 $0x100000, s0  }
0x415: {  	[sflag:s0] =	ssyncadd.tile.s32 @!p0 $0x1;
	_ =	shalt  }
.Lfunc_end2:
_tile_overlayer_lowered:
.L_overlay_start_2:
0x416: {  	(tag) =	ssettag $0x2  }
0x417: {  	s0 =	rddreg [dreg:$0x0];
	s2 =	stileid.u32  }
0x418: {  	s1 =	rddreg [dreg:$0x1];
	p0 =	sne.s32 s2, $0x0  }
0x419: {  	s3 =	rddreg [dreg:$0x2];
	[bflag:$0x3] =	sbarrier.arrive $0xFFFF;
	s2 =	simm.s32 @!p0 $0x1C03  }
0x41a: {  	[timem:s3], [sflag:s2] =	dma.local @!p0 [hbm:s0], s1  }
0x41b: {  	s0 =	simm.s32 @!p0 $0x3  }
0x41c: {  	_ =	swait.ge @!p0 [sflag:s0], s1  }
0x41d: {  	s1 =	ssub.s32 @!p0 $0x0, s1;
	[sflag:s0] =	ssyncset.done @!p0 $0x0  }
0x41e: {  	[sflag:s0] =	ssyncadd.s32 @!p0 s1  }
0x41f: {  	[bflag:$0x3] =	sbarrier.arrive $0xFFFF  }
0x420: {  	_ =	shalt  }

</sc_bundles>
